<compile_context>
chip_gen: v7x
topology: tpu7x:2x2x1
jax: 0.10.2.dev20260603
libtpu: 0.0.44.dev20260713+nightly
codegen_flags: <defaults>
</compile_context>

<pallas_src>
import functools
import math

import jax
import jax.numpy as jnp
from jax import lax
from jax.experimental import pallas as pl
from jax.experimental.pallas import tpu as pltpu
from jax.experimental.pallas import tpu_sc as plsc

_NC = 2
_NS = 16
_LANES = 16
_NW = _NC * _NS

_EPAD = 128
_NEG = -1e30


def _route_body(x0_ref, s_ref, b_ref, wr_ref, br_ref,
                x_ref, sd0_ref, sd1_ref, cd0_ref, cd1_ref, cg0_ref, cg1_ref,
                carry_ref, *, blk, n_exp, cap, ec):
    b = pl.program_id(0)

    @pl.when(b == 0)
    def _():
        carry_ref[...] = jnp.zeros_like(carry_ref)

    x0 = x0_ref[...]
    mean = jnp.mean(x0, axis=1, keepdims=True)
    var = jnp.mean((x0 - mean) ** 2, axis=1, keepdims=True)
    x = (x0 - mean) * lax.rsqrt(var + 1e-6) * s_ref[...] + b_ref[...]
    x = jnp.maximum(x, 0.0)
    x_ref[...] = jnp.reshape(x, x_ref.shape)

    logits = jnp.dot(x, wr_ref[...], preferred_element_type=jnp.float32)
    logits = logits + br_ref[...]
    lane = lax.broadcasted_iota(jnp.int32, logits.shape, 1)
    logits = jnp.where(lane < n_exp, logits, _NEG)

    m1 = jnp.max(logits, axis=1, keepdims=True)
    e0 = jnp.min(jnp.where(logits == m1, lane, _EPAD), axis=1, keepdims=True)
    l2 = jnp.where(lane == e0, _NEG, logits)
    m2 = jnp.max(l2, axis=1, keepdims=True)
    e1 = jnp.min(jnp.where(l2 == m2, lane, _EPAD), axis=1, keepdims=True)
    g0 = 1.0 / (1.0 + jnp.exp(m2 - m1))
    g1 = 1.0 - g0

    oh0 = (lane == e0).astype(jnp.float32)
    oh1 = (lane == e1).astype(jnp.float32)
    oh = oh0 + oh1
    ri = lax.broadcasted_iota(jnp.int32, (blk, blk), 0)
    ci = lax.broadcasted_iota(jnp.int32, (blk, blk), 1)
    ltri = (ci < ri).astype(jnp.float32)
    before = jnp.dot(ltri, oh, preferred_element_type=jnp.float32)
    before = before + carry_ref[...]
    carry_ref[...] = carry_ref[...] + jnp.sum(oh, axis=0, keepdims=True)

    pos0 = jnp.sum(before * oh0, axis=1, keepdims=True).astype(jnp.int32)
    pos1 = jnp.sum((before + oh0) * oh1, axis=1, keepdims=True).astype(jnp.int32)
    tok = b * blk + lax.broadcasted_iota(jnp.int32, (blk, 1), 0)
    v0 = pos0 < cap
    v1 = pos1 < cap
    trash = ec + jnp.bitwise_and(tok, _TRASH - 1)
    sd0_ref[...] = jnp.where(v0, e0 * cap + pos0, trash)
    sd1_ref[...] = jnp.where(v1, e1 * cap + pos1, trash)
    cd0_ref[...] = e0 * cap + jnp.minimum(pos0, cap - 1)
    cd1_ref[...] = e1 * cap + jnp.minimum(pos1, cap - 1)
    cg0_ref[...] = jnp.broadcast_to(jnp.where(v0, g0, 0.0), (blk, _LANES))
    cg1_ref[...] = jnp.broadcast_to(jnp.where(v1, g1, 0.0), (blk, _LANES))


def _route(xf, ln0_scale, ln0_bias, wr_p, br_p, *, blk, n_exp, cap, ec):
    n, d = xf.shape
    grid = n // blk
    body = functools.partial(_route_body, blk=blk, n_exp=n_exp, cap=cap, ec=ec)
    col_i = jax.ShapeDtypeStruct((n, 1), jnp.int32)
    gate_f = jax.ShapeDtypeStruct((n, _LANES), jnp.float32)
    return pl.pallas_call(
        body,
        grid=(grid,),
        in_specs=[
            pl.BlockSpec((blk, d), lambda b: (b, 0)),
            pl.BlockSpec((1, d), lambda b: (0, 0)),
            pl.BlockSpec((1, d), lambda b: (0, 0)),
            pl.BlockSpec((d, _EPAD), lambda b: (0, 0)),
            pl.BlockSpec((1, _EPAD), lambda b: (0, 0)),
        ],
        out_specs=[
            pl.BlockSpec((blk * (d // 128), 128), lambda b: (b, 0)),
        ] + [pl.BlockSpec((blk, 1), lambda b: (b, 0))] * 4
          + [pl.BlockSpec((blk, _LANES), lambda b: (b, 0))] * 2,
        out_shape=[jax.ShapeDtypeStruct((n * (d // 128), 128), jnp.float32),
                   col_i, col_i, col_i, col_i, gate_f, gate_f],
        scratch_shapes=[pltpu.VMEM((1, _EPAD), jnp.float32)],
        compiler_params=pltpu.CompilerParams(
            dimension_semantics=("arbitrary",)),
    )(xf, ln0_scale, ln0_bias, wr_p, br_p)


_TRASH = 512


def _dispatch(xf, sd0, sd1, *, ec, n, d):
    tpw = n // _NW
    gch = 32
    nck = tpw // gch
    mesh = plsc.VectorSubcoreMesh(core_axis_name="c", subcore_axis_name="s")

    @functools.partial(
        pl.kernel,
        out_type=jax.ShapeDtypeStruct((ec + _TRASH, d), jnp.float32),
        mesh=mesh,
        scratch_types=[
            [pltpu.VMEM((gch,), jnp.int32)] * 2,
            [pltpu.VMEM((gch,), jnp.int32)] * 2,
            [pltpu.VMEM((gch, d), jnp.float32)] * 2,
            [pltpu.SemaphoreType.DMA] * 2,
            [pltpu.SemaphoreType.DMA] * 2,
            [pltpu.SemaphoreType.DMA] * 2,
        ],
        compiler_params=pltpu.CompilerParams(use_tc_tiling_on_sc=False),
    )
    def k(x_hbm, sd0_hbm, sd1_hbm, out_hbm, i0, i1, xbuf, xg, s0, s1):
        cid = lax.axis_index("c")
        sid = lax.axis_index("s")
        wid = sid * _NC + cid
        cps = [[None, None], [None, None], [None, None]]
        for c in range(nck):
            bb = c & 1
            if c >= 2:
                cps[1][bb].wait()
                cps[2][bb].wait()
            tokbase = wid * tpw + c * gch
            cps[0][bb] = pltpu.async_copy(
                x_hbm.at[pl.ds(tokbase, gch)], xbuf[bb], xg[bb])
            pltpu.sync_copy(sd0_hbm.at[pl.ds(tokbase, gch)], i0[bb])
            pltpu.sync_copy(sd1_hbm.at[pl.ds(tokbase, gch)], i1[bb])
            cps[0][bb].wait()
            cps[1][bb] = pltpu.async_copy(
                xbuf[bb], out_hbm.at[i0[bb]], s0[bb])
            cps[2][bb] = pltpu.async_copy(
                xbuf[bb], out_hbm.at[i1[bb]], s1[bb])
        for c in range(min(nck, 2)):
            cps[1][c].wait()
            cps[2][c].wait()

    return k(xf, sd0, sd1)


def _mlp_body(xe_ref, w1_ref, b1_ref, s1_ref, t1_ref, w2_ref, b2_ref, y_ref,
              *, cap, d):
    xe = jnp.reshape(xe_ref[...], (cap, d))
    h = jnp.dot(xe, w1_ref[0], preferred_element_type=jnp.float32) + b1_ref[0]
    mean = jnp.mean(h, axis=1, keepdims=True)
    var = jnp.mean((h - mean) ** 2, axis=1, keepdims=True)
    h = (h - mean) * lax.rsqrt(var + 1e-6) * s1_ref[0] + t1_ref[0]
    h = jnp.maximum(h, 0.0)
    y = jnp.dot(h, w2_ref[0], preferred_element_type=jnp.float32) + b2_ref[0]
    y_ref[...] = jnp.reshape(y, y_ref.shape)


def _mlp(ei28, w1, b1, s1, t1, w2, b2, *, n_exp, cap, d, hdim):
    fold = d // 128
    body = functools.partial(_mlp_body, cap=cap, d=d)
    return pl.pallas_call(
        body,
        grid=(n_exp,),
        in_specs=[
            pl.BlockSpec((cap * fold, 128), lambda e: (e, 0)),
            pl.BlockSpec((1, d, hdim), lambda e: (e, 0, 0)),
            pl.BlockSpec((1, 1, hdim), lambda e: (e, 0, 0)),
            pl.BlockSpec((1, 1, hdim), lambda e: (e, 0, 0)),
            pl.BlockSpec((1, 1, hdim), lambda e: (e, 0, 0)),
            pl.BlockSpec((1, hdim, d), lambda e: (e, 0, 0)),
            pl.BlockSpec((1, 1, d), lambda e: (e, 0, 0)),
        ],
        out_specs=pl.BlockSpec((cap * fold, 128), lambda e: (e, 0)),
        out_shape=jax.ShapeDtypeStruct((n_exp * cap * fold, 128), jnp.float32),
        compiler_params=pltpu.CompilerParams(
            dimension_semantics=("arbitrary",)),
    )(ei28, w1, b1, s1, t1, w2, b2)


def _combine(y, cd0, cd1, cg0, cg1, *, n, d):
    tpw = n // _NW
    ch = 16
    nch = tpw // ch
    nseg = d // _LANES
    mesh = plsc.VectorSubcoreMesh(core_axis_name="c", subcore_axis_name="s")

    @functools.partial(
        pl.kernel,
        out_type=jax.ShapeDtypeStruct((n, d), jnp.float32),
        mesh=mesh,
        scratch_types=[
            pltpu.VMEM((tpw,), jnp.int32),
            pltpu.VMEM((tpw,), jnp.int32),
            pltpu.VMEM((tpw, _LANES), jnp.float32),
            pltpu.VMEM((tpw, _LANES), jnp.float32),
            [pltpu.VMEM((ch, d), jnp.float32)] * 3,
            [pltpu.VMEM((ch, d), jnp.float32)] * 3,
            [pltpu.SemaphoreType.DMA] * 3,
            [pltpu.SemaphoreType.DMA] * 3,
            [pltpu.SemaphoreType.DMA] * 3,
        ],
        compiler_params=pltpu.CompilerParams(use_tc_tiling_on_sc=False),
    )
    def k(y_hbm, cd0_hbm, cd1_hbm, cg0_hbm, cg1_hbm, out_hbm,
          idx0, idx1, g0v, g1v, r0, r1, s0, s1, sw):
        cid = lax.axis_index("c")
        sid = lax.axis_index("s")
        wid = sid * _NC + cid
        base = wid * tpw
        pltpu.sync_copy(cd0_hbm.at[pl.ds(base, tpw)], idx0)
        pltpu.sync_copy(cd1_hbm.at[pl.ds(base, tpw)], idx1)
        pltpu.sync_copy(cg0_hbm.at[pl.ds(base, tpw)], g0v)
        pltpu.sync_copy(cg1_hbm.at[pl.ds(base, tpw)], g1v)

        nbuf = 3
        cp0 = [None] * nbuf
        cp1 = [None] * nbuf
        cpw = [None] * nbuf

        def stage(c):
            bb = c % nbuf
            cp0[bb] = pltpu.async_copy(
                y_hbm.at[idx0.at[pl.ds(c * ch, ch)]], r0[bb], s0[bb])
            cp1[bb] = pltpu.async_copy(
                y_hbm.at[idx1.at[pl.ds(c * ch, ch)]], r1[bb], s1[bb])

        def compute(c):
            bb = c % nbuf
            off = c * ch

            def row(j, _):
                gb0 = g0v[off + j, :]
                gb1 = g1v[off + j, :]
                for q in range(nseg):
                    seg = pl.ds(q * _LANES, _LANES)
                    r0[bb][j, seg] = (gb0 * r0[bb][j, seg]
                                      + gb1 * r1[bb][j, seg])
                return 0

            lax.fori_loop(0, ch, row, 0)

        stage(0)
        stage(1)
        for c in range(nch):
            bb = c % nbuf
            if c + 2 < nch:
                nb = (c + 2) % nbuf
                if c >= 1:
                    cpw[nb].wait()
                stage(c + 2)
            cp0[bb].wait()
            cp1[bb].wait()
            compute(c)
            cpw[bb] = pltpu.async_copy(
                r0[bb], out_hbm.at[pl.ds(base + c * ch, ch)], sw[bb])
        for c in range(max(0, nch - nbuf), nch):
            cpw[c % nbuf].wait()

    return k(y, cd0, cd1, cg0, cg1)


def _residual_body(x0_ref, mix_ref, out_ref, *, blk, d):
    out_ref[...] = x0_ref[...] + jnp.reshape(mix_ref[...], (blk, d))


def _residual(xf, mix12, *, n, d, blk):
    fold = d // 128
    body = functools.partial(_residual_body, blk=blk, d=d)
    return pl.pallas_call(
        body,
        grid=(n // blk,),
        in_specs=[
            pl.BlockSpec((blk, d), lambda b: (b, 0)),
            pl.BlockSpec((blk * fold, 128), lambda b: (b, 0)),
        ],
        out_specs=pl.BlockSpec((blk, d), lambda b: (b, 0)),
        out_shape=jax.ShapeDtypeStruct((n, d), jnp.float32),
    )(xf, mix12)


def kernel(x0, ln0_scale, ln0_bias, Wr, br, W1, b1, ln1_scale, ln1_bias, W2, b2):
    B, S, D = x0.shape
    E = Wr.shape[-1]
    H = W1.shape[-1]
    N = B * S
    top_k = 2
    cap = max(1, int(math.ceil(1.0 * N * top_k / E)))
    ec = E * cap

    xf = x0.reshape(N, D)
    wr_p = jnp.zeros((D, _EPAD), jnp.float32).at[:, :E].set(Wr)
    br_p = jnp.zeros((1, _EPAD), jnp.float32).at[0, :E].set(br)

    x12, sd0, sd1, cd0, cd1, cg0, cg1 = _route(
        xf, ln0_scale.reshape(1, D), ln0_bias.reshape(1, D), wr_p, br_p,
        blk=512, n_exp=E, cap=cap, ec=ec)

    ei = _dispatch(x12.reshape(N, D), sd0.reshape(N), sd1.reshape(N),
                   ec=ec, n=N, d=D)

    fold = D // 128
    y24 = _mlp(ei.reshape((ec + _TRASH) * fold, 128), W1, b1.reshape(E, 1, H),
               ln1_scale.reshape(E, 1, H), ln1_bias.reshape(E, 1, H),
               W2, b2.reshape(E, 1, D), n_exp=E, cap=cap, d=D, hdim=H)

    mix = _combine(y24.reshape(ec, D), cd0.reshape(N), cd1.reshape(N),
                   cg0, cg1, n=N, d=D)
    out = _residual(xf, mix.reshape(N * fold, 128), n=N, d=D, blk=256)

    return out.reshape(B, S, D)

# --- scband reference (transcript-rebuilt; emitter-appended) ---
"""Pipeline reference for scband-mo-epre-activation-res-block-9560597201203 (READ-ONLY COPY).

The authoritative reference and input builder live on the scoring server;
editing this copy changes nothing except your own understanding.
"""

import math
import jax
import jax.numpy as jnp
import numpy as np

TOP_K = 2
CAPACITY_FACTOR = 1.0
MIN_CAPACITY = 1
ROUTER_TEMP = 1.0


def layer_norm(x, scale, bias, eps=1e-6):
    mean = jnp.mean(x, axis=-1, keepdims=True)
    var = jnp.var(x, axis=-1, keepdims=True)
    return (x - mean) / jnp.sqrt(var + eps) * scale + bias


def setup_inputs(seed: int = 0):
    key = jax.random.key(seed)
    ks = jax.random.split(key, 8)
    B, S, D, H, E = 1, 2048, 768, 768, 8
    x0 = jax.random.normal(ks[0], (B, S, D), dtype=jnp.float32)
    ln0_scale = jnp.ones((D,), jnp.float32)
    ln0_bias = jnp.zeros((D,), jnp.float32)
    Wr = jax.random.normal(ks[1], (D, E), dtype=jnp.float32) / math.sqrt(D)
    br = jnp.zeros((E,), jnp.float32)
    W1 = jax.random.normal(ks[2], (E, D, H), dtype=jnp.float32) / math.sqrt(D)
    b1 = jnp.zeros((E, H), jnp.float32)
    ln1_scale = jnp.ones((E, H), jnp.float32)
    ln1_bias = jnp.zeros((E, H), jnp.float32)
    W2 = jax.random.normal(ks[3], (E, H, D), dtype=jnp.float32) / math.sqrt(H)
    b2 = jnp.zeros((E, D), jnp.float32)
    return {"x0": x0, "ln0_scale": ln0_scale, "ln0_bias": ln0_bias, "Wr": Wr, "br": br,
            "W1": W1, "b1": b1, "ln1_scale": ln1_scale, "ln1_bias": ln1_bias, "W2": W2, "b2": b2}


def reference(x0, ln0_scale, ln0_bias, Wr, br, W1, b1, ln1_scale, ln1_bias, W2, b2):
    B, S, D = x0.shape
    N = B * S
    E = Wr.shape[-1]
    x0_flat = x0.reshape(N, D)
    # pre-activation: norm + relu
    x = layer_norm(x0_flat, ln0_scale, ln0_bias)
    x = jax.nn.relu(x)
    # router
    logits = x @ Wr + br
    scaled_logits = logits.astype(jnp.float32) / max(ROUTER_TEMP, 1e-06)
    top_vals, top_idx = jax.lax.top_k(scaled_logits, TOP_K)
    top_gates = jax.nn.softmax(top_vals, axis=-1)
    top_k = top_idx.shape[1]
    capacity = max(MIN_CAPACITY, int(math.ceil(CAPACITY_FACTOR * N * top_k / E)))
    # dispatch
    x_flat = jnp.repeat(x, top_k, axis=0) if top_k > 1 else x
    expert_idx = top_idx.reshape(-1)
    gate_flat = top_gates.reshape(-1).astype(jnp.float32)
    expert_one_hot = jax.nn.one_hot(expert_idx, E, dtype=jnp.int32)
    positions = jnp.cumsum(expert_one_hot, axis=0) - 1
    pos = jnp.sum(positions * expert_one_hot, axis=1).astype(jnp.int32)
    mask = (pos < capacity).astype(jnp.float32)
    pos_one_hot = jax.nn.one_hot(pos, capacity, dtype=jnp.float32)
    dispatch = expert_one_hot.astype(jnp.float32)[:, :, None] * pos_one_hot[:, None, :]
    dispatch = dispatch * mask[:, None, None]
    expert_inputs = jnp.einsum('bec,bd->ecd', dispatch, x_flat)
    # experts: MLP(node_size) = Dense + LayerNorm + relu, then Dense(out_dim), no final norm
    h = jnp.einsum('ecd,edh->ech', expert_inputs, W1) + b1[:, None, :]
    h = layer_norm(h, ln1_scale[:, None, :], ln1_bias[:, None, :])
    h = jax.nn.relu(h)
    y = jnp.einsum('ech,ehd->ecd', h, W2) + b2[:, None, :]
    # combine
    combine = dispatch * gate_flat[:, None, None]
    y_flat = jnp.einsum('bec,ecd->bd', combine, y)
    mixture = y_flat.reshape(N, top_k, D).sum(axis=1)
    mixture = mixture.reshape(B, S, D)
    return x0 + mixture

if __name__ == "__main__":
    import jax
    _d = setup_inputs()
    print(jax.jit(kernel)(*tuple(_d.values())))

</pallas_src>

<mosaic_0001>
#map = affine_map<(d0, d1) -> (0, 0)>
#map1 = affine_map<(d0, d1) -> (0)>
module attributes {stable_mosaic.version = 14 : i64} {
  func.func @k(%arg0: i32, %arg1: i32, %arg2: memref<4096x768xf32, #tpu.memory_space<hbm>>, %arg3: memref<2048xi32, #tpu.memory_space<hbm>>, %arg4: memref<2048xi32, #tpu.memory_space<hbm>>, %arg5: memref<2048x16xf32, #tpu.memory_space<hbm>>, %arg6: memref<2048x16xf32, #tpu.memory_space<hbm>>, %arg7: memref<2048x768xf32, #tpu.memory_space<hbm>>, %arg8: memref<64xi32, #tpu.memory_space<vmem>>, %arg9: memref<64xi32, #tpu.memory_space<vmem>>, %arg10: memref<64x16xf32, #tpu.memory_space<vmem>>, %arg11: memref<64x16xf32, #tpu.memory_space<vmem>>, %arg12: memref<16x768xf32, #tpu.memory_space<vmem>>, %arg13: memref<16x768xf32, #tpu.memory_space<vmem>>, %arg14: memref<16x768xf32, #tpu.memory_space<vmem>>, %arg15: memref<16x768xf32, #tpu.memory_space<vmem>>, %arg16: memref<16x768xf32, #tpu.memory_space<vmem>>, %arg17: memref<16x768xf32, #tpu.memory_space<vmem>>, %arg18: memref<!tpu.dma_semaphore, #tpu.memory_space<semaphore_mem>>, %arg19: memref<!tpu.dma_semaphore, #tpu.memory_space<semaphore_mem>>, %arg20: memref<!tpu.dma_semaphore, #tpu.memory_space<semaphore_mem>>, %arg21: memref<!tpu.dma_semaphore, #tpu.memory_space<semaphore_mem>>, %arg22: memref<!tpu.dma_semaphore, #tpu.memory_space<semaphore_mem>>, %arg23: memref<!tpu.dma_semaphore, #tpu.memory_space<semaphore_mem>>, %arg24: memref<!tpu.dma_semaphore, #tpu.memory_space<semaphore_mem>>, %arg25: memref<!tpu.dma_semaphore, #tpu.memory_space<semaphore_mem>>, %arg26: memref<!tpu.dma_semaphore, #tpu.memory_space<semaphore_mem>>) attributes {dimension_semantics = [#tpu.dimension_semantics<core_parallel>, #tpu.dimension_semantics<subcore_parallel>], iteration_bounds = array<i64: 2, 16>, scalar_prefetch = 0 : i64, scratch_operands = 19 : i64, tpu.core_type = #tpu.core_type<sc_vector_subcore>, window_params = [{transform_indices = #map}, {transform_indices = #map1}, {transform_indices = #map1}, {transform_indices = #map}, {transform_indices = #map}, {transform_indices = #map}]} {
    %mul3A = arith.constant 2 : i32
    %mul3A_0 = arith.muli %arg1, %mul3A : i32
    %add3A = arith.addi %mul3A_0, %arg0 : i32
    %mul3A_1 = arith.constant 64 : i32
    %mul3A_2 = arith.muli %add3A, %mul3A_1 : i32
    "tpu.region"() ({
      %run_scoped3A = tpu.sem_alloc : memref<!tpu.dma_semaphore, #tpu.memory_space<semaphore_mem>>
      %dma_start3A_148 = tpu.memref_slice %arg3[%mul3A_2] : memref<2048xi32, #tpu.memory_space<hbm>> -> memref<64xi32, #tpu.memory_space<hbm>>
      %dma_start3A_149 = tpu.memref_slice %arg3[%mul3A_2] : memref<2048xi32, #tpu.memory_space<hbm>> -> memref<64xi32, #tpu.memory_space<hbm>>
      tpu.enqueue_dma source(%dma_start3A_149 : memref<64xi32, #tpu.memory_space<hbm>>) target(%arg8 : memref<64xi32, #tpu.memory_space<vmem>>) target_semaphore(%run_scoped3A : memref<!tpu.dma_semaphore, #tpu.memory_space<semaphore_mem>>)
      %dma_wait3A_150 = tpu.memref_slice %arg3[%mul3A_2] : memref<2048xi32, #tpu.memory_space<hbm>> -> memref<64xi32, #tpu.memory_space<hbm>>
      %dma_wait3A_151 = tpu.memref_slice %arg3[%mul3A_2] : memref<2048xi32, #tpu.memory_space<hbm>> -> memref<64xi32, #tpu.memory_space<hbm>>
      tpu.wait_dma2 semaphore(%run_scoped3A : memref<!tpu.dma_semaphore, #tpu.memory_space<semaphore_mem>>) src(%dma_wait3A_151 : memref<64xi32, #tpu.memory_space<hbm>>) dst(%arg8 : memref<64xi32, #tpu.memory_space<vmem>>)
      tpu.yield
    }) : () -> ()
    "tpu.region"() ({
      %run_scoped3A = tpu.sem_alloc : memref<!tpu.dma_semaphore, #tpu.memory_space<semaphore_mem>>
      %dma_start3A_148 = tpu.memref_slice %arg4[%mul3A_2] : memref<2048xi32, #tpu.memory_space<hbm>> -> memref<64xi32, #tpu.memory_space<hbm>>
      %dma_start3A_149 = tpu.memref_slice %arg4[%mul3A_2] : memref<2048xi32, #tpu.memory_space<hbm>> -> memref<64xi32, #tpu.memory_space<hbm>>
      tpu.enqueue_dma source(%dma_start3A_149 : memref<64xi32, #tpu.memory_space<hbm>>) target(%arg9 : memref<64xi32, #tpu.memory_space<vmem>>) target_semaphore(%run_scoped3A : memref<!tpu.dma_semaphore, #tpu.memory_space<semaphore_mem>>)
      %dma_wait3A_150 = tpu.memref_slice %arg4[%mul3A_2] : memref<2048xi32, #tpu.memory_space<hbm>> -> memref<64xi32, #tpu.memory_space<hbm>>
      %dma_wait3A_151 = tpu.memref_slice %arg4[%mul3A_2] : memref<2048xi32, #tpu.memory_space<hbm>> -> memref<64xi32, #tpu.memory_space<hbm>>
      tpu.wait_dma2 semaphore(%run_scoped3A : memref<!tpu.dma_semaphore, #tpu.memory_space<semaphore_mem>>) src(%dma_wait3A_151 : memref<64xi32, #tpu.memory_space<hbm>>) dst(%arg9 : memref<64xi32, #tpu.memory_space<vmem>>)
      tpu.yield
    }) : () -> ()
    "tpu.region"() ({
      %run_scoped3A = tpu.sem_alloc : memref<!tpu.dma_semaphore, #tpu.memory_space<semaphore_mem>>
      %dma_start3A_148 = arith.constant 0 : i32
      %dma_start3A_149 = tpu.memref_slice %arg5[%mul3A_2, %dma_start3A_148] : memref<2048x16xf32, #tpu.memory_space<hbm>> -> memref<64x16xf32, #tpu.memory_space<hbm>>
      %dma_start3A_150 = arith.constant 0 : i32
      %dma_start3A_151 = tpu.memref_slice %arg5[%mul3A_2, %dma_start3A_150] : memref<2048x16xf32, #tpu.memory_space<hbm>> -> memref<64x16xf32, #tpu.memory_space<hbm>>
      tpu.enqueue_dma source(%dma_start3A_151 : memref<64x16xf32, #tpu.memory_space<hbm>>) target(%arg10 : memref<64x16xf32, #tpu.memory_space<vmem>>) target_semaphore(%run_scoped3A : memref<!tpu.dma_semaphore, #tpu.memory_space<semaphore_mem>>)
      %dma_wait3A_152 = arith.constant 0 : i32
      %dma_wait3A_153 = tpu.memref_slice %arg5[%mul3A_2, %dma_wait3A_152] : memref<2048x16xf32, #tpu.memory_space<hbm>> -> memref<64x16xf32, #tpu.memory_space<hbm>>
      %dma_wait3A_154 = arith.constant 0 : i32
      %dma_wait3A_155 = tpu.memref_slice %arg5[%mul3A_2, %dma_wait3A_154] : memref<2048x16xf32, #tpu.memory_space<hbm>> -> memref<64x16xf32, #tpu.memory_space<hbm>>
      tpu.wait_dma2 semaphore(%run_scoped3A : memref<!tpu.dma_semaphore, #tpu.memory_space<semaphore_mem>>) src(%dma_wait3A_155 : memref<64x16xf32, #tpu.memory_space<hbm>>) dst(%arg10 : memref<64x16xf32, #tpu.memory_space<vmem>>)
      tpu.yield
    }) : () -> ()
    "tpu.region"() ({
      %run_scoped3A = tpu.sem_alloc : memref<!tpu.dma_semaphore, #tpu.memory_space<semaphore_mem>>
      %dma_start3A_148 = arith.constant 0 : i32
      %dma_start3A_149 = tpu.memref_slice %arg6[%mul3A_2, %dma_start3A_148] : memref<2048x16xf32, #tpu.memory_space<hbm>> -> memref<64x16xf32, #tpu.memory_space<hbm>>
      %dma_start3A_150 = arith.constant 0 : i32
      %dma_start3A_151 = tpu.memref_slice %arg6[%mul3A_2, %dma_start3A_150] : memref<2048x16xf32, #tpu.memory_space<hbm>> -> memref<64x16xf32, #tpu.memory_space<hbm>>
      tpu.enqueue_dma source(%dma_start3A_151 : memref<64x16xf32, #tpu.memory_space<hbm>>) target(%arg11 : memref<64x16xf32, #tpu.memory_space<vmem>>) target_semaphore(%run_scoped3A : memref<!tpu.dma_semaphore, #tpu.memory_space<semaphore_mem>>)
      %dma_wait3A_152 = arith.constant 0 : i32
      %dma_wait3A_153 = tpu.memref_slice %arg6[%mul3A_2, %dma_wait3A_152] : memref<2048x16xf32, #tpu.memory_space<hbm>> -> memref<64x16xf32, #tpu.memory_space<hbm>>
      %dma_wait3A_154 = arith.constant 0 : i32
      %dma_wait3A_155 = tpu.memref_slice %arg6[%mul3A_2, %dma_wait3A_154] : memref<2048x16xf32, #tpu.memory_space<hbm>> -> memref<64x16xf32, #tpu.memory_space<hbm>>
      tpu.wait_dma2 semaphore(%run_scoped3A : memref<!tpu.dma_semaphore, #tpu.memory_space<semaphore_mem>>) src(%dma_wait3A_155 : memref<64x16xf32, #tpu.memory_space<hbm>>) dst(%arg11 : memref<64x16xf32, #tpu.memory_space<vmem>>)
      tpu.yield
    }) : () -> ()
    %dma_start3A = arith.constant 0 : i32
    %dma_start3A_3 = tpu.memref_slice %arg8[%dma_start3A] : memref<64xi32, #tpu.memory_space<vmem>> -> memref<16xi32, #tpu.memory_space<vmem>>
    %dma_start3A_4 = arith.constant 0 : i32
    %dma_start3A_5 = arith.constant 0 : i32
    %dma_start3A_6 = tpu.memref_slice %arg2[%dma_start3A_4, %dma_start3A_5] : memref<4096x768xf32, #tpu.memory_space<hbm>> -> memref<4096x768xf32, #tpu.memory_space<hbm>>
    tpu.enqueue_indirect_dma source(%dma_start3A_6 : memref<4096x768xf32, #tpu.memory_space<hbm>>) target(%arg12 : memref<16x768xf32, #tpu.memory_space<vmem>>) offsets(%dma_start3A_3 : memref<16xi32, #tpu.memory_space<vmem>>) semaphore(%arg18 : memref<!tpu.dma_semaphore, #tpu.memory_space<semaphore_mem>>)
    %dma_start3A_7 = arith.constant 0 : i32
    %dma_start3A_8 = tpu.memref_slice %arg9[%dma_start3A_7] : memref<64xi32, #tpu.memory_space<vmem>> -> memref<16xi32, #tpu.memory_space<vmem>>
    %dma_start3A_9 = arith.constant 0 : i32
    %dma_start3A_10 = arith.constant 0 : i32
    %dma_start3A_11 = tpu.memref_slice %arg2[%dma_start3A_9, %dma_start3A_10] : memref<4096x768xf32, #tpu.memory_space<hbm>> -> memref<4096x768xf32, #tpu.memory_space<hbm>>
    tpu.enqueue_indirect_dma source(%dma_start3A_11 : memref<4096x768xf32, #tpu.memory_space<hbm>>) target(%arg15 : memref<16x768xf32, #tpu.memory_space<vmem>>) offsets(%dma_start3A_8 : memref<16xi32, #tpu.memory_space<vmem>>) semaphore(%arg21 : memref<!tpu.dma_semaphore, #tpu.memory_space<semaphore_mem>>)
    %dma_start3A_12 = arith.constant 16 : i32
    %dma_start3A_13 = tpu.memref_slice %arg8[%dma_start3A_12] : memref<64xi32, #tpu.memory_space<vmem>> -> memref<16xi32, #tpu.memory_space<vmem>>
    %dma_start3A_14 = arith.constant 0 : i32
    %dma_start3A_15 = arith.constant 0 : i32
    %dma_start3A_16 = tpu.memref_slice %arg2[%dma_start3A_14, %dma_start3A_15] : memref<4096x768xf32, #tpu.memory_space<hbm>> -> memref<4096x768xf32, #tpu.memory_space<hbm>>
    tpu.enqueue_indirect_dma source(%dma_start3A_16 : memref<4096x768xf32, #tpu.memory_space<hbm>>) target(%arg13 : memref<16x768xf32, #tpu.memory_space<vmem>>) offsets(%dma_start3A_13 : memref<16xi32, #tpu.memory_space<vmem>>) semaphore(%arg19 : memref<!tpu.dma_semaphore, #tpu.memory_space<semaphore_mem>>)
    %dma_start3A_17 = arith.constant 16 : i32
    %dma_start3A_18 = tpu.memref_slice %arg9[%dma_start3A_17] : memref<64xi32, #tpu.memory_space<vmem>> -> memref<16xi32, #tpu.memory_space<vmem>>
    %dma_start3A_19 = arith.constant 0 : i32
    %dma_start3A_20 = arith.constant 0 : i32
    %dma_start3A_21 = tpu.memref_slice %arg2[%dma_start3A_19, %dma_start3A_20] : memref<4096x768xf32, #tpu.memory_space<hbm>> -> memref<4096x768xf32, #tpu.memory_space<hbm>>
    tpu.enqueue_indirect_dma source(%dma_start3A_21 : memref<4096x768xf32, #tpu.memory_space<hbm>>) target(%arg16 : memref<16x768xf32, #tpu.memory_space<vmem>>) offsets(%dma_start3A_18 : memref<16xi32, #tpu.memory_space<vmem>>) semaphore(%arg22 : memref<!tpu.dma_semaphore, #tpu.memory_space<semaphore_mem>>)
    %dma_start3A_22 = arith.constant 32 : i32
    %dma_start3A_23 = tpu.memref_slice %arg8[%dma_start3A_22] : memref<64xi32, #tpu.memory_space<vmem>> -> memref<16xi32, #tpu.memory_space<vmem>>
    %dma_start3A_24 = arith.constant 0 : i32
    %dma_start3A_25 = arith.constant 0 : i32
    %dma_start3A_26 = tpu.memref_slice %arg2[%dma_start3A_24, %dma_start3A_25] : memref<4096x768xf32, #tpu.memory_space<hbm>> -> memref<4096x768xf32, #tpu.memory_space<hbm>>
    tpu.enqueue_indirect_dma source(%dma_start3A_26 : memref<4096x768xf32, #tpu.memory_space<hbm>>) target(%arg14 : memref<16x768xf32, #tpu.memory_space<vmem>>) offsets(%dma_start3A_23 : memref<16xi32, #tpu.memory_space<vmem>>) semaphore(%arg20 : memref<!tpu.dma_semaphore, #tpu.memory_space<semaphore_mem>>)
    %dma_start3A_27 = arith.constant 32 : i32
    %dma_start3A_28 = tpu.memref_slice %arg9[%dma_start3A_27] : memref<64xi32, #tpu.memory_space<vmem>> -> memref<16xi32, #tpu.memory_space<vmem>>
    %dma_start3A_29 = arith.constant 0 : i32
    %dma_start3A_30 = arith.constant 0 : i32
    %dma_start3A_31 = tpu.memref_slice %arg2[%dma_start3A_29, %dma_start3A_30] : memref<4096x768xf32, #tpu.memory_space<hbm>> -> memref<4096x768xf32, #tpu.memory_space<hbm>>
    tpu.enqueue_indirect_dma source(%dma_start3A_31 : memref<4096x768xf32, #tpu.memory_space<hbm>>) target(%arg17 : memref<16x768xf32, #tpu.memory_space<vmem>>) offsets(%dma_start3A_28 : memref<16xi32, #tpu.memory_space<vmem>>) semaphore(%arg23 : memref<!tpu.dma_semaphore, #tpu.memory_space<semaphore_mem>>)
    %dma_wait3A = arith.constant 0 : i32
    %dma_wait3A_32 = tpu.memref_slice %arg8[%dma_wait3A] : memref<64xi32, #tpu.memory_space<vmem>> -> memref<16xi32, #tpu.memory_space<vmem>>
    %dma_wait3A_33 = arith.constant 0 : i32
    %dma_wait3A_34 = arith.constant 0 : i32
    %dma_wait3A_35 = tpu.memref_slice %arg2[%dma_wait3A_33, %dma_wait3A_34] : memref<4096x768xf32, #tpu.memory_space<hbm>> -> memref<4096x768xf32, #tpu.memory_space<hbm>>
    tpu.wait_indirect_dma semaphore(%arg18 : memref<!tpu.dma_semaphore, #tpu.memory_space<semaphore_mem>>) src(%dma_wait3A_35 : memref<4096x768xf32, #tpu.memory_space<hbm>>) dst(%arg12 : memref<16x768xf32, #tpu.memory_space<vmem>>)
    %dma_wait3A_36 = arith.constant 0 : i32
    %dma_wait3A_37 = tpu.memref_slice %arg9[%dma_wait3A_36] : memref<64xi32, #tpu.memory_space<vmem>> -> memref<16xi32, #tpu.memory_space<vmem>>
    %dma_wait3A_38 = arith.constant 0 : i32
    %dma_wait3A_39 = arith.constant 0 : i32
    %dma_wait3A_40 = tpu.memref_slice %arg2[%dma_wait3A_38, %dma_wait3A_39] : memref<4096x768xf32, #tpu.memory_space<hbm>> -> memref<4096x768xf32, #tpu.memory_space<hbm>>
    tpu.wait_indirect_dma semaphore(%arg21 : memref<!tpu.dma_semaphore, #tpu.memory_space<semaphore_mem>>) src(%dma_wait3A_40 : memref<4096x768xf32, #tpu.memory_space<hbm>>) dst(%arg15 : memref<16x768xf32, #tpu.memory_space<vmem>>)
    %scan3A = arith.constant 0 : i32
    %scan3A_41 = arith.constant 0 : i32
    %scan3A_42 = arith.constant 16 : i32
    %scan3A_43 = arith.addi %scan3A_41, %scan3A_42 : i32
    %scan3A_44 = arith.constant 1 : i32
    %scan3A_45 = scf.for %scan3A_148 = %scan3A_41 to %scan3A_43 step %scan3A_44 iter_args(%scan3A_149 = %scan3A) -> (i32)  : i32 {
      %add3A_150 = arith.constant 0 : i32
      %add3A_151 = arith.addi %add3A_150, %scan3A_148 : i32
      %get3A = arith.index_cast %add3A_151 : i32 to index
      %get3A_152 = arith.constant 0 : index
      %get3A_153 = tpu.vector_load %arg10[%get3A, %get3A_152] {strides = array<i32>} : memref<64x16xf32, #tpu.memory_space<vmem>>, vector<1x16xf32>,
      %get3A_154 = vector.shape_cast %get3A_153 : vector<1x16xf32> to vector<16xf32>
      %add3A_155 = arith.constant 0 : i32
      %add3A_156 = arith.addi %add3A_155, %scan3A_148 : i32
      %get3A_157 = arith.index_cast %add3A_156 : i32 to index
      %get3A_158 = arith.constant 0 : index
      %get3A_159 = tpu.vector_load %arg11[%get3A_157, %get3A_158] {strides = array<i32>} : memref<64x16xf32, #tpu.memory_space<vmem>>, vector<1x16xf32>,
      %get3A_160 = vector.shape_cast %get3A_159 : vector<1x16xf32> to vector<16xf32>
      %get3A_161 = arith.index_cast %scan3A_148 : i32 to index
      %get3A_162 = arith.constant 0 : index
      %get3A_163 = tpu.vector_load %arg12[%get3A_161, %get3A_162] {strides = array<i32>} : memref<16x768xf32, #tpu.memory_space<vmem>>, vector<1x16xf32>,
      %get3A_164 = vector.shape_cast %get3A_163 : vector<1x16xf32> to vector<16xf32>
      %mul3A_165 = arith.mulf %get3A_154, %get3A_164 : vector<16xf32>
      %get3A_166 = arith.index_cast %scan3A_148 : i32 to index
      %get3A_167 = arith.constant 0 : index
      %get3A_168 = tpu.vector_load %arg15[%get3A_166, %get3A_167] {strides = array<i32>} : memref<16x768xf32, #tpu.memory_space<vmem>>, vector<1x16xf32>,
      %get3A_169 = vector.shape_cast %get3A_168 : vector<1x16xf32> to vector<16xf32>
      %mul3A_170 = arith.mulf %get3A_160, %get3A_169 : vector<16xf32>
      %add3A_171 = arith.addf %mul3A_165, %mul3A_170 : vector<16xf32>
      %swap3A = arith.index_cast %scan3A_148 : i32 to index
      %swap3A_172 = arith.constant 0 : index
      %swap3A_173 = tpu.vector_load %arg12[%swap3A, %swap3A_172] {strides = array<i32>} : memref<16x768xf32, #tpu.memory_space<vmem>>, vector<1x16xf32>,
      %swap3A_174 = vector.shape_cast %swap3A_173 : vector<1x16xf32> to vector<16xf32>
      %swap3A_175 = vector.shape_cast %add3A_171 : vector<16xf32> to vector<1x16xf32>
      tpu.vector_store %arg12[%swap3A, %swap3A_172], %swap3A_175 {strides = array<i32>} : memref<16x768xf32, #tpu.memory_space<vmem>>, vector<1x16xf32>,
      %get3A_176 = arith.index_cast %scan3A_148 : i32 to index
      %get3A_177 = arith.constant 16 : index
      %get3A_178 = tpu.vector_load %arg12[%get3A_176, %get3A_177] {strides = array<i32>} : memref<16x768xf32, #tpu.memory_space<vmem>>, vector<1x16xf32>,
      %get3A_179 = vector.shape_cast %get3A_178 : vector<1x16xf32> to vector<16xf32>
      %mul3A_180 = arith.mulf %get3A_154, %get3A_179 : vector<16xf32>
      %get3A_181 = arith.index_cast %scan3A_148 : i32 to index
      %get3A_182 = arith.constant 16 : index
      %get3A_183 = tpu.vector_load %arg15[%get3A_181, %get3A_182] {strides = array<i32>} : memref<16x768xf32, #tpu.memory_space<vmem>>, vector<1x16xf32>,
      %get3A_184 = vector.shape_cast %get3A_183 : vector<1x16xf32> to vector<16xf32>
      %mul3A_185 = arith.mulf %get3A_160, %get3A_184 : vector<16xf32>
      %add3A_186 = arith.addf %mul3A_180, %mul3A_185 : vector<16xf32>
      %swap3A_187 = arith.index_cast %scan3A_148 : i32 to index
      %swap3A_188 = arith.constant 16 : index
      %swap3A_189 = tpu.vector_load %arg12[%swap3A_187, %swap3A_188] {strides = array<i32>} : memref<16x768xf32, #tpu.memory_space<vmem>>, vector<1x16xf32>,
      %swap3A_190 = vector.shape_cast %swap3A_189 : vector<1x16xf32> to vector<16xf32>
      %swap3A_191 = vector.shape_cast %add3A_186 : vector<16xf32> to vector<1x16xf32>
      tpu.vector_store %arg12[%swap3A_187, %swap3A_188], %swap3A_191 {strides = array<i32>} : memref<16x768xf32, #tpu.memory_space<vmem>>, vector<1x16xf32>,
      %get3A_192 = arith.index_cast %scan3A_148 : i32 to index
      %get3A_193 = arith.constant 32 : index
      %get3A_194 = tpu.vector_load %arg12[%get3A_192, %get3A_193] {strides = array<i32>} : memref<16x768xf32, #tpu.memory_space<vmem>>, vector<1x16xf32>,
      %get3A_195 = vector.shape_cast %get3A_194 : vector<1x16xf32> to vector<16xf32>
      %mul3A_196 = arith.mulf %get3A_154, %get3A_195 : vector<16xf32>
      %get3A_197 = arith.index_cast %scan3A_148 : i32 to index
      %get3A_198 = arith.constant 32 : index
      %get3A_199 = tpu.vector_load %arg15[%get3A_197, %get3A_198] {strides = array<i32>} : memref<16x768xf32, #tpu.memory_space<vmem>>, vector<1x16xf32>,
      %get3A_200 = vector.shape_cast %get3A_199 : vector<1x16xf32> to vector<16xf32>
      %mul3A_201 = arith.mulf %get3A_160, %get3A_200 : vector<16xf32>
      %add3A_202 = arith.addf %mul3A_196, %mul3A_201 : vector<16xf32>
      %swap3A_203 = arith.index_cast %scan3A_148 : i32 to index
      %swap3A_204 = arith.constant 32 : index
      %swap3A_205 = tpu.vector_load %arg12[%swap3A_203, %swap3A_204] {strides = array<i32>} : memref<16x768xf32, #tpu.memory_space<vmem>>, vector<1x16xf32>,
      %swap3A_206 = vector.shape_cast %swap3A_205 : vector<1x16xf32> to vector<16xf32>
      %swap3A_207 = vector.shape_cast %add3A_202 : vector<16xf32> to vector<1x16xf32>
      tpu.vector_store %arg12[%swap3A_203, %swap3A_204], %swap3A_207 {strides = array<i32>} : memref<16x768xf32, #tpu.memory_space<vmem>>, vector<1x16xf32>,
      %get3A_208 = arith.index_cast %scan3A_148 : i32 to index
      %get3A_209 = arith.constant 48 : index
      %get3A_210 = tpu.vector_load %arg12[%get3A_208, %get3A_209] {strides = array<i32>} : memref<16x768xf32, #tpu.memory_space<vmem>>, vector<1x16xf32>,
      %get3A_211 = vector.shape_cast %get3A_210 : vector<1x16xf32> to vector<16xf32>
      %mul3A_212 = arith.mulf %get3A_154, %get3A_211 : vector<16xf32>
      %get3A_213 = arith.index_cast %scan3A_148 : i32 to index
      %get3A_214 = arith.constant 48 : index
      %get3A_215 = tpu.vector_load %arg15[%get3A_213, %get3A_214] {strides = array<i32>} : memref<16x768xf32, #tpu.memory_space<vmem>>, vector<1x16xf32>,
      %get3A_216 = vector.shape_cast %get3A_215 : vector<1x16xf32> to vector<16xf32>
      %mul3A_217 = arith.mulf %get3A_160, %get3A_216 : vector<16xf32>
      %add3A_218 = arith.addf %mul3A_212, %mul3A_217 : vector<16xf32>
      %swap3A_219 = arith.index_cast %scan3A_148 : i32 to index
      %swap3A_220 = arith.constant 48 : index
      %swap3A_221 = tpu.vector_load %arg12[%swap3A_219, %swap3A_220] {strides = array<i32>} : memref<16x768xf32, #tpu.memory_space<vmem>>, vector<1x16xf32>,
      %swap3A_222 = vector.shape_cast %swap3A_221 : vector<1x16xf32> to vector<16xf32>
      %swap3A_223 = vector.shape_cast %add3A_218 : vector<16xf32> to vector<1x16xf32>
      tpu.vector_store %arg12[%swap3A_219, %swap3A_220], %swap3A_223 {strides = array<i32>} : memref<16x768xf32, #tpu.memory_space<vmem>>, vector<1x16xf32>,
      %get3A_224 = arith.index_cast %scan3A_148 : i32 to index
      %get3A_225 = arith.constant 64 : index
      %get3A_226 = tpu.vector_load %arg12[%get3A_224, %get3A_225] {strides = array<i32>} : memref<16x768xf32, #tpu.memory_space<vmem>>, vector<1x16xf32>,
      %get3A_227 = vector.shape_cast %get3A_226 : vector<1x16xf32> to vector<16xf32>
      %mul3A_228 = arith.mulf %get3A_154, %get3A_227 : vector<16xf32>
      %get3A_229 = arith.index_cast %scan3A_148 : i32 to index
      %get3A_230 = arith.constant 64 : index
      %get3A_231 = tpu.vector_load %arg15[%get3A_229, %get3A_230] {strides = array<i32>} : memref<16x768xf32, #tpu.memory_space<vmem>>, vector<1x16xf32>,
      %get3A_232 = vector.shape_cast %get3A_231 : vector<1x16xf32> to vector<16xf32>
      %mul3A_233 = arith.mulf %get3A_160, %get3A_232 : vector<16xf32>
      %add3A_234 = arith.addf %mul3A_228, %mul3A_233 : vector<16xf32>
      %swap3A_235 = arith.index_cast %scan3A_148 : i32 to index
      %swap3A_236 = arith.constant 64 : index
      %swap3A_237 = tpu.vector_load %arg12[%swap3A_235, %swap3A_236] {strides = array<i32>} : memref<16x768xf32, #tpu.memory_space<vmem>>, vector<1x16xf32>,
      %swap3A_238 = vector.shape_cast %swap3A_237 : vector<1x16xf32> to vector<16xf32>
      %swap3A_239 = vector.shape_cast %add3A_234 : vector<16xf32> to vector<1x16xf32>
      tpu.vector_store %arg12[%swap3A_235, %swap3A_236], %swap3A_239 {strides = array<i32>} : memref<16x768xf32, #tpu.memory_space<vmem>>, vector<1x16xf32>,
      %get3A_240 = arith.index_cast %scan3A_148 : i32 to index
      %get3A_241 = arith.constant 80 : index
      %get3A_242 = tpu.vector_load %arg12[%get3A_240, %get3A_241] {strides = array<i32>} : memref<16x768xf32, #tpu.memory_space<vmem>>, vector<1x16xf32>,
      %get3A_243 = vector.shape_cast %get3A_242 : vector<1x16xf32> to vector<16xf32>
      %mul3A_244 = arith.mulf %get3A_154, %get3A_243 : vector<16xf32>
      %get3A_245 = arith.index_cast %scan3A_148 : i32 to index
      %get3A_246 = arith.constant 80 : index
      %get3A_247 = tpu.vector_load %arg15[%get3A_245, %get3A_246] {strides = array<i32>} : memref<16x768xf32, #tpu.memory_space<vmem>>, vector<1x16xf32>,
      %get3A_248 = vector.shape_cast %get3A_247 : vector<1x16xf32> to vector<16xf32>
      %mul3A_249 = arith.mulf %get3A_160, %get3A_248 : vector<16xf32>
      %add3A_250 = arith.addf %mul3A_244, %mul3A_249 : vector<16xf32>
      %swap3A_251 = arith.index_cast %scan3A_148 : i32 to index
      %swap3A_252 = arith.constant 80 : index
      %swap3A_253 = tpu.vector_load %arg12[%swap3A_251, %swap3A_252] {strides = array<i32>} : memref<16x768xf32, #tpu.memory_space<vmem>>, vector<1x16xf32>,
      %swap3A_254 = vector.shape_cast %swap3A_253 : vector<1x16xf32> to vector<16xf32>
      %swap3A_255 = vector.shape_cast %add3A_250 : vector<16xf32> to vector<1x16xf32>
      tpu.vector_store %arg12[%swap3A_251, %swap3A_252], %swap3A_255 {strides = array<i32>} : memref<16x768xf32, #tpu.memory_space<vmem>>, vector<1x16xf32>,
      %get3A_256 = arith.index_cast %scan3A_148 : i32 to index
      %get3A_257 = arith.constant 96 : index
      %get3A_258 = tpu.vector_load %arg12[%get3A_256, %get3A_257] {strides = array<i32>} : memref<16x768xf32, #tpu.memory_space<vmem>>, vector<1x16xf32>,
      %get3A_259 = vector.shape_cast %get3A_258 : vector<1x16xf32> to vector<16xf32>
      %mul3A_260 = arith.mulf %get3A_154, %get3A_259 : vector<16xf32>
      %get3A_261 = arith.index_cast %scan3A_148 : i32 to index
      %get3A_262 = arith.constant 96 : index
      %get3A_263 = tpu.vector_load %arg15[%get3A_261, %get3A_262] {strides = array<i32>} : memref<16x768xf32, #tpu.memory_space<vmem>>, vector<1x16xf32>,
      %get3A_264 = vector.shape_cast %get3A_263 : vector<1x16xf32> to vector<16xf32>
      %mul3A_265 = arith.mulf %get3A_160, %get3A_264 : vector<16xf32>
      %add3A_266 = arith.addf %mul3A_260, %mul3A_265 : vector<16xf32>
      %swap3A_267 = arith.index_cast %scan3A_148 : i32 to index
      %swap3A_268 = arith.constant 96 : index
      %swap3A_269 = tpu.vector_load %arg12[%swap3A_267, %swap3A_268] {strides = array<i32>} : memref<16x768xf32, #tpu.memory_space<vmem>>, vector<1x16xf32>,
      %swap3A_270 = vector.shape_cast %swap3A_269 : vector<1x16xf32> to vector<16xf32>
      %swap3A_271 = vector.shape_cast %add3A_266 : vector<16xf32> to vector<1x16xf32>
      tpu.vector_store %arg12[%swap3A_267, %swap3A_268], %swap3A_271 {strides = array<i32>} : memref<16x768xf32, #tpu.memory_space<vmem>>, vector<1x16xf32>,
      %get3A_272 = arith.index_cast %scan3A_148 : i32 to index
      %get3A_273 = arith.constant 112 : index
      %get3A_274 = tpu.vector_load %arg12[%get3A_272, %get3A_273] {strides = array<i32>} : memref<16x768xf32, #tpu.memory_space<vmem>>, vector<1x16xf32>,
      %get3A_275 = vector.shape_cast %get3A_274 : vector<1x16xf32> to vector<16xf32>
      %mul3A_276 = arith.mulf %get3A_154, %get3A_275 : vector<16xf32>
      %get3A_277 = arith.index_cast %scan3A_148 : i32 to index
      %get3A_278 = arith.constant 112 : index
      %get3A_279 = tpu.vector_load %arg15[%get3A_277, %get3A_278] {strides = array<i32>} : memref<16x768xf32, #tpu.memory_space<vmem>>, vector<1x16xf32>,
      %get3A_280 = vector.shape_cast %get3A_279 : vector<1x16xf32> to vector<16xf32>
      %mul3A_281 = arith.mulf %get3A_160, %get3A_280 : vector<16xf32>
      %add3A_282 = arith.addf %mul3A_276, %mul3A_281 : vector<16xf32>
      %swap3A_283 = arith.index_cast %scan3A_148 : i32 to index
      %swap3A_284 = arith.constant 112 : index
      %swap3A_285 = tpu.vector_load %arg12[%swap3A_283, %swap3A_284] {strides = array<i32>} : memref<16x768xf32, #tpu.memory_space<vmem>>, vector<1x16xf32>,
      %swap3A_286 = vector.shape_cast %swap3A_285 : vector<1x16xf32> to vector<16xf32>
      %swap3A_287 = vector.shape_cast %add3A_282 : vector<16xf32> to vector<1x16xf32>
      tpu.vector_store %arg12[%swap3A_283, %swap3A_284], %swap3A_287 {strides = array<i32>} : memref<16x768xf32, #tpu.memory_space<vmem>>, vector<1x16xf32>,
      %get3A_288 = arith.index_cast %scan3A_148 : i32 to index
      %get3A_289 = arith.constant 128 : index
      %get3A_290 = tpu.vector_load %arg12[%get3A_288, %get3A_289] {strides = array<i32>} : memref<16x768xf32, #tpu.memory_space<vmem>>, vector<1x16xf32>,
      %get3A_291 = vector.shape_cast %get3A_290 : vector<1x16xf32> to vector<16xf32>
      %mul3A_292 = arith.mulf %get3A_154, %get3A_291 : vector<16xf32>
      %get3A_293 = arith.index_cast %scan3A_148 : i32 to index
      %get3A_294 = arith.constant 128 : index
      %get3A_295 = tpu.vector_load %arg15[%get3A_293, %get3A_294] {strides = array<i32>} : memref<16x768xf32, #tpu.memory_space<vmem>>, vector<1x16xf32>,
      %get3A_296 = vector.shape_cast %get3A_295 : vector<1x16xf32> to vector<16xf32>
      %mul3A_297 = arith.mulf %get3A_160, %get3A_296 : vector<16xf32>
      %add3A_298 = arith.addf %mul3A_292, %mul3A_297 : vector<16xf32>
      %swap3A_299 = arith.index_cast %scan3A_148 : i32 to index
      %swap3A_300 = arith.constant 128 : index
      %swap3A_301 = tpu.vector_load %arg12[%swap3A_299, %swap3A_300] {strides = array<i32>} : memref<16x768xf32, #tpu.memory_space<vmem>>, vector<1x16xf32>,
      %swap3A_302 = vector.shape_cast %swap3A_301 : vector<1x16xf32> to vector<16xf32>
      %swap3A_303 = vector.shape_cast %add3A_298 : vector<16xf32> to vector<1x16xf32>
      tpu.vector_store %arg12[%swap3A_299, %swap3A_300], %swap3A_303 {strides = array<i32>} : memref<16x768xf32, #tpu.memory_space<vmem>>, vector<1x16xf32>,
      %get3A_304 = arith.index_cast %scan3A_148 : i32 to index
      %get3A_305 = arith.constant 144 : index
      %get3A_306 = tpu.vector_load %arg12[%get3A_304, %get3A_305] {strides = array<i32>} : memref<16x768xf32, #tpu.memory_space<vmem>>, vector<1x16xf32>,
      %get3A_307 = vector.shape_cast %get3A_306 : vector<1x16xf32> to vector<16xf32>
      %mul3A_308 = arith.mulf %get3A_154, %get3A_307 : vector<16xf32>
      %get3A_309 = arith.index_cast %scan3A_148 : i32 to index
      %get3A_310 = arith.constant 144 : index
      %get3A_311 = tpu.vector_load %arg15[%get3A_309, %get3A_310] {strides = array<i32>} : memref<16x768xf32, #tpu.memory_space<vmem>>, vector<1x16xf32>,
      %get3A_312 = vector.shape_cast %get3A_311 : vector<1x16xf32> to vector<16xf32>
      %mul3A_313 = arith.mulf %get3A_160, %get3A_312 : vector<16xf32>
      %add3A_314 = arith.addf %mul3A_308, %mul3A_313 : vector<16xf32>
      %swap3A_315 = arith.index_cast %scan3A_148 : i32 to index
      %swap3A_316 = arith.constant 144 : index
      %swap3A_317 = tpu.vector_load %arg12[%swap3A_315, %swap3A_316] {strides = array<i32>} : memref<16x768xf32, #tpu.memory_space<vmem>>, vector<1x16xf32>,
      %swap3A_318 = vector.shape_cast %swap3A_317 : vector<1x16xf32> to vector<16xf32>
      %swap3A_319 = vector.shape_cast %add3A_314 : vector<16xf32> to vector<1x16xf32>
      tpu.vector_store %arg12[%swap3A_315, %swap3A_316], %swap3A_319 {strides = array<i32>} : memref<16x768xf32, #tpu.memory_space<vmem>>, vector<1x16xf32>,
      %get3A_320 = arith.index_cast %scan3A_148 : i32 to index
      %get3A_321 = arith.constant 160 : index
      %get3A_322 = tpu.vector_load %arg12[%get3A_320, %get3A_321] {strides = array<i32>} : memref<16x768xf32, #tpu.memory_space<vmem>>, vector<1x16xf32>,
      %get3A_323 = vector.shape_cast %get3A_322 : vector<1x16xf32> to vector<16xf32>
      %mul3A_324 = arith.mulf %get3A_154, %get3A_323 : vector<16xf32>
      %get3A_325 = arith.index_cast %scan3A_148 : i32 to index
      %get3A_326 = arith.constant 160 : index
      %get3A_327 = tpu.vector_load %arg15[%get3A_325, %get3A_326] {strides = array<i32>} : memref<16x768xf32, #tpu.memory_space<vmem>>, vector<1x16xf32>,
      %get3A_328 = vector.shape_cast %get3A_327 : vector<1x16xf32> to vector<16xf32>
      %mul3A_329 = arith.mulf %get3A_160, %get3A_328 : vector<16xf32>
      %add3A_330 = arith.addf %mul3A_324, %mul3A_329 : vector<16xf32>
      %swap3A_331 = arith.index_cast %scan3A_148 : i32 to index
      %swap3A_332 = arith.constant 160 : index
      %swap3A_333 = tpu.vector_load %arg12[%swap3A_331, %swap3A_332] {strides = array<i32>} : memref<16x768xf32, #tpu.memory_space<vmem>>, vector<1x16xf32>,
      %swap3A_334 = vector.shape_cast %swap3A_333 : vector<1x16xf32> to vector<16xf32>
      %swap3A_335 = vector.shape_cast %add3A_330 : vector<16xf32> to vector<1x16xf32>
      tpu.vector_store %arg12[%swap3A_331, %swap3A_332], %swap3A_335 {strides = array<i32>} : memref<16x768xf32, #tpu.memory_space<vmem>>, vector<1x16xf32>,
      %get3A_336 = arith.index_cast %scan3A_148 : i32 to index
      %get3A_337 = arith.constant 176 : index
      %get3A_338 = tpu.vector_load %arg12[%get3A_336, %get3A_337] {strides = array<i32>} : memref<16x768xf32, #tpu.memory_space<vmem>>, vector<1x16xf32>,
      %get3A_339 = vector.shape_cast %get3A_338 : vector<1x16xf32> to vector<16xf32>
      %mul3A_340 = arith.mulf %get3A_154, %get3A_339 : vector<16xf32>
      %get3A_341 = arith.index_cast %scan3A_148 : i32 to index
      %get3A_342 = arith.constant 176 : index
      %get3A_343 = tpu.vector_load %arg15[%get3A_341, %get3A_342] {strides = array<i32>} : memref<16x768xf32, #tpu.memory_space<vmem>>, vector<1x16xf32>,
      %get3A_344 = vector.shape_cast %get3A_343 : vector<1x16xf32> to vector<16xf32>
      %mul3A_345 = arith.mulf %get3A_160, %get3A_344 : vector<16xf32>
      %add3A_346 = arith.addf %mul3A_340, %mul3A_345 : vector<16xf32>
      %swap3A_347 = arith.index_cast %scan3A_148 : i32 to index
      %swap3A_348 = arith.constant 176 : index
      %swap3A_349 = tpu.vector_load %arg12[%swap3A_347, %swap3A_348] {strides = array<i32>} : memref<16x768xf32, #tpu.memory_space<vmem>>, vector<1x16xf32>,
      %swap3A_350 = vector.shape_cast %swap3A_349 : vector<1x16xf32> to vector<16xf32>
      %swap3A_351 = vector.shape_cast %add3A_346 : vector<16xf32> to vector<1x16xf32>
      tpu.vector_store %arg12[%swap3A_347, %swap3A_348], %swap3A_351 {strides = array<i32>} : memref<16x768xf32, #tpu.memory_space<vmem>>, vector<1x16xf32>,
      %get3A_352 = arith.index_cast %scan3A_148 : i32 to index
      %get3A_353 = arith.constant 192 : index
      %get3A_354 = tpu.vector_load %arg12[%get3A_352, %get3A_353] {strides = array<i32>} : memref<16x768xf32, #tpu.memory_space<vmem>>, vector<1x16xf32>,
      %get3A_355 = vector.shape_cast %get3A_354 : vector<1x16xf32> to vector<16xf32>
      %mul3A_356 = arith.mulf %get3A_154, %get3A_355 : vector<16xf32>
      %get3A_357 = arith.index_cast %scan3A_148 : i32 to index
      %get3A_358 = arith.constant 192 : index
      %get3A_359 = tpu.vector_load %arg15[%get3A_357, %get3A_358] {strides = array<i32>} : memref<16x768xf32, #tpu.memory_space<vmem>>, vector<1x16xf32>,
      %get3A_360 = vector.shape_cast %get3A_359 : vector<1x16xf32> to vector<16xf32>
      %mul3A_361 = arith.mulf %get3A_160, %get3A_360 : vector<16xf32>
      %add3A_362 = arith.addf %mul3A_356, %mul3A_361 : vector<16xf32>
      %swap3A_363 = arith.index_cast %scan3A_148 : i32 to index
      %swap3A_364 = arith.constant 192 : index
      %swap3A_365 = tpu.vector_load %arg12[%swap3A_363, %swap3A_364] {strides = array<i32>} : memref<16x768xf32, #tpu.memory_space<vmem>>, vector<1x16xf32>,
      %swap3A_366 = vector.shape_cast %swap3A_365 : vector<1x16xf32> to vector<16xf32>
      %swap3A_367 = vector.shape_cast %add3A_362 : vector<16xf32> to vector<1x16xf32>
      tpu.vector_store %arg12[%swap3A_363, %swap3A_364], %swap3A_367 {strides = array<i32>} : memref<16x768xf32, #tpu.memory_space<vmem>>, vector<1x16xf32>,
      %get3A_368 = arith.index_cast %scan3A_148 : i32 to index
      %get3A_369 = arith.constant 208 : index
      %get3A_370 = tpu.vector_load %arg12[%get3A_368, %get3A_369] {strides = array<i32>} : memref<16x768xf32, #tpu.memory_space<vmem>>, vector<1x16xf32>,
      %get3A_371 = vector.shape_cast %get3A_370 : vector<1x16xf32> to vector<16xf32>
      %mul3A_372 = arith.mulf %get3A_154, %get3A_371 : vector<16xf32>
      %get3A_373 = arith.index_cast %scan3A_148 : i32 to index
      %get3A_374 = arith.constant 208 : index
      %get3A_375 = tpu.vector_load %arg15[%get3A_373, %get3A_374] {strides = array<i32>} : memref<16x768xf32, #tpu.memory_space<vmem>>, vector<1x16xf32>,
      %get3A_376 = vector.shape_cast %get3A_375 : vector<1x16xf32> to vector<16xf32>
      %mul3A_377 = arith.mulf %get3A_160, %get3A_376 : vector<16xf32>
      %add3A_378 = arith.addf %mul3A_372, %mul3A_377 : vector<16xf32>
      %swap3A_379 = arith.index_cast %scan3A_148 : i32 to index
      %swap3A_380 = arith.constant 208 : index
      %swap3A_381 = tpu.vector_load %arg12[%swap3A_379, %swap3A_380] {strides = array<i32>} : memref<16x768xf32, #tpu.memory_space<vmem>>, vector<1x16xf32>,
      %swap3A_382 = vector.shape_cast %swap3A_381 : vector<1x16xf32> to vector<16xf32>
      %swap3A_383 = vector.shape_cast %add3A_378 : vector<16xf32> to vector<1x16xf32>
      tpu.vector_store %arg12[%swap3A_379, %swap3A_380], %swap3A_383 {strides = array<i32>} : memref<16x768xf32, #tpu.memory_space<vmem>>, vector<1x16xf32>,
      %get3A_384 = arith.index_cast %scan3A_148 : i32 to index
      %get3A_385 = arith.constant 224 : index
      %get3A_386 = tpu.vector_load %arg12[%get3A_384, %get3A_385] {strides = array<i32>} : memref<16x768xf32, #tpu.memory_space<vmem>>, vector<1x16xf32>,
      %get3A_387 = vector.shape_cast %get3A_386 : vector<1x16xf32> to vector<16xf32>
      %mul3A_388 = arith.mulf %get3A_154, %get3A_387 : vector<16xf32>
      %get3A_389 = arith.index_cast %scan3A_148 : i32 to index
      %get3A_390 = arith.constant 224 : index
      %get3A_391 = tpu.vector_load %arg15[%get3A_389, %get3A_390] {strides = array<i32>} : memref<16x768xf32, #tpu.memory_space<vmem>>, vector<1x16xf32>,
      %get3A_392 = vector.shape_cast %get3A_391 : vector<1x16xf32> to vector<16xf32>
      %mul3A_393 = arith.mulf %get3A_160, %get3A_392 : vector<16xf32>
      %add3A_394 = arith.addf %mul3A_388, %mul3A_393 : vector<16xf32>
      %swap3A_395 = arith.index_cast %scan3A_148 : i32 to index
      %swap3A_396 = arith.constant 224 : index
      %swap3A_397 = tpu.vector_load %arg12[%swap3A_395, %swap3A_396] {strides = array<i32>} : memref<16x768xf32, #tpu.memory_space<vmem>>, vector<1x16xf32>,
      %swap3A_398 = vector.shape_cast %swap3A_397 : vector<1x16xf32> to vector<16xf32>
      %swap3A_399 = vector.shape_cast %add3A_394 : vector<16xf32> to vector<1x16xf32>
      tpu.vector_store %arg12[%swap3A_395, %swap3A_396], %swap3A_399 {strides = array<i32>} : memref<16x768xf32, #tpu.memory_space<vmem>>, vector<1x16xf32>,
      %get3A_400 = arith.index_cast %scan3A_148 : i32 to index
      %get3A_401 = arith.constant 240 : index
      %get3A_402 = tpu.vector_load %arg12[%get3A_400, %get3A_401] {strides = array<i32>} : memref<16x768xf32, #tpu.memory_space<vmem>>, vector<1x16xf32>,
      %get3A_403 = vector.shape_cast %get3A_402 : vector<1x16xf32> to vector<16xf32>
      %mul3A_404 = arith.mulf %get3A_154, %get3A_403 : vector<16xf32>
      %get3A_405 = arith.index_cast %scan3A_148 : i32 to index
      %get3A_406 = arith.constant 240 : index
      %get3A_407 = tpu.vector_load %arg15[%get3A_405, %get3A_406] {strides = array<i32>} : memref<16x768xf32, #tpu.memory_space<vmem>>, vector<1x16xf32>,
      %get3A_408 = vector.shape_cast %get3A_407 : vector<1x16xf32> to vector<16xf32>
      %mul3A_409 = arith.mulf %get3A_160, %get3A_408 : vector<16xf32>
      %add3A_410 = arith.addf %mul3A_404, %mul3A_409 : vector<16xf32>
      %swap3A_411 = arith.index_cast %scan3A_148 : i32 to index
      %swap3A_412 = arith.constant 240 : index
      %swap3A_413 = tpu.vector_load %arg12[%swap3A_411, %swap3A_412] {strides = array<i32>} : memref<16x768xf32, #tpu.memory_space<vmem>>, vector<1x16xf32>,
      %swap3A_414 = vector.shape_cast %swap3A_413 : vector<1x16xf32> to vector<16xf32>
      %swap3A_415 = vector.shape_cast %add3A_410 : vector<16xf32> to vector<1x16xf32>
      tpu.vector_store %arg12[%swap3A_411, %swap3A_412], %swap3A_415 {strides = array<i32>} : memref<16x768xf32, #tpu.memory_space<vmem>>, vector<1x16xf32>,
      %get3A_416 = arith.index_cast %scan3A_148 : i32 to index
      %get3A_417 = arith.constant 256 : index
      %get3A_418 = tpu.vector_load %arg12[%get3A_416, %get3A_417] {strides = array<i32>} : memref<16x768xf32, #tpu.memory_space<vmem>>, vector<1x16xf32>,
      %get3A_419 = vector.shape_cast %get3A_418 : vector<1x16xf32> to vector<16xf32>
      %mul3A_420 = arith.mulf %get3A_154, %get3A_419 : vector<16xf32>
      %get3A_421 = arith.index_cast %scan3A_148 : i32 to index
      %get3A_422 = arith.constant 256 : index
      %get3A_423 = tpu.vector_load %arg15[%get3A_421, %get3A_422] {strides = array<i32>} : memref<16x768xf32, #tpu.memory_space<vmem>>, vector<1x16xf32>,
      %get3A_424 = vector.shape_cast %get3A_423 : vector<1x16xf32> to vector<16xf32>
      %mul3A_425 = arith.mulf %get3A_160, %get3A_424 : vector<16xf32>
      %add3A_426 = arith.addf %mul3A_420, %mul3A_425 : vector<16xf32>
      %swap3A_427 = arith.index_cast %scan3A_148 : i32 to index
      %swap3A_428 = arith.constant 256 : index
      %swap3A_429 = tpu.vector_load %arg12[%swap3A_427, %swap3A_428] {strides = array<i32>} : memref<16x768xf32, #tpu.memory_space<vmem>>, vector<1x16xf32>,
      %swap3A_430 = vector.shape_cast %swap3A_429 : vector<1x16xf32> to vector<16xf32>
      %swap3A_431 = vector.shape_cast %add3A_426 : vector<16xf32> to vector<1x16xf32>
      tpu.vector_store %arg12[%swap3A_427, %swap3A_428], %swap3A_431 {strides = array<i32>} : memref<16x768xf32, #tpu.memory_space<vmem>>, vector<1x16xf32>,
      %get3A_432 = arith.index_cast %scan3A_148 : i32 to index
      %get3A_433 = arith.constant 272 : index
      %get3A_434 = tpu.vector_load %arg12[%get3A_432, %get3A_433] {strides = array<i32>} : memref<16x768xf32, #tpu.memory_space<vmem>>, vector<1x16xf32>,
      %get3A_435 = vector.shape_cast %get3A_434 : vector<1x16xf32> to vector<16xf32>
      %mul3A_436 = arith.mulf %get3A_154, %get3A_435 : vector<16xf32>
      %get3A_437 = arith.index_cast %scan3A_148 : i32 to index
      %get3A_438 = arith.constant 272 : index
      %get3A_439 = tpu.vector_load %arg15[%get3A_437, %get3A_438] {strides = array<i32>} : memref<16x768xf32, #tpu.memory_space<vmem>>, vector<1x16xf32>,
      %get3A_440 = vector.shape_cast %get3A_439 : vector<1x16xf32> to vector<16xf32>
      %mul3A_441 = arith.mulf %get3A_160, %get3A_440 : vector<16xf32>
      %add3A_442 = arith.addf %mul3A_436, %mul3A_441 : vector<16xf32>
      %swap3A_443 = arith.index_cast %scan3A_148 : i32 to index
      %swap3A_444 = arith.constant 272 : index
      %swap3A_445 = tpu.vector_load %arg12[%swap3A_443, %swap3A_444] {strides = array<i32>} : memref<16x768xf32, #tpu.memory_space<vmem>>, vector<1x16xf32>,
      %swap3A_446 = vector.shape_cast %swap3A_445 : vector<1x16xf32> to vector<16xf32>
      %swap3A_447 = vector.shape_cast %add3A_442 : vector<16xf32> to vector<1x16xf32>
      tpu.vector_store %arg12[%swap3A_443, %swap3A_444], %swap3A_447 {strides = array<i32>} : memref<16x768xf32, #tpu.memory_space<vmem>>, vector<1x16xf32>,
      %get3A_448 = arith.index_cast %scan3A_148 : i32 to index
      %get3A_449 = arith.constant 288 : index
      %get3A_450 = tpu.vector_load %arg12[%get3A_448, %get3A_449] {strides = array<i32>} : memref<16x768xf32, #tpu.memory_space<vmem>>, vector<1x16xf32>,
      %get3A_451 = vector.shape_cast %get3A_450 : vector<1x16xf32> to vector<16xf32>
      %mul3A_452 = arith.mulf %get3A_154, %get3A_451 : vector<16xf32>
      %get3A_453 = arith.index_cast %scan3A_148 : i32 to index
      %get3A_454 = arith.constant 288 : index
      %get3A_455 = tpu.vector_load %arg15[%get3A_453, %get3A_454] {strides = array<i32>} : memref<16x768xf32, #tpu.memory_space<vmem>>, vector<1x16xf32>,
      %get3A_456 = vector.shape_cast %get3A_455 : vector<1x16xf32> to vector<16xf32>
      %mul3A_457 = arith.mulf %get3A_160, %get3A_456 : vector<16xf32>
      %add3A_458 = arith.addf %mul3A_452, %mul3A_457 : vector<16xf32>
      %swap3A_459 = arith.index_cast %scan3A_148 : i32 to index
      %swap3A_460 = arith.constant 288 : index
      %swap3A_461 = tpu.vector_load %arg12[%swap3A_459, %swap3A_460] {strides = array<i32>} : memref<16x768xf32, #tpu.memory_space<vmem>>, vector<1x16xf32>,
      %swap3A_462 = vector.shape_cast %swap3A_461 : vector<1x16xf32> to vector<16xf32>
      %swap3A_463 = vector.shape_cast %add3A_458 : vector<16xf32> to vector<1x16xf32>
      tpu.vector_store %arg12[%swap3A_459, %swap3A_460], %swap3A_463 {strides = array<i32>} : memref<16x768xf32, #tpu.memory_space<vmem>>, vector<1x16xf32>,
      %get3A_464 = arith.index_cast %scan3A_148 : i32 to index
      %get3A_465 = arith.constant 304 : index
      %get3A_466 = tpu.vector_load %arg12[%get3A_464, %get3A_465] {strides = array<i32>} : memref<16x768xf32, #tpu.memory_space<vmem>>, vector<1x16xf32>,
      %get3A_467 = vector.shape_cast %get3A_466 : vector<1x16xf32> to vector<16xf32>
      %mul3A_468 = arith.mulf %get3A_154, %get3A_467 : vector<16xf32>
      %get3A_469 = arith.index_cast %scan3A_148 : i32 to index
      %get3A_470 = arith.constant 304 : index
      %get3A_471 = tpu.vector_load %arg15[%get3A_469, %get3A_470] {strides = array<i32>} : memref<16x768xf32, #tpu.memory_space<vmem>>, vector<1x16xf32>,
      %get3A_472 = vector.shape_cast %get3A_471 : vector<1x16xf32> to vector<16xf32>
      %mul3A_473 = arith.mulf %get3A_160, %get3A_472 : vector<16xf32>
      %add3A_474 = arith.addf %mul3A_468, %mul3A_473 : vector<16xf32>
      %swap3A_475 = arith.index_cast %scan3A_148 : i32 to index
      %swap3A_476 = arith.constant 304 : index
      %swap3A_477 = tpu.vector_load %arg12[%swap3A_475, %swap3A_476] {strides = array<i32>} : memref<16x768xf32, #tpu.memory_space<vmem>>, vector<1x16xf32>,
      %swap3A_478 = vector.shape_cast %swap3A_477 : vector<1x16xf32> to vector<16xf32>
      %swap3A_479 = vector.shape_cast %add3A_474 : vector<16xf32> to vector<1x16xf32>
      tpu.vector_store %arg12[%swap3A_475, %swap3A_476], %swap3A_479 {strides = array<i32>} : memref<16x768xf32, #tpu.memory_space<vmem>>, vector<1x16xf32>,
      %get3A_480 = arith.index_cast %scan3A_148 : i32 to index
      %get3A_481 = arith.constant 320 : index
      %get3A_482 = tpu.vector_load %arg12[%get3A_480, %get3A_481] {strides = array<i32>} : memref<16x768xf32, #tpu.memory_space<vmem>>, vector<1x16xf32>,
      %get3A_483 = vector.shape_cast %get3A_482 : vector<1x16xf32> to vector<16xf32>
      %mul3A_484 = arith.mulf %get3A_154, %get3A_483 : vector<16xf32>
      %get3A_485 = arith.index_cast %scan3A_148 : i32 to index
      %get3A_486 = arith.constant 320 : index
      %get3A_487 = tpu.vector_load %arg15[%get3A_485, %get3A_486] {strides = array<i32>} : memref<16x768xf32, #tpu.memory_space<vmem>>, vector<1x16xf32>,
      %get3A_488 = vector.shape_cast %get3A_487 : vector<1x16xf32> to vector<16xf32>
      %mul3A_489 = arith.mulf %get3A_160, %get3A_488 : vector<16xf32>
      %add3A_490 = arith.addf %mul3A_484, %mul3A_489 : vector<16xf32>
      %swap3A_491 = arith.index_cast %scan3A_148 : i32 to index
      %swap3A_492 = arith.constant 320 : index
      %swap3A_493 = tpu.vector_load %arg12[%swap3A_491, %swap3A_492] {strides = array<i32>} : memref<16x768xf32, #tpu.memory_space<vmem>>, vector<1x16xf32>,
      %swap3A_494 = vector.shape_cast %swap3A_493 : vector<1x16xf32> to vector<16xf32>
      %swap3A_495 = vector.shape_cast %add3A_490 : vector<16xf32> to vector<1x16xf32>
      tpu.vector_store %arg12[%swap3A_491, %swap3A_492], %swap3A_495 {strides = array<i32>} : memref<16x768xf32, #tpu.memory_space<vmem>>, vector<1x16xf32>,
      %get3A_496 = arith.index_cast %scan3A_148 : i32 to index
      %get3A_497 = arith.constant 336 : index
      %get3A_498 = tpu.vector_load %arg12[%get3A_496, %get3A_497] {strides = array<i32>} : memref<16x768xf32, #tpu.memory_space<vmem>>, vector<1x16xf32>,
      %get3A_499 = vector.shape_cast %get3A_498 : vector<1x16xf32> to vector<16xf32>
      %mul3A_500 = arith.mulf %get3A_154, %get3A_499 : vector<16xf32>
      %get3A_501 = arith.index_cast %scan3A_148 : i32 to index
      %get3A_502 = arith.constant 336 : index
      %get3A_503 = tpu.vector_load %arg15[%get3A_501, %get3A_502] {strides = array<i32>} : memref<16x768xf32, #tpu.memory_space<vmem>>, vector<1x16xf32>,
      %get3A_504 = vector.shape_cast %get3A_503 : vector<1x16xf32> to vector<16xf32>
      %mul3A_505 = arith.mulf %get3A_160, %get3A_504 : vector<16xf32>
      %add3A_506 = arith.addf %mul3A_500, %mul3A_505 : vector<16xf32>
      %swap3A_507 = arith.index_cast %scan3A_148 : i32 to index
      %swap3A_508 = arith.constant 336 : index
      %swap3A_509 = tpu.vector_load %arg12[%swap3A_507, %swap3A_508] {strides = array<i32>} : memref<16x768xf32, #tpu.memory_space<vmem>>, vector<1x16xf32>,
      %swap3A_510 = vector.shape_cast %swap3A_509 : vector<1x16xf32> to vector<16xf32>
      %swap3A_511 = vector.shape_cast %add3A_506 : vector<16xf32> to vector<1x16xf32>
      tpu.vector_store %arg12[%swap3A_507, %swap3A_508], %swap3A_511 {strides = array<i32>} : memref<16x768xf32, #tpu.memory_space<vmem>>, vector<1x16xf32>,
      %get3A_512 = arith.index_cast %scan3A_148 : i32 to index
      %get3A_513 = arith.constant 352 : index
      %get3A_514 = tpu.vector_load %arg12[%get3A_512, %get3A_513] {strides = array<i32>} : memref<16x768xf32, #tpu.memory_space<vmem>>, vector<1x16xf32>,
      %get3A_515 = vector.shape_cast %get3A_514 : vector<1x16xf32> to vector<16xf32>
      %mul3A_516 = arith.mulf %get3A_154, %get3A_515 : vector<16xf32>
      %get3A_517 = arith.index_cast %scan3A_148 : i32 to index
      %get3A_518 = arith.constant 352 : index
      %get3A_519 = tpu.vector_load %arg15[%get3A_517, %get3A_518] {strides = array<i32>} : memref<16x768xf32, #tpu.memory_space<vmem>>, vector<1x16xf32>,
      %get3A_520 = vector.shape_cast %get3A_519 : vector<1x16xf32> to vector<16xf32>
      %mul3A_521 = arith.mulf %get3A_160, %get3A_520 : vector<16xf32>
      %add3A_522 = arith.addf %mul3A_516, %mul3A_521 : vector<16xf32>
      %swap3A_523 = arith.index_cast %scan3A_148 : i32 to index
      %swap3A_524 = arith.constant 352 : index
      %swap3A_525 = tpu.vector_load %arg12[%swap3A_523, %swap3A_524] {strides = array<i32>} : memref<16x768xf32, #tpu.memory_space<vmem>>, vector<1x16xf32>,
      %swap3A_526 = vector.shape_cast %swap3A_525 : vector<1x16xf32> to vector<16xf32>
      %swap3A_527 = vector.shape_cast %add3A_522 : vector<16xf32> to vector<1x16xf32>
      tpu.vector_store %arg12[%swap3A_523, %swap3A_524], %swap3A_527 {strides = array<i32>} : memref<16x768xf32, #tpu.memory_space<vmem>>, vector<1x16xf32>,
      %get3A_528 = arith.index_cast %scan3A_148 : i32 to index
      %get3A_529 = arith.constant 368 : index
      %get3A_530 = tpu.vector_load %arg12[%get3A_528, %get3A_529] {strides = array<i32>} : memref<16x768xf32, #tpu.memory_space<vmem>>, vector<1x16xf32>,
      %get3A_531 = vector.shape_cast %get3A_530 : vector<1x16xf32> to vector<16xf32>
      %mul3A_532 = arith.mulf %get3A_154, %get3A_531 : vector<16xf32>
      %get3A_533 = arith.index_cast %scan3A_148 : i32 to index
      %get3A_534 = arith.constant 368 : index
      %get3A_535 = tpu.vector_load %arg15[%get3A_533, %get3A_534] {strides = array<i32>} : memref<16x768xf32, #tpu.memory_space<vmem>>, vector<1x16xf32>,
      %get3A_536 = vector.shape_cast %get3A_535 : vector<1x16xf32> to vector<16xf32>
      %mul3A_537 = arith.mulf %get3A_160, %get3A_536 : vector<16xf32>
      %add3A_538 = arith.addf %mul3A_532, %mul3A_537 : vector<16xf32>
      %swap3A_539 = arith.index_cast %scan3A_148 : i32 to index
      %swap3A_540 = arith.constant 368 : index
      %swap3A_541 = tpu.vector_load %arg12[%swap3A_539, %swap3A_540] {strides = array<i32>} : memref<16x768xf32, #tpu.memory_space<vmem>>, vector<1x16xf32>,
      %swap3A_542 = vector.shape_cast %swap3A_541 : vector<1x16xf32> to vector<16xf32>
      %swap3A_543 = vector.shape_cast %add3A_538 : vector<16xf32> to vector<1x16xf32>
      tpu.vector_store %arg12[%swap3A_539, %swap3A_540], %swap3A_543 {strides = array<i32>} : memref<16x768xf32, #tpu.memory_space<vmem>>, vector<1x16xf32>,
      %get3A_544 = arith.index_cast %scan3A_148 : i32 to index
      %get3A_545 = arith.constant 384 : index
      %get3A_546 = tpu.vector_load %arg12[%get3A_544, %get3A_545] {strides = array<i32>} : memref<16x768xf32, #tpu.memory_space<vmem>>, vector<1x16xf32>,
      %get3A_547 = vector.shape_cast %get3A_546 : vector<1x16xf32> to vector<16xf32>
      %mul3A_548 = arith.mulf %get3A_154, %get3A_547 : vector<16xf32>
      %get3A_549 = arith.index_cast %scan3A_148 : i32 to index
      %get3A_550 = arith.constant 384 : index
      %get3A_551 = tpu.vector_load %arg15[%get3A_549, %get3A_550] {strides = array<i32>} : memref<16x768xf32, #tpu.memory_space<vmem>>, vector<1x16xf32>,
      %get3A_552 = vector.shape_cast %get3A_551 : vector<1x16xf32> to vector<16xf32>
      %mul3A_553 = arith.mulf %get3A_160, %get3A_552 : vector<16xf32>
      %add3A_554 = arith.addf %mul3A_548, %mul3A_553 : vector<16xf32>
      %swap3A_555 = arith.index_cast %scan3A_148 : i32 to index
      %swap3A_556 = arith.constant 384 : index
      %swap3A_557 = tpu.vector_load %arg12[%swap3A_555, %swap3A_556] {strides = array<i32>} : memref<16x768xf32, #tpu.memory_space<vmem>>, vector<1x16xf32>,
      %swap3A_558 = vector.shape_cast %swap3A_557 : vector<1x16xf32> to vector<16xf32>
      %swap3A_559 = vector.shape_cast %add3A_554 : vector<16xf32> to vector<1x16xf32>
      tpu.vector_store %arg12[%swap3A_555, %swap3A_556], %swap3A_559 {strides = array<i32>} : memref<16x768xf32, #tpu.memory_space<vmem>>, vector<1x16xf32>,
      %get3A_560 = arith.index_cast %scan3A_148 : i32 to index
      %get3A_561 = arith.constant 400 : index
      %get3A_562 = tpu.vector_load %arg12[%get3A_560, %get3A_561] {strides = array<i32>} : memref<16x768xf32, #tpu.memory_space<vmem>>, vector<1x16xf32>,
      %get3A_563 = vector.shape_cast %get3A_562 : vector<1x16xf32> to vector<16xf32>
      %mul3A_564 = arith.mulf %get3A_154, %get3A_563 : vector<16xf32>
      %get3A_565 = arith.index_cast %scan3A_148 : i32 to index
      %get3A_566 = arith.constant 400 : index
      %get3A_567 = tpu.vector_load %arg15[%get3A_565, %get3A_566] {strides = array<i32>} : memref<16x768xf32, #tpu.memory_space<vmem>>, vector<1x16xf32>,
      %get3A_568 = vector.shape_cast %get3A_567 : vector<1x16xf32> to vector<16xf32>
      %mul3A_569 = arith.mulf %get3A_160, %get3A_568 : vector<16xf32>
      %add3A_570 = arith.addf %mul3A_564, %mul3A_569 : vector<16xf32>
      %swap3A_571 = arith.index_cast %scan3A_148 : i32 to index
      %swap3A_572 = arith.constant 400 : index
      %swap3A_573 = tpu.vector_load %arg12[%swap3A_571, %swap3A_572] {strides = array<i32>} : memref<16x768xf32, #tpu.memory_space<vmem>>, vector<1x16xf32>,
      %swap3A_574 = vector.shape_cast %swap3A_573 : vector<1x16xf32> to vector<16xf32>
      %swap3A_575 = vector.shape_cast %add3A_570 : vector<16xf32> to vector<1x16xf32>
      tpu.vector_store %arg12[%swap3A_571, %swap3A_572], %swap3A_575 {strides = array<i32>} : memref<16x768xf32, #tpu.memory_space<vmem>>, vector<1x16xf32>,
      %get3A_576 = arith.index_cast %scan3A_148 : i32 to index
      %get3A_577 = arith.constant 416 : index
      %get3A_578 = tpu.vector_load %arg12[%get3A_576, %get3A_577] {strides = array<i32>} : memref<16x768xf32, #tpu.memory_space<vmem>>, vector<1x16xf32>,
      %get3A_579 = vector.shape_cast %get3A_578 : vector<1x16xf32> to vector<16xf32>
      %mul3A_580 = arith.mulf %get3A_154, %get3A_579 : vector<16xf32>
      %get3A_581 = arith.index_cast %scan3A_148 : i32 to index
      %get3A_582 = arith.constant 416 : index
      %get3A_583 = tpu.vector_load %arg15[%get3A_581, %get3A_582] {strides = array<i32>} : memref<16x768xf32, #tpu.memory_space<vmem>>, vector<1x16xf32>,
      %get3A_584 = vector.shape_cast %get3A_583 : vector<1x16xf32> to vector<16xf32>
      %mul3A_585 = arith.mulf %get3A_160, %get3A_584 : vector<16xf32>
      %add3A_586 = arith.addf %mul3A_580, %mul3A_585 : vector<16xf32>
      %swap3A_587 = arith.index_cast %scan3A_148 : i32 to index
      %swap3A_588 = arith.constant 416 : index
      %swap3A_589 = tpu.vector_load %arg12[%swap3A_587, %swap3A_588] {strides = array<i32>} : memref<16x768xf32, #tpu.memory_space<vmem>>, vector<1x16xf32>,
      %swap3A_590 = vector.shape_cast %swap3A_589 : vector<1x16xf32> to vector<16xf32>
      %swap3A_591 = vector.shape_cast %add3A_586 : vector<16xf32> to vector<1x16xf32>
      tpu.vector_store %arg12[%swap3A_587, %swap3A_588], %swap3A_591 {strides = array<i32>} : memref<16x768xf32, #tpu.memory_space<vmem>>, vector<1x16xf32>,
      %get3A_592 = arith.index_cast %scan3A_148 : i32 to index
      %get3A_593 = arith.constant 432 : index
      %get3A_594 = tpu.vector_load %arg12[%get3A_592, %get3A_593] {strides = array<i32>} : memref<16x768xf32, #tpu.memory_space<vmem>>, vector<1x16xf32>,
      %get3A_595 = vector.shape_cast %get3A_594 : vector<1x16xf32> to vector<16xf32>
      %mul3A_596 = arith.mulf %get3A_154, %get3A_595 : vector<16xf32>
      %get3A_597 = arith.index_cast %scan3A_148 : i32 to index
      %get3A_598 = arith.constant 432 : index
      %get3A_599 = tpu.vector_load %arg15[%get3A_597, %get3A_598] {strides = array<i32>} : memref<16x768xf32, #tpu.memory_space<vmem>>, vector<1x16xf32>,
      %get3A_600 = vector.shape_cast %get3A_599 : vector<1x16xf32> to vector<16xf32>
      %mul3A_601 = arith.mulf %get3A_160, %get3A_600 : vector<16xf32>
      %add3A_602 = arith.addf %mul3A_596, %mul3A_601 : vector<16xf32>
      %swap3A_603 = arith.index_cast %scan3A_148 : i32 to index
      %swap3A_604 = arith.constant 432 : index
      %swap3A_605 = tpu.vector_load %arg12[%swap3A_603, %swap3A_604] {strides = array<i32>} : memref<16x768xf32, #tpu.memory_space<vmem>>, vector<1x16xf32>,
      %swap3A_606 = vector.shape_cast %swap3A_605 : vector<1x16xf32> to vector<16xf32>
      %swap3A_607 = vector.shape_cast %add3A_602 : vector<16xf32> to vector<1x16xf32>
      tpu.vector_store %arg12[%swap3A_603, %swap3A_604], %swap3A_607 {strides = array<i32>} : memref<16x768xf32, #tpu.memory_space<vmem>>, vector<1x16xf32>,
      %get3A_608 = arith.index_cast %scan3A_148 : i32 to index
      %get3A_609 = arith.constant 448 : index
      %get3A_610 = tpu.vector_load %arg12[%get3A_608, %get3A_609] {strides = array<i32>} : memref<16x768xf32, #tpu.memory_space<vmem>>, vector<1x16xf32>,
      %get3A_611 = vector.shape_cast %get3A_610 : vector<1x16xf32> to vector<16xf32>
      %mul3A_612 = arith.mulf %get3A_154, %get3A_611 : vector<16xf32>
      %get3A_613 = arith.index_cast %scan3A_148 : i32 to index
      %get3A_614 = arith.constant 448 : index
      %get3A_615 = tpu.vector_load %arg15[%get3A_613, %get3A_614] {strides = array<i32>} : memref<16x768xf32, #tpu.memory_space<vmem>>, vector<1x16xf32>,
      %get3A_616 = vector.shape_cast %get3A_615 : vector<1x16xf32> to vector<16xf32>
      %mul3A_617 = arith.mulf %get3A_160, %get3A_616 : vector<16xf32>
      %add3A_618 = arith.addf %mul3A_612, %mul3A_617 : vector<16xf32>
      %swap3A_619 = arith.index_cast %scan3A_148 : i32 to index
      %swap3A_620 = arith.constant 448 : index
      %swap3A_621 = tpu.vector_load %arg12[%swap3A_619, %swap3A_620] {strides = array<i32>} : memref<16x768xf32, #tpu.memory_space<vmem>>, vector<1x16xf32>,
      %swap3A_622 = vector.shape_cast %swap3A_621 : vector<1x16xf32> to vector<16xf32>
      %swap3A_623 = vector.shape_cast %add3A_618 : vector<16xf32> to vector<1x16xf32>
      tpu.vector_store %arg12[%swap3A_619, %swap3A_620], %swap3A_623 {strides = array<i32>} : memref<16x768xf32, #tpu.memory_space<vmem>>, vector<1x16xf32>,
      %get3A_624 = arith.index_cast %scan3A_148 : i32 to index
      %get3A_625 = arith.constant 464 : index
      %get3A_626 = tpu.vector_load %arg12[%get3A_624, %get3A_625] {strides = array<i32>} : memref<16x768xf32, #tpu.memory_space<vmem>>, vector<1x16xf32>,
      %get3A_627 = vector.shape_cast %get3A_626 : vector<1x16xf32> to vector<16xf32>
      %mul3A_628 = arith.mulf %get3A_154, %get3A_627 : vector<16xf32>
      %get3A_629 = arith.index_cast %scan3A_148 : i32 to index
      %get3A_630 = arith.constant 464 : index
      %get3A_631 = tpu.vector_load %arg15[%get3A_629, %get3A_630] {strides = array<i32>} : memref<16x768xf32, #tpu.memory_space<vmem>>, vector<1x16xf32>,
      %get3A_632 = vector.shape_cast %get3A_631 : vector<1x16xf32> to vector<16xf32>
      %mul3A_633 = arith.mulf %get3A_160, %get3A_632 : vector<16xf32>
      %add3A_634 = arith.addf %mul3A_628, %mul3A_633 : vector<16xf32>
      %swap3A_635 = arith.index_cast %scan3A_148 : i32 to index
      %swap3A_636 = arith.constant 464 : index
      %swap3A_637 = tpu.vector_load %arg12[%swap3A_635, %swap3A_636] {strides = array<i32>} : memref<16x768xf32, #tpu.memory_space<vmem>>, vector<1x16xf32>,
      %swap3A_638 = vector.shape_cast %swap3A_637 : vector<1x16xf32> to vector<16xf32>
      %swap3A_639 = vector.shape_cast %add3A_634 : vector<16xf32> to vector<1x16xf32>
      tpu.vector_store %arg12[%swap3A_635, %swap3A_636], %swap3A_639 {strides = array<i32>} : memref<16x768xf32, #tpu.memory_space<vmem>>, vector<1x16xf32>,
      %get3A_640 = arith.index_cast %scan3A_148 : i32 to index
      %get3A_641 = arith.constant 480 : index
      %get3A_642 = tpu.vector_load %arg12[%get3A_640, %get3A_641] {strides = array<i32>} : memref<16x768xf32, #tpu.memory_space<vmem>>, vector<1x16xf32>,
      %get3A_643 = vector.shape_cast %get3A_642 : vector<1x16xf32> to vector<16xf32>
      %mul3A_644 = arith.mulf %get3A_154, %get3A_643 : vector<16xf32>
      %get3A_645 = arith.index_cast %scan3A_148 : i32 to index
      %get3A_646 = arith.constant 480 : index
      %get3A_647 = tpu.vector_load %arg15[%get3A_645, %get3A_646] {strides = array<i32>} : memref<16x768xf32, #tpu.memory_space<vmem>>, vector<1x16xf32>,
      %get3A_648 = vector.shape_cast %get3A_647 : vector<1x16xf32> to vector<16xf32>
      %mul3A_649 = arith.mulf %get3A_160, %get3A_648 : vector<16xf32>
      %add3A_650 = arith.addf %mul3A_644, %mul3A_649 : vector<16xf32>
      %swap3A_651 = arith.index_cast %scan3A_148 : i32 to index
      %swap3A_652 = arith.constant 480 : index
      %swap3A_653 = tpu.vector_load %arg12[%swap3A_651, %swap3A_652] {strides = array<i32>} : memref<16x768xf32, #tpu.memory_space<vmem>>, vector<1x16xf32>,
      %swap3A_654 = vector.shape_cast %swap3A_653 : vector<1x16xf32> to vector<16xf32>
      %swap3A_655 = vector.shape_cast %add3A_650 : vector<16xf32> to vector<1x16xf32>
      tpu.vector_store %arg12[%swap3A_651, %swap3A_652], %swap3A_655 {strides = array<i32>} : memref<16x768xf32, #tpu.memory_space<vmem>>, vector<1x16xf32>,
      %get3A_656 = arith.index_cast %scan3A_148 : i32 to index
      %get3A_657 = arith.constant 496 : index
      %get3A_658 = tpu.vector_load %arg12[%get3A_656, %get3A_657] {strides = array<i32>} : memref<16x768xf32, #tpu.memory_space<vmem>>, vector<1x16xf32>,
      %get3A_659 = vector.shape_cast %get3A_658 : vector<1x16xf32> to vector<16xf32>
      %mul3A_660 = arith.mulf %get3A_154, %get3A_659 : vector<16xf32>
      %get3A_661 = arith.index_cast %scan3A_148 : i32 to index
      %get3A_662 = arith.constant 496 : index
      %get3A_663 = tpu.vector_load %arg15[%get3A_661, %get3A_662] {strides = array<i32>} : memref<16x768xf32, #tpu.memory_space<vmem>>, vector<1x16xf32>,
      %get3A_664 = vector.shape_cast %get3A_663 : vector<1x16xf32> to vector<16xf32>
      %mul3A_665 = arith.mulf %get3A_160, %get3A_664 : vector<16xf32>
      %add3A_666 = arith.addf %mul3A_660, %mul3A_665 : vector<16xf32>
      %swap3A_667 = arith.index_cast %scan3A_148 : i32 to index
      %swap3A_668 = arith.constant 496 : index
      %swap3A_669 = tpu.vector_load %arg12[%swap3A_667, %swap3A_668] {strides = array<i32>} : memref<16x768xf32, #tpu.memory_space<vmem>>, vector<1x16xf32>,
      %swap3A_670 = vector.shape_cast %swap3A_669 : vector<1x16xf32> to vector<16xf32>
      %swap3A_671 = vector.shape_cast %add3A_666 : vector<16xf32> to vector<1x16xf32>
      tpu.vector_store %arg12[%swap3A_667, %swap3A_668], %swap3A_671 {strides = array<i32>} : memref<16x768xf32, #tpu.memory_space<vmem>>, vector<1x16xf32>,
      %get3A_672 = arith.index_cast %scan3A_148 : i32 to index
      %get3A_673 = arith.constant 512 : index
      %get3A_674 = tpu.vector_load %arg12[%get3A_672, %get3A_673] {strides = array<i32>} : memref<16x768xf32, #tpu.memory_space<vmem>>, vector<1x16xf32>,
      %get3A_675 = vector.shape_cast %get3A_674 : vector<1x16xf32> to vector<16xf32>
      %mul3A_676 = arith.mulf %get3A_154, %get3A_675 : vector<16xf32>
      %get3A_677 = arith.index_cast %scan3A_148 : i32 to index
      %get3A_678 = arith.constant 512 : index
      %get3A_679 = tpu.vector_load %arg15[%get3A_677, %get3A_678] {strides = array<i32>} : memref<16x768xf32, #tpu.memory_space<vmem>>, vector<1x16xf32>,
      %get3A_680 = vector.shape_cast %get3A_679 : vector<1x16xf32> to vector<16xf32>
      %mul3A_681 = arith.mulf %get3A_160, %get3A_680 : vector<16xf32>
      %add3A_682 = arith.addf %mul3A_676, %mul3A_681 : vector<16xf32>
      %swap3A_683 = arith.index_cast %scan3A_148 : i32 to index
      %swap3A_684 = arith.constant 512 : index
      %swap3A_685 = tpu.vector_load %arg12[%swap3A_683, %swap3A_684] {strides = array<i32>} : memref<16x768xf32, #tpu.memory_space<vmem>>, vector<1x16xf32>,
      %swap3A_686 = vector.shape_cast %swap3A_685 : vector<1x16xf32> to vector<16xf32>
      %swap3A_687 = vector.shape_cast %add3A_682 : vector<16xf32> to vector<1x16xf32>
      tpu.vector_store %arg12[%swap3A_683, %swap3A_684], %swap3A_687 {strides = array<i32>} : memref<16x768xf32, #tpu.memory_space<vmem>>, vector<1x16xf32>,
      %get3A_688 = arith.index_cast %scan3A_148 : i32 to index
      %get3A_689 = arith.constant 528 : index
      %get3A_690 = tpu.vector_load %arg12[%get3A_688, %get3A_689] {strides = array<i32>} : memref<16x768xf32, #tpu.memory_space<vmem>>, vector<1x16xf32>,
      %get3A_691 = vector.shape_cast %get3A_690 : vector<1x16xf32> to vector<16xf32>
      %mul3A_692 = arith.mulf %get3A_154, %get3A_691 : vector<16xf32>
      %get3A_693 = arith.index_cast %scan3A_148 : i32 to index
      %get3A_694 = arith.constant 528 : index
      %get3A_695 = tpu.vector_load %arg15[%get3A_693, %get3A_694] {strides = array<i32>} : memref<16x768xf32, #tpu.memory_space<vmem>>, vector<1x16xf32>,
      %get3A_696 = vector.shape_cast %get3A_695 : vector<1x16xf32> to vector<16xf32>
      %mul3A_697 = arith.mulf %get3A_160, %get3A_696 : vector<16xf32>
      %add3A_698 = arith.addf %mul3A_692, %mul3A_697 : vector<16xf32>
      %swap3A_699 = arith.index_cast %scan3A_148 : i32 to index
      %swap3A_700 = arith.constant 528 : index
      %swap3A_701 = tpu.vector_load %arg12[%swap3A_699, %swap3A_700] {strides = array<i32>} : memref<16x768xf32, #tpu.memory_space<vmem>>, vector<1x16xf32>,
      %swap3A_702 = vector.shape_cast %swap3A_701 : vector<1x16xf32> to vector<16xf32>
      %swap3A_703 = vector.shape_cast %add3A_698 : vector<16xf32> to vector<1x16xf32>
      tpu.vector_store %arg12[%swap3A_699, %swap3A_700], %swap3A_703 {strides = array<i32>} : memref<16x768xf32, #tpu.memory_space<vmem>>, vector<1x16xf32>,
      %get3A_704 = arith.index_cast %scan3A_148 : i32 to index
      %get3A_705 = arith.constant 544 : index
      %get3A_706 = tpu.vector_load %arg12[%get3A_704, %get3A_705] {strides = array<i32>} : memref<16x768xf32, #tpu.memory_space<vmem>>, vector<1x16xf32>,
      %get3A_707 = vector.shape_cast %get3A_706 : vector<1x16xf32> to vector<16xf32>
      %mul3A_708 = arith.mulf %get3A_154, %get3A_707 : vector<16xf32>
      %get3A_709 = arith.index_cast %scan3A_148 : i32 to index
      %get3A_710 = arith.constant 544 : index
      %get3A_711 = tpu.vector_load %arg15[%get3A_709, %get3A_710] {strides = array<i32>} : memref<16x768xf32, #tpu.memory_space<vmem>>, vector<1x16xf32>,
      %get3A_712 = vector.shape_cast %get3A_711 : vector<1x16xf32> to vector<16xf32>
      %mul3A_713 = arith.mulf %get3A_160, %get3A_712 : vector<16xf32>
      %add3A_714 = arith.addf %mul3A_708, %mul3A_713 : vector<16xf32>
      %swap3A_715 = arith.index_cast %scan3A_148 : i32 to index
      %swap3A_716 = arith.constant 544 : index
      %swap3A_717 = tpu.vector_load %arg12[%swap3A_715, %swap3A_716] {strides = array<i32>} : memref<16x768xf32, #tpu.memory_space<vmem>>, vector<1x16xf32>,
      %swap3A_718 = vector.shape_cast %swap3A_717 : vector<1x16xf32> to vector<16xf32>
      %swap3A_719 = vector.shape_cast %add3A_714 : vector<16xf32> to vector<1x16xf32>
      tpu.vector_store %arg12[%swap3A_715, %swap3A_716], %swap3A_719 {strides = array<i32>} : memref<16x768xf32, #tpu.memory_space<vmem>>, vector<1x16xf32>,
      %get3A_720 = arith.index_cast %scan3A_148 : i32 to index
      %get3A_721 = arith.constant 560 : index
      %get3A_722 = tpu.vector_load %arg12[%get3A_720, %get3A_721] {strides = array<i32>} : memref<16x768xf32, #tpu.memory_space<vmem>>, vector<1x16xf32>,
      %get3A_723 = vector.shape_cast %get3A_722 : vector<1x16xf32> to vector<16xf32>
      %mul3A_724 = arith.mulf %get3A_154, %get3A_723 : vector<16xf32>
      %get3A_725 = arith.index_cast %scan3A_148 : i32 to index
      %get3A_726 = arith.constant 560 : index
      %get3A_727 = tpu.vector_load %arg15[%get3A_725, %get3A_726] {strides = array<i32>} : memref<16x768xf32, #tpu.memory_space<vmem>>, vector<1x16xf32>,
      %get3A_728 = vector.shape_cast %get3A_727 : vector<1x16xf32> to vector<16xf32>
      %mul3A_729 = arith.mulf %get3A_160, %get3A_728 : vector<16xf32>
      %add3A_730 = arith.addf %mul3A_724, %mul3A_729 : vector<16xf32>
      %swap3A_731 = arith.index_cast %scan3A_148 : i32 to index
      %swap3A_732 = arith.constant 560 : index
      %swap3A_733 = tpu.vector_load %arg12[%swap3A_731, %swap3A_732] {strides = array<i32>} : memref<16x768xf32, #tpu.memory_space<vmem>>, vector<1x16xf32>,
      %swap3A_734 = vector.shape_cast %swap3A_733 : vector<1x16xf32> to vector<16xf32>
      %swap3A_735 = vector.shape_cast %add3A_730 : vector<16xf32> to vector<1x16xf32>
      tpu.vector_store %arg12[%swap3A_731, %swap3A_732], %swap3A_735 {strides = array<i32>} : memref<16x768xf32, #tpu.memory_space<vmem>>, vector<1x16xf32>,
      %get3A_736 = arith.index_cast %scan3A_148 : i32 to index
      %get3A_737 = arith.constant 576 : index
      %get3A_738 = tpu.vector_load %arg12[%get3A_736, %get3A_737] {strides = array<i32>} : memref<16x768xf32, #tpu.memory_space<vmem>>, vector<1x16xf32>,
      %get3A_739 = vector.shape_cast %get3A_738 : vector<1x16xf32> to vector<16xf32>
      %mul3A_740 = arith.mulf %get3A_154, %get3A_739 : vector<16xf32>
      %get3A_741 = arith.index_cast %scan3A_148 : i32 to index
      %get3A_742 = arith.constant 576 : index
      %get3A_743 = tpu.vector_load %arg15[%get3A_741, %get3A_742] {strides = array<i32>} : memref<16x768xf32, #tpu.memory_space<vmem>>, vector<1x16xf32>,
      %get3A_744 = vector.shape_cast %get3A_743 : vector<1x16xf32> to vector<16xf32>
      %mul3A_745 = arith.mulf %get3A_160, %get3A_744 : vector<16xf32>
      %add3A_746 = arith.addf %mul3A_740, %mul3A_745 : vector<16xf32>
      %swap3A_747 = arith.index_cast %scan3A_148 : i32 to index
      %swap3A_748 = arith.constant 576 : index
      %swap3A_749 = tpu.vector_load %arg12[%swap3A_747, %swap3A_748] {strides = array<i32>} : memref<16x768xf32, #tpu.memory_space<vmem>>, vector<1x16xf32>,
      %swap3A_750 = vector.shape_cast %swap3A_749 : vector<1x16xf32> to vector<16xf32>
      %swap3A_751 = vector.shape_cast %add3A_746 : vector<16xf32> to vector<1x16xf32>
      tpu.vector_store %arg12[%swap3A_747, %swap3A_748], %swap3A_751 {strides = array<i32>} : memref<16x768xf32, #tpu.memory_space<vmem>>, vector<1x16xf32>,
      %get3A_752 = arith.index_cast %scan3A_148 : i32 to index
      %get3A_753 = arith.constant 592 : index
      %get3A_754 = tpu.vector_load %arg12[%get3A_752, %get3A_753] {strides = array<i32>} : memref<16x768xf32, #tpu.memory_space<vmem>>, vector<1x16xf32>,
      %get3A_755 = vector.shape_cast %get3A_754 : vector<1x16xf32> to vector<16xf32>
      %mul3A_756 = arith.mulf %get3A_154, %get3A_755 : vector<16xf32>
      %get3A_757 = arith.index_cast %scan3A_148 : i32 to index
      %get3A_758 = arith.constant 592 : index
      %get3A_759 = tpu.vector_load %arg15[%get3A_757, %get3A_758] {strides = array<i32>} : memref<16x768xf32, #tpu.memory_space<vmem>>, vector<1x16xf32>,
      %get3A_760 = vector.shape_cast %get3A_759 : vector<1x16xf32> to vector<16xf32>
      %mul3A_761 = arith.mulf %get3A_160, %get3A_760 : vector<16xf32>
      %add3A_762 = arith.addf %mul3A_756, %mul3A_761 : vector<16xf32>
      %swap3A_763 = arith.index_cast %scan3A_148 : i32 to index
      %swap3A_764 = arith.constant 592 : index
      %swap3A_765 = tpu.vector_load %arg12[%swap3A_763, %swap3A_764] {strides = array<i32>} : memref<16x768xf32, #tpu.memory_space<vmem>>, vector<1x16xf32>,
      %swap3A_766 = vector.shape_cast %swap3A_765 : vector<1x16xf32> to vector<16xf32>
      %swap3A_767 = vector.shape_cast %add3A_762 : vector<16xf32> to vector<1x16xf32>
      tpu.vector_store %arg12[%swap3A_763, %swap3A_764], %swap3A_767 {strides = array<i32>} : memref<16x768xf32, #tpu.memory_space<vmem>>, vector<1x16xf32>,
      %get3A_768 = arith.index_cast %scan3A_148 : i32 to index
      %get3A_769 = arith.constant 608 : index
      %get3A_770 = tpu.vector_load %arg12[%get3A_768, %get3A_769] {strides = array<i32>} : memref<16x768xf32, #tpu.memory_space<vmem>>, vector<1x16xf32>,
      %get3A_771 = vector.shape_cast %get3A_770 : vector<1x16xf32> to vector<16xf32>
      %mul3A_772 = arith.mulf %get3A_154, %get3A_771 : vector<16xf32>
      %get3A_773 = arith.index_cast %scan3A_148 : i32 to index
      %get3A_774 = arith.constant 608 : index
      %get3A_775 = tpu.vector_load %arg15[%get3A_773, %get3A_774] {strides = array<i32>} : memref<16x768xf32, #tpu.memory_space<vmem>>, vector<1x16xf32>,
      %get3A_776 = vector.shape_cast %get3A_775 : vector<1x16xf32> to vector<16xf32>
      %mul3A_777 = arith.mulf %get3A_160, %get3A_776 : vector<16xf32>
      %add3A_778 = arith.addf %mul3A_772, %mul3A_777 : vector<16xf32>
      %swap3A_779 = arith.index_cast %scan3A_148 : i32 to index
      %swap3A_780 = arith.constant 608 : index
      %swap3A_781 = tpu.vector_load %arg12[%swap3A_779, %swap3A_780] {strides = array<i32>} : memref<16x768xf32, #tpu.memory_space<vmem>>, vector<1x16xf32>,
      %swap3A_782 = vector.shape_cast %swap3A_781 : vector<1x16xf32> to vector<16xf32>
      %swap3A_783 = vector.shape_cast %add3A_778 : vector<16xf32> to vector<1x16xf32>
      tpu.vector_store %arg12[%swap3A_779, %swap3A_780], %swap3A_783 {strides = array<i32>} : memref<16x768xf32, #tpu.memory_space<vmem>>, vector<1x16xf32>,
      %get3A_784 = arith.index_cast %scan3A_148 : i32 to index
      %get3A_785 = arith.constant 624 : index
      %get3A_786 = tpu.vector_load %arg12[%get3A_784, %get3A_785] {strides = array<i32>} : memref<16x768xf32, #tpu.memory_space<vmem>>, vector<1x16xf32>,
      %get3A_787 = vector.shape_cast %get3A_786 : vector<1x16xf32> to vector<16xf32>
      %mul3A_788 = arith.mulf %get3A_154, %get3A_787 : vector<16xf32>
      %get3A_789 = arith.index_cast %scan3A_148 : i32 to index
      %get3A_790 = arith.constant 624 : index
      %get3A_791 = tpu.vector_load %arg15[%get3A_789, %get3A_790] {strides = array<i32>} : memref<16x768xf32, #tpu.memory_space<vmem>>, vector<1x16xf32>,
      %get3A_792 = vector.shape_cast %get3A_791 : vector<1x16xf32> to vector<16xf32>
      %mul3A_793 = arith.mulf %get3A_160, %get3A_792 : vector<16xf32>
      %add3A_794 = arith.addf %mul3A_788, %mul3A_793 : vector<16xf32>
      %swap3A_795 = arith.index_cast %scan3A_148 : i32 to index
      %swap3A_796 = arith.constant 624 : index
      %swap3A_797 = tpu.vector_load %arg12[%swap3A_795, %swap3A_796] {strides = array<i32>} : memref<16x768xf32, #tpu.memory_space<vmem>>, vector<1x16xf32>,
      %swap3A_798 = vector.shape_cast %swap3A_797 : vector<1x16xf32> to vector<16xf32>
      %swap3A_799 = vector.shape_cast %add3A_794 : vector<16xf32> to vector<1x16xf32>
      tpu.vector_store %arg12[%swap3A_795, %swap3A_796], %swap3A_799 {strides = array<i32>} : memref<16x768xf32, #tpu.memory_space<vmem>>, vector<1x16xf32>,
      %get3A_800 = arith.index_cast %scan3A_148 : i32 to index
      %get3A_801 = arith.constant 640 : index
      %get3A_802 = tpu.vector_load %arg12[%get3A_800, %get3A_801] {strides = array<i32>} : memref<16x768xf32, #tpu.memory_space<vmem>>, vector<1x16xf32>,
      %get3A_803 = vector.shape_cast %get3A_802 : vector<1x16xf32> to vector<16xf32>
      %mul3A_804 = arith.mulf %get3A_154, %get3A_803 : vector<16xf32>
      %get3A_805 = arith.index_cast %scan3A_148 : i32 to index
      %get3A_806 = arith.constant 640 : index
      %get3A_807 = tpu.vector_load %arg15[%get3A_805, %get3A_806] {strides = array<i32>} : memref<16x768xf32, #tpu.memory_space<vmem>>, vector<1x16xf32>,
      %get3A_808 = vector.shape_cast %get3A_807 : vector<1x16xf32> to vector<16xf32>
      %mul3A_809 = arith.mulf %get3A_160, %get3A_808 : vector<16xf32>
      %add3A_810 = arith.addf %mul3A_804, %mul3A_809 : vector<16xf32>
      %swap3A_811 = arith.index_cast %scan3A_148 : i32 to index
      %swap3A_812 = arith.constant 640 : index
      %swap3A_813 = tpu.vector_load %arg12[%swap3A_811, %swap3A_812] {strides = array<i32>} : memref<16x768xf32, #tpu.memory_space<vmem>>, vector<1x16xf32>,
      %swap3A_814 = vector.shape_cast %swap3A_813 : vector<1x16xf32> to vector<16xf32>
      %swap3A_815 = vector.shape_cast %add3A_810 : vector<16xf32> to vector<1x16xf32>
      tpu.vector_store %arg12[%swap3A_811, %swap3A_812], %swap3A_815 {strides = array<i32>} : memref<16x768xf32, #tpu.memory_space<vmem>>, vector<1x16xf32>,
      %get3A_816 = arith.index_cast %scan3A_148 : i32 to index
      %get3A_817 = arith.constant 656 : index
      %get3A_818 = tpu.vector_load %arg12[%get3A_816, %get3A_817] {strides = array<i32>} : memref<16x768xf32, #tpu.memory_space<vmem>>, vector<1x16xf32>,
      %get3A_819 = vector.shape_cast %get3A_818 : vector<1x16xf32> to vector<16xf32>
      %mul3A_820 = arith.mulf %get3A_154, %get3A_819 : vector<16xf32>
      %get3A_821 = arith.index_cast %scan3A_148 : i32 to index
      %get3A_822 = arith.constant 656 : index
      %get3A_823 = tpu.vector_load %arg15[%get3A_821, %get3A_822] {strides = array<i32>} : memref<16x768xf32, #tpu.memory_space<vmem>>, vector<1x16xf32>,
      %get3A_824 = vector.shape_cast %get3A_823 : vector<1x16xf32> to vector<16xf32>
      %mul3A_825 = arith.mulf %get3A_160, %get3A_824 : vector<16xf32>
      %add3A_826 = arith.addf %mul3A_820, %mul3A_825 : vector<16xf32>
      %swap3A_827 = arith.index_cast %scan3A_148 : i32 to index
      %swap3A_828 = arith.constant 656 : index
      %swap3A_829 = tpu.vector_load %arg12[%swap3A_827, %swap3A_828] {strides = array<i32>} : memref<16x768xf32, #tpu.memory_space<vmem>>, vector<1x16xf32>,
      %swap3A_830 = vector.shape_cast %swap3A_829 : vector<1x16xf32> to vector<16xf32>
      %swap3A_831 = vector.shape_cast %add3A_826 : vector<16xf32> to vector<1x16xf32>
      tpu.vector_store %arg12[%swap3A_827, %swap3A_828], %swap3A_831 {strides = array<i32>} : memref<16x768xf32, #tpu.memory_space<vmem>>, vector<1x16xf32>,
      %get3A_832 = arith.index_cast %scan3A_148 : i32 to index
      %get3A_833 = arith.constant 672 : index
      %get3A_834 = tpu.vector_load %arg12[%get3A_832, %get3A_833] {strides = array<i32>} : memref<16x768xf32, #tpu.memory_space<vmem>>, vector<1x16xf32>,
      %get3A_835 = vector.shape_cast %get3A_834 : vector<1x16xf32> to vector<16xf32>
      %mul3A_836 = arith.mulf %get3A_154, %get3A_835 : vector<16xf32>
      %get3A_837 = arith.index_cast %scan3A_148 : i32 to index
      %get3A_838 = arith.constant 672 : index
      %get3A_839 = tpu.vector_load %arg15[%get3A_837, %get3A_838] {strides = array<i32>} : memref<16x768xf32, #tpu.memory_space<vmem>>, vector<1x16xf32>,
      %get3A_840 = vector.shape_cast %get3A_839 : vector<1x16xf32> to vector<16xf32>
      %mul3A_841 = arith.mulf %get3A_160, %get3A_840 : vector<16xf32>
      %add3A_842 = arith.addf %mul3A_836, %mul3A_841 : vector<16xf32>
      %swap3A_843 = arith.index_cast %scan3A_148 : i32 to index
      %swap3A_844 = arith.constant 672 : index
      %swap3A_845 = tpu.vector_load %arg12[%swap3A_843, %swap3A_844] {strides = array<i32>} : memref<16x768xf32, #tpu.memory_space<vmem>>, vector<1x16xf32>,
      %swap3A_846 = vector.shape_cast %swap3A_845 : vector<1x16xf32> to vector<16xf32>
      %swap3A_847 = vector.shape_cast %add3A_842 : vector<16xf32> to vector<1x16xf32>
      tpu.vector_store %arg12[%swap3A_843, %swap3A_844], %swap3A_847 {strides = array<i32>} : memref<16x768xf32, #tpu.memory_space<vmem>>, vector<1x16xf32>,
      %get3A_848 = arith.index_cast %scan3A_148 : i32 to index
      %get3A_849 = arith.constant 688 : index
      %get3A_850 = tpu.vector_load %arg12[%get3A_848, %get3A_849] {strides = array<i32>} : memref<16x768xf32, #tpu.memory_space<vmem>>, vector<1x16xf32>,
      %get3A_851 = vector.shape_cast %get3A_850 : vector<1x16xf32> to vector<16xf32>
      %mul3A_852 = arith.mulf %get3A_154, %get3A_851 : vector<16xf32>
      %get3A_853 = arith.index_cast %scan3A_148 : i32 to index
      %get3A_854 = arith.constant 688 : index
      %get3A_855 = tpu.vector_load %arg15[%get3A_853, %get3A_854] {strides = array<i32>} : memref<16x768xf32, #tpu.memory_space<vmem>>, vector<1x16xf32>,
      %get3A_856 = vector.shape_cast %get3A_855 : vector<1x16xf32> to vector<16xf32>
      %mul3A_857 = arith.mulf %get3A_160, %get3A_856 : vector<16xf32>
      %add3A_858 = arith.addf %mul3A_852, %mul3A_857 : vector<16xf32>
      %swap3A_859 = arith.index_cast %scan3A_148 : i32 to index
      %swap3A_860 = arith.constant 688 : index
      %swap3A_861 = tpu.vector_load %arg12[%swap3A_859, %swap3A_860] {strides = array<i32>} : memref<16x768xf32, #tpu.memory_space<vmem>>, vector<1x16xf32>,
      %swap3A_862 = vector.shape_cast %swap3A_861 : vector<1x16xf32> to vector<16xf32>
      %swap3A_863 = vector.shape_cast %add3A_858 : vector<16xf32> to vector<1x16xf32>
      tpu.vector_store %arg12[%swap3A_859, %swap3A_860], %swap3A_863 {strides = array<i32>} : memref<16x768xf32, #tpu.memory_space<vmem>>, vector<1x16xf32>,
      %get3A_864 = arith.index_cast %scan3A_148 : i32 to index
      %get3A_865 = arith.constant 704 : index
      %get3A_866 = tpu.vector_load %arg12[%get3A_864, %get3A_865] {strides = array<i32>} : memref<16x768xf32, #tpu.memory_space<vmem>>, vector<1x16xf32>,
      %get3A_867 = vector.shape_cast %get3A_866 : vector<1x16xf32> to vector<16xf32>
      %mul3A_868 = arith.mulf %get3A_154, %get3A_867 : vector<16xf32>
      %get3A_869 = arith.index_cast %scan3A_148 : i32 to index
      %get3A_870 = arith.constant 704 : index
      %get3A_871 = tpu.vector_load %arg15[%get3A_869, %get3A_870] {strides = array<i32>} : memref<16x768xf32, #tpu.memory_space<vmem>>, vector<1x16xf32>,
      %get3A_872 = vector.shape_cast %get3A_871 : vector<1x16xf32> to vector<16xf32>
      %mul3A_873 = arith.mulf %get3A_160, %get3A_872 : vector<16xf32>
      %add3A_874 = arith.addf %mul3A_868, %mul3A_873 : vector<16xf32>
      %swap3A_875 = arith.index_cast %scan3A_148 : i32 to index
      %swap3A_876 = arith.constant 704 : index
      %swap3A_877 = tpu.vector_load %arg12[%swap3A_875, %swap3A_876] {strides = array<i32>} : memref<16x768xf32, #tpu.memory_space<vmem>>, vector<1x16xf32>,
      %swap3A_878 = vector.shape_cast %swap3A_877 : vector<1x16xf32> to vector<16xf32>
      %swap3A_879 = vector.shape_cast %add3A_874 : vector<16xf32> to vector<1x16xf32>
      tpu.vector_store %arg12[%swap3A_875, %swap3A_876], %swap3A_879 {strides = array<i32>} : memref<16x768xf32, #tpu.memory_space<vmem>>, vector<1x16xf32>,
      %get3A_880 = arith.index_cast %scan3A_148 : i32 to index
      %get3A_881 = arith.constant 720 : index
      %get3A_882 = tpu.vector_load %arg12[%get3A_880, %get3A_881] {strides = array<i32>} : memref<16x768xf32, #tpu.memory_space<vmem>>, vector<1x16xf32>,
      %get3A_883 = vector.shape_cast %get3A_882 : vector<1x16xf32> to vector<16xf32>
      %mul3A_884 = arith.mulf %get3A_154, %get3A_883 : vector<16xf32>
      %get3A_885 = arith.index_cast %scan3A_148 : i32 to index
      %get3A_886 = arith.constant 720 : index
      %get3A_887 = tpu.vector_load %arg15[%get3A_885, %get3A_886] {strides = array<i32>} : memref<16x768xf32, #tpu.memory_space<vmem>>, vector<1x16xf32>,
      %get3A_888 = vector.shape_cast %get3A_887 : vector<1x16xf32> to vector<16xf32>
      %mul3A_889 = arith.mulf %get3A_160, %get3A_888 : vector<16xf32>
      %add3A_890 = arith.addf %mul3A_884, %mul3A_889 : vector<16xf32>
      %swap3A_891 = arith.index_cast %scan3A_148 : i32 to index
      %swap3A_892 = arith.constant 720 : index
      %swap3A_893 = tpu.vector_load %arg12[%swap3A_891, %swap3A_892] {strides = array<i32>} : memref<16x768xf32, #tpu.memory_space<vmem>>, vector<1x16xf32>,
      %swap3A_894 = vector.shape_cast %swap3A_893 : vector<1x16xf32> to vector<16xf32>
      %swap3A_895 = vector.shape_cast %add3A_890 : vector<16xf32> to vector<1x16xf32>
      tpu.vector_store %arg12[%swap3A_891, %swap3A_892], %swap3A_895 {strides = array<i32>} : memref<16x768xf32, #tpu.memory_space<vmem>>, vector<1x16xf32>,
      %get3A_896 = arith.index_cast %scan3A_148 : i32 to index
      %get3A_897 = arith.constant 736 : index
      %get3A_898 = tpu.vector_load %arg12[%get3A_896, %get3A_897] {strides = array<i32>} : memref<16x768xf32, #tpu.memory_space<vmem>>, vector<1x16xf32>,
      %get3A_899 = vector.shape_cast %get3A_898 : vector<1x16xf32> to vector<16xf32>
      %mul3A_900 = arith.mulf %get3A_154, %get3A_899 : vector<16xf32>
      %get3A_901 = arith.index_cast %scan3A_148 : i32 to index
      %get3A_902 = arith.constant 736 : index
      %get3A_903 = tpu.vector_load %arg15[%get3A_901, %get3A_902] {strides = array<i32>} : memref<16x768xf32, #tpu.memory_space<vmem>>, vector<1x16xf32>,
      %get3A_904 = vector.shape_cast %get3A_903 : vector<1x16xf32> to vector<16xf32>
      %mul3A_905 = arith.mulf %get3A_160, %get3A_904 : vector<16xf32>
      %add3A_906 = arith.addf %mul3A_900, %mul3A_905 : vector<16xf32>
      %swap3A_907 = arith.index_cast %scan3A_148 : i32 to index
      %swap3A_908 = arith.constant 736 : index
      %swap3A_909 = tpu.vector_load %arg12[%swap3A_907, %swap3A_908] {strides = array<i32>} : memref<16x768xf32, #tpu.memory_space<vmem>>, vector<1x16xf32>,
      %swap3A_910 = vector.shape_cast %swap3A_909 : vector<1x16xf32> to vector<16xf32>
      %swap3A_911 = vector.shape_cast %add3A_906 : vector<16xf32> to vector<1x16xf32>
      tpu.vector_store %arg12[%swap3A_907, %swap3A_908], %swap3A_911 {strides = array<i32>} : memref<16x768xf32, #tpu.memory_space<vmem>>, vector<1x16xf32>,
      %get3A_912 = arith.index_cast %scan3A_148 : i32 to index
      %get3A_913 = arith.constant 752 : index
      %get3A_914 = tpu.vector_load %arg12[%get3A_912, %get3A_913] {strides = array<i32>} : memref<16x768xf32, #tpu.memory_space<vmem>>, vector<1x16xf32>,
      %get3A_915 = vector.shape_cast %get3A_914 : vector<1x16xf32> to vector<16xf32>
      %mul3A_916 = arith.mulf %get3A_154, %get3A_915 : vector<16xf32>
      %get3A_917 = arith.index_cast %scan3A_148 : i32 to index
      %get3A_918 = arith.constant 752 : index
      %get3A_919 = tpu.vector_load %arg15[%get3A_917, %get3A_918] {strides = array<i32>} : memref<16x768xf32, #tpu.memory_space<vmem>>, vector<1x16xf32>,
      %get3A_920 = vector.shape_cast %get3A_919 : vector<1x16xf32> to vector<16xf32>
      %mul3A_921 = arith.mulf %get3A_160, %get3A_920 : vector<16xf32>
      %add3A_922 = arith.addf %mul3A_916, %mul3A_921 : vector<16xf32>
      %swap3A_923 = arith.index_cast %scan3A_148 : i32 to index
      %swap3A_924 = arith.constant 752 : index
      %swap3A_925 = tpu.vector_load %arg12[%swap3A_923, %swap3A_924] {strides = array<i32>} : memref<16x768xf32, #tpu.memory_space<vmem>>, vector<1x16xf32>,
      %swap3A_926 = vector.shape_cast %swap3A_925 : vector<1x16xf32> to vector<16xf32>
      %swap3A_927 = vector.shape_cast %add3A_922 : vector<16xf32> to vector<1x16xf32>
      tpu.vector_store %arg12[%swap3A_923, %swap3A_924], %swap3A_927 {strides = array<i32>} : memref<16x768xf32, #tpu.memory_space<vmem>>, vector<1x16xf32>,
      %scan3A_928 = arith.constant 0 : i32
      scf.yield %scan3A_928 : i32
    }
    %scan3A_46 = arith.constant 16 : i32
    %add3A_47 = arith.constant 0 : i32
    %add3A_48 = arith.addi %mul3A_2, %add3A_47 : i32
    %dma_start3A_49 = arith.constant 0 : i32
    %dma_start3A_50 = tpu.memref_slice %arg7[%add3A_48, %dma_start3A_49] : memref<2048x768xf32, #tpu.memory_space<hbm>> -> memref<16x768xf32, #tpu.memory_space<hbm>>
    %dma_start3A_51 = arith.constant 0 : i32
    %dma_start3A_52 = tpu.memref_slice %arg7[%add3A_48, %dma_start3A_51] : memref<2048x768xf32, #tpu.memory_space<hbm>> -> memref<16x768xf32, #tpu.memory_space<hbm>>
    tpu.enqueue_dma source(%arg12 : memref<16x768xf32, #tpu.memory_space<vmem>>) target(%dma_start3A_52 : memref<16x768xf32, #tpu.memory_space<hbm>>) target_semaphore(%arg24 : memref<!tpu.dma_semaphore, #tpu.memory_space<semaphore_mem>>)
    %dma_wait3A_53 = arith.constant 0 : i32
    %dma_wait3A_54 = tpu.memref_slice %arg7[%add3A_48, %dma_wait3A_53] : memref<2048x768xf32, #tpu.memory_space<hbm>> -> memref<16x768xf32, #tpu.memory_space<hbm>>
    %dma_wait3A_55 = arith.constant 0 : i32
    %dma_wait3A_56 = tpu.memref_slice %arg7[%add3A_48, %dma_wait3A_55] : memref<2048x768xf32, #tpu.memory_space<hbm>> -> memref<16x768xf32, #tpu.memory_space<hbm>>
    tpu.wait_dma2 semaphore(%arg24 : memref<!tpu.dma_semaphore, #tpu.memory_space<semaphore_mem>>) src(%arg12 : memref<16x768xf32, #tpu.memory_space<vmem>>) dst(%dma_wait3A_56 : memref<16x768xf32, #tpu.memory_space<hbm>>)
    %dma_start3A_57 = arith.constant 48 : i32
    %dma_start3A_58 = tpu.memref_slice %arg8[%dma_start3A_57] : memref<64xi32, #tpu.memory_space<vmem>> -> memref<16xi32, #tpu.memory_space<vmem>>
    %dma_start3A_59 = arith.constant 0 : i32
    %dma_start3A_60 = arith.constant 0 : i32
    %dma_start3A_61 = tpu.memref_slice %arg2[%dma_start3A_59, %dma_start3A_60] : memref<4096x768xf32, #tpu.memory_space<hbm>> -> memref<4096x768xf32, #tpu.memory_space<hbm>>
    tpu.enqueue_indirect_dma source(%dma_start3A_61 : memref<4096x768xf32, #tpu.memory_space<hbm>>) target(%arg12 : memref<16x768xf32, #tpu.memory_space<vmem>>) offsets(%dma_start3A_58 : memref<16xi32, #tpu.memory_space<vmem>>) semaphore(%arg18 : memref<!tpu.dma_semaphore, #tpu.memory_space<semaphore_mem>>)
    %dma_start3A_62 = arith.constant 48 : i32
    %dma_start3A_63 = tpu.memref_slice %arg9[%dma_start3A_62] : memref<64xi32, #tpu.memory_space<vmem>> -> memref<16xi32, #tpu.memory_space<vmem>>
    %dma_start3A_64 = arith.constant 0 : i32
    %dma_start3A_65 = arith.constant 0 : i32
    %dma_start3A_66 = tpu.memref_slice %arg2[%dma_start3A_64, %dma_start3A_65] : memref<4096x768xf32, #tpu.memory_space<hbm>> -> memref<4096x768xf32, #tpu.memory_space<hbm>>
    tpu.enqueue_indirect_dma source(%dma_start3A_66 : memref<4096x768xf32, #tpu.memory_space<hbm>>) target(%arg15 : memref<16x768xf32, #tpu.memory_space<vmem>>) offsets(%dma_start3A_63 : memref<16xi32, #tpu.memory_space<vmem>>) semaphore(%arg21 : memref<!tpu.dma_semaphore, #tpu.memory_space<semaphore_mem>>)
    %dma_wait3A_67 = arith.constant 16 : i32
    %dma_wait3A_68 = tpu.memref_slice %arg8[%dma_wait3A_67] : memref<64xi32, #tpu.memory_space<vmem>> -> memref<16xi32, #tpu.memory_space<vmem>>
    %dma_wait3A_69 = arith.constant 0 : i32
    %dma_wait3A_70 = arith.constant 0 : i32
    %dma_wait3A_71 = tpu.memref_slice %arg2[%dma_wait3A_69, %dma_wait3A_70] : memref<4096x768xf32, #tpu.memory_space<hbm>> -> memref<4096x768xf32, #tpu.memory_space<hbm>>
    tpu.wait_indirect_dma semaphore(%arg19 : memref<!tpu.dma_semaphore, #tpu.memory_space<semaphore_mem>>) src(%dma_wait3A_71 : memref<4096x768xf32, #tpu.memory_space<hbm>>) dst(%arg13 : memref<16x768xf32, #tpu.memory_space<vmem>>)
    %dma_wait3A_72 = arith.constant 16 : i32
    %dma_wait3A_73 = tpu.memref_slice %arg9[%dma_wait3A_72] : memref<64xi32, #tpu.memory_space<vmem>> -> memref<16xi32, #tpu.memory_space<vmem>>
    %dma_wait3A_74 = arith.constant 0 : i32
    %dma_wait3A_75 = arith.constant 0 : i32
    %dma_wait3A_76 = tpu.memref_slice %arg2[%dma_wait3A_74, %dma_wait3A_75] : memref<4096x768xf32, #tpu.memory_space<hbm>> -> memref<4096x768xf32, #tpu.memory_space<hbm>>
    tpu.wait_indirect_dma semaphore(%arg22 : memref<!tpu.dma_semaphore, #tpu.memory_space<semaphore_mem>>) src(%dma_wait3A_76 : memref<4096x768xf32, #tpu.memory_space<hbm>>) dst(%arg16 : memref<16x768xf32, #tpu.memory_space<vmem>>)
    %scan3A_77 = arith.constant 0 : i32
    %scan3A_78 = arith.constant 0 : i32
    %scan3A_79 = arith.constant 16 : i32
    %scan3A_80 = arith.addi %scan3A_78, %scan3A_79 : i32
    %scan3A_81 = arith.constant 1 : i32
    %scan3A_82 = scf.for %scan3A_148 = %scan3A_78 to %scan3A_80 step %scan3A_81 iter_args(%scan3A_149 = %scan3A_77) -> (i32)  : i32 {
      %add3A_150 = arith.constant 16 : i32
      %add3A_151 = arith.addi %add3A_150, %scan3A_148 : i32
      %get3A = arith.index_cast %add3A_151 : i32 to index
      %get3A_152 = arith.constant 0 : index
      %get3A_153 = tpu.vector_load %arg10[%get3A, %get3A_152] {strides = array<i32>} : memref<64x16xf32, #tpu.memory_space<vmem>>, vector<1x16xf32>,
      %get3A_154 = vector.shape_cast %get3A_153 : vector<1x16xf32> to vector<16xf32>
      %add3A_155 = arith.constant 16 : i32
      %add3A_156 = arith.addi %add3A_155, %scan3A_148 : i32
      %get3A_157 = arith.index_cast %add3A_156 : i32 to index
      %get3A_158 = arith.constant 0 : index
      %get3A_159 = tpu.vector_load %arg11[%get3A_157, %get3A_158] {strides = array<i32>} : memref<64x16xf32, #tpu.memory_space<vmem>>, vector<1x16xf32>,
      %get3A_160 = vector.shape_cast %get3A_159 : vector<1x16xf32> to vector<16xf32>
      %get3A_161 = arith.index_cast %scan3A_148 : i32 to index
      %get3A_162 = arith.constant 0 : index
      %get3A_163 = tpu.vector_load %arg13[%get3A_161, %get3A_162] {strides = array<i32>} : memref<16x768xf32, #tpu.memory_space<vmem>>, vector<1x16xf32>,
      %get3A_164 = vector.shape_cast %get3A_163 : vector<1x16xf32> to vector<16xf32>
      %mul3A_165 = arith.mulf %get3A_154, %get3A_164 : vector<16xf32>
      %get3A_166 = arith.index_cast %scan3A_148 : i32 to index
      %get3A_167 = arith.constant 0 : index
      %get3A_168 = tpu.vector_load %arg16[%get3A_166, %get3A_167] {strides = array<i32>} : memref<16x768xf32, #tpu.memory_space<vmem>>, vector<1x16xf32>,
      %get3A_169 = vector.shape_cast %get3A_168 : vector<1x16xf32> to vector<16xf32>
      %mul3A_170 = arith.mulf %get3A_160, %get3A_169 : vector<16xf32>
      %add3A_171 = arith.addf %mul3A_165, %mul3A_170 : vector<16xf32>
      %swap3A = arith.index_cast %scan3A_148 : i32 to index
      %swap3A_172 = arith.constant 0 : index
      %swap3A_173 = tpu.vector_load %arg13[%swap3A, %swap3A_172] {strides = array<i32>} : memref<16x768xf32, #tpu.memory_space<vmem>>, vector<1x16xf32>,
      %swap3A_174 = vector.shape_cast %swap3A_173 : vector<1x16xf32> to vector<16xf32>
      %swap3A_175 = vector.shape_cast %add3A_171 : vector<16xf32> to vector<1x16xf32>
      tpu.vector_store %arg13[%swap3A, %swap3A_172], %swap3A_175 {strides = array<i32>} : memref<16x768xf32, #tpu.memory_space<vmem>>, vector<1x16xf32>,
      %get3A_176 = arith.index_cast %scan3A_148 : i32 to index
      %get3A_177 = arith.constant 16 : index
      %get3A_178 = tpu.vector_load %arg13[%get3A_176, %get3A_177] {strides = array<i32>} : memref<16x768xf32, #tpu.memory_space<vmem>>, vector<1x16xf32>,
      %get3A_179 = vector.shape_cast %get3A_178 : vector<1x16xf32> to vector<16xf32>
      %mul3A_180 = arith.mulf %get3A_154, %get3A_179 : vector<16xf32>
      %get3A_181 = arith.index_cast %scan3A_148 : i32 to index
      %get3A_182 = arith.constant 16 : index
      %get3A_183 = tpu.vector_load %arg16[%get3A_181, %get3A_182] {strides = array<i32>} : memref<16x768xf32, #tpu.memory_space<vmem>>, vector<1x16xf32>,
      %get3A_184 = vector.shape_cast %get3A_183 : vector<1x16xf32> to vector<16xf32>
      %mul3A_185 = arith.mulf %get3A_160, %get3A_184 : vector<16xf32>
      %add3A_186 = arith.addf %mul3A_180, %mul3A_185 : vector<16xf32>
      %swap3A_187 = arith.index_cast %scan3A_148 : i32 to index
      %swap3A_188 = arith.constant 16 : index
      %swap3A_189 = tpu.vector_load %arg13[%swap3A_187, %swap3A_188] {strides = array<i32>} : memref<16x768xf32, #tpu.memory_space<vmem>>, vector<1x16xf32>,
      %swap3A_190 = vector.shape_cast %swap3A_189 : vector<1x16xf32> to vector<16xf32>
      %swap3A_191 = vector.shape_cast %add3A_186 : vector<16xf32> to vector<1x16xf32>
      tpu.vector_store %arg13[%swap3A_187, %swap3A_188], %swap3A_191 {strides = array<i32>} : memref<16x768xf32, #tpu.memory_space<vmem>>, vector<1x16xf32>,
      %get3A_192 = arith.index_cast %scan3A_148 : i32 to index
      %get3A_193 = arith.constant 32 : index
      %get3A_194 = tpu.vector_load %arg13[%get3A_192, %get3A_193] {strides = array<i32>} : memref<16x768xf32, #tpu.memory_space<vmem>>, vector<1x16xf32>,
      %get3A_195 = vector.shape_cast %get3A_194 : vector<1x16xf32> to vector<16xf32>
      %mul3A_196 = arith.mulf %get3A_154, %get3A_195 : vector<16xf32>
      %get3A_197 = arith.index_cast %scan3A_148 : i32 to index
      %get3A_198 = arith.constant 32 : index
      %get3A_199 = tpu.vector_load %arg16[%get3A_197, %get3A_198] {strides = array<i32>} : memref<16x768xf32, #tpu.memory_space<vmem>>, vector<1x16xf32>,
      %get3A_200 = vector.shape_cast %get3A_199 : vector<1x16xf32> to vector<16xf32>
      %mul3A_201 = arith.mulf %get3A_160, %get3A_200 : vector<16xf32>
      %add3A_202 = arith.addf %mul3A_196, %mul3A_201 : vector<16xf32>
      %swap3A_203 = arith.index_cast %scan3A_148 : i32 to index
      %swap3A_204 = arith.constant 32 : index
      %swap3A_205 = tpu.vector_load %arg13[%swap3A_203, %swap3A_204] {strides = array<i32>} : memref<16x768xf32, #tpu.memory_space<vmem>>, vector<1x16xf32>,
      %swap3A_206 = vector.shape_cast %swap3A_205 : vector<1x16xf32> to vector<16xf32>
      %swap3A_207 = vector.shape_cast %add3A_202 : vector<16xf32> to vector<1x16xf32>
      tpu.vector_store %arg13[%swap3A_203, %swap3A_204], %swap3A_207 {strides = array<i32>} : memref<16x768xf32, #tpu.memory_space<vmem>>, vector<1x16xf32>,
      %get3A_208 = arith.index_cast %scan3A_148 : i32 to index
      %get3A_209 = arith.constant 48 : index
      %get3A_210 = tpu.vector_load %arg13[%get3A_208, %get3A_209] {strides = array<i32>} : memref<16x768xf32, #tpu.memory_space<vmem>>, vector<1x16xf32>,
      %get3A_211 = vector.shape_cast %get3A_210 : vector<1x16xf32> to vector<16xf32>
      %mul3A_212 = arith.mulf %get3A_154, %get3A_211 : vector<16xf32>
      %get3A_213 = arith.index_cast %scan3A_148 : i32 to index
      %get3A_214 = arith.constant 48 : index
      %get3A_215 = tpu.vector_load %arg16[%get3A_213, %get3A_214] {strides = array<i32>} : memref<16x768xf32, #tpu.memory_space<vmem>>, vector<1x16xf32>,
      %get3A_216 = vector.shape_cast %get3A_215 : vector<1x16xf32> to vector<16xf32>
      %mul3A_217 = arith.mulf %get3A_160, %get3A_216 : vector<16xf32>
      %add3A_218 = arith.addf %mul3A_212, %mul3A_217 : vector<16xf32>
      %swap3A_219 = arith.index_cast %scan3A_148 : i32 to index
      %swap3A_220 = arith.constant 48 : index
      %swap3A_221 = tpu.vector_load %arg13[%swap3A_219, %swap3A_220] {strides = array<i32>} : memref<16x768xf32, #tpu.memory_space<vmem>>, vector<1x16xf32>,
      %swap3A_222 = vector.shape_cast %swap3A_221 : vector<1x16xf32> to vector<16xf32>
      %swap3A_223 = vector.shape_cast %add3A_218 : vector<16xf32> to vector<1x16xf32>
      tpu.vector_store %arg13[%swap3A_219, %swap3A_220], %swap3A_223 {strides = array<i32>} : memref<16x768xf32, #tpu.memory_space<vmem>>, vector<1x16xf32>,
      %get3A_224 = arith.index_cast %scan3A_148 : i32 to index
      %get3A_225 = arith.constant 64 : index
      %get3A_226 = tpu.vector_load %arg13[%get3A_224, %get3A_225] {strides = array<i32>} : memref<16x768xf32, #tpu.memory_space<vmem>>, vector<1x16xf32>,
      %get3A_227 = vector.shape_cast %get3A_226 : vector<1x16xf32> to vector<16xf32>
      %mul3A_228 = arith.mulf %get3A_154, %get3A_227 : vector<16xf32>
      %get3A_229 = arith.index_cast %scan3A_148 : i32 to index
      %get3A_230 = arith.constant 64 : index
      %get3A_231 = tpu.vector_load %arg16[%get3A_229, %get3A_230] {strides = array<i32>} : memref<16x768xf32, #tpu.memory_space<vmem>>, vector<1x16xf32>,
      %get3A_232 = vector.shape_cast %get3A_231 : vector<1x16xf32> to vector<16xf32>
      %mul3A_233 = arith.mulf %get3A_160, %get3A_232 : vector<16xf32>
      %add3A_234 = arith.addf %mul3A_228, %mul3A_233 : vector<16xf32>
      %swap3A_235 = arith.index_cast %scan3A_148 : i32 to index
      %swap3A_236 = arith.constant 64 : index
      %swap3A_237 = tpu.vector_load %arg13[%swap3A_235, %swap3A_236] {strides = array<i32>} : memref<16x768xf32, #tpu.memory_space<vmem>>, vector<1x16xf32>,
      %swap3A_238 = vector.shape_cast %swap3A_237 : vector<1x16xf32> to vector<16xf32>
      %swap3A_239 = vector.shape_cast %add3A_234 : vector<16xf32> to vector<1x16xf32>
      tpu.vector_store %arg13[%swap3A_235, %swap3A_236], %swap3A_239 {strides = array<i32>} : memref<16x768xf32, #tpu.memory_space<vmem>>, vector<1x16xf32>,
      %get3A_240 = arith.index_cast %scan3A_148 : i32 to index
      %get3A_241 = arith.constant 80 : index
      %get3A_242 = tpu.vector_load %arg13[%get3A_240, %get3A_241] {strides = array<i32>} : memref<16x768xf32, #tpu.memory_space<vmem>>, vector<1x16xf32>,
      %get3A_243 = vector.shape_cast %get3A_242 : vector<1x16xf32> to vector<16xf32>
      %mul3A_244 = arith.mulf %get3A_154, %get3A_243 : vector<16xf32>
      %get3A_245 = arith.index_cast %scan3A_148 : i32 to index
      %get3A_246 = arith.constant 80 : index
      %get3A_247 = tpu.vector_load %arg16[%get3A_245, %get3A_246] {strides = array<i32>} : memref<16x768xf32, #tpu.memory_space<vmem>>, vector<1x16xf32>,
      %get3A_248 = vector.shape_cast %get3A_247 : vector<1x16xf32> to vector<16xf32>
      %mul3A_249 = arith.mulf %get3A_160, %get3A_248 : vector<16xf32>
      %add3A_250 = arith.addf %mul3A_244, %mul3A_249 : vector<16xf32>
      %swap3A_251 = arith.index_cast %scan3A_148 : i32 to index
      %swap3A_252 = arith.constant 80 : index
      %swap3A_253 = tpu.vector_load %arg13[%swap3A_251, %swap3A_252] {strides = array<i32>} : memref<16x768xf32, #tpu.memory_space<vmem>>, vector<1x16xf32>,
      %swap3A_254 = vector.shape_cast %swap3A_253 : vector<1x16xf32> to vector<16xf32>
      %swap3A_255 = vector.shape_cast %add3A_250 : vector<16xf32> to vector<1x16xf32>
      tpu.vector_store %arg13[%swap3A_251, %swap3A_252], %swap3A_255 {strides = array<i32>} : memref<16x768xf32, #tpu.memory_space<vmem>>, vector<1x16xf32>,
      %get3A_256 = arith.index_cast %scan3A_148 : i32 to index
      %get3A_257 = arith.constant 96 : index
      %get3A_258 = tpu.vector_load %arg13[%get3A_256, %get3A_257] {strides = array<i32>} : memref<16x768xf32, #tpu.memory_space<vmem>>, vector<1x16xf32>,
      %get3A_259 = vector.shape_cast %get3A_258 : vector<1x16xf32> to vector<16xf32>
      %mul3A_260 = arith.mulf %get3A_154, %get3A_259 : vector<16xf32>
      %get3A_261 = arith.index_cast %scan3A_148 : i32 to index
      %get3A_262 = arith.constant 96 : index
      %get3A_263 = tpu.vector_load %arg16[%get3A_261, %get3A_262] {strides = array<i32>} : memref<16x768xf32, #tpu.memory_space<vmem>>, vector<1x16xf32>,
      %get3A_264 = vector.shape_cast %get3A_263 : vector<1x16xf32> to vector<16xf32>
      %mul3A_265 = arith.mulf %get3A_160, %get3A_264 : vector<16xf32>
      %add3A_266 = arith.addf %mul3A_260, %mul3A_265 : vector<16xf32>
      %swap3A_267 = arith.index_cast %scan3A_148 : i32 to index
      %swap3A_268 = arith.constant 96 : index
      %swap3A_269 = tpu.vector_load %arg13[%swap3A_267, %swap3A_268] {strides = array<i32>} : memref<16x768xf32, #tpu.memory_space<vmem>>, vector<1x16xf32>,
      %swap3A_270 = vector.shape_cast %swap3A_269 : vector<1x16xf32> to vector<16xf32>
      %swap3A_271 = vector.shape_cast %add3A_266 : vector<16xf32> to vector<1x16xf32>
      tpu.vector_store %arg13[%swap3A_267, %swap3A_268], %swap3A_271 {strides = array<i32>} : memref<16x768xf32, #tpu.memory_space<vmem>>, vector<1x16xf32>,
      %get3A_272 = arith.index_cast %scan3A_148 : i32 to index
      %get3A_273 = arith.constant 112 : index
      %get3A_274 = tpu.vector_load %arg13[%get3A_272, %get3A_273] {strides = array<i32>} : memref<16x768xf32, #tpu.memory_space<vmem>>, vector<1x16xf32>,
      %get3A_275 = vector.shape_cast %get3A_274 : vector<1x16xf32> to vector<16xf32>
      %mul3A_276 = arith.mulf %get3A_154, %get3A_275 : vector<16xf32>
      %get3A_277 = arith.index_cast %scan3A_148 : i32 to index
      %get3A_278 = arith.constant 112 : index
      %get3A_279 = tpu.vector_load %arg16[%get3A_277, %get3A_278] {strides = array<i32>} : memref<16x768xf32, #tpu.memory_space<vmem>>, vector<1x16xf32>,
      %get3A_280 = vector.shape_cast %get3A_279 : vector<1x16xf32> to vector<16xf32>
      %mul3A_281 = arith.mulf %get3A_160, %get3A_280 : vector<16xf32>
      %add3A_282 = arith.addf %mul3A_276, %mul3A_281 : vector<16xf32>
      %swap3A_283 = arith.index_cast %scan3A_148 : i32 to index
      %swap3A_284 = arith.constant 112 : index
      %swap3A_285 = tpu.vector_load %arg13[%swap3A_283, %swap3A_284] {strides = array<i32>} : memref<16x768xf32, #tpu.memory_space<vmem>>, vector<1x16xf32>,
      %swap3A_286 = vector.shape_cast %swap3A_285 : vector<1x16xf32> to vector<16xf32>
      %swap3A_287 = vector.shape_cast %add3A_282 : vector<16xf32> to vector<1x16xf32>
      tpu.vector_store %arg13[%swap3A_283, %swap3A_284], %swap3A_287 {strides = array<i32>} : memref<16x768xf32, #tpu.memory_space<vmem>>, vector<1x16xf32>,
      %get3A_288 = arith.index_cast %scan3A_148 : i32 to index
      %get3A_289 = arith.constant 128 : index
      %get3A_290 = tpu.vector_load %arg13[%get3A_288, %get3A_289] {strides = array<i32>} : memref<16x768xf32, #tpu.memory_space<vmem>>, vector<1x16xf32>,
      %get3A_291 = vector.shape_cast %get3A_290 : vector<1x16xf32> to vector<16xf32>
      %mul3A_292 = arith.mulf %get3A_154, %get3A_291 : vector<16xf32>
      %get3A_293 = arith.index_cast %scan3A_148 : i32 to index
      %get3A_294 = arith.constant 128 : index
      %get3A_295 = tpu.vector_load %arg16[%get3A_293, %get3A_294] {strides = array<i32>} : memref<16x768xf32, #tpu.memory_space<vmem>>, vector<1x16xf32>,
      %get3A_296 = vector.shape_cast %get3A_295 : vector<1x16xf32> to vector<16xf32>
      %mul3A_297 = arith.mulf %get3A_160, %get3A_296 : vector<16xf32>
      %add3A_298 = arith.addf %mul3A_292, %mul3A_297 : vector<16xf32>
      %swap3A_299 = arith.index_cast %scan3A_148 : i32 to index
      %swap3A_300 = arith.constant 128 : index
      %swap3A_301 = tpu.vector_load %arg13[%swap3A_299, %swap3A_300] {strides = array<i32>} : memref<16x768xf32, #tpu.memory_space<vmem>>, vector<1x16xf32>,
      %swap3A_302 = vector.shape_cast %swap3A_301 : vector<1x16xf32> to vector<16xf32>
      %swap3A_303 = vector.shape_cast %add3A_298 : vector<16xf32> to vector<1x16xf32>
      tpu.vector_store %arg13[%swap3A_299, %swap3A_300], %swap3A_303 {strides = array<i32>} : memref<16x768xf32, #tpu.memory_space<vmem>>, vector<1x16xf32>,
      %get3A_304 = arith.index_cast %scan3A_148 : i32 to index
      %get3A_305 = arith.constant 144 : index
      %get3A_306 = tpu.vector_load %arg13[%get3A_304, %get3A_305] {strides = array<i32>} : memref<16x768xf32, #tpu.memory_space<vmem>>, vector<1x16xf32>,
      %get3A_307 = vector.shape_cast %get3A_306 : vector<1x16xf32> to vector<16xf32>
      %mul3A_308 = arith.mulf %get3A_154, %get3A_307 : vector<16xf32>
      %get3A_309 = arith.index_cast %scan3A_148 : i32 to index
      %get3A_310 = arith.constant 144 : index
      %get3A_311 = tpu.vector_load %arg16[%get3A_309, %get3A_310] {strides = array<i32>} : memref<16x768xf32, #tpu.memory_space<vmem>>, vector<1x16xf32>,
      %get3A_312 = vector.shape_cast %get3A_311 : vector<1x16xf32> to vector<16xf32>
      %mul3A_313 = arith.mulf %get3A_160, %get3A_312 : vector<16xf32>
      %add3A_314 = arith.addf %mul3A_308, %mul3A_313 : vector<16xf32>
      %swap3A_315 = arith.index_cast %scan3A_148 : i32 to index
      %swap3A_316 = arith.constant 144 : index
      %swap3A_317 = tpu.vector_load %arg13[%swap3A_315, %swap3A_316] {strides = array<i32>} : memref<16x768xf32, #tpu.memory_space<vmem>>, vector<1x16xf32>,
      %swap3A_318 = vector.shape_cast %swap3A_317 : vector<1x16xf32> to vector<16xf32>
      %swap3A_319 = vector.shape_cast %add3A_314 : vector<16xf32> to vector<1x16xf32>
      tpu.vector_store %arg13[%swap3A_315, %swap3A_316], %swap3A_319 {strides = array<i32>} : memref<16x768xf32, #tpu.memory_space<vmem>>, vector<1x16xf32>,
      %get3A_320 = arith.index_cast %scan3A_148 : i32 to index
      %get3A_321 = arith.constant 160 : index
      %get3A_322 = tpu.vector_load %arg13[%get3A_320, %get3A_321] {strides = array<i32>} : memref<16x768xf32, #tpu.memory_space<vmem>>, vector<1x16xf32>,
      %get3A_323 = vector.shape_cast %get3A_322 : vector<1x16xf32> to vector<16xf32>
      %mul3A_324 = arith.mulf %get3A_154, %get3A_323 : vector<16xf32>
      %get3A_325 = arith.index_cast %scan3A_148 : i32 to index
      %get3A_326 = arith.constant 160 : index
      %get3A_327 = tpu.vector_load %arg16[%get3A_325, %get3A_326] {strides = array<i32>} : memref<16x768xf32, #tpu.memory_space<vmem>>, vector<1x16xf32>,
      %get3A_328 = vector.shape_cast %get3A_327 : vector<1x16xf32> to vector<16xf32>
      %mul3A_329 = arith.mulf %get3A_160, %get3A_328 : vector<16xf32>
      %add3A_330 = arith.addf %mul3A_324, %mul3A_329 : vector<16xf32>
      %swap3A_331 = arith.index_cast %scan3A_148 : i32 to index
      %swap3A_332 = arith.constant 160 : index
      %swap3A_333 = tpu.vector_load %arg13[%swap3A_331, %swap3A_332] {strides = array<i32>} : memref<16x768xf32, #tpu.memory_space<vmem>>, vector<1x16xf32>,
      %swap3A_334 = vector.shape_cast %swap3A_333 : vector<1x16xf32> to vector<16xf32>
      %swap3A_335 = vector.shape_cast %add3A_330 : vector<16xf32> to vector<1x16xf32>
      tpu.vector_store %arg13[%swap3A_331, %swap3A_332], %swap3A_335 {strides = array<i32>} : memref<16x768xf32, #tpu.memory_space<vmem>>, vector<1x16xf32>,
      %get3A_336 = arith.index_cast %scan3A_148 : i32 to index
      %get3A_337 = arith.constant 176 : index
      %get3A_338 = tpu.vector_load %arg13[%get3A_336, %get3A_337] {strides = array<i32>} : memref<16x768xf32, #tpu.memory_space<vmem>>, vector<1x16xf32>,
      %get3A_339 = vector.shape_cast %get3A_338 : vector<1x16xf32> to vector<16xf32>
      %mul3A_340 = arith.mulf %get3A_154, %get3A_339 : vector<16xf32>
      %get3A_341 = arith.index_cast %scan3A_148 : i32 to index
      %get3A_342 = arith.constant 176 : index
      %get3A_343 = tpu.vector_load %arg16[%get3A_341, %get3A_342] {strides = array<i32>} : memref<16x768xf32, #tpu.memory_space<vmem>>, vector<1x16xf32>,
      %get3A_344 = vector.shape_cast %get3A_343 : vector<1x16xf32> to vector<16xf32>
      %mul3A_345 = arith.mulf %get3A_160, %get3A_344 : vector<16xf32>
      %add3A_346 = arith.addf %mul3A_340, %mul3A_345 : vector<16xf32>
      %swap3A_347 = arith.index_cast %scan3A_148 : i32 to index
      %swap3A_348 = arith.constant 176 : index
      %swap3A_349 = tpu.vector_load %arg13[%swap3A_347, %swap3A_348] {strides = array<i32>} : memref<16x768xf32, #tpu.memory_space<vmem>>, vector<1x16xf32>,
      %swap3A_350 = vector.shape_cast %swap3A_349 : vector<1x16xf32> to vector<16xf32>
      %swap3A_351 = vector.shape_cast %add3A_346 : vector<16xf32> to vector<1x16xf32>
      tpu.vector_store %arg13[%swap3A_347, %swap3A_348], %swap3A_351 {strides = array<i32>} : memref<16x768xf32, #tpu.memory_space<vmem>>, vector<1x16xf32>,
      %get3A_352 = arith.index_cast %scan3A_148 : i32 to index
      %get3A_353 = arith.constant 192 : index
      %get3A_354 = tpu.vector_load %arg13[%get3A_352, %get3A_353] {strides = array<i32>} : memref<16x768xf32, #tpu.memory_space<vmem>>, vector<1x16xf32>,
      %get3A_355 = vector.shape_cast %get3A_354 : vector<1x16xf32> to vector<16xf32>
      %mul3A_356 = arith.mulf %get3A_154, %get3A_355 : vector<16xf32>
      %get3A_357 = arith.index_cast %scan3A_148 : i32 to index
      %get3A_358 = arith.constant 192 : index
      %get3A_359 = tpu.vector_load %arg16[%get3A_357, %get3A_358] {strides = array<i32>} : memref<16x768xf32, #tpu.memory_space<vmem>>, vector<1x16xf32>,
      %get3A_360 = vector.shape_cast %get3A_359 : vector<1x16xf32> to vector<16xf32>
      %mul3A_361 = arith.mulf %get3A_160, %get3A_360 : vector<16xf32>
      %add3A_362 = arith.addf %mul3A_356, %mul3A_361 : vector<16xf32>
      %swap3A_363 = arith.index_cast %scan3A_148 : i32 to index
      %swap3A_364 = arith.constant 192 : index
      %swap3A_365 = tpu.vector_load %arg13[%swap3A_363, %swap3A_364] {strides = array<i32>} : memref<16x768xf32, #tpu.memory_space<vmem>>, vector<1x16xf32>,
      %swap3A_366 = vector.shape_cast %swap3A_365 : vector<1x16xf32> to vector<16xf32>
      %swap3A_367 = vector.shape_cast %add3A_362 : vector<16xf32> to vector<1x16xf32>
      tpu.vector_store %arg13[%swap3A_363, %swap3A_364], %swap3A_367 {strides = array<i32>} : memref<16x768xf32, #tpu.memory_space<vmem>>, vector<1x16xf32>,
      %get3A_368 = arith.index_cast %scan3A_148 : i32 to index
      %get3A_369 = arith.constant 208 : index
      %get3A_370 = tpu.vector_load %arg13[%get3A_368, %get3A_369] {strides = array<i32>} : memref<16x768xf32, #tpu.memory_space<vmem>>, vector<1x16xf32>,
      %get3A_371 = vector.shape_cast %get3A_370 : vector<1x16xf32> to vector<16xf32>
      %mul3A_372 = arith.mulf %get3A_154, %get3A_371 : vector<16xf32>
      %get3A_373 = arith.index_cast %scan3A_148 : i32 to index
      %get3A_374 = arith.constant 208 : index
      %get3A_375 = tpu.vector_load %arg16[%get3A_373, %get3A_374] {strides = array<i32>} : memref<16x768xf32, #tpu.memory_space<vmem>>, vector<1x16xf32>,
      %get3A_376 = vector.shape_cast %get3A_375 : vector<1x16xf32> to vector<16xf32>
      %mul3A_377 = arith.mulf %get3A_160, %get3A_376 : vector<16xf32>
      %add3A_378 = arith.addf %mul3A_372, %mul3A_377 : vector<16xf32>
      %swap3A_379 = arith.index_cast %scan3A_148 : i32 to index
      %swap3A_380 = arith.constant 208 : index
      %swap3A_381 = tpu.vector_load %arg13[%swap3A_379, %swap3A_380] {strides = array<i32>} : memref<16x768xf32, #tpu.memory_space<vmem>>, vector<1x16xf32>,
      %swap3A_382 = vector.shape_cast %swap3A_381 : vector<1x16xf32> to vector<16xf32>
      %swap3A_383 = vector.shape_cast %add3A_378 : vector<16xf32> to vector<1x16xf32>
      tpu.vector_store %arg13[%swap3A_379, %swap3A_380], %swap3A_383 {strides = array<i32>} : memref<16x768xf32, #tpu.memory_space<vmem>>, vector<1x16xf32>,
      %get3A_384 = arith.index_cast %scan3A_148 : i32 to index
      %get3A_385 = arith.constant 224 : index
      %get3A_386 = tpu.vector_load %arg13[%get3A_384, %get3A_385] {strides = array<i32>} : memref<16x768xf32, #tpu.memory_space<vmem>>, vector<1x16xf32>,
      %get3A_387 = vector.shape_cast %get3A_386 : vector<1x16xf32> to vector<16xf32>
      %mul3A_388 = arith.mulf %get3A_154, %get3A_387 : vector<16xf32>
      %get3A_389 = arith.index_cast %scan3A_148 : i32 to index
      %get3A_390 = arith.constant 224 : index
      %get3A_391 = tpu.vector_load %arg16[%get3A_389, %get3A_390] {strides = array<i32>} : memref<16x768xf32, #tpu.memory_space<vmem>>, vector<1x16xf32>,
      %get3A_392 = vector.shape_cast %get3A_391 : vector<1x16xf32> to vector<16xf32>
      %mul3A_393 = arith.mulf %get3A_160, %get3A_392 : vector<16xf32>
      %add3A_394 = arith.addf %mul3A_388, %mul3A_393 : vector<16xf32>
      %swap3A_395 = arith.index_cast %scan3A_148 : i32 to index
      %swap3A_396 = arith.constant 224 : index
      %swap3A_397 = tpu.vector_load %arg13[%swap3A_395, %swap3A_396] {strides = array<i32>} : memref<16x768xf32, #tpu.memory_space<vmem>>, vector<1x16xf32>,
      %swap3A_398 = vector.shape_cast %swap3A_397 : vector<1x16xf32> to vector<16xf32>
      %swap3A_399 = vector.shape_cast %add3A_394 : vector<16xf32> to vector<1x16xf32>
      tpu.vector_store %arg13[%swap3A_395, %swap3A_396], %swap3A_399 {strides = array<i32>} : memref<16x768xf32, #tpu.memory_space<vmem>>, vector<1x16xf32>,
      %get3A_400 = arith.index_cast %scan3A_148 : i32 to index
      %get3A_401 = arith.constant 240 : index
      %get3A_402 = tpu.vector_load %arg13[%get3A_400, %get3A_401] {strides = array<i32>} : memref<16x768xf32, #tpu.memory_space<vmem>>, vector<1x16xf32>,
      %get3A_403 = vector.shape_cast %get3A_402 : vector<1x16xf32> to vector<16xf32>
      %mul3A_404 = arith.mulf %get3A_154, %get3A_403 : vector<16xf32>
      %get3A_405 = arith.index_cast %scan3A_148 : i32 to index
      %get3A_406 = arith.constant 240 : index
      %get3A_407 = tpu.vector_load %arg16[%get3A_405, %get3A_406] {strides = array<i32>} : memref<16x768xf32, #tpu.memory_space<vmem>>, vector<1x16xf32>,
      %get3A_408 = vector.shape_cast %get3A_407 : vector<1x16xf32> to vector<16xf32>
      %mul3A_409 = arith.mulf %get3A_160, %get3A_408 : vector<16xf32>
      %add3A_410 = arith.addf %mul3A_404, %mul3A_409 : vector<16xf32>
      %swap3A_411 = arith.index_cast %scan3A_148 : i32 to index
      %swap3A_412 = arith.constant 240 : index
      %swap3A_413 = tpu.vector_load %arg13[%swap3A_411, %swap3A_412] {strides = array<i32>} : memref<16x768xf32, #tpu.memory_space<vmem>>, vector<1x16xf32>,
      %swap3A_414 = vector.shape_cast %swap3A_413 : vector<1x16xf32> to vector<16xf32>
      %swap3A_415 = vector.shape_cast %add3A_410 : vector<16xf32> to vector<1x16xf32>
      tpu.vector_store %arg13[%swap3A_411, %swap3A_412], %swap3A_415 {strides = array<i32>} : memref<16x768xf32, #tpu.memory_space<vmem>>, vector<1x16xf32>,
      %get3A_416 = arith.index_cast %scan3A_148 : i32 to index
      %get3A_417 = arith.constant 256 : index
      %get3A_418 = tpu.vector_load %arg13[%get3A_416, %get3A_417] {strides = array<i32>} : memref<16x768xf32, #tpu.memory_space<vmem>>, vector<1x16xf32>,
      %get3A_419 = vector.shape_cast %get3A_418 : vector<1x16xf32> to vector<16xf32>
      %mul3A_420 = arith.mulf %get3A_154, %get3A_419 : vector<16xf32>
      %get3A_421 = arith.index_cast %scan3A_148 : i32 to index
      %get3A_422 = arith.constant 256 : index
      %get3A_423 = tpu.vector_load %arg16[%get3A_421, %get3A_422] {strides = array<i32>} : memref<16x768xf32, #tpu.memory_space<vmem>>, vector<1x16xf32>,
      %get3A_424 = vector.shape_cast %get3A_423 : vector<1x16xf32> to vector<16xf32>
      %mul3A_425 = arith.mulf %get3A_160, %get3A_424 : vector<16xf32>
      %add3A_426 = arith.addf %mul3A_420, %mul3A_425 : vector<16xf32>
      %swap3A_427 = arith.index_cast %scan3A_148 : i32 to index
      %swap3A_428 = arith.constant 256 : index
      %swap3A_429 = tpu.vector_load %arg13[%swap3A_427, %swap3A_428] {strides = array<i32>} : memref<16x768xf32, #tpu.memory_space<vmem>>, vector<1x16xf32>,
      %swap3A_430 = vector.shape_cast %swap3A_429 : vector<1x16xf32> to vector<16xf32>
      %swap3A_431 = vector.shape_cast %add3A_426 : vector<16xf32> to vector<1x16xf32>
      tpu.vector_store %arg13[%swap3A_427, %swap3A_428], %swap3A_431 {strides = array<i32>} : memref<16x768xf32, #tpu.memory_space<vmem>>, vector<1x16xf32>,
      %get3A_432 = arith.index_cast %scan3A_148 : i32 to index
      %get3A_433 = arith.constant 272 : index
      %get3A_434 = tpu.vector_load %arg13[%get3A_432, %get3A_433] {strides = array<i32>} : memref<16x768xf32, #tpu.memory_space<vmem>>, vector<1x16xf32>,
      %get3A_435 = vector.shape_cast %get3A_434 : vector<1x16xf32> to vector<16xf32>
      %mul3A_436 = arith.mulf %get3A_154, %get3A_435 : vector<16xf32>
      %get3A_437 = arith.index_cast %scan3A_148 : i32 to index
      %get3A_438 = arith.constant 272 : index
      %get3A_439 = tpu.vector_load %arg16[%get3A_437, %get3A_438] {strides = array<i32>} : memref<16x768xf32, #tpu.memory_space<vmem>>, vector<1x16xf32>,
      %get3A_440 = vector.shape_cast %get3A_439 : vector<1x16xf32> to vector<16xf32>
      %mul3A_441 = arith.mulf %get3A_160, %get3A_440 : vector<16xf32>
      %add3A_442 = arith.addf %mul3A_436, %mul3A_441 : vector<16xf32>
      %swap3A_443 = arith.index_cast %scan3A_148 : i32 to index
      %swap3A_444 = arith.constant 272 : index
      %swap3A_445 = tpu.vector_load %arg13[%swap3A_443, %swap3A_444] {strides = array<i32>} : memref<16x768xf32, #tpu.memory_space<vmem>>, vector<1x16xf32>,
      %swap3A_446 = vector.shape_cast %swap3A_445 : vector<1x16xf32> to vector<16xf32>
      %swap3A_447 = vector.shape_cast %add3A_442 : vector<16xf32> to vector<1x16xf32>
      tpu.vector_store %arg13[%swap3A_443, %swap3A_444], %swap3A_447 {strides = array<i32>} : memref<16x768xf32, #tpu.memory_space<vmem>>, vector<1x16xf32>,
      %get3A_448 = arith.index_cast %scan3A_148 : i32 to index
      %get3A_449 = arith.constant 288 : index
      %get3A_450 = tpu.vector_load %arg13[%get3A_448, %get3A_449] {strides = array<i32>} : memref<16x768xf32, #tpu.memory_space<vmem>>, vector<1x16xf32>,
      %get3A_451 = vector.shape_cast %get3A_450 : vector<1x16xf32> to vector<16xf32>
      %mul3A_452 = arith.mulf %get3A_154, %get3A_451 : vector<16xf32>
      %get3A_453 = arith.index_cast %scan3A_148 : i32 to index
      %get3A_454 = arith.constant 288 : index
      %get3A_455 = tpu.vector_load %arg16[%get3A_453, %get3A_454] {strides = array<i32>} : memref<16x768xf32, #tpu.memory_space<vmem>>, vector<1x16xf32>,
      %get3A_456 = vector.shape_cast %get3A_455 : vector<1x16xf32> to vector<16xf32>
      %mul3A_457 = arith.mulf %get3A_160, %get3A_456 : vector<16xf32>
      %add3A_458 = arith.addf %mul3A_452, %mul3A_457 : vector<16xf32>
      %swap3A_459 = arith.index_cast %scan3A_148 : i32 to index
      %swap3A_460 = arith.constant 288 : index
      %swap3A_461 = tpu.vector_load %arg13[%swap3A_459, %swap3A_460] {strides = array<i32>} : memref<16x768xf32, #tpu.memory_space<vmem>>, vector<1x16xf32>,
      %swap3A_462 = vector.shape_cast %swap3A_461 : vector<1x16xf32> to vector<16xf32>
      %swap3A_463 = vector.shape_cast %add3A_458 : vector<16xf32> to vector<1x16xf32>
      tpu.vector_store %arg13[%swap3A_459, %swap3A_460], %swap3A_463 {strides = array<i32>} : memref<16x768xf32, #tpu.memory_space<vmem>>, vector<1x16xf32>,
      %get3A_464 = arith.index_cast %scan3A_148 : i32 to index
      %get3A_465 = arith.constant 304 : index
      %get3A_466 = tpu.vector_load %arg13[%get3A_464, %get3A_465] {strides = array<i32>} : memref<16x768xf32, #tpu.memory_space<vmem>>, vector<1x16xf32>,
      %get3A_467 = vector.shape_cast %get3A_466 : vector<1x16xf32> to vector<16xf32>
      %mul3A_468 = arith.mulf %get3A_154, %get3A_467 : vector<16xf32>
      %get3A_469 = arith.index_cast %scan3A_148 : i32 to index
      %get3A_470 = arith.constant 304 : index
      %get3A_471 = tpu.vector_load %arg16[%get3A_469, %get3A_470] {strides = array<i32>} : memref<16x768xf32, #tpu.memory_space<vmem>>, vector<1x16xf32>,
      %get3A_472 = vector.shape_cast %get3A_471 : vector<1x16xf32> to vector<16xf32>
      %mul3A_473 = arith.mulf %get3A_160, %get3A_472 : vector<16xf32>
      %add3A_474 = arith.addf %mul3A_468, %mul3A_473 : vector<16xf32>
      %swap3A_475 = arith.index_cast %scan3A_148 : i32 to index
      %swap3A_476 = arith.constant 304 : index
      %swap3A_477 = tpu.vector_load %arg13[%swap3A_475, %swap3A_476] {strides = array<i32>} : memref<16x768xf32, #tpu.memory_space<vmem>>, vector<1x16xf32>,
      %swap3A_478 = vector.shape_cast %swap3A_477 : vector<1x16xf32> to vector<16xf32>
      %swap3A_479 = vector.shape_cast %add3A_474 : vector<16xf32> to vector<1x16xf32>
      tpu.vector_store %arg13[%swap3A_475, %swap3A_476], %swap3A_479 {strides = array<i32>} : memref<16x768xf32, #tpu.memory_space<vmem>>, vector<1x16xf32>,
      %get3A_480 = arith.index_cast %scan3A_148 : i32 to index
      %get3A_481 = arith.constant 320 : index
      %get3A_482 = tpu.vector_load %arg13[%get3A_480, %get3A_481] {strides = array<i32>} : memref<16x768xf32, #tpu.memory_space<vmem>>, vector<1x16xf32>,
      %get3A_483 = vector.shape_cast %get3A_482 : vector<1x16xf32> to vector<16xf32>
      %mul3A_484 = arith.mulf %get3A_154, %get3A_483 : vector<16xf32>
      %get3A_485 = arith.index_cast %scan3A_148 : i32 to index
      %get3A_486 = arith.constant 320 : index
      %get3A_487 = tpu.vector_load %arg16[%get3A_485, %get3A_486] {strides = array<i32>} : memref<16x768xf32, #tpu.memory_space<vmem>>, vector<1x16xf32>,
      %get3A_488 = vector.shape_cast %get3A_487 : vector<1x16xf32> to vector<16xf32>
      %mul3A_489 = arith.mulf %get3A_160, %get3A_488 : vector<16xf32>
      %add3A_490 = arith.addf %mul3A_484, %mul3A_489 : vector<16xf32>
      %swap3A_491 = arith.index_cast %scan3A_148 : i32 to index
      %swap3A_492 = arith.constant 320 : index
      %swap3A_493 = tpu.vector_load %arg13[%swap3A_491, %swap3A_492] {strides = array<i32>} : memref<16x768xf32, #tpu.memory_space<vmem>>, vector<1x16xf32>,
      %swap3A_494 = vector.shape_cast %swap3A_493 : vector<1x16xf32> to vector<16xf32>
      %swap3A_495 = vector.shape_cast %add3A_490 : vector<16xf32> to vector<1x16xf32>
      tpu.vector_store %arg13[%swap3A_491, %swap3A_492], %swap3A_495 {strides = array<i32>} : memref<16x768xf32, #tpu.memory_space<vmem>>, vector<1x16xf32>,
      %get3A_496 = arith.index_cast %scan3A_148 : i32 to index
      %get3A_497 = arith.constant 336 : index
      %get3A_498 = tpu.vector_load %arg13[%get3A_496, %get3A_497] {strides = array<i32>} : memref<16x768xf32, #tpu.memory_space<vmem>>, vector<1x16xf32>,
      %get3A_499 = vector.shape_cast %get3A_498 : vector<1x16xf32> to vector<16xf32>
      %mul3A_500 = arith.mulf %get3A_154, %get3A_499 : vector<16xf32>
      %get3A_501 = arith.index_cast %scan3A_148 : i32 to index
      %get3A_502 = arith.constant 336 : index
      %get3A_503 = tpu.vector_load %arg16[%get3A_501, %get3A_502] {strides = array<i32>} : memref<16x768xf32, #tpu.memory_space<vmem>>, vector<1x16xf32>,
      %get3A_504 = vector.shape_cast %get3A_503 : vector<1x16xf32> to vector<16xf32>
      %mul3A_505 = arith.mulf %get3A_160, %get3A_504 : vector<16xf32>
      %add3A_506 = arith.addf %mul3A_500, %mul3A_505 : vector<16xf32>
      %swap3A_507 = arith.index_cast %scan3A_148 : i32 to index
      %swap3A_508 = arith.constant 336 : index
      %swap3A_509 = tpu.vector_load %arg13[%swap3A_507, %swap3A_508] {strides = array<i32>} : memref<16x768xf32, #tpu.memory_space<vmem>>, vector<1x16xf32>,
      %swap3A_510 = vector.shape_cast %swap3A_509 : vector<1x16xf32> to vector<16xf32>
      %swap3A_511 = vector.shape_cast %add3A_506 : vector<16xf32> to vector<1x16xf32>
      tpu.vector_store %arg13[%swap3A_507, %swap3A_508], %swap3A_511 {strides = array<i32>} : memref<16x768xf32, #tpu.memory_space<vmem>>, vector<1x16xf32>,
      %get3A_512 = arith.index_cast %scan3A_148 : i32 to index
      %get3A_513 = arith.constant 352 : index
      %get3A_514 = tpu.vector_load %arg13[%get3A_512, %get3A_513] {strides = array<i32>} : memref<16x768xf32, #tpu.memory_space<vmem>>, vector<1x16xf32>,
      %get3A_515 = vector.shape_cast %get3A_514 : vector<1x16xf32> to vector<16xf32>
      %mul3A_516 = arith.mulf %get3A_154, %get3A_515 : vector<16xf32>
      %get3A_517 = arith.index_cast %scan3A_148 : i32 to index
      %get3A_518 = arith.constant 352 : index
      %get3A_519 = tpu.vector_load %arg16[%get3A_517, %get3A_518] {strides = array<i32>} : memref<16x768xf32, #tpu.memory_space<vmem>>, vector<1x16xf32>,
      %get3A_520 = vector.shape_cast %get3A_519 : vector<1x16xf32> to vector<16xf32>
      %mul3A_521 = arith.mulf %get3A_160, %get3A_520 : vector<16xf32>
      %add3A_522 = arith.addf %mul3A_516, %mul3A_521 : vector<16xf32>
      %swap3A_523 = arith.index_cast %scan3A_148 : i32 to index
      %swap3A_524 = arith.constant 352 : index
      %swap3A_525 = tpu.vector_load %arg13[%swap3A_523, %swap3A_524] {strides = array<i32>} : memref<16x768xf32, #tpu.memory_space<vmem>>, vector<1x16xf32>,
      %swap3A_526 = vector.shape_cast %swap3A_525 : vector<1x16xf32> to vector<16xf32>
      %swap3A_527 = vector.shape_cast %add3A_522 : vector<16xf32> to vector<1x16xf32>
      tpu.vector_store %arg13[%swap3A_523, %swap3A_524], %swap3A_527 {strides = array<i32>} : memref<16x768xf32, #tpu.memory_space<vmem>>, vector<1x16xf32>,
      %get3A_528 = arith.index_cast %scan3A_148 : i32 to index
      %get3A_529 = arith.constant 368 : index
      %get3A_530 = tpu.vector_load %arg13[%get3A_528, %get3A_529] {strides = array<i32>} : memref<16x768xf32, #tpu.memory_space<vmem>>, vector<1x16xf32>,
      %get3A_531 = vector.shape_cast %get3A_530 : vector<1x16xf32> to vector<16xf32>
      %mul3A_532 = arith.mulf %get3A_154, %get3A_531 : vector<16xf32>
      %get3A_533 = arith.index_cast %scan3A_148 : i32 to index
      %get3A_534 = arith.constant 368 : index
      %get3A_535 = tpu.vector_load %arg16[%get3A_533, %get3A_534] {strides = array<i32>} : memref<16x768xf32, #tpu.memory_space<vmem>>, vector<1x16xf32>,
      %get3A_536 = vector.shape_cast %get3A_535 : vector<1x16xf32> to vector<16xf32>
      %mul3A_537 = arith.mulf %get3A_160, %get3A_536 : vector<16xf32>
      %add3A_538 = arith.addf %mul3A_532, %mul3A_537 : vector<16xf32>
      %swap3A_539 = arith.index_cast %scan3A_148 : i32 to index
      %swap3A_540 = arith.constant 368 : index
      %swap3A_541 = tpu.vector_load %arg13[%swap3A_539, %swap3A_540] {strides = array<i32>} : memref<16x768xf32, #tpu.memory_space<vmem>>, vector<1x16xf32>,
      %swap3A_542 = vector.shape_cast %swap3A_541 : vector<1x16xf32> to vector<16xf32>
      %swap3A_543 = vector.shape_cast %add3A_538 : vector<16xf32> to vector<1x16xf32>
      tpu.vector_store %arg13[%swap3A_539, %swap3A_540], %swap3A_543 {strides = array<i32>} : memref<16x768xf32, #tpu.memory_space<vmem>>, vector<1x16xf32>,
      %get3A_544 = arith.index_cast %scan3A_148 : i32 to index
      %get3A_545 = arith.constant 384 : index
      %get3A_546 = tpu.vector_load %arg13[%get3A_544, %get3A_545] {strides = array<i32>} : memref<16x768xf32, #tpu.memory_space<vmem>>, vector<1x16xf32>,
      %get3A_547 = vector.shape_cast %get3A_546 : vector<1x16xf32> to vector<16xf32>
      %mul3A_548 = arith.mulf %get3A_154, %get3A_547 : vector<16xf32>
      %get3A_549 = arith.index_cast %scan3A_148 : i32 to index
      %get3A_550 = arith.constant 384 : index
      %get3A_551 = tpu.vector_load %arg16[%get3A_549, %get3A_550] {strides = array<i32>} : memref<16x768xf32, #tpu.memory_space<vmem>>, vector<1x16xf32>,
      %get3A_552 = vector.shape_cast %get3A_551 : vector<1x16xf32> to vector<16xf32>
      %mul3A_553 = arith.mulf %get3A_160, %get3A_552 : vector<16xf32>
      %add3A_554 = arith.addf %mul3A_548, %mul3A_553 : vector<16xf32>
      %swap3A_555 = arith.index_cast %scan3A_148 : i32 to index
      %swap3A_556 = arith.constant 384 : index
      %swap3A_557 = tpu.vector_load %arg13[%swap3A_555, %swap3A_556] {strides = array<i32>} : memref<16x768xf32, #tpu.memory_space<vmem>>, vector<1x16xf32>,
      %swap3A_558 = vector.shape_cast %swap3A_557 : vector<1x16xf32> to vector<16xf32>
      %swap3A_559 = vector.shape_cast %add3A_554 : vector<16xf32> to vector<1x16xf32>
      tpu.vector_store %arg13[%swap3A_555, %swap3A_556], %swap3A_559 {strides = array<i32>} : memref<16x768xf32, #tpu.memory_space<vmem>>, vector<1x16xf32>,
      %get3A_560 = arith.index_cast %scan3A_148 : i32 to index
      %get3A_561 = arith.constant 400 : index
      %get3A_562 = tpu.vector_load %arg13[%get3A_560, %get3A_561] {strides = array<i32>} : memref<16x768xf32, #tpu.memory_space<vmem>>, vector<1x16xf32>,
      %get3A_563 = vector.shape_cast %get3A_562 : vector<1x16xf32> to vector<16xf32>
      %mul3A_564 = arith.mulf %get3A_154, %get3A_563 : vector<16xf32>
      %get3A_565 = arith.index_cast %scan3A_148 : i32 to index
      %get3A_566 = arith.constant 400 : index
      %get3A_567 = tpu.vector_load %arg16[%get3A_565, %get3A_566] {strides = array<i32>} : memref<16x768xf32, #tpu.memory_space<vmem>>, vector<1x16xf32>,
      %get3A_568 = vector.shape_cast %get3A_567 : vector<1x16xf32> to vector<16xf32>
      %mul3A_569 = arith.mulf %get3A_160, %get3A_568 : vector<16xf32>
      %add3A_570 = arith.addf %mul3A_564, %mul3A_569 : vector<16xf32>
      %swap3A_571 = arith.index_cast %scan3A_148 : i32 to index
      %swap3A_572 = arith.constant 400 : index
      %swap3A_573 = tpu.vector_load %arg13[%swap3A_571, %swap3A_572] {strides = array<i32>} : memref<16x768xf32, #tpu.memory_space<vmem>>, vector<1x16xf32>,
      %swap3A_574 = vector.shape_cast %swap3A_573 : vector<1x16xf32> to vector<16xf32>
      %swap3A_575 = vector.shape_cast %add3A_570 : vector<16xf32> to vector<1x16xf32>
      tpu.vector_store %arg13[%swap3A_571, %swap3A_572], %swap3A_575 {strides = array<i32>} : memref<16x768xf32, #tpu.memory_space<vmem>>, vector<1x16xf32>,
      %get3A_576 = arith.index_cast %scan3A_148 : i32 to index
      %get3A_577 = arith.constant 416 : index
      %get3A_578 = tpu.vector_load %arg13[%get3A_576, %get3A_577] {strides = array<i32>} : memref<16x768xf32, #tpu.memory_space<vmem>>, vector<1x16xf32>,
      %get3A_579 = vector.shape_cast %get3A_578 : vector<1x16xf32> to vector<16xf32>
      %mul3A_580 = arith.mulf %get3A_154, %get3A_579 : vector<16xf32>
      %get3A_581 = arith.index_cast %scan3A_148 : i32 to index
      %get3A_582 = arith.constant 416 : index
      %get3A_583 = tpu.vector_load %arg16[%get3A_581, %get3A_582] {strides = array<i32>} : memref<16x768xf32, #tpu.memory_space<vmem>>, vector<1x16xf32>,
      %get3A_584 = vector.shape_cast %get3A_583 : vector<1x16xf32> to vector<16xf32>
      %mul3A_585 = arith.mulf %get3A_160, %get3A_584 : vector<16xf32>
      %add3A_586 = arith.addf %mul3A_580, %mul3A_585 : vector<16xf32>
      %swap3A_587 = arith.index_cast %scan3A_148 : i32 to index
      %swap3A_588 = arith.constant 416 : index
      %swap3A_589 = tpu.vector_load %arg13[%swap3A_587, %swap3A_588] {strides = array<i32>} : memref<16x768xf32, #tpu.memory_space<vmem>>, vector<1x16xf32>,
      %swap3A_590 = vector.shape_cast %swap3A_589 : vector<1x16xf32> to vector<16xf32>
      %swap3A_591 = vector.shape_cast %add3A_586 : vector<16xf32> to vector<1x16xf32>
      tpu.vector_store %arg13[%swap3A_587, %swap3A_588], %swap3A_591 {strides = array<i32>} : memref<16x768xf32, #tpu.memory_space<vmem>>, vector<1x16xf32>,
      %get3A_592 = arith.index_cast %scan3A_148 : i32 to index
      %get3A_593 = arith.constant 432 : index
      %get3A_594 = tpu.vector_load %arg13[%get3A_592, %get3A_593] {strides = array<i32>} : memref<16x768xf32, #tpu.memory_space<vmem>>, vector<1x16xf32>,
      %get3A_595 = vector.shape_cast %get3A_594 : vector<1x16xf32> to vector<16xf32>
      %mul3A_596 = arith.mulf %get3A_154, %get3A_595 : vector<16xf32>
      %get3A_597 = arith.index_cast %scan3A_148 : i32 to index
      %get3A_598 = arith.constant 432 : index
      %get3A_599 = tpu.vector_load %arg16[%get3A_597, %get3A_598] {strides = array<i32>} : memref<16x768xf32, #tpu.memory_space<vmem>>, vector<1x16xf32>,
      %get3A_600 = vector.shape_cast %get3A_599 : vector<1x16xf32> to vector<16xf32>
      %mul3A_601 = arith.mulf %get3A_160, %get3A_600 : vector<16xf32>
      %add3A_602 = arith.addf %mul3A_596, %mul3A_601 : vector<16xf32>
      %swap3A_603 = arith.index_cast %scan3A_148 : i32 to index
      %swap3A_604 = arith.constant 432 : index
      %swap3A_605 = tpu.vector_load %arg13[%swap3A_603, %swap3A_604] {strides = array<i32>} : memref<16x768xf32, #tpu.memory_space<vmem>>, vector<1x16xf32>,
      %swap3A_606 = vector.shape_cast %swap3A_605 : vector<1x16xf32> to vector<16xf32>
      %swap3A_607 = vector.shape_cast %add3A_602 : vector<16xf32> to vector<1x16xf32>
      tpu.vector_store %arg13[%swap3A_603, %swap3A_604], %swap3A_607 {strides = array<i32>} : memref<16x768xf32, #tpu.memory_space<vmem>>, vector<1x16xf32>,
      %get3A_608 = arith.index_cast %scan3A_148 : i32 to index
      %get3A_609 = arith.constant 448 : index
      %get3A_610 = tpu.vector_load %arg13[%get3A_608, %get3A_609] {strides = array<i32>} : memref<16x768xf32, #tpu.memory_space<vmem>>, vector<1x16xf32>,
      %get3A_611 = vector.shape_cast %get3A_610 : vector<1x16xf32> to vector<16xf32>
      %mul3A_612 = arith.mulf %get3A_154, %get3A_611 : vector<16xf32>
      %get3A_613 = arith.index_cast %scan3A_148 : i32 to index
      %get3A_614 = arith.constant 448 : index
      %get3A_615 = tpu.vector_load %arg16[%get3A_613, %get3A_614] {strides = array<i32>} : memref<16x768xf32, #tpu.memory_space<vmem>>, vector<1x16xf32>,
      %get3A_616 = vector.shape_cast %get3A_615 : vector<1x16xf32> to vector<16xf32>
      %mul3A_617 = arith.mulf %get3A_160, %get3A_616 : vector<16xf32>
      %add3A_618 = arith.addf %mul3A_612, %mul3A_617 : vector<16xf32>
      %swap3A_619 = arith.index_cast %scan3A_148 : i32 to index
      %swap3A_620 = arith.constant 448 : index
      %swap3A_621 = tpu.vector_load %arg13[%swap3A_619, %swap3A_620] {strides = array<i32>} : memref<16x768xf32, #tpu.memory_space<vmem>>, vector<1x16xf32>,
      %swap3A_622 = vector.shape_cast %swap3A_621 : vector<1x16xf32> to vector<16xf32>
      %swap3A_623 = vector.shape_cast %add3A_618 : vector<16xf32> to vector<1x16xf32>
      tpu.vector_store %arg13[%swap3A_619, %swap3A_620], %swap3A_623 {strides = array<i32>} : memref<16x768xf32, #tpu.memory_space<vmem>>, vector<1x16xf32>,
      %get3A_624 = arith.index_cast %scan3A_148 : i32 to index
      %get3A_625 = arith.constant 464 : index
      %get3A_626 = tpu.vector_load %arg13[%get3A_624, %get3A_625] {strides = array<i32>} : memref<16x768xf32, #tpu.memory_space<vmem>>, vector<1x16xf32>,
      %get3A_627 = vector.shape_cast %get3A_626 : vector<1x16xf32> to vector<16xf32>
      %mul3A_628 = arith.mulf %get3A_154, %get3A_627 : vector<16xf32>
      %get3A_629 = arith.index_cast %scan3A_148 : i32 to index
      %get3A_630 = arith.constant 464 : index
      %get3A_631 = tpu.vector_load %arg16[%get3A_629, %get3A_630] {strides = array<i32>} : memref<16x768xf32, #tpu.memory_space<vmem>>, vector<1x16xf32>,
      %get3A_632 = vector.shape_cast %get3A_631 : vector<1x16xf32> to vector<16xf32>
      %mul3A_633 = arith.mulf %get3A_160, %get3A_632 : vector<16xf32>
      %add3A_634 = arith.addf %mul3A_628, %mul3A_633 : vector<16xf32>
      %swap3A_635 = arith.index_cast %scan3A_148 : i32 to index
      %swap3A_636 = arith.constant 464 : index
      %swap3A_637 = tpu.vector_load %arg13[%swap3A_635, %swap3A_636] {strides = array<i32>} : memref<16x768xf32, #tpu.memory_space<vmem>>, vector<1x16xf32>,
      %swap3A_638 = vector.shape_cast %swap3A_637 : vector<1x16xf32> to vector<16xf32>
      %swap3A_639 = vector.shape_cast %add3A_634 : vector<16xf32> to vector<1x16xf32>
      tpu.vector_store %arg13[%swap3A_635, %swap3A_636], %swap3A_639 {strides = array<i32>} : memref<16x768xf32, #tpu.memory_space<vmem>>, vector<1x16xf32>,
      %get3A_640 = arith.index_cast %scan3A_148 : i32 to index
      %get3A_641 = arith.constant 480 : index
      %get3A_642 = tpu.vector_load %arg13[%get3A_640, %get3A_641] {strides = array<i32>} : memref<16x768xf32, #tpu.memory_space<vmem>>, vector<1x16xf32>,
      %get3A_643 = vector.shape_cast %get3A_642 : vector<1x16xf32> to vector<16xf32>
      %mul3A_644 = arith.mulf %get3A_154, %get3A_643 : vector<16xf32>
      %get3A_645 = arith.index_cast %scan3A_148 : i32 to index
      %get3A_646 = arith.constant 480 : index
      %get3A_647 = tpu.vector_load %arg16[%get3A_645, %get3A_646] {strides = array<i32>} : memref<16x768xf32, #tpu.memory_space<vmem>>, vector<1x16xf32>,
      %get3A_648 = vector.shape_cast %get3A_647 : vector<1x16xf32> to vector<16xf32>
      %mul3A_649 = arith.mulf %get3A_160, %get3A_648 : vector<16xf32>
      %add3A_650 = arith.addf %mul3A_644, %mul3A_649 : vector<16xf32>
      %swap3A_651 = arith.index_cast %scan3A_148 : i32 to index
      %swap3A_652 = arith.constant 480 : index
      %swap3A_653 = tpu.vector_load %arg13[%swap3A_651, %swap3A_652] {strides = array<i32>} : memref<16x768xf32, #tpu.memory_space<vmem>>, vector<1x16xf32>,
      %swap3A_654 = vector.shape_cast %swap3A_653 : vector<1x16xf32> to vector<16xf32>
      %swap3A_655 = vector.shape_cast %add3A_650 : vector<16xf32> to vector<1x16xf32>
      tpu.vector_store %arg13[%swap3A_651, %swap3A_652], %swap3A_655 {strides = array<i32>} : memref<16x768xf32, #tpu.memory_space<vmem>>, vector<1x16xf32>,
      %get3A_656 = arith.index_cast %scan3A_148 : i32 to index
      %get3A_657 = arith.constant 496 : index
      %get3A_658 = tpu.vector_load %arg13[%get3A_656, %get3A_657] {strides = array<i32>} : memref<16x768xf32, #tpu.memory_space<vmem>>, vector<1x16xf32>,
      %get3A_659 = vector.shape_cast %get3A_658 : vector<1x16xf32> to vector<16xf32>
      %mul3A_660 = arith.mulf %get3A_154, %get3A_659 : vector<16xf32>
      %get3A_661 = arith.index_cast %scan3A_148 : i32 to index
      %get3A_662 = arith.constant 496 : index
      %get3A_663 = tpu.vector_load %arg16[%get3A_661, %get3A_662] {strides = array<i32>} : memref<16x768xf32, #tpu.memory_space<vmem>>, vector<1x16xf32>,
      %get3A_664 = vector.shape_cast %get3A_663 : vector<1x16xf32> to vector<16xf32>
      %mul3A_665 = arith.mulf %get3A_160, %get3A_664 : vector<16xf32>
      %add3A_666 = arith.addf %mul3A_660, %mul3A_665 : vector<16xf32>
      %swap3A_667 = arith.index_cast %scan3A_148 : i32 to index
      %swap3A_668 = arith.constant 496 : index
      %swap3A_669 = tpu.vector_load %arg13[%swap3A_667, %swap3A_668] {strides = array<i32>} : memref<16x768xf32, #tpu.memory_space<vmem>>, vector<1x16xf32>,
      %swap3A_670 = vector.shape_cast %swap3A_669 : vector<1x16xf32> to vector<16xf32>
      %swap3A_671 = vector.shape_cast %add3A_666 : vector<16xf32> to vector<1x16xf32>
      tpu.vector_store %arg13[%swap3A_667, %swap3A_668], %swap3A_671 {strides = array<i32>} : memref<16x768xf32, #tpu.memory_space<vmem>>, vector<1x16xf32>,
      %get3A_672 = arith.index_cast %scan3A_148 : i32 to index
      %get3A_673 = arith.constant 512 : index
      %get3A_674 = tpu.vector_load %arg13[%get3A_672, %get3A_673] {strides = array<i32>} : memref<16x768xf32, #tpu.memory_space<vmem>>, vector<1x16xf32>,
      %get3A_675 = vector.shape_cast %get3A_674 : vector<1x16xf32> to vector<16xf32>
      %mul3A_676 = arith.mulf %get3A_154, %get3A_675 : vector<16xf32>
      %get3A_677 = arith.index_cast %scan3A_148 : i32 to index
      %get3A_678 = arith.constant 512 : index
      %get3A_679 = tpu.vector_load %arg16[%get3A_677, %get3A_678] {strides = array<i32>} : memref<16x768xf32, #tpu.memory_space<vmem>>, vector<1x16xf32>,
      %get3A_680 = vector.shape_cast %get3A_679 : vector<1x16xf32> to vector<16xf32>
      %mul3A_681 = arith.mulf %get3A_160, %get3A_680 : vector<16xf32>
      %add3A_682 = arith.addf %mul3A_676, %mul3A_681 : vector<16xf32>
      %swap3A_683 = arith.index_cast %scan3A_148 : i32 to index
      %swap3A_684 = arith.constant 512 : index
      %swap3A_685 = tpu.vector_load %arg13[%swap3A_683, %swap3A_684] {strides = array<i32>} : memref<16x768xf32, #tpu.memory_space<vmem>>, vector<1x16xf32>,
      %swap3A_686 = vector.shape_cast %swap3A_685 : vector<1x16xf32> to vector<16xf32>
      %swap3A_687 = vector.shape_cast %add3A_682 : vector<16xf32> to vector<1x16xf32>
      tpu.vector_store %arg13[%swap3A_683, %swap3A_684], %swap3A_687 {strides = array<i32>} : memref<16x768xf32, #tpu.memory_space<vmem>>, vector<1x16xf32>,
      %get3A_688 = arith.index_cast %scan3A_148 : i32 to index
      %get3A_689 = arith.constant 528 : index
      %get3A_690 = tpu.vector_load %arg13[%get3A_688, %get3A_689] {strides = array<i32>} : memref<16x768xf32, #tpu.memory_space<vmem>>, vector<1x16xf32>,
      %get3A_691 = vector.shape_cast %get3A_690 : vector<1x16xf32> to vector<16xf32>
      %mul3A_692 = arith.mulf %get3A_154, %get3A_691 : vector<16xf32>
      %get3A_693 = arith.index_cast %scan3A_148 : i32 to index
      %get3A_694 = arith.constant 528 : index
      %get3A_695 = tpu.vector_load %arg16[%get3A_693, %get3A_694] {strides = array<i32>} : memref<16x768xf32, #tpu.memory_space<vmem>>, vector<1x16xf32>,
      %get3A_696 = vector.shape_cast %get3A_695 : vector<1x16xf32> to vector<16xf32>
      %mul3A_697 = arith.mulf %get3A_160, %get3A_696 : vector<16xf32>
      %add3A_698 = arith.addf %mul3A_692, %mul3A_697 : vector<16xf32>
      %swap3A_699 = arith.index_cast %scan3A_148 : i32 to index
      %swap3A_700 = arith.constant 528 : index
      %swap3A_701 = tpu.vector_load %arg13[%swap3A_699, %swap3A_700] {strides = array<i32>} : memref<16x768xf32, #tpu.memory_space<vmem>>, vector<1x16xf32>,
      %swap3A_702 = vector.shape_cast %swap3A_701 : vector<1x16xf32> to vector<16xf32>
      %swap3A_703 = vector.shape_cast %add3A_698 : vector<16xf32> to vector<1x16xf32>
      tpu.vector_store %arg13[%swap3A_699, %swap3A_700], %swap3A_703 {strides = array<i32>} : memref<16x768xf32, #tpu.memory_space<vmem>>, vector<1x16xf32>,
      %get3A_704 = arith.index_cast %scan3A_148 : i32 to index
      %get3A_705 = arith.constant 544 : index
      %get3A_706 = tpu.vector_load %arg13[%get3A_704, %get3A_705] {strides = array<i32>} : memref<16x768xf32, #tpu.memory_space<vmem>>, vector<1x16xf32>,
      %get3A_707 = vector.shape_cast %get3A_706 : vector<1x16xf32> to vector<16xf32>
      %mul3A_708 = arith.mulf %get3A_154, %get3A_707 : vector<16xf32>
      %get3A_709 = arith.index_cast %scan3A_148 : i32 to index
      %get3A_710 = arith.constant 544 : index
      %get3A_711 = tpu.vector_load %arg16[%get3A_709, %get3A_710] {strides = array<i32>} : memref<16x768xf32, #tpu.memory_space<vmem>>, vector<1x16xf32>,
      %get3A_712 = vector.shape_cast %get3A_711 : vector<1x16xf32> to vector<16xf32>
      %mul3A_713 = arith.mulf %get3A_160, %get3A_712 : vector<16xf32>
      %add3A_714 = arith.addf %mul3A_708, %mul3A_713 : vector<16xf32>
      %swap3A_715 = arith.index_cast %scan3A_148 : i32 to index
      %swap3A_716 = arith.constant 544 : index
      %swap3A_717 = tpu.vector_load %arg13[%swap3A_715, %swap3A_716] {strides = array<i32>} : memref<16x768xf32, #tpu.memory_space<vmem>>, vector<1x16xf32>,
      %swap3A_718 = vector.shape_cast %swap3A_717 : vector<1x16xf32> to vector<16xf32>
      %swap3A_719 = vector.shape_cast %add3A_714 : vector<16xf32> to vector<1x16xf32>
      tpu.vector_store %arg13[%swap3A_715, %swap3A_716], %swap3A_719 {strides = array<i32>} : memref<16x768xf32, #tpu.memory_space<vmem>>, vector<1x16xf32>,
      %get3A_720 = arith.index_cast %scan3A_148 : i32 to index
      %get3A_721 = arith.constant 560 : index
      %get3A_722 = tpu.vector_load %arg13[%get3A_720, %get3A_721] {strides = array<i32>} : memref<16x768xf32, #tpu.memory_space<vmem>>, vector<1x16xf32>,
      %get3A_723 = vector.shape_cast %get3A_722 : vector<1x16xf32> to vector<16xf32>
      %mul3A_724 = arith.mulf %get3A_154, %get3A_723 : vector<16xf32>
      %get3A_725 = arith.index_cast %scan3A_148 : i32 to index
      %get3A_726 = arith.constant 560 : index
      %get3A_727 = tpu.vector_load %arg16[%get3A_725, %get3A_726] {strides = array<i32>} : memref<16x768xf32, #tpu.memory_space<vmem>>, vector<1x16xf32>,
      %get3A_728 = vector.shape_cast %get3A_727 : vector<1x16xf32> to vector<16xf32>
      %mul3A_729 = arith.mulf %get3A_160, %get3A_728 : vector<16xf32>
      %add3A_730 = arith.addf %mul3A_724, %mul3A_729 : vector<16xf32>
      %swap3A_731 = arith.index_cast %scan3A_148 : i32 to index
      %swap3A_732 = arith.constant 560 : index
      %swap3A_733 = tpu.vector_load %arg13[%swap3A_731, %swap3A_732] {strides = array<i32>} : memref<16x768xf32, #tpu.memory_space<vmem>>, vector<1x16xf32>,
      %swap3A_734 = vector.shape_cast %swap3A_733 : vector<1x16xf32> to vector<16xf32>
      %swap3A_735 = vector.shape_cast %add3A_730 : vector<16xf32> to vector<1x16xf32>
      tpu.vector_store %arg13[%swap3A_731, %swap3A_732], %swap3A_735 {strides = array<i32>} : memref<16x768xf32, #tpu.memory_space<vmem>>, vector<1x16xf32>,
      %get3A_736 = arith.index_cast %scan3A_148 : i32 to index
      %get3A_737 = arith.constant 576 : index
      %get3A_738 = tpu.vector_load %arg13[%get3A_736, %get3A_737] {strides = array<i32>} : memref<16x768xf32, #tpu.memory_space<vmem>>, vector<1x16xf32>,
      %get3A_739 = vector.shape_cast %get3A_738 : vector<1x16xf32> to vector<16xf32>
      %mul3A_740 = arith.mulf %get3A_154, %get3A_739 : vector<16xf32>
      %get3A_741 = arith.index_cast %scan3A_148 : i32 to index
      %get3A_742 = arith.constant 576 : index
      %get3A_743 = tpu.vector_load %arg16[%get3A_741, %get3A_742] {strides = array<i32>} : memref<16x768xf32, #tpu.memory_space<vmem>>, vector<1x16xf32>,
      %get3A_744 = vector.shape_cast %get3A_743 : vector<1x16xf32> to vector<16xf32>
      %mul3A_745 = arith.mulf %get3A_160, %get3A_744 : vector<16xf32>
      %add3A_746 = arith.addf %mul3A_740, %mul3A_745 : vector<16xf32>
      %swap3A_747 = arith.index_cast %scan3A_148 : i32 to index
      %swap3A_748 = arith.constant 576 : index
      %swap3A_749 = tpu.vector_load %arg13[%swap3A_747, %swap3A_748] {strides = array<i32>} : memref<16x768xf32, #tpu.memory_space<vmem>>, vector<1x16xf32>,
      %swap3A_750 = vector.shape_cast %swap3A_749 : vector<1x16xf32> to vector<16xf32>
      %swap3A_751 = vector.shape_cast %add3A_746 : vector<16xf32> to vector<1x16xf32>
      tpu.vector_store %arg13[%swap3A_747, %swap3A_748], %swap3A_751 {strides = array<i32>} : memref<16x768xf32, #tpu.memory_space<vmem>>, vector<1x16xf32>,
      %get3A_752 = arith.index_cast %scan3A_148 : i32 to index
      %get3A_753 = arith.constant 592 : index
      %get3A_754 = tpu.vector_load %arg13[%get3A_752, %get3A_753] {strides = array<i32>} : memref<16x768xf32, #tpu.memory_space<vmem>>, vector<1x16xf32>,
      %get3A_755 = vector.shape_cast %get3A_754 : vector<1x16xf32> to vector<16xf32>
      %mul3A_756 = arith.mulf %get3A_154, %get3A_755 : vector<16xf32>
      %get3A_757 = arith.index_cast %scan3A_148 : i32 to index
      %get3A_758 = arith.constant 592 : index
      %get3A_759 = tpu.vector_load %arg16[%get3A_757, %get3A_758] {strides = array<i32>} : memref<16x768xf32, #tpu.memory_space<vmem>>, vector<1x16xf32>,
      %get3A_760 = vector.shape_cast %get3A_759 : vector<1x16xf32> to vector<16xf32>
      %mul3A_761 = arith.mulf %get3A_160, %get3A_760 : vector<16xf32>
      %add3A_762 = arith.addf %mul3A_756, %mul3A_761 : vector<16xf32>
      %swap3A_763 = arith.index_cast %scan3A_148 : i32 to index
      %swap3A_764 = arith.constant 592 : index
      %swap3A_765 = tpu.vector_load %arg13[%swap3A_763, %swap3A_764] {strides = array<i32>} : memref<16x768xf32, #tpu.memory_space<vmem>>, vector<1x16xf32>,
      %swap3A_766 = vector.shape_cast %swap3A_765 : vector<1x16xf32> to vector<16xf32>
      %swap3A_767 = vector.shape_cast %add3A_762 : vector<16xf32> to vector<1x16xf32>
      tpu.vector_store %arg13[%swap3A_763, %swap3A_764], %swap3A_767 {strides = array<i32>} : memref<16x768xf32, #tpu.memory_space<vmem>>, vector<1x16xf32>,
      %get3A_768 = arith.index_cast %scan3A_148 : i32 to index
      %get3A_769 = arith.constant 608 : index
      %get3A_770 = tpu.vector_load %arg13[%get3A_768, %get3A_769] {strides = array<i32>} : memref<16x768xf32, #tpu.memory_space<vmem>>, vector<1x16xf32>,
      %get3A_771 = vector.shape_cast %get3A_770 : vector<1x16xf32> to vector<16xf32>
      %mul3A_772 = arith.mulf %get3A_154, %get3A_771 : vector<16xf32>
      %get3A_773 = arith.index_cast %scan3A_148 : i32 to index
      %get3A_774 = arith.constant 608 : index
      %get3A_775 = tpu.vector_load %arg16[%get3A_773, %get3A_774] {strides = array<i32>} : memref<16x768xf32, #tpu.memory_space<vmem>>, vector<1x16xf32>,
      %get3A_776 = vector.shape_cast %get3A_775 : vector<1x16xf32> to vector<16xf32>
      %mul3A_777 = arith.mulf %get3A_160, %get3A_776 : vector<16xf32>
      %add3A_778 = arith.addf %mul3A_772, %mul3A_777 : vector<16xf32>
      %swap3A_779 = arith.index_cast %scan3A_148 : i32 to index
      %swap3A_780 = arith.constant 608 : index
      %swap3A_781 = tpu.vector_load %arg13[%swap3A_779, %swap3A_780] {strides = array<i32>} : memref<16x768xf32, #tpu.memory_space<vmem>>, vector<1x16xf32>,
      %swap3A_782 = vector.shape_cast %swap3A_781 : vector<1x16xf32> to vector<16xf32>
      %swap3A_783 = vector.shape_cast %add3A_778 : vector<16xf32> to vector<1x16xf32>
      tpu.vector_store %arg13[%swap3A_779, %swap3A_780], %swap3A_783 {strides = array<i32>} : memref<16x768xf32, #tpu.memory_space<vmem>>, vector<1x16xf32>,
      %get3A_784 = arith.index_cast %scan3A_148 : i32 to index
      %get3A_785 = arith.constant 624 : index
      %get3A_786 = tpu.vector_load %arg13[%get3A_784, %get3A_785] {strides = array<i32>} : memref<16x768xf32, #tpu.memory_space<vmem>>, vector<1x16xf32>,
      %get3A_787 = vector.shape_cast %get3A_786 : vector<1x16xf32> to vector<16xf32>
      %mul3A_788 = arith.mulf %get3A_154, %get3A_787 : vector<16xf32>
      %get3A_789 = arith.index_cast %scan3A_148 : i32 to index
      %get3A_790 = arith.constant 624 : index
      %get3A_791 = tpu.vector_load %arg16[%get3A_789, %get3A_790] {strides = array<i32>} : memref<16x768xf32, #tpu.memory_space<vmem>>, vector<1x16xf32>,
      %get3A_792 = vector.shape_cast %get3A_791 : vector<1x16xf32> to vector<16xf32>
      %mul3A_793 = arith.mulf %get3A_160, %get3A_792 : vector<16xf32>
      %add3A_794 = arith.addf %mul3A_788, %mul3A_793 : vector<16xf32>
      %swap3A_795 = arith.index_cast %scan3A_148 : i32 to index
      %swap3A_796 = arith.constant 624 : index
      %swap3A_797 = tpu.vector_load %arg13[%swap3A_795, %swap3A_796] {strides = array<i32>} : memref<16x768xf32, #tpu.memory_space<vmem>>, vector<1x16xf32>,
      %swap3A_798 = vector.shape_cast %swap3A_797 : vector<1x16xf32> to vector<16xf32>
      %swap3A_799 = vector.shape_cast %add3A_794 : vector<16xf32> to vector<1x16xf32>
      tpu.vector_store %arg13[%swap3A_795, %swap3A_796], %swap3A_799 {strides = array<i32>} : memref<16x768xf32, #tpu.memory_space<vmem>>, vector<1x16xf32>,
      %get3A_800 = arith.index_cast %scan3A_148 : i32 to index
      %get3A_801 = arith.constant 640 : index
      %get3A_802 = tpu.vector_load %arg13[%get3A_800, %get3A_801] {strides = array<i32>} : memref<16x768xf32, #tpu.memory_space<vmem>>, vector<1x16xf32>,
      %get3A_803 = vector.shape_cast %get3A_802 : vector<1x16xf32> to vector<16xf32>
      %mul3A_804 = arith.mulf %get3A_154, %get3A_803 : vector<16xf32>
      %get3A_805 = arith.index_cast %scan3A_148 : i32 to index
      %get3A_806 = arith.constant 640 : index
      %get3A_807 = tpu.vector_load %arg16[%get3A_805, %get3A_806] {strides = array<i32>} : memref<16x768xf32, #tpu.memory_space<vmem>>, vector<1x16xf32>,
      %get3A_808 = vector.shape_cast %get3A_807 : vector<1x16xf32> to vector<16xf32>
      %mul3A_809 = arith.mulf %get3A_160, %get3A_808 : vector<16xf32>
      %add3A_810 = arith.addf %mul3A_804, %mul3A_809 : vector<16xf32>
      %swap3A_811 = arith.index_cast %scan3A_148 : i32 to index
      %swap3A_812 = arith.constant 640 : index
      %swap3A_813 = tpu.vector_load %arg13[%swap3A_811, %swap3A_812] {strides = array<i32>} : memref<16x768xf32, #tpu.memory_space<vmem>>, vector<1x16xf32>,
      %swap3A_814 = vector.shape_cast %swap3A_813 : vector<1x16xf32> to vector<16xf32>
      %swap3A_815 = vector.shape_cast %add3A_810 : vector<16xf32> to vector<1x16xf32>
      tpu.vector_store %arg13[%swap3A_811, %swap3A_812], %swap3A_815 {strides = array<i32>} : memref<16x768xf32, #tpu.memory_space<vmem>>, vector<1x16xf32>,
      %get3A_816 = arith.index_cast %scan3A_148 : i32 to index
      %get3A_817 = arith.constant 656 : index
      %get3A_818 = tpu.vector_load %arg13[%get3A_816, %get3A_817] {strides = array<i32>} : memref<16x768xf32, #tpu.memory_space<vmem>>, vector<1x16xf32>,
      %get3A_819 = vector.shape_cast %get3A_818 : vector<1x16xf32> to vector<16xf32>
      %mul3A_820 = arith.mulf %get3A_154, %get3A_819 : vector<16xf32>
      %get3A_821 = arith.index_cast %scan3A_148 : i32 to index
      %get3A_822 = arith.constant 656 : index
      %get3A_823 = tpu.vector_load %arg16[%get3A_821, %get3A_822] {strides = array<i32>} : memref<16x768xf32, #tpu.memory_space<vmem>>, vector<1x16xf32>,
      %get3A_824 = vector.shape_cast %get3A_823 : vector<1x16xf32> to vector<16xf32>
      %mul3A_825 = arith.mulf %get3A_160, %get3A_824 : vector<16xf32>
      %add3A_826 = arith.addf %mul3A_820, %mul3A_825 : vector<16xf32>
      %swap3A_827 = arith.index_cast %scan3A_148 : i32 to index
      %swap3A_828 = arith.constant 656 : index
      %swap3A_829 = tpu.vector_load %arg13[%swap3A_827, %swap3A_828] {strides = array<i32>} : memref<16x768xf32, #tpu.memory_space<vmem>>, vector<1x16xf32>,
      %swap3A_830 = vector.shape_cast %swap3A_829 : vector<1x16xf32> to vector<16xf32>
      %swap3A_831 = vector.shape_cast %add3A_826 : vector<16xf32> to vector<1x16xf32>
      tpu.vector_store %arg13[%swap3A_827, %swap3A_828], %swap3A_831 {strides = array<i32>} : memref<16x768xf32, #tpu.memory_space<vmem>>, vector<1x16xf32>,
      %get3A_832 = arith.index_cast %scan3A_148 : i32 to index
      %get3A_833 = arith.constant 672 : index
      %get3A_834 = tpu.vector_load %arg13[%get3A_832, %get3A_833] {strides = array<i32>} : memref<16x768xf32, #tpu.memory_space<vmem>>, vector<1x16xf32>,
      %get3A_835 = vector.shape_cast %get3A_834 : vector<1x16xf32> to vector<16xf32>
      %mul3A_836 = arith.mulf %get3A_154, %get3A_835 : vector<16xf32>
      %get3A_837 = arith.index_cast %scan3A_148 : i32 to index
      %get3A_838 = arith.constant 672 : index
      %get3A_839 = tpu.vector_load %arg16[%get3A_837, %get3A_838] {strides = array<i32>} : memref<16x768xf32, #tpu.memory_space<vmem>>, vector<1x16xf32>,
      %get3A_840 = vector.shape_cast %get3A_839 : vector<1x16xf32> to vector<16xf32>
      %mul3A_841 = arith.mulf %get3A_160, %get3A_840 : vector<16xf32>
      %add3A_842 = arith.addf %mul3A_836, %mul3A_841 : vector<16xf32>
      %swap3A_843 = arith.index_cast %scan3A_148 : i32 to index
      %swap3A_844 = arith.constant 672 : index
      %swap3A_845 = tpu.vector_load %arg13[%swap3A_843, %swap3A_844] {strides = array<i32>} : memref<16x768xf32, #tpu.memory_space<vmem>>, vector<1x16xf32>,
      %swap3A_846 = vector.shape_cast %swap3A_845 : vector<1x16xf32> to vector<16xf32>
      %swap3A_847 = vector.shape_cast %add3A_842 : vector<16xf32> to vector<1x16xf32>
      tpu.vector_store %arg13[%swap3A_843, %swap3A_844], %swap3A_847 {strides = array<i32>} : memref<16x768xf32, #tpu.memory_space<vmem>>, vector<1x16xf32>,
      %get3A_848 = arith.index_cast %scan3A_148 : i32 to index
      %get3A_849 = arith.constant 688 : index
      %get3A_850 = tpu.vector_load %arg13[%get3A_848, %get3A_849] {strides = array<i32>} : memref<16x768xf32, #tpu.memory_space<vmem>>, vector<1x16xf32>,
      %get3A_851 = vector.shape_cast %get3A_850 : vector<1x16xf32> to vector<16xf32>
      %mul3A_852 = arith.mulf %get3A_154, %get3A_851 : vector<16xf32>
      %get3A_853 = arith.index_cast %scan3A_148 : i32 to index
      %get3A_854 = arith.constant 688 : index
      %get3A_855 = tpu.vector_load %arg16[%get3A_853, %get3A_854] {strides = array<i32>} : memref<16x768xf32, #tpu.memory_space<vmem>>, vector<1x16xf32>,
      %get3A_856 = vector.shape_cast %get3A_855 : vector<1x16xf32> to vector<16xf32>
      %mul3A_857 = arith.mulf %get3A_160, %get3A_856 : vector<16xf32>
      %add3A_858 = arith.addf %mul3A_852, %mul3A_857 : vector<16xf32>
      %swap3A_859 = arith.index_cast %scan3A_148 : i32 to index
      %swap3A_860 = arith.constant 688 : index
      %swap3A_861 = tpu.vector_load %arg13[%swap3A_859, %swap3A_860] {strides = array<i32>} : memref<16x768xf32, #tpu.memory_space<vmem>>, vector<1x16xf32>,
      %swap3A_862 = vector.shape_cast %swap3A_861 : vector<1x16xf32> to vector<16xf32>
      %swap3A_863 = vector.shape_cast %add3A_858 : vector<16xf32> to vector<1x16xf32>
      tpu.vector_store %arg13[%swap3A_859, %swap3A_860], %swap3A_863 {strides = array<i32>} : memref<16x768xf32, #tpu.memory_space<vmem>>, vector<1x16xf32>,
      %get3A_864 = arith.index_cast %scan3A_148 : i32 to index
      %get3A_865 = arith.constant 704 : index
      %get3A_866 = tpu.vector_load %arg13[%get3A_864, %get3A_865] {strides = array<i32>} : memref<16x768xf32, #tpu.memory_space<vmem>>, vector<1x16xf32>,
      %get3A_867 = vector.shape_cast %get3A_866 : vector<1x16xf32> to vector<16xf32>
      %mul3A_868 = arith.mulf %get3A_154, %get3A_867 : vector<16xf32>
      %get3A_869 = arith.index_cast %scan3A_148 : i32 to index
      %get3A_870 = arith.constant 704 : index
      %get3A_871 = tpu.vector_load %arg16[%get3A_869, %get3A_870] {strides = array<i32>} : memref<16x768xf32, #tpu.memory_space<vmem>>, vector<1x16xf32>,
      %get3A_872 = vector.shape_cast %get3A_871 : vector<1x16xf32> to vector<16xf32>
      %mul3A_873 = arith.mulf %get3A_160, %get3A_872 : vector<16xf32>
      %add3A_874 = arith.addf %mul3A_868, %mul3A_873 : vector<16xf32>
      %swap3A_875 = arith.index_cast %scan3A_148 : i32 to index
      %swap3A_876 = arith.constant 704 : index
      %swap3A_877 = tpu.vector_load %arg13[%swap3A_875, %swap3A_876] {strides = array<i32>} : memref<16x768xf32, #tpu.memory_space<vmem>>, vector<1x16xf32>,
      %swap3A_878 = vector.shape_cast %swap3A_877 : vector<1x16xf32> to vector<16xf32>
      %swap3A_879 = vector.shape_cast %add3A_874 : vector<16xf32> to vector<1x16xf32>
      tpu.vector_store %arg13[%swap3A_875, %swap3A_876], %swap3A_879 {strides = array<i32>} : memref<16x768xf32, #tpu.memory_space<vmem>>, vector<1x16xf32>,
      %get3A_880 = arith.index_cast %scan3A_148 : i32 to index
      %get3A_881 = arith.constant 720 : index
      %get3A_882 = tpu.vector_load %arg13[%get3A_880, %get3A_881] {strides = array<i32>} : memref<16x768xf32, #tpu.memory_space<vmem>>, vector<1x16xf32>,
      %get3A_883 = vector.shape_cast %get3A_882 : vector<1x16xf32> to vector<16xf32>
      %mul3A_884 = arith.mulf %get3A_154, %get3A_883 : vector<16xf32>
      %get3A_885 = arith.index_cast %scan3A_148 : i32 to index
      %get3A_886 = arith.constant 720 : index
      %get3A_887 = tpu.vector_load %arg16[%get3A_885, %get3A_886] {strides = array<i32>} : memref<16x768xf32, #tpu.memory_space<vmem>>, vector<1x16xf32>,
      %get3A_888 = vector.shape_cast %get3A_887 : vector<1x16xf32> to vector<16xf32>
      %mul3A_889 = arith.mulf %get3A_160, %get3A_888 : vector<16xf32>
      %add3A_890 = arith.addf %mul3A_884, %mul3A_889 : vector<16xf32>
      %swap3A_891 = arith.index_cast %scan3A_148 : i32 to index
      %swap3A_892 = arith.constant 720 : index
      %swap3A_893 = tpu.vector_load %arg13[%swap3A_891, %swap3A_892] {strides = array<i32>} : memref<16x768xf32, #tpu.memory_space<vmem>>, vector<1x16xf32>,
      %swap3A_894 = vector.shape_cast %swap3A_893 : vector<1x16xf32> to vector<16xf32>
      %swap3A_895 = vector.shape_cast %add3A_890 : vector<16xf32> to vector<1x16xf32>
      tpu.vector_store %arg13[%swap3A_891, %swap3A_892], %swap3A_895 {strides = array<i32>} : memref<16x768xf32, #tpu.memory_space<vmem>>, vector<1x16xf32>,
      %get3A_896 = arith.index_cast %scan3A_148 : i32 to index
      %get3A_897 = arith.constant 736 : index
      %get3A_898 = tpu.vector_load %arg13[%get3A_896, %get3A_897] {strides = array<i32>} : memref<16x768xf32, #tpu.memory_space<vmem>>, vector<1x16xf32>,
      %get3A_899 = vector.shape_cast %get3A_898 : vector<1x16xf32> to vector<16xf32>
      %mul3A_900 = arith.mulf %get3A_154, %get3A_899 : vector<16xf32>
      %get3A_901 = arith.index_cast %scan3A_148 : i32 to index
      %get3A_902 = arith.constant 736 : index
      %get3A_903 = tpu.vector_load %arg16[%get3A_901, %get3A_902] {strides = array<i32>} : memref<16x768xf32, #tpu.memory_space<vmem>>, vector<1x16xf32>,
      %get3A_904 = vector.shape_cast %get3A_903 : vector<1x16xf32> to vector<16xf32>
      %mul3A_905 = arith.mulf %get3A_160, %get3A_904 : vector<16xf32>
      %add3A_906 = arith.addf %mul3A_900, %mul3A_905 : vector<16xf32>
      %swap3A_907 = arith.index_cast %scan3A_148 : i32 to index
      %swap3A_908 = arith.constant 736 : index
      %swap3A_909 = tpu.vector_load %arg13[%swap3A_907, %swap3A_908] {strides = array<i32>} : memref<16x768xf32, #tpu.memory_space<vmem>>, vector<1x16xf32>,
      %swap3A_910 = vector.shape_cast %swap3A_909 : vector<1x16xf32> to vector<16xf32>
      %swap3A_911 = vector.shape_cast %add3A_906 : vector<16xf32> to vector<1x16xf32>
      tpu.vector_store %arg13[%swap3A_907, %swap3A_908], %swap3A_911 {strides = array<i32>} : memref<16x768xf32, #tpu.memory_space<vmem>>, vector<1x16xf32>,
      %get3A_912 = arith.index_cast %scan3A_148 : i32 to index
      %get3A_913 = arith.constant 752 : index
      %get3A_914 = tpu.vector_load %arg13[%get3A_912, %get3A_913] {strides = array<i32>} : memref<16x768xf32, #tpu.memory_space<vmem>>, vector<1x16xf32>,
      %get3A_915 = vector.shape_cast %get3A_914 : vector<1x16xf32> to vector<16xf32>
      %mul3A_916 = arith.mulf %get3A_154, %get3A_915 : vector<16xf32>
      %get3A_917 = arith.index_cast %scan3A_148 : i32 to index
      %get3A_918 = arith.constant 752 : index
      %get3A_919 = tpu.vector_load %arg16[%get3A_917, %get3A_918] {strides = array<i32>} : memref<16x768xf32, #tpu.memory_space<vmem>>, vector<1x16xf32>,
      %get3A_920 = vector.shape_cast %get3A_919 : vector<1x16xf32> to vector<16xf32>
      %mul3A_921 = arith.mulf %get3A_160, %get3A_920 : vector<16xf32>
      %add3A_922 = arith.addf %mul3A_916, %mul3A_921 : vector<16xf32>
      %swap3A_923 = arith.index_cast %scan3A_148 : i32 to index
      %swap3A_924 = arith.constant 752 : index
      %swap3A_925 = tpu.vector_load %arg13[%swap3A_923, %swap3A_924] {strides = array<i32>} : memref<16x768xf32, #tpu.memory_space<vmem>>, vector<1x16xf32>,
      %swap3A_926 = vector.shape_cast %swap3A_925 : vector<1x16xf32> to vector<16xf32>
      %swap3A_927 = vector.shape_cast %add3A_922 : vector<16xf32> to vector<1x16xf32>
      tpu.vector_store %arg13[%swap3A_923, %swap3A_924], %swap3A_927 {strides = array<i32>} : memref<16x768xf32, #tpu.memory_space<vmem>>, vector<1x16xf32>,
      %scan3A_928 = arith.constant 0 : i32
      scf.yield %scan3A_928 : i32
    }
    %scan3A_83 = arith.constant 16 : i32
    %add3A_84 = arith.constant 16 : i32
    %add3A_85 = arith.addi %mul3A_2, %add3A_84 : i32
    %dma_start3A_86 = arith.constant 0 : i32
    %dma_start3A_87 = tpu.memref_slice %arg7[%add3A_85, %dma_start3A_86] : memref<2048x768xf32, #tpu.memory_space<hbm>> -> memref<16x768xf32, #tpu.memory_space<hbm>>
    %dma_start3A_88 = arith.constant 0 : i32
    %dma_start3A_89 = tpu.memref_slice %arg7[%add3A_85, %dma_start3A_88] : memref<2048x768xf32, #tpu.memory_space<hbm>> -> memref<16x768xf32, #tpu.memory_space<hbm>>
    tpu.enqueue_dma source(%arg13 : memref<16x768xf32, #tpu.memory_space<vmem>>) target(%dma_start3A_89 : memref<16x768xf32, #tpu.memory_space<hbm>>) target_semaphore(%arg25 : memref<!tpu.dma_semaphore, #tpu.memory_space<semaphore_mem>>)
    %dma_wait3A_90 = arith.constant 32 : i32
    %dma_wait3A_91 = tpu.memref_slice %arg8[%dma_wait3A_90] : memref<64xi32, #tpu.memory_space<vmem>> -> memref<16xi32, #tpu.memory_space<vmem>>
    %dma_wait3A_92 = arith.constant 0 : i32
    %dma_wait3A_93 = arith.constant 0 : i32
    %dma_wait3A_94 = tpu.memref_slice %arg2[%dma_wait3A_92, %dma_wait3A_93] : memref<4096x768xf32, #tpu.memory_space<hbm>> -> memref<4096x768xf32, #tpu.memory_space<hbm>>
    tpu.wait_indirect_dma semaphore(%arg20 : memref<!tpu.dma_semaphore, #tpu.memory_space<semaphore_mem>>) src(%dma_wait3A_94 : memref<4096x768xf32, #tpu.memory_space<hbm>>) dst(%arg14 : memref<16x768xf32, #tpu.memory_space<vmem>>)
    %dma_wait3A_95 = arith.constant 32 : i32
    %dma_wait3A_96 = tpu.memref_slice %arg9[%dma_wait3A_95] : memref<64xi32, #tpu.memory_space<vmem>> -> memref<16xi32, #tpu.memory_space<vmem>>
    %dma_wait3A_97 = arith.constant 0 : i32
    %dma_wait3A_98 = arith.constant 0 : i32
    %dma_wait3A_99 = tpu.memref_slice %arg2[%dma_wait3A_97, %dma_wait3A_98] : memref<4096x768xf32, #tpu.memory_space<hbm>> -> memref<4096x768xf32, #tpu.memory_space<hbm>>
    tpu.wait_indirect_dma semaphore(%arg23 : memref<!tpu.dma_semaphore, #tpu.memory_space<semaphore_mem>>) src(%dma_wait3A_99 : memref<4096x768xf32, #tpu.memory_space<hbm>>) dst(%arg17 : memref<16x768xf32, #tpu.memory_space<vmem>>)
    %scan3A_100 = arith.constant 0 : i32
    %scan3A_101 = arith.constant 0 : i32
    %scan3A_102 = arith.constant 16 : i32
    %scan3A_103 = arith.addi %scan3A_101, %scan3A_102 : i32
    %scan3A_104 = arith.constant 1 : i32
    %scan3A_105 = scf.for %scan3A_148 = %scan3A_101 to %scan3A_103 step %scan3A_104 iter_args(%scan3A_149 = %scan3A_100) -> (i32)  : i32 {
      %add3A_150 = arith.constant 32 : i32
      %add3A_151 = arith.addi %add3A_150, %scan3A_148 : i32
      %get3A = arith.index_cast %add3A_151 : i32 to index
      %get3A_152 = arith.constant 0 : index
      %get3A_153 = tpu.vector_load %arg10[%get3A, %get3A_152] {strides = array<i32>} : memref<64x16xf32, #tpu.memory_space<vmem>>, vector<1x16xf32>,
      %get3A_154 = vector.shape_cast %get3A_153 : vector<1x16xf32> to vector<16xf32>
      %add3A_155 = arith.constant 32 : i32
      %add3A_156 = arith.addi %add3A_155, %scan3A_148 : i32
      %get3A_157 = arith.index_cast %add3A_156 : i32 to index
      %get3A_158 = arith.constant 0 : index
      %get3A_159 = tpu.vector_load %arg11[%get3A_157, %get3A_158] {strides = array<i32>} : memref<64x16xf32, #tpu.memory_space<vmem>>, vector<1x16xf32>,
      %get3A_160 = vector.shape_cast %get3A_159 : vector<1x16xf32> to vector<16xf32>
      %get3A_161 = arith.index_cast %scan3A_148 : i32 to index
      %get3A_162 = arith.constant 0 : index
      %get3A_163 = tpu.vector_load %arg14[%get3A_161, %get3A_162] {strides = array<i32>} : memref<16x768xf32, #tpu.memory_space<vmem>>, vector<1x16xf32>,
      %get3A_164 = vector.shape_cast %get3A_163 : vector<1x16xf32> to vector<16xf32>
      %mul3A_165 = arith.mulf %get3A_154, %get3A_164 : vector<16xf32>
      %get3A_166 = arith.index_cast %scan3A_148 : i32 to index
      %get3A_167 = arith.constant 0 : index
      %get3A_168 = tpu.vector_load %arg17[%get3A_166, %get3A_167] {strides = array<i32>} : memref<16x768xf32, #tpu.memory_space<vmem>>, vector<1x16xf32>,
      %get3A_169 = vector.shape_cast %get3A_168 : vector<1x16xf32> to vector<16xf32>
      %mul3A_170 = arith.mulf %get3A_160, %get3A_169 : vector<16xf32>
      %add3A_171 = arith.addf %mul3A_165, %mul3A_170 : vector<16xf32>
      %swap3A = arith.index_cast %scan3A_148 : i32 to index
      %swap3A_172 = arith.constant 0 : index
      %swap3A_173 = tpu.vector_load %arg14[%swap3A, %swap3A_172] {strides = array<i32>} : memref<16x768xf32, #tpu.memory_space<vmem>>, vector<1x16xf32>,
      %swap3A_174 = vector.shape_cast %swap3A_173 : vector<1x16xf32> to vector<16xf32>
      %swap3A_175 = vector.shape_cast %add3A_171 : vector<16xf32> to vector<1x16xf32>
      tpu.vector_store %arg14[%swap3A, %swap3A_172], %swap3A_175 {strides = array<i32>} : memref<16x768xf32, #tpu.memory_space<vmem>>, vector<1x16xf32>,
      %get3A_176 = arith.index_cast %scan3A_148 : i32 to index
      %get3A_177 = arith.constant 16 : index
      %get3A_178 = tpu.vector_load %arg14[%get3A_176, %get3A_177] {strides = array<i32>} : memref<16x768xf32, #tpu.memory_space<vmem>>, vector<1x16xf32>,
      %get3A_179 = vector.shape_cast %get3A_178 : vector<1x16xf32> to vector<16xf32>
      %mul3A_180 = arith.mulf %get3A_154, %get3A_179 : vector<16xf32>
      %get3A_181 = arith.index_cast %scan3A_148 : i32 to index
      %get3A_182 = arith.constant 16 : index
      %get3A_183 = tpu.vector_load %arg17[%get3A_181, %get3A_182] {strides = array<i32>} : memref<16x768xf32, #tpu.memory_space<vmem>>, vector<1x16xf32>,
      %get3A_184 = vector.shape_cast %get3A_183 : vector<1x16xf32> to vector<16xf32>
      %mul3A_185 = arith.mulf %get3A_160, %get3A_184 : vector<16xf32>
      %add3A_186 = arith.addf %mul3A_180, %mul3A_185 : vector<16xf32>
      %swap3A_187 = arith.index_cast %scan3A_148 : i32 to index
      %swap3A_188 = arith.constant 16 : index
      %swap3A_189 = tpu.vector_load %arg14[%swap3A_187, %swap3A_188] {strides = array<i32>} : memref<16x768xf32, #tpu.memory_space<vmem>>, vector<1x16xf32>,
      %swap3A_190 = vector.shape_cast %swap3A_189 : vector<1x16xf32> to vector<16xf32>
      %swap3A_191 = vector.shape_cast %add3A_186 : vector<16xf32> to vector<1x16xf32>
      tpu.vector_store %arg14[%swap3A_187, %swap3A_188], %swap3A_191 {strides = array<i32>} : memref<16x768xf32, #tpu.memory_space<vmem>>, vector<1x16xf32>,
      %get3A_192 = arith.index_cast %scan3A_148 : i32 to index
      %get3A_193 = arith.constant 32 : index
      %get3A_194 = tpu.vector_load %arg14[%get3A_192, %get3A_193] {strides = array<i32>} : memref<16x768xf32, #tpu.memory_space<vmem>>, vector<1x16xf32>,
      %get3A_195 = vector.shape_cast %get3A_194 : vector<1x16xf32> to vector<16xf32>
      %mul3A_196 = arith.mulf %get3A_154, %get3A_195 : vector<16xf32>
      %get3A_197 = arith.index_cast %scan3A_148 : i32 to index
      %get3A_198 = arith.constant 32 : index
      %get3A_199 = tpu.vector_load %arg17[%get3A_197, %get3A_198] {strides = array<i32>} : memref<16x768xf32, #tpu.memory_space<vmem>>, vector<1x16xf32>,
      %get3A_200 = vector.shape_cast %get3A_199 : vector<1x16xf32> to vector<16xf32>
      %mul3A_201 = arith.mulf %get3A_160, %get3A_200 : vector<16xf32>
      %add3A_202 = arith.addf %mul3A_196, %mul3A_201 : vector<16xf32>
      %swap3A_203 = arith.index_cast %scan3A_148 : i32 to index
      %swap3A_204 = arith.constant 32 : index
      %swap3A_205 = tpu.vector_load %arg14[%swap3A_203, %swap3A_204] {strides = array<i32>} : memref<16x768xf32, #tpu.memory_space<vmem>>, vector<1x16xf32>,
      %swap3A_206 = vector.shape_cast %swap3A_205 : vector<1x16xf32> to vector<16xf32>
      %swap3A_207 = vector.shape_cast %add3A_202 : vector<16xf32> to vector<1x16xf32>
      tpu.vector_store %arg14[%swap3A_203, %swap3A_204], %swap3A_207 {strides = array<i32>} : memref<16x768xf32, #tpu.memory_space<vmem>>, vector<1x16xf32>,
      %get3A_208 = arith.index_cast %scan3A_148 : i32 to index
      %get3A_209 = arith.constant 48 : index
      %get3A_210 = tpu.vector_load %arg14[%get3A_208, %get3A_209] {strides = array<i32>} : memref<16x768xf32, #tpu.memory_space<vmem>>, vector<1x16xf32>,
      %get3A_211 = vector.shape_cast %get3A_210 : vector<1x16xf32> to vector<16xf32>
      %mul3A_212 = arith.mulf %get3A_154, %get3A_211 : vector<16xf32>
      %get3A_213 = arith.index_cast %scan3A_148 : i32 to index
      %get3A_214 = arith.constant 48 : index
      %get3A_215 = tpu.vector_load %arg17[%get3A_213, %get3A_214] {strides = array<i32>} : memref<16x768xf32, #tpu.memory_space<vmem>>, vector<1x16xf32>,
      %get3A_216 = vector.shape_cast %get3A_215 : vector<1x16xf32> to vector<16xf32>
      %mul3A_217 = arith.mulf %get3A_160, %get3A_216 : vector<16xf32>
      %add3A_218 = arith.addf %mul3A_212, %mul3A_217 : vector<16xf32>
      %swap3A_219 = arith.index_cast %scan3A_148 : i32 to index
      %swap3A_220 = arith.constant 48 : index
      %swap3A_221 = tpu.vector_load %arg14[%swap3A_219, %swap3A_220] {strides = array<i32>} : memref<16x768xf32, #tpu.memory_space<vmem>>, vector<1x16xf32>,
      %swap3A_222 = vector.shape_cast %swap3A_221 : vector<1x16xf32> to vector<16xf32>
      %swap3A_223 = vector.shape_cast %add3A_218 : vector<16xf32> to vector<1x16xf32>
      tpu.vector_store %arg14[%swap3A_219, %swap3A_220], %swap3A_223 {strides = array<i32>} : memref<16x768xf32, #tpu.memory_space<vmem>>, vector<1x16xf32>,
      %get3A_224 = arith.index_cast %scan3A_148 : i32 to index
      %get3A_225 = arith.constant 64 : index
      %get3A_226 = tpu.vector_load %arg14[%get3A_224, %get3A_225] {strides = array<i32>} : memref<16x768xf32, #tpu.memory_space<vmem>>, vector<1x16xf32>,
      %get3A_227 = vector.shape_cast %get3A_226 : vector<1x16xf32> to vector<16xf32>
      %mul3A_228 = arith.mulf %get3A_154, %get3A_227 : vector<16xf32>
      %get3A_229 = arith.index_cast %scan3A_148 : i32 to index
      %get3A_230 = arith.constant 64 : index
      %get3A_231 = tpu.vector_load %arg17[%get3A_229, %get3A_230] {strides = array<i32>} : memref<16x768xf32, #tpu.memory_space<vmem>>, vector<1x16xf32>,
      %get3A_232 = vector.shape_cast %get3A_231 : vector<1x16xf32> to vector<16xf32>
      %mul3A_233 = arith.mulf %get3A_160, %get3A_232 : vector<16xf32>
      %add3A_234 = arith.addf %mul3A_228, %mul3A_233 : vector<16xf32>
      %swap3A_235 = arith.index_cast %scan3A_148 : i32 to index
      %swap3A_236 = arith.constant 64 : index
      %swap3A_237 = tpu.vector_load %arg14[%swap3A_235, %swap3A_236] {strides = array<i32>} : memref<16x768xf32, #tpu.memory_space<vmem>>, vector<1x16xf32>,
      %swap3A_238 = vector.shape_cast %swap3A_237 : vector<1x16xf32> to vector<16xf32>
      %swap3A_239 = vector.shape_cast %add3A_234 : vector<16xf32> to vector<1x16xf32>
      tpu.vector_store %arg14[%swap3A_235, %swap3A_236], %swap3A_239 {strides = array<i32>} : memref<16x768xf32, #tpu.memory_space<vmem>>, vector<1x16xf32>,
      %get3A_240 = arith.index_cast %scan3A_148 : i32 to index
      %get3A_241 = arith.constant 80 : index
      %get3A_242 = tpu.vector_load %arg14[%get3A_240, %get3A_241] {strides = array<i32>} : memref<16x768xf32, #tpu.memory_space<vmem>>, vector<1x16xf32>,
      %get3A_243 = vector.shape_cast %get3A_242 : vector<1x16xf32> to vector<16xf32>
      %mul3A_244 = arith.mulf %get3A_154, %get3A_243 : vector<16xf32>
      %get3A_245 = arith.index_cast %scan3A_148 : i32 to index
      %get3A_246 = arith.constant 80 : index
      %get3A_247 = tpu.vector_load %arg17[%get3A_245, %get3A_246] {strides = array<i32>} : memref<16x768xf32, #tpu.memory_space<vmem>>, vector<1x16xf32>,
      %get3A_248 = vector.shape_cast %get3A_247 : vector<1x16xf32> to vector<16xf32>
      %mul3A_249 = arith.mulf %get3A_160, %get3A_248 : vector<16xf32>
      %add3A_250 = arith.addf %mul3A_244, %mul3A_249 : vector<16xf32>
      %swap3A_251 = arith.index_cast %scan3A_148 : i32 to index
      %swap3A_252 = arith.constant 80 : index
      %swap3A_253 = tpu.vector_load %arg14[%swap3A_251, %swap3A_252] {strides = array<i32>} : memref<16x768xf32, #tpu.memory_space<vmem>>, vector<1x16xf32>,
      %swap3A_254 = vector.shape_cast %swap3A_253 : vector<1x16xf32> to vector<16xf32>
      %swap3A_255 = vector.shape_cast %add3A_250 : vector<16xf32> to vector<1x16xf32>
      tpu.vector_store %arg14[%swap3A_251, %swap3A_252], %swap3A_255 {strides = array<i32>} : memref<16x768xf32, #tpu.memory_space<vmem>>, vector<1x16xf32>,
      %get3A_256 = arith.index_cast %scan3A_148 : i32 to index
      %get3A_257 = arith.constant 96 : index
      %get3A_258 = tpu.vector_load %arg14[%get3A_256, %get3A_257] {strides = array<i32>} : memref<16x768xf32, #tpu.memory_space<vmem>>, vector<1x16xf32>,
      %get3A_259 = vector.shape_cast %get3A_258 : vector<1x16xf32> to vector<16xf32>
      %mul3A_260 = arith.mulf %get3A_154, %get3A_259 : vector<16xf32>
      %get3A_261 = arith.index_cast %scan3A_148 : i32 to index
      %get3A_262 = arith.constant 96 : index
      %get3A_263 = tpu.vector_load %arg17[%get3A_261, %get3A_262] {strides = array<i32>} : memref<16x768xf32, #tpu.memory_space<vmem>>, vector<1x16xf32>,
      %get3A_264 = vector.shape_cast %get3A_263 : vector<1x16xf32> to vector<16xf32>
      %mul3A_265 = arith.mulf %get3A_160, %get3A_264 : vector<16xf32>
      %add3A_266 = arith.addf %mul3A_260, %mul3A_265 : vector<16xf32>
      %swap3A_267 = arith.index_cast %scan3A_148 : i32 to index
      %swap3A_268 = arith.constant 96 : index
      %swap3A_269 = tpu.vector_load %arg14[%swap3A_267, %swap3A_268] {strides = array<i32>} : memref<16x768xf32, #tpu.memory_space<vmem>>, vector<1x16xf32>,
      %swap3A_270 = vector.shape_cast %swap3A_269 : vector<1x16xf32> to vector<16xf32>
      %swap3A_271 = vector.shape_cast %add3A_266 : vector<16xf32> to vector<1x16xf32>
      tpu.vector_store %arg14[%swap3A_267, %swap3A_268], %swap3A_271 {strides = array<i32>} : memref<16x768xf32, #tpu.memory_space<vmem>>, vector<1x16xf32>,
      %get3A_272 = arith.index_cast %scan3A_148 : i32 to index
      %get3A_273 = arith.constant 112 : index
      %get3A_274 = tpu.vector_load %arg14[%get3A_272, %get3A_273] {strides = array<i32>} : memref<16x768xf32, #tpu.memory_space<vmem>>, vector<1x16xf32>,
      %get3A_275 = vector.shape_cast %get3A_274 : vector<1x16xf32> to vector<16xf32>
      %mul3A_276 = arith.mulf %get3A_154, %get3A_275 : vector<16xf32>
      %get3A_277 = arith.index_cast %scan3A_148 : i32 to index
      %get3A_278 = arith.constant 112 : index
      %get3A_279 = tpu.vector_load %arg17[%get3A_277, %get3A_278] {strides = array<i32>} : memref<16x768xf32, #tpu.memory_space<vmem>>, vector<1x16xf32>,
      %get3A_280 = vector.shape_cast %get3A_279 : vector<1x16xf32> to vector<16xf32>
      %mul3A_281 = arith.mulf %get3A_160, %get3A_280 : vector<16xf32>
      %add3A_282 = arith.addf %mul3A_276, %mul3A_281 : vector<16xf32>
      %swap3A_283 = arith.index_cast %scan3A_148 : i32 to index
      %swap3A_284 = arith.constant 112 : index
      %swap3A_285 = tpu.vector_load %arg14[%swap3A_283, %swap3A_284] {strides = array<i32>} : memref<16x768xf32, #tpu.memory_space<vmem>>, vector<1x16xf32>,
      %swap3A_286 = vector.shape_cast %swap3A_285 : vector<1x16xf32> to vector<16xf32>
      %swap3A_287 = vector.shape_cast %add3A_282 : vector<16xf32> to vector<1x16xf32>
      tpu.vector_store %arg14[%swap3A_283, %swap3A_284], %swap3A_287 {strides = array<i32>} : memref<16x768xf32, #tpu.memory_space<vmem>>, vector<1x16xf32>,
      %get3A_288 = arith.index_cast %scan3A_148 : i32 to index
      %get3A_289 = arith.constant 128 : index
      %get3A_290 = tpu.vector_load %arg14[%get3A_288, %get3A_289] {strides = array<i32>} : memref<16x768xf32, #tpu.memory_space<vmem>>, vector<1x16xf32>,
      %get3A_291 = vector.shape_cast %get3A_290 : vector<1x16xf32> to vector<16xf32>
      %mul3A_292 = arith.mulf %get3A_154, %get3A_291 : vector<16xf32>
      %get3A_293 = arith.index_cast %scan3A_148 : i32 to index
      %get3A_294 = arith.constant 128 : index
      %get3A_295 = tpu.vector_load %arg17[%get3A_293, %get3A_294] {strides = array<i32>} : memref<16x768xf32, #tpu.memory_space<vmem>>, vector<1x16xf32>,
      %get3A_296 = vector.shape_cast %get3A_295 : vector<1x16xf32> to vector<16xf32>
      %mul3A_297 = arith.mulf %get3A_160, %get3A_296 : vector<16xf32>
      %add3A_298 = arith.addf %mul3A_292, %mul3A_297 : vector<16xf32>
      %swap3A_299 = arith.index_cast %scan3A_148 : i32 to index
      %swap3A_300 = arith.constant 128 : index
      %swap3A_301 = tpu.vector_load %arg14[%swap3A_299, %swap3A_300] {strides = array<i32>} : memref<16x768xf32, #tpu.memory_space<vmem>>, vector<1x16xf32>,
      %swap3A_302 = vector.shape_cast %swap3A_301 : vector<1x16xf32> to vector<16xf32>
      %swap3A_303 = vector.shape_cast %add3A_298 : vector<16xf32> to vector<1x16xf32>
      tpu.vector_store %arg14[%swap3A_299, %swap3A_300], %swap3A_303 {strides = array<i32>} : memref<16x768xf32, #tpu.memory_space<vmem>>, vector<1x16xf32>,
      %get3A_304 = arith.index_cast %scan3A_148 : i32 to index
      %get3A_305 = arith.constant 144 : index
      %get3A_306 = tpu.vector_load %arg14[%get3A_304, %get3A_305] {strides = array<i32>} : memref<16x768xf32, #tpu.memory_space<vmem>>, vector<1x16xf32>,
      %get3A_307 = vector.shape_cast %get3A_306 : vector<1x16xf32> to vector<16xf32>
      %mul3A_308 = arith.mulf %get3A_154, %get3A_307 : vector<16xf32>
      %get3A_309 = arith.index_cast %scan3A_148 : i32 to index
      %get3A_310 = arith.constant 144 : index
      %get3A_311 = tpu.vector_load %arg17[%get3A_309, %get3A_310] {strides = array<i32>} : memref<16x768xf32, #tpu.memory_space<vmem>>, vector<1x16xf32>,
      %get3A_312 = vector.shape_cast %get3A_311 : vector<1x16xf32> to vector<16xf32>
      %mul3A_313 = arith.mulf %get3A_160, %get3A_312 : vector<16xf32>
      %add3A_314 = arith.addf %mul3A_308, %mul3A_313 : vector<16xf32>
      %swap3A_315 = arith.index_cast %scan3A_148 : i32 to index
      %swap3A_316 = arith.constant 144 : index
      %swap3A_317 = tpu.vector_load %arg14[%swap3A_315, %swap3A_316] {strides = array<i32>} : memref<16x768xf32, #tpu.memory_space<vmem>>, vector<1x16xf32>,
      %swap3A_318 = vector.shape_cast %swap3A_317 : vector<1x16xf32> to vector<16xf32>
      %swap3A_319 = vector.shape_cast %add3A_314 : vector<16xf32> to vector<1x16xf32>
      tpu.vector_store %arg14[%swap3A_315, %swap3A_316], %swap3A_319 {strides = array<i32>} : memref<16x768xf32, #tpu.memory_space<vmem>>, vector<1x16xf32>,
      %get3A_320 = arith.index_cast %scan3A_148 : i32 to index
      %get3A_321 = arith.constant 160 : index
      %get3A_322 = tpu.vector_load %arg14[%get3A_320, %get3A_321] {strides = array<i32>} : memref<16x768xf32, #tpu.memory_space<vmem>>, vector<1x16xf32>,
      %get3A_323 = vector.shape_cast %get3A_322 : vector<1x16xf32> to vector<16xf32>
      %mul3A_324 = arith.mulf %get3A_154, %get3A_323 : vector<16xf32>
      %get3A_325 = arith.index_cast %scan3A_148 : i32 to index
      %get3A_326 = arith.constant 160 : index
      %get3A_327 = tpu.vector_load %arg17[%get3A_325, %get3A_326] {strides = array<i32>} : memref<16x768xf32, #tpu.memory_space<vmem>>, vector<1x16xf32>,
      %get3A_328 = vector.shape_cast %get3A_327 : vector<1x16xf32> to vector<16xf32>
      %mul3A_329 = arith.mulf %get3A_160, %get3A_328 : vector<16xf32>
      %add3A_330 = arith.addf %mul3A_324, %mul3A_329 : vector<16xf32>
      %swap3A_331 = arith.index_cast %scan3A_148 : i32 to index
      %swap3A_332 = arith.constant 160 : index
      %swap3A_333 = tpu.vector_load %arg14[%swap3A_331, %swap3A_332] {strides = array<i32>} : memref<16x768xf32, #tpu.memory_space<vmem>>, vector<1x16xf32>,
      %swap3A_334 = vector.shape_cast %swap3A_333 : vector<1x16xf32> to vector<16xf32>
      %swap3A_335 = vector.shape_cast %add3A_330 : vector<16xf32> to vector<1x16xf32>
      tpu.vector_store %arg14[%swap3A_331, %swap3A_332], %swap3A_335 {strides = array<i32>} : memref<16x768xf32, #tpu.memory_space<vmem>>, vector<1x16xf32>,
      %get3A_336 = arith.index_cast %scan3A_148 : i32 to index
      %get3A_337 = arith.constant 176 : index
      %get3A_338 = tpu.vector_load %arg14[%get3A_336, %get3A_337] {strides = array<i32>} : memref<16x768xf32, #tpu.memory_space<vmem>>, vector<1x16xf32>,
      %get3A_339 = vector.shape_cast %get3A_338 : vector<1x16xf32> to vector<16xf32>
      %mul3A_340 = arith.mulf %get3A_154, %get3A_339 : vector<16xf32>
      %get3A_341 = arith.index_cast %scan3A_148 : i32 to index
      %get3A_342 = arith.constant 176 : index
      %get3A_343 = tpu.vector_load %arg17[%get3A_341, %get3A_342] {strides = array<i32>} : memref<16x768xf32, #tpu.memory_space<vmem>>, vector<1x16xf32>,
      %get3A_344 = vector.shape_cast %get3A_343 : vector<1x16xf32> to vector<16xf32>
      %mul3A_345 = arith.mulf %get3A_160, %get3A_344 : vector<16xf32>
      %add3A_346 = arith.addf %mul3A_340, %mul3A_345 : vector<16xf32>
      %swap3A_347 = arith.index_cast %scan3A_148 : i32 to index
      %swap3A_348 = arith.constant 176 : index
      %swap3A_349 = tpu.vector_load %arg14[%swap3A_347, %swap3A_348] {strides = array<i32>} : memref<16x768xf32, #tpu.memory_space<vmem>>, vector<1x16xf32>,
      %swap3A_350 = vector.shape_cast %swap3A_349 : vector<1x16xf32> to vector<16xf32>
      %swap3A_351 = vector.shape_cast %add3A_346 : vector<16xf32> to vector<1x16xf32>
      tpu.vector_store %arg14[%swap3A_347, %swap3A_348], %swap3A_351 {strides = array<i32>} : memref<16x768xf32, #tpu.memory_space<vmem>>, vector<1x16xf32>,
      %get3A_352 = arith.index_cast %scan3A_148 : i32 to index
      %get3A_353 = arith.constant 192 : index
      %get3A_354 = tpu.vector_load %arg14[%get3A_352, %get3A_353] {strides = array<i32>} : memref<16x768xf32, #tpu.memory_space<vmem>>, vector<1x16xf32>,
      %get3A_355 = vector.shape_cast %get3A_354 : vector<1x16xf32> to vector<16xf32>
      %mul3A_356 = arith.mulf %get3A_154, %get3A_355 : vector<16xf32>
      %get3A_357 = arith.index_cast %scan3A_148 : i32 to index
      %get3A_358 = arith.constant 192 : index
      %get3A_359 = tpu.vector_load %arg17[%get3A_357, %get3A_358] {strides = array<i32>} : memref<16x768xf32, #tpu.memory_space<vmem>>, vector<1x16xf32>,
      %get3A_360 = vector.shape_cast %get3A_359 : vector<1x16xf32> to vector<16xf32>
      %mul3A_361 = arith.mulf %get3A_160, %get3A_360 : vector<16xf32>
      %add3A_362 = arith.addf %mul3A_356, %mul3A_361 : vector<16xf32>
      %swap3A_363 = arith.index_cast %scan3A_148 : i32 to index
      %swap3A_364 = arith.constant 192 : index
      %swap3A_365 = tpu.vector_load %arg14[%swap3A_363, %swap3A_364] {strides = array<i32>} : memref<16x768xf32, #tpu.memory_space<vmem>>, vector<1x16xf32>,
      %swap3A_366 = vector.shape_cast %swap3A_365 : vector<1x16xf32> to vector<16xf32>
      %swap3A_367 = vector.shape_cast %add3A_362 : vector<16xf32> to vector<1x16xf32>
      tpu.vector_store %arg14[%swap3A_363, %swap3A_364], %swap3A_367 {strides = array<i32>} : memref<16x768xf32, #tpu.memory_space<vmem>>, vector<1x16xf32>,
      %get3A_368 = arith.index_cast %scan3A_148 : i32 to index
      %get3A_369 = arith.constant 208 : index
      %get3A_370 = tpu.vector_load %arg14[%get3A_368, %get3A_369] {strides = array<i32>} : memref<16x768xf32, #tpu.memory_space<vmem>>, vector<1x16xf32>,
      %get3A_371 = vector.shape_cast %get3A_370 : vector<1x16xf32> to vector<16xf32>
      %mul3A_372 = arith.mulf %get3A_154, %get3A_371 : vector<16xf32>
      %get3A_373 = arith.index_cast %scan3A_148 : i32 to index
      %get3A_374 = arith.constant 208 : index
      %get3A_375 = tpu.vector_load %arg17[%get3A_373, %get3A_374] {strides = array<i32>} : memref<16x768xf32, #tpu.memory_space<vmem>>, vector<1x16xf32>,
      %get3A_376 = vector.shape_cast %get3A_375 : vector<1x16xf32> to vector<16xf32>
      %mul3A_377 = arith.mulf %get3A_160, %get3A_376 : vector<16xf32>
      %add3A_378 = arith.addf %mul3A_372, %mul3A_377 : vector<16xf32>
      %swap3A_379 = arith.index_cast %scan3A_148 : i32 to index
      %swap3A_380 = arith.constant 208 : index
      %swap3A_381 = tpu.vector_load %arg14[%swap3A_379, %swap3A_380] {strides = array<i32>} : memref<16x768xf32, #tpu.memory_space<vmem>>, vector<1x16xf32>,
      %swap3A_382 = vector.shape_cast %swap3A_381 : vector<1x16xf32> to vector<16xf32>
      %swap3A_383 = vector.shape_cast %add3A_378 : vector<16xf32> to vector<1x16xf32>
      tpu.vector_store %arg14[%swap3A_379, %swap3A_380], %swap3A_383 {strides = array<i32>} : memref<16x768xf32, #tpu.memory_space<vmem>>, vector<1x16xf32>,
      %get3A_384 = arith.index_cast %scan3A_148 : i32 to index
      %get3A_385 = arith.constant 224 : index
      %get3A_386 = tpu.vector_load %arg14[%get3A_384, %get3A_385] {strides = array<i32>} : memref<16x768xf32, #tpu.memory_space<vmem>>, vector<1x16xf32>,
      %get3A_387 = vector.shape_cast %get3A_386 : vector<1x16xf32> to vector<16xf32>
      %mul3A_388 = arith.mulf %get3A_154, %get3A_387 : vector<16xf32>
      %get3A_389 = arith.index_cast %scan3A_148 : i32 to index
      %get3A_390 = arith.constant 224 : index
      %get3A_391 = tpu.vector_load %arg17[%get3A_389, %get3A_390] {strides = array<i32>} : memref<16x768xf32, #tpu.memory_space<vmem>>, vector<1x16xf32>,
      %get3A_392 = vector.shape_cast %get3A_391 : vector<1x16xf32> to vector<16xf32>
      %mul3A_393 = arith.mulf %get3A_160, %get3A_392 : vector<16xf32>
      %add3A_394 = arith.addf %mul3A_388, %mul3A_393 : vector<16xf32>
      %swap3A_395 = arith.index_cast %scan3A_148 : i32 to index
      %swap3A_396 = arith.constant 224 : index
      %swap3A_397 = tpu.vector_load %arg14[%swap3A_395, %swap3A_396] {strides = array<i32>} : memref<16x768xf32, #tpu.memory_space<vmem>>, vector<1x16xf32>,
      %swap3A_398 = vector.shape_cast %swap3A_397 : vector<1x16xf32> to vector<16xf32>
      %swap3A_399 = vector.shape_cast %add3A_394 : vector<16xf32> to vector<1x16xf32>
      tpu.vector_store %arg14[%swap3A_395, %swap3A_396], %swap3A_399 {strides = array<i32>} : memref<16x768xf32, #tpu.memory_space<vmem>>, vector<1x16xf32>,
      %get3A_400 = arith.index_cast %scan3A_148 : i32 to index
      %get3A_401 = arith.constant 240 : index
      %get3A_402 = tpu.vector_load %arg14[%get3A_400, %get3A_401] {strides = array<i32>} : memref<16x768xf32, #tpu.memory_space<vmem>>, vector<1x16xf32>,
      %get3A_403 = vector.shape_cast %get3A_402 : vector<1x16xf32> to vector<16xf32>
      %mul3A_404 = arith.mulf %get3A_154, %get3A_403 : vector<16xf32>
      %get3A_405 = arith.index_cast %scan3A_148 : i32 to index
      %get3A_406 = arith.constant 240 : index
      %get3A_407 = tpu.vector_load %arg17[%get3A_405, %get3A_406] {strides = array<i32>} : memref<16x768xf32, #tpu.memory_space<vmem>>, vector<1x16xf32>,
      %get3A_408 = vector.shape_cast %get3A_407 : vector<1x16xf32> to vector<16xf32>
      %mul3A_409 = arith.mulf %get3A_160, %get3A_408 : vector<16xf32>
      %add3A_410 = arith.addf %mul3A_404, %mul3A_409 : vector<16xf32>
      %swap3A_411 = arith.index_cast %scan3A_148 : i32 to index
      %swap3A_412 = arith.constant 240 : index
      %swap3A_413 = tpu.vector_load %arg14[%swap3A_411, %swap3A_412] {strides = array<i32>} : memref<16x768xf32, #tpu.memory_space<vmem>>, vector<1x16xf32>,
      %swap3A_414 = vector.shape_cast %swap3A_413 : vector<1x16xf32> to vector<16xf32>
      %swap3A_415 = vector.shape_cast %add3A_410 : vector<16xf32> to vector<1x16xf32>
      tpu.vector_store %arg14[%swap3A_411, %swap3A_412], %swap3A_415 {strides = array<i32>} : memref<16x768xf32, #tpu.memory_space<vmem>>, vector<1x16xf32>,
      %get3A_416 = arith.index_cast %scan3A_148 : i32 to index
      %get3A_417 = arith.constant 256 : index
      %get3A_418 = tpu.vector_load %arg14[%get3A_416, %get3A_417] {strides = array<i32>} : memref<16x768xf32, #tpu.memory_space<vmem>>, vector<1x16xf32>,
      %get3A_419 = vector.shape_cast %get3A_418 : vector<1x16xf32> to vector<16xf32>
      %mul3A_420 = arith.mulf %get3A_154, %get3A_419 : vector<16xf32>
      %get3A_421 = arith.index_cast %scan3A_148 : i32 to index
      %get3A_422 = arith.constant 256 : index
      %get3A_423 = tpu.vector_load %arg17[%get3A_421, %get3A_422] {strides = array<i32>} : memref<16x768xf32, #tpu.memory_space<vmem>>, vector<1x16xf32>,
      %get3A_424 = vector.shape_cast %get3A_423 : vector<1x16xf32> to vector<16xf32>
      %mul3A_425 = arith.mulf %get3A_160, %get3A_424 : vector<16xf32>
      %add3A_426 = arith.addf %mul3A_420, %mul3A_425 : vector<16xf32>
      %swap3A_427 = arith.index_cast %scan3A_148 : i32 to index
      %swap3A_428 = arith.constant 256 : index
      %swap3A_429 = tpu.vector_load %arg14[%swap3A_427, %swap3A_428] {strides = array<i32>} : memref<16x768xf32, #tpu.memory_space<vmem>>, vector<1x16xf32>,
      %swap3A_430 = vector.shape_cast %swap3A_429 : vector<1x16xf32> to vector<16xf32>
      %swap3A_431 = vector.shape_cast %add3A_426 : vector<16xf32> to vector<1x16xf32>
      tpu.vector_store %arg14[%swap3A_427, %swap3A_428], %swap3A_431 {strides = array<i32>} : memref<16x768xf32, #tpu.memory_space<vmem>>, vector<1x16xf32>,
      %get3A_432 = arith.index_cast %scan3A_148 : i32 to index
      %get3A_433 = arith.constant 272 : index
      %get3A_434 = tpu.vector_load %arg14[%get3A_432, %get3A_433] {strides = array<i32>} : memref<16x768xf32, #tpu.memory_space<vmem>>, vector<1x16xf32>,
      %get3A_435 = vector.shape_cast %get3A_434 : vector<1x16xf32> to vector<16xf32>
      %mul3A_436 = arith.mulf %get3A_154, %get3A_435 : vector<16xf32>
      %get3A_437 = arith.index_cast %scan3A_148 : i32 to index
      %get3A_438 = arith.constant 272 : index
      %get3A_439 = tpu.vector_load %arg17[%get3A_437, %get3A_438] {strides = array<i32>} : memref<16x768xf32, #tpu.memory_space<vmem>>, vector<1x16xf32>,
      %get3A_440 = vector.shape_cast %get3A_439 : vector<1x16xf32> to vector<16xf32>
      %mul3A_441 = arith.mulf %get3A_160, %get3A_440 : vector<16xf32>
      %add3A_442 = arith.addf %mul3A_436, %mul3A_441 : vector<16xf32>
      %swap3A_443 = arith.index_cast %scan3A_148 : i32 to index
      %swap3A_444 = arith.constant 272 : index
      %swap3A_445 = tpu.vector_load %arg14[%swap3A_443, %swap3A_444] {strides = array<i32>} : memref<16x768xf32, #tpu.memory_space<vmem>>, vector<1x16xf32>,
      %swap3A_446 = vector.shape_cast %swap3A_445 : vector<1x16xf32> to vector<16xf32>
      %swap3A_447 = vector.shape_cast %add3A_442 : vector<16xf32> to vector<1x16xf32>
      tpu.vector_store %arg14[%swap3A_443, %swap3A_444], %swap3A_447 {strides = array<i32>} : memref<16x768xf32, #tpu.memory_space<vmem>>, vector<1x16xf32>,
      %get3A_448 = arith.index_cast %scan3A_148 : i32 to index
      %get3A_449 = arith.constant 288 : index
      %get3A_450 = tpu.vector_load %arg14[%get3A_448, %get3A_449] {strides = array<i32>} : memref<16x768xf32, #tpu.memory_space<vmem>>, vector<1x16xf32>,
      %get3A_451 = vector.shape_cast %get3A_450 : vector<1x16xf32> to vector<16xf32>
      %mul3A_452 = arith.mulf %get3A_154, %get3A_451 : vector<16xf32>
      %get3A_453 = arith.index_cast %scan3A_148 : i32 to index
      %get3A_454 = arith.constant 288 : index
      %get3A_455 = tpu.vector_load %arg17[%get3A_453, %get3A_454] {strides = array<i32>} : memref<16x768xf32, #tpu.memory_space<vmem>>, vector<1x16xf32>,
      %get3A_456 = vector.shape_cast %get3A_455 : vector<1x16xf32> to vector<16xf32>
      %mul3A_457 = arith.mulf %get3A_160, %get3A_456 : vector<16xf32>
      %add3A_458 = arith.addf %mul3A_452, %mul3A_457 : vector<16xf32>
      %swap3A_459 = arith.index_cast %scan3A_148 : i32 to index
      %swap3A_460 = arith.constant 288 : index
      %swap3A_461 = tpu.vector_load %arg14[%swap3A_459, %swap3A_460] {strides = array<i32>} : memref<16x768xf32, #tpu.memory_space<vmem>>, vector<1x16xf32>,
      %swap3A_462 = vector.shape_cast %swap3A_461 : vector<1x16xf32> to vector<16xf32>
      %swap3A_463 = vector.shape_cast %add3A_458 : vector<16xf32> to vector<1x16xf32>
      tpu.vector_store %arg14[%swap3A_459, %swap3A_460], %swap3A_463 {strides = array<i32>} : memref<16x768xf32, #tpu.memory_space<vmem>>, vector<1x16xf32>,
      %get3A_464 = arith.index_cast %scan3A_148 : i32 to index
      %get3A_465 = arith.constant 304 : index
      %get3A_466 = tpu.vector_load %arg14[%get3A_464, %get3A_465] {strides = array<i32>} : memref<16x768xf32, #tpu.memory_space<vmem>>, vector<1x16xf32>,
      %get3A_467 = vector.shape_cast %get3A_466 : vector<1x16xf32> to vector<16xf32>
      %mul3A_468 = arith.mulf %get3A_154, %get3A_467 : vector<16xf32>
      %get3A_469 = arith.index_cast %scan3A_148 : i32 to index
      %get3A_470 = arith.constant 304 : index
      %get3A_471 = tpu.vector_load %arg17[%get3A_469, %get3A_470] {strides = array<i32>} : memref<16x768xf32, #tpu.memory_space<vmem>>, vector<1x16xf32>,
      %get3A_472 = vector.shape_cast %get3A_471 : vector<1x16xf32> to vector<16xf32>
      %mul3A_473 = arith.mulf %get3A_160, %get3A_472 : vector<16xf32>
      %add3A_474 = arith.addf %mul3A_468, %mul3A_473 : vector<16xf32>
      %swap3A_475 = arith.index_cast %scan3A_148 : i32 to index
      %swap3A_476 = arith.constant 304 : index
      %swap3A_477 = tpu.vector_load %arg14[%swap3A_475, %swap3A_476] {strides = array<i32>} : memref<16x768xf32, #tpu.memory_space<vmem>>, vector<1x16xf32>,
      %swap3A_478 = vector.shape_cast %swap3A_477 : vector<1x16xf32> to vector<16xf32>
      %swap3A_479 = vector.shape_cast %add3A_474 : vector<16xf32> to vector<1x16xf32>
      tpu.vector_store %arg14[%swap3A_475, %swap3A_476], %swap3A_479 {strides = array<i32>} : memref<16x768xf32, #tpu.memory_space<vmem>>, vector<1x16xf32>,
      %get3A_480 = arith.index_cast %scan3A_148 : i32 to index
      %get3A_481 = arith.constant 320 : index
      %get3A_482 = tpu.vector_load %arg14[%get3A_480, %get3A_481] {strides = array<i32>} : memref<16x768xf32, #tpu.memory_space<vmem>>, vector<1x16xf32>,
      %get3A_483 = vector.shape_cast %get3A_482 : vector<1x16xf32> to vector<16xf32>
      %mul3A_484 = arith.mulf %get3A_154, %get3A_483 : vector<16xf32>
      %get3A_485 = arith.index_cast %scan3A_148 : i32 to index
      %get3A_486 = arith.constant 320 : index
      %get3A_487 = tpu.vector_load %arg17[%get3A_485, %get3A_486] {strides = array<i32>} : memref<16x768xf32, #tpu.memory_space<vmem>>, vector<1x16xf32>,
      %get3A_488 = vector.shape_cast %get3A_487 : vector<1x16xf32> to vector<16xf32>
      %mul3A_489 = arith.mulf %get3A_160, %get3A_488 : vector<16xf32>
      %add3A_490 = arith.addf %mul3A_484, %mul3A_489 : vector<16xf32>
      %swap3A_491 = arith.index_cast %scan3A_148 : i32 to index
      %swap3A_492 = arith.constant 320 : index
      %swap3A_493 = tpu.vector_load %arg14[%swap3A_491, %swap3A_492] {strides = array<i32>} : memref<16x768xf32, #tpu.memory_space<vmem>>, vector<1x16xf32>,
      %swap3A_494 = vector.shape_cast %swap3A_493 : vector<1x16xf32> to vector<16xf32>
      %swap3A_495 = vector.shape_cast %add3A_490 : vector<16xf32> to vector<1x16xf32>
      tpu.vector_store %arg14[%swap3A_491, %swap3A_492], %swap3A_495 {strides = array<i32>} : memref<16x768xf32, #tpu.memory_space<vmem>>, vector<1x16xf32>,
      %get3A_496 = arith.index_cast %scan3A_148 : i32 to index
      %get3A_497 = arith.constant 336 : index
      %get3A_498 = tpu.vector_load %arg14[%get3A_496, %get3A_497] {strides = array<i32>} : memref<16x768xf32, #tpu.memory_space<vmem>>, vector<1x16xf32>,
      %get3A_499 = vector.shape_cast %get3A_498 : vector<1x16xf32> to vector<16xf32>
      %mul3A_500 = arith.mulf %get3A_154, %get3A_499 : vector<16xf32>
      %get3A_501 = arith.index_cast %scan3A_148 : i32 to index
      %get3A_502 = arith.constant 336 : index
      %get3A_503 = tpu.vector_load %arg17[%get3A_501, %get3A_502] {strides = array<i32>} : memref<16x768xf32, #tpu.memory_space<vmem>>, vector<1x16xf32>,
      %get3A_504 = vector.shape_cast %get3A_503 : vector<1x16xf32> to vector<16xf32>
      %mul3A_505 = arith.mulf %get3A_160, %get3A_504 : vector<16xf32>
      %add3A_506 = arith.addf %mul3A_500, %mul3A_505 : vector<16xf32>
      %swap3A_507 = arith.index_cast %scan3A_148 : i32 to index
      %swap3A_508 = arith.constant 336 : index
      %swap3A_509 = tpu.vector_load %arg14[%swap3A_507, %swap3A_508] {strides = array<i32>} : memref<16x768xf32, #tpu.memory_space<vmem>>, vector<1x16xf32>,
      %swap3A_510 = vector.shape_cast %swap3A_509 : vector<1x16xf32> to vector<16xf32>
      %swap3A_511 = vector.shape_cast %add3A_506 : vector<16xf32> to vector<1x16xf32>
      tpu.vector_store %arg14[%swap3A_507, %swap3A_508], %swap3A_511 {strides = array<i32>} : memref<16x768xf32, #tpu.memory_space<vmem>>, vector<1x16xf32>,
      %get3A_512 = arith.index_cast %scan3A_148 : i32 to index
      %get3A_513 = arith.constant 352 : index
      %get3A_514 = tpu.vector_load %arg14[%get3A_512, %get3A_513] {strides = array<i32>} : memref<16x768xf32, #tpu.memory_space<vmem>>, vector<1x16xf32>,
      %get3A_515 = vector.shape_cast %get3A_514 : vector<1x16xf32> to vector<16xf32>
      %mul3A_516 = arith.mulf %get3A_154, %get3A_515 : vector<16xf32>
      %get3A_517 = arith.index_cast %scan3A_148 : i32 to index
      %get3A_518 = arith.constant 352 : index
      %get3A_519 = tpu.vector_load %arg17[%get3A_517, %get3A_518] {strides = array<i32>} : memref<16x768xf32, #tpu.memory_space<vmem>>, vector<1x16xf32>,
      %get3A_520 = vector.shape_cast %get3A_519 : vector<1x16xf32> to vector<16xf32>
      %mul3A_521 = arith.mulf %get3A_160, %get3A_520 : vector<16xf32>
      %add3A_522 = arith.addf %mul3A_516, %mul3A_521 : vector<16xf32>
      %swap3A_523 = arith.index_cast %scan3A_148 : i32 to index
      %swap3A_524 = arith.constant 352 : index
      %swap3A_525 = tpu.vector_load %arg14[%swap3A_523, %swap3A_524] {strides = array<i32>} : memref<16x768xf32, #tpu.memory_space<vmem>>, vector<1x16xf32>,
      %swap3A_526 = vector.shape_cast %swap3A_525 : vector<1x16xf32> to vector<16xf32>
      %swap3A_527 = vector.shape_cast %add3A_522 : vector<16xf32> to vector<1x16xf32>
      tpu.vector_store %arg14[%swap3A_523, %swap3A_524], %swap3A_527 {strides = array<i32>} : memref<16x768xf32, #tpu.memory_space<vmem>>, vector<1x16xf32>,
      %get3A_528 = arith.index_cast %scan3A_148 : i32 to index
      %get3A_529 = arith.constant 368 : index
      %get3A_530 = tpu.vector_load %arg14[%get3A_528, %get3A_529] {strides = array<i32>} : memref<16x768xf32, #tpu.memory_space<vmem>>, vector<1x16xf32>,
      %get3A_531 = vector.shape_cast %get3A_530 : vector<1x16xf32> to vector<16xf32>
      %mul3A_532 = arith.mulf %get3A_154, %get3A_531 : vector<16xf32>
      %get3A_533 = arith.index_cast %scan3A_148 : i32 to index
      %get3A_534 = arith.constant 368 : index
      %get3A_535 = tpu.vector_load %arg17[%get3A_533, %get3A_534] {strides = array<i32>} : memref<16x768xf32, #tpu.memory_space<vmem>>, vector<1x16xf32>,
      %get3A_536 = vector.shape_cast %get3A_535 : vector<1x16xf32> to vector<16xf32>
      %mul3A_537 = arith.mulf %get3A_160, %get3A_536 : vector<16xf32>
      %add3A_538 = arith.addf %mul3A_532, %mul3A_537 : vector<16xf32>
      %swap3A_539 = arith.index_cast %scan3A_148 : i32 to index
      %swap3A_540 = arith.constant 368 : index
      %swap3A_541 = tpu.vector_load %arg14[%swap3A_539, %swap3A_540] {strides = array<i32>} : memref<16x768xf32, #tpu.memory_space<vmem>>, vector<1x16xf32>,
      %swap3A_542 = vector.shape_cast %swap3A_541 : vector<1x16xf32> to vector<16xf32>
      %swap3A_543 = vector.shape_cast %add3A_538 : vector<16xf32> to vector<1x16xf32>
      tpu.vector_store %arg14[%swap3A_539, %swap3A_540], %swap3A_543 {strides = array<i32>} : memref<16x768xf32, #tpu.memory_space<vmem>>, vector<1x16xf32>,
      %get3A_544 = arith.index_cast %scan3A_148 : i32 to index
      %get3A_545 = arith.constant 384 : index
      %get3A_546 = tpu.vector_load %arg14[%get3A_544, %get3A_545] {strides = array<i32>} : memref<16x768xf32, #tpu.memory_space<vmem>>, vector<1x16xf32>,
      %get3A_547 = vector.shape_cast %get3A_546 : vector<1x16xf32> to vector<16xf32>
      %mul3A_548 = arith.mulf %get3A_154, %get3A_547 : vector<16xf32>
      %get3A_549 = arith.index_cast %scan3A_148 : i32 to index
      %get3A_550 = arith.constant 384 : index
      %get3A_551 = tpu.vector_load %arg17[%get3A_549, %get3A_550] {strides = array<i32>} : memref<16x768xf32, #tpu.memory_space<vmem>>, vector<1x16xf32>,
      %get3A_552 = vector.shape_cast %get3A_551 : vector<1x16xf32> to vector<16xf32>
      %mul3A_553 = arith.mulf %get3A_160, %get3A_552 : vector<16xf32>
      %add3A_554 = arith.addf %mul3A_548, %mul3A_553 : vector<16xf32>
      %swap3A_555 = arith.index_cast %scan3A_148 : i32 to index
      %swap3A_556 = arith.constant 384 : index
      %swap3A_557 = tpu.vector_load %arg14[%swap3A_555, %swap3A_556] {strides = array<i32>} : memref<16x768xf32, #tpu.memory_space<vmem>>, vector<1x16xf32>,
      %swap3A_558 = vector.shape_cast %swap3A_557 : vector<1x16xf32> to vector<16xf32>
      %swap3A_559 = vector.shape_cast %add3A_554 : vector<16xf32> to vector<1x16xf32>
      tpu.vector_store %arg14[%swap3A_555, %swap3A_556], %swap3A_559 {strides = array<i32>} : memref<16x768xf32, #tpu.memory_space<vmem>>, vector<1x16xf32>,
      %get3A_560 = arith.index_cast %scan3A_148 : i32 to index
      %get3A_561 = arith.constant 400 : index
      %get3A_562 = tpu.vector_load %arg14[%get3A_560, %get3A_561] {strides = array<i32>} : memref<16x768xf32, #tpu.memory_space<vmem>>, vector<1x16xf32>,
      %get3A_563 = vector.shape_cast %get3A_562 : vector<1x16xf32> to vector<16xf32>
      %mul3A_564 = arith.mulf %get3A_154, %get3A_563 : vector<16xf32>
      %get3A_565 = arith.index_cast %scan3A_148 : i32 to index
      %get3A_566 = arith.constant 400 : index
      %get3A_567 = tpu.vector_load %arg17[%get3A_565, %get3A_566] {strides = array<i32>} : memref<16x768xf32, #tpu.memory_space<vmem>>, vector<1x16xf32>,
      %get3A_568 = vector.shape_cast %get3A_567 : vector<1x16xf32> to vector<16xf32>
      %mul3A_569 = arith.mulf %get3A_160, %get3A_568 : vector<16xf32>
      %add3A_570 = arith.addf %mul3A_564, %mul3A_569 : vector<16xf32>
      %swap3A_571 = arith.index_cast %scan3A_148 : i32 to index
      %swap3A_572 = arith.constant 400 : index
      %swap3A_573 = tpu.vector_load %arg14[%swap3A_571, %swap3A_572] {strides = array<i32>} : memref<16x768xf32, #tpu.memory_space<vmem>>, vector<1x16xf32>,
      %swap3A_574 = vector.shape_cast %swap3A_573 : vector<1x16xf32> to vector<16xf32>
      %swap3A_575 = vector.shape_cast %add3A_570 : vector<16xf32> to vector<1x16xf32>
      tpu.vector_store %arg14[%swap3A_571, %swap3A_572], %swap3A_575 {strides = array<i32>} : memref<16x768xf32, #tpu.memory_space<vmem>>, vector<1x16xf32>,
      %get3A_576 = arith.index_cast %scan3A_148 : i32 to index
      %get3A_577 = arith.constant 416 : index
      %get3A_578 = tpu.vector_load %arg14[%get3A_576, %get3A_577] {strides = array<i32>} : memref<16x768xf32, #tpu.memory_space<vmem>>, vector<1x16xf32>,
      %get3A_579 = vector.shape_cast %get3A_578 : vector<1x16xf32> to vector<16xf32>
      %mul3A_580 = arith.mulf %get3A_154, %get3A_579 : vector<16xf32>
      %get3A_581 = arith.index_cast %scan3A_148 : i32 to index
      %get3A_582 = arith.constant 416 : index
      %get3A_583 = tpu.vector_load %arg17[%get3A_581, %get3A_582] {strides = array<i32>} : memref<16x768xf32, #tpu.memory_space<vmem>>, vector<1x16xf32>,
      %get3A_584 = vector.shape_cast %get3A_583 : vector<1x16xf32> to vector<16xf32>
      %mul3A_585 = arith.mulf %get3A_160, %get3A_584 : vector<16xf32>
      %add3A_586 = arith.addf %mul3A_580, %mul3A_585 : vector<16xf32>
      %swap3A_587 = arith.index_cast %scan3A_148 : i32 to index
      %swap3A_588 = arith.constant 416 : index
      %swap3A_589 = tpu.vector_load %arg14[%swap3A_587, %swap3A_588] {strides = array<i32>} : memref<16x768xf32, #tpu.memory_space<vmem>>, vector<1x16xf32>,
      %swap3A_590 = vector.shape_cast %swap3A_589 : vector<1x16xf32> to vector<16xf32>
      %swap3A_591 = vector.shape_cast %add3A_586 : vector<16xf32> to vector<1x16xf32>
      tpu.vector_store %arg14[%swap3A_587, %swap3A_588], %swap3A_591 {strides = array<i32>} : memref<16x768xf32, #tpu.memory_space<vmem>>, vector<1x16xf32>,
      %get3A_592 = arith.index_cast %scan3A_148 : i32 to index
      %get3A_593 = arith.constant 432 : index
      %get3A_594 = tpu.vector_load %arg14[%get3A_592, %get3A_593] {strides = array<i32>} : memref<16x768xf32, #tpu.memory_space<vmem>>, vector<1x16xf32>,
      %get3A_595 = vector.shape_cast %get3A_594 : vector<1x16xf32> to vector<16xf32>
      %mul3A_596 = arith.mulf %get3A_154, %get3A_595 : vector<16xf32>
      %get3A_597 = arith.index_cast %scan3A_148 : i32 to index
      %get3A_598 = arith.constant 432 : index
      %get3A_599 = tpu.vector_load %arg17[%get3A_597, %get3A_598] {strides = array<i32>} : memref<16x768xf32, #tpu.memory_space<vmem>>, vector<1x16xf32>,
      %get3A_600 = vector.shape_cast %get3A_599 : vector<1x16xf32> to vector<16xf32>
      %mul3A_601 = arith.mulf %get3A_160, %get3A_600 : vector<16xf32>
      %add3A_602 = arith.addf %mul3A_596, %mul3A_601 : vector<16xf32>
      %swap3A_603 = arith.index_cast %scan3A_148 : i32 to index
      %swap3A_604 = arith.constant 432 : index
      %swap3A_605 = tpu.vector_load %arg14[%swap3A_603, %swap3A_604] {strides = array<i32>} : memref<16x768xf32, #tpu.memory_space<vmem>>, vector<1x16xf32>,
      %swap3A_606 = vector.shape_cast %swap3A_605 : vector<1x16xf32> to vector<16xf32>
      %swap3A_607 = vector.shape_cast %add3A_602 : vector<16xf32> to vector<1x16xf32>
      tpu.vector_store %arg14[%swap3A_603, %swap3A_604], %swap3A_607 {strides = array<i32>} : memref<16x768xf32, #tpu.memory_space<vmem>>, vector<1x16xf32>,
      %get3A_608 = arith.index_cast %scan3A_148 : i32 to index
      %get3A_609 = arith.constant 448 : index
      %get3A_610 = tpu.vector_load %arg14[%get3A_608, %get3A_609] {strides = array<i32>} : memref<16x768xf32, #tpu.memory_space<vmem>>, vector<1x16xf32>,
      %get3A_611 = vector.shape_cast %get3A_610 : vector<1x16xf32> to vector<16xf32>
      %mul3A_612 = arith.mulf %get3A_154, %get3A_611 : vector<16xf32>
      %get3A_613 = arith.index_cast %scan3A_148 : i32 to index
      %get3A_614 = arith.constant 448 : index
      %get3A_615 = tpu.vector_load %arg17[%get3A_613, %get3A_614] {strides = array<i32>} : memref<16x768xf32, #tpu.memory_space<vmem>>, vector<1x16xf32>,
      %get3A_616 = vector.shape_cast %get3A_615 : vector<1x16xf32> to vector<16xf32>
      %mul3A_617 = arith.mulf %get3A_160, %get3A_616 : vector<16xf32>
      %add3A_618 = arith.addf %mul3A_612, %mul3A_617 : vector<16xf32>
      %swap3A_619 = arith.index_cast %scan3A_148 : i32 to index
      %swap3A_620 = arith.constant 448 : index
      %swap3A_621 = tpu.vector_load %arg14[%swap3A_619, %swap3A_620] {strides = array<i32>} : memref<16x768xf32, #tpu.memory_space<vmem>>, vector<1x16xf32>,
      %swap3A_622 = vector.shape_cast %swap3A_621 : vector<1x16xf32> to vector<16xf32>
      %swap3A_623 = vector.shape_cast %add3A_618 : vector<16xf32> to vector<1x16xf32>
      tpu.vector_store %arg14[%swap3A_619, %swap3A_620], %swap3A_623 {strides = array<i32>} : memref<16x768xf32, #tpu.memory_space<vmem>>, vector<1x16xf32>,
      %get3A_624 = arith.index_cast %scan3A_148 : i32 to index
      %get3A_625 = arith.constant 464 : index
      %get3A_626 = tpu.vector_load %arg14[%get3A_624, %get3A_625] {strides = array<i32>} : memref<16x768xf32, #tpu.memory_space<vmem>>, vector<1x16xf32>,
      %get3A_627 = vector.shape_cast %get3A_626 : vector<1x16xf32> to vector<16xf32>
      %mul3A_628 = arith.mulf %get3A_154, %get3A_627 : vector<16xf32>
      %get3A_629 = arith.index_cast %scan3A_148 : i32 to index
      %get3A_630 = arith.constant 464 : index
      %get3A_631 = tpu.vector_load %arg17[%get3A_629, %get3A_630] {strides = array<i32>} : memref<16x768xf32, #tpu.memory_space<vmem>>, vector<1x16xf32>,
      %get3A_632 = vector.shape_cast %get3A_631 : vector<1x16xf32> to vector<16xf32>
      %mul3A_633 = arith.mulf %get3A_160, %get3A_632 : vector<16xf32>
      %add3A_634 = arith.addf %mul3A_628, %mul3A_633 : vector<16xf32>
      %swap3A_635 = arith.index_cast %scan3A_148 : i32 to index
      %swap3A_636 = arith.constant 464 : index
      %swap3A_637 = tpu.vector_load %arg14[%swap3A_635, %swap3A_636] {strides = array<i32>} : memref<16x768xf32, #tpu.memory_space<vmem>>, vector<1x16xf32>,
      %swap3A_638 = vector.shape_cast %swap3A_637 : vector<1x16xf32> to vector<16xf32>
      %swap3A_639 = vector.shape_cast %add3A_634 : vector<16xf32> to vector<1x16xf32>
      tpu.vector_store %arg14[%swap3A_635, %swap3A_636], %swap3A_639 {strides = array<i32>} : memref<16x768xf32, #tpu.memory_space<vmem>>, vector<1x16xf32>,
      %get3A_640 = arith.index_cast %scan3A_148 : i32 to index
      %get3A_641 = arith.constant 480 : index
      %get3A_642 = tpu.vector_load %arg14[%get3A_640, %get3A_641] {strides = array<i32>} : memref<16x768xf32, #tpu.memory_space<vmem>>, vector<1x16xf32>,
      %get3A_643 = vector.shape_cast %get3A_642 : vector<1x16xf32> to vector<16xf32>
      %mul3A_644 = arith.mulf %get3A_154, %get3A_643 : vector<16xf32>
      %get3A_645 = arith.index_cast %scan3A_148 : i32 to index
      %get3A_646 = arith.constant 480 : index
      %get3A_647 = tpu.vector_load %arg17[%get3A_645, %get3A_646] {strides = array<i32>} : memref<16x768xf32, #tpu.memory_space<vmem>>, vector<1x16xf32>,
      %get3A_648 = vector.shape_cast %get3A_647 : vector<1x16xf32> to vector<16xf32>
      %mul3A_649 = arith.mulf %get3A_160, %get3A_648 : vector<16xf32>
      %add3A_650 = arith.addf %mul3A_644, %mul3A_649 : vector<16xf32>
      %swap3A_651 = arith.index_cast %scan3A_148 : i32 to index
      %swap3A_652 = arith.constant 480 : index
      %swap3A_653 = tpu.vector_load %arg14[%swap3A_651, %swap3A_652] {strides = array<i32>} : memref<16x768xf32, #tpu.memory_space<vmem>>, vector<1x16xf32>,
      %swap3A_654 = vector.shape_cast %swap3A_653 : vector<1x16xf32> to vector<16xf32>
      %swap3A_655 = vector.shape_cast %add3A_650 : vector<16xf32> to vector<1x16xf32>
      tpu.vector_store %arg14[%swap3A_651, %swap3A_652], %swap3A_655 {strides = array<i32>} : memref<16x768xf32, #tpu.memory_space<vmem>>, vector<1x16xf32>,
      %get3A_656 = arith.index_cast %scan3A_148 : i32 to index
      %get3A_657 = arith.constant 496 : index
      %get3A_658 = tpu.vector_load %arg14[%get3A_656, %get3A_657] {strides = array<i32>} : memref<16x768xf32, #tpu.memory_space<vmem>>, vector<1x16xf32>,
      %get3A_659 = vector.shape_cast %get3A_658 : vector<1x16xf32> to vector<16xf32>
      %mul3A_660 = arith.mulf %get3A_154, %get3A_659 : vector<16xf32>
      %get3A_661 = arith.index_cast %scan3A_148 : i32 to index
      %get3A_662 = arith.constant 496 : index
      %get3A_663 = tpu.vector_load %arg17[%get3A_661, %get3A_662] {strides = array<i32>} : memref<16x768xf32, #tpu.memory_space<vmem>>, vector<1x16xf32>,
      %get3A_664 = vector.shape_cast %get3A_663 : vector<1x16xf32> to vector<16xf32>
      %mul3A_665 = arith.mulf %get3A_160, %get3A_664 : vector<16xf32>
      %add3A_666 = arith.addf %mul3A_660, %mul3A_665 : vector<16xf32>
      %swap3A_667 = arith.index_cast %scan3A_148 : i32 to index
      %swap3A_668 = arith.constant 496 : index
      %swap3A_669 = tpu.vector_load %arg14[%swap3A_667, %swap3A_668] {strides = array<i32>} : memref<16x768xf32, #tpu.memory_space<vmem>>, vector<1x16xf32>,
      %swap3A_670 = vector.shape_cast %swap3A_669 : vector<1x16xf32> to vector<16xf32>
      %swap3A_671 = vector.shape_cast %add3A_666 : vector<16xf32> to vector<1x16xf32>
      tpu.vector_store %arg14[%swap3A_667, %swap3A_668], %swap3A_671 {strides = array<i32>} : memref<16x768xf32, #tpu.memory_space<vmem>>, vector<1x16xf32>,
      %get3A_672 = arith.index_cast %scan3A_148 : i32 to index
      %get3A_673 = arith.constant 512 : index
      %get3A_674 = tpu.vector_load %arg14[%get3A_672, %get3A_673] {strides = array<i32>} : memref<16x768xf32, #tpu.memory_space<vmem>>, vector<1x16xf32>,
      %get3A_675 = vector.shape_cast %get3A_674 : vector<1x16xf32> to vector<16xf32>
      %mul3A_676 = arith.mulf %get3A_154, %get3A_675 : vector<16xf32>
      %get3A_677 = arith.index_cast %scan3A_148 : i32 to index
      %get3A_678 = arith.constant 512 : index
      %get3A_679 = tpu.vector_load %arg17[%get3A_677, %get3A_678] {strides = array<i32>} : memref<16x768xf32, #tpu.memory_space<vmem>>, vector<1x16xf32>,
      %get3A_680 = vector.shape_cast %get3A_679 : vector<1x16xf32> to vector<16xf32>
      %mul3A_681 = arith.mulf %get3A_160, %get3A_680 : vector<16xf32>
      %add3A_682 = arith.addf %mul3A_676, %mul3A_681 : vector<16xf32>
      %swap3A_683 = arith.index_cast %scan3A_148 : i32 to index
      %swap3A_684 = arith.constant 512 : index
      %swap3A_685 = tpu.vector_load %arg14[%swap3A_683, %swap3A_684] {strides = array<i32>} : memref<16x768xf32, #tpu.memory_space<vmem>>, vector<1x16xf32>,
      %swap3A_686 = vector.shape_cast %swap3A_685 : vector<1x16xf32> to vector<16xf32>
      %swap3A_687 = vector.shape_cast %add3A_682 : vector<16xf32> to vector<1x16xf32>
      tpu.vector_store %arg14[%swap3A_683, %swap3A_684], %swap3A_687 {strides = array<i32>} : memref<16x768xf32, #tpu.memory_space<vmem>>, vector<1x16xf32>,
      %get3A_688 = arith.index_cast %scan3A_148 : i32 to index
      %get3A_689 = arith.constant 528 : index
      %get3A_690 = tpu.vector_load %arg14[%get3A_688, %get3A_689] {strides = array<i32>} : memref<16x768xf32, #tpu.memory_space<vmem>>, vector<1x16xf32>,
      %get3A_691 = vector.shape_cast %get3A_690 : vector<1x16xf32> to vector<16xf32>
      %mul3A_692 = arith.mulf %get3A_154, %get3A_691 : vector<16xf32>
      %get3A_693 = arith.index_cast %scan3A_148 : i32 to index
      %get3A_694 = arith.constant 528 : index
      %get3A_695 = tpu.vector_load %arg17[%get3A_693, %get3A_694] {strides = array<i32>} : memref<16x768xf32, #tpu.memory_space<vmem>>, vector<1x16xf32>,
      %get3A_696 = vector.shape_cast %get3A_695 : vector<1x16xf32> to vector<16xf32>
      %mul3A_697 = arith.mulf %get3A_160, %get3A_696 : vector<16xf32>
      %add3A_698 = arith.addf %mul3A_692, %mul3A_697 : vector<16xf32>
      %swap3A_699 = arith.index_cast %scan3A_148 : i32 to index
      %swap3A_700 = arith.constant 528 : index
      %swap3A_701 = tpu.vector_load %arg14[%swap3A_699, %swap3A_700] {strides = array<i32>} : memref<16x768xf32, #tpu.memory_space<vmem>>, vector<1x16xf32>,
      %swap3A_702 = vector.shape_cast %swap3A_701 : vector<1x16xf32> to vector<16xf32>
      %swap3A_703 = vector.shape_cast %add3A_698 : vector<16xf32> to vector<1x16xf32>
      tpu.vector_store %arg14[%swap3A_699, %swap3A_700], %swap3A_703 {strides = array<i32>} : memref<16x768xf32, #tpu.memory_space<vmem>>, vector<1x16xf32>,
      %get3A_704 = arith.index_cast %scan3A_148 : i32 to index
      %get3A_705 = arith.constant 544 : index
      %get3A_706 = tpu.vector_load %arg14[%get3A_704, %get3A_705] {strides = array<i32>} : memref<16x768xf32, #tpu.memory_space<vmem>>, vector<1x16xf32>,
      %get3A_707 = vector.shape_cast %get3A_706 : vector<1x16xf32> to vector<16xf32>
      %mul3A_708 = arith.mulf %get3A_154, %get3A_707 : vector<16xf32>
      %get3A_709 = arith.index_cast %scan3A_148 : i32 to index
      %get3A_710 = arith.constant 544 : index
      %get3A_711 = tpu.vector_load %arg17[%get3A_709, %get3A_710] {strides = array<i32>} : memref<16x768xf32, #tpu.memory_space<vmem>>, vector<1x16xf32>,
      %get3A_712 = vector.shape_cast %get3A_711 : vector<1x16xf32> to vector<16xf32>
      %mul3A_713 = arith.mulf %get3A_160, %get3A_712 : vector<16xf32>
      %add3A_714 = arith.addf %mul3A_708, %mul3A_713 : vector<16xf32>
      %swap3A_715 = arith.index_cast %scan3A_148 : i32 to index
      %swap3A_716 = arith.constant 544 : index
      %swap3A_717 = tpu.vector_load %arg14[%swap3A_715, %swap3A_716] {strides = array<i32>} : memref<16x768xf32, #tpu.memory_space<vmem>>, vector<1x16xf32>,
      %swap3A_718 = vector.shape_cast %swap3A_717 : vector<1x16xf32> to vector<16xf32>
      %swap3A_719 = vector.shape_cast %add3A_714 : vector<16xf32> to vector<1x16xf32>
      tpu.vector_store %arg14[%swap3A_715, %swap3A_716], %swap3A_719 {strides = array<i32>} : memref<16x768xf32, #tpu.memory_space<vmem>>, vector<1x16xf32>,
      %get3A_720 = arith.index_cast %scan3A_148 : i32 to index
      %get3A_721 = arith.constant 560 : index
      %get3A_722 = tpu.vector_load %arg14[%get3A_720, %get3A_721] {strides = array<i32>} : memref<16x768xf32, #tpu.memory_space<vmem>>, vector<1x16xf32>,
      %get3A_723 = vector.shape_cast %get3A_722 : vector<1x16xf32> to vector<16xf32>
      %mul3A_724 = arith.mulf %get3A_154, %get3A_723 : vector<16xf32>
      %get3A_725 = arith.index_cast %scan3A_148 : i32 to index
      %get3A_726 = arith.constant 560 : index
      %get3A_727 = tpu.vector_load %arg17[%get3A_725, %get3A_726] {strides = array<i32>} : memref<16x768xf32, #tpu.memory_space<vmem>>, vector<1x16xf32>,
      %get3A_728 = vector.shape_cast %get3A_727 : vector<1x16xf32> to vector<16xf32>
      %mul3A_729 = arith.mulf %get3A_160, %get3A_728 : vector<16xf32>
      %add3A_730 = arith.addf %mul3A_724, %mul3A_729 : vector<16xf32>
      %swap3A_731 = arith.index_cast %scan3A_148 : i32 to index
      %swap3A_732 = arith.constant 560 : index
      %swap3A_733 = tpu.vector_load %arg14[%swap3A_731, %swap3A_732] {strides = array<i32>} : memref<16x768xf32, #tpu.memory_space<vmem>>, vector<1x16xf32>,
      %swap3A_734 = vector.shape_cast %swap3A_733 : vector<1x16xf32> to vector<16xf32>
      %swap3A_735 = vector.shape_cast %add3A_730 : vector<16xf32> to vector<1x16xf32>
      tpu.vector_store %arg14[%swap3A_731, %swap3A_732], %swap3A_735 {strides = array<i32>} : memref<16x768xf32, #tpu.memory_space<vmem>>, vector<1x16xf32>,
      %get3A_736 = arith.index_cast %scan3A_148 : i32 to index
      %get3A_737 = arith.constant 576 : index
      %get3A_738 = tpu.vector_load %arg14[%get3A_736, %get3A_737] {strides = array<i32>} : memref<16x768xf32, #tpu.memory_space<vmem>>, vector<1x16xf32>,
      %get3A_739 = vector.shape_cast %get3A_738 : vector<1x16xf32> to vector<16xf32>
      %mul3A_740 = arith.mulf %get3A_154, %get3A_739 : vector<16xf32>
      %get3A_741 = arith.index_cast %scan3A_148 : i32 to index
      %get3A_742 = arith.constant 576 : index
      %get3A_743 = tpu.vector_load %arg17[%get3A_741, %get3A_742] {strides = array<i32>} : memref<16x768xf32, #tpu.memory_space<vmem>>, vector<1x16xf32>,
      %get3A_744 = vector.shape_cast %get3A_743 : vector<1x16xf32> to vector<16xf32>
      %mul3A_745 = arith.mulf %get3A_160, %get3A_744 : vector<16xf32>
      %add3A_746 = arith.addf %mul3A_740, %mul3A_745 : vector<16xf32>
      %swap3A_747 = arith.index_cast %scan3A_148 : i32 to index
      %swap3A_748 = arith.constant 576 : index
      %swap3A_749 = tpu.vector_load %arg14[%swap3A_747, %swap3A_748] {strides = array<i32>} : memref<16x768xf32, #tpu.memory_space<vmem>>, vector<1x16xf32>,
      %swap3A_750 = vector.shape_cast %swap3A_749 : vector<1x16xf32> to vector<16xf32>
      %swap3A_751 = vector.shape_cast %add3A_746 : vector<16xf32> to vector<1x16xf32>
      tpu.vector_store %arg14[%swap3A_747, %swap3A_748], %swap3A_751 {strides = array<i32>} : memref<16x768xf32, #tpu.memory_space<vmem>>, vector<1x16xf32>,
      %get3A_752 = arith.index_cast %scan3A_148 : i32 to index
      %get3A_753 = arith.constant 592 : index
      %get3A_754 = tpu.vector_load %arg14[%get3A_752, %get3A_753] {strides = array<i32>} : memref<16x768xf32, #tpu.memory_space<vmem>>, vector<1x16xf32>,
      %get3A_755 = vector.shape_cast %get3A_754 : vector<1x16xf32> to vector<16xf32>
      %mul3A_756 = arith.mulf %get3A_154, %get3A_755 : vector<16xf32>
      %get3A_757 = arith.index_cast %scan3A_148 : i32 to index
      %get3A_758 = arith.constant 592 : index
      %get3A_759 = tpu.vector_load %arg17[%get3A_757, %get3A_758] {strides = array<i32>} : memref<16x768xf32, #tpu.memory_space<vmem>>, vector<1x16xf32>,
      %get3A_760 = vector.shape_cast %get3A_759 : vector<1x16xf32> to vector<16xf32>
      %mul3A_761 = arith.mulf %get3A_160, %get3A_760 : vector<16xf32>
      %add3A_762 = arith.addf %mul3A_756, %mul3A_761 : vector<16xf32>
      %swap3A_763 = arith.index_cast %scan3A_148 : i32 to index
      %swap3A_764 = arith.constant 592 : index
      %swap3A_765 = tpu.vector_load %arg14[%swap3A_763, %swap3A_764] {strides = array<i32>} : memref<16x768xf32, #tpu.memory_space<vmem>>, vector<1x16xf32>,
      %swap3A_766 = vector.shape_cast %swap3A_765 : vector<1x16xf32> to vector<16xf32>
      %swap3A_767 = vector.shape_cast %add3A_762 : vector<16xf32> to vector<1x16xf32>
      tpu.vector_store %arg14[%swap3A_763, %swap3A_764], %swap3A_767 {strides = array<i32>} : memref<16x768xf32, #tpu.memory_space<vmem>>, vector<1x16xf32>,
      %get3A_768 = arith.index_cast %scan3A_148 : i32 to index
      %get3A_769 = arith.constant 608 : index
      %get3A_770 = tpu.vector_load %arg14[%get3A_768, %get3A_769] {strides = array<i32>} : memref<16x768xf32, #tpu.memory_space<vmem>>, vector<1x16xf32>,
      %get3A_771 = vector.shape_cast %get3A_770 : vector<1x16xf32> to vector<16xf32>
      %mul3A_772 = arith.mulf %get3A_154, %get3A_771 : vector<16xf32>
      %get3A_773 = arith.index_cast %scan3A_148 : i32 to index
      %get3A_774 = arith.constant 608 : index
      %get3A_775 = tpu.vector_load %arg17[%get3A_773, %get3A_774] {strides = array<i32>} : memref<16x768xf32, #tpu.memory_space<vmem>>, vector<1x16xf32>,
      %get3A_776 = vector.shape_cast %get3A_775 : vector<1x16xf32> to vector<16xf32>
      %mul3A_777 = arith.mulf %get3A_160, %get3A_776 : vector<16xf32>
      %add3A_778 = arith.addf %mul3A_772, %mul3A_777 : vector<16xf32>
      %swap3A_779 = arith.index_cast %scan3A_148 : i32 to index
      %swap3A_780 = arith.constant 608 : index
      %swap3A_781 = tpu.vector_load %arg14[%swap3A_779, %swap3A_780] {strides = array<i32>} : memref<16x768xf32, #tpu.memory_space<vmem>>, vector<1x16xf32>,
      %swap3A_782 = vector.shape_cast %swap3A_781 : vector<1x16xf32> to vector<16xf32>
      %swap3A_783 = vector.shape_cast %add3A_778 : vector<16xf32> to vector<1x16xf32>
      tpu.vector_store %arg14[%swap3A_779, %swap3A_780], %swap3A_783 {strides = array<i32>} : memref<16x768xf32, #tpu.memory_space<vmem>>, vector<1x16xf32>,
      %get3A_784 = arith.index_cast %scan3A_148 : i32 to index
      %get3A_785 = arith.constant 624 : index
      %get3A_786 = tpu.vector_load %arg14[%get3A_784, %get3A_785] {strides = array<i32>} : memref<16x768xf32, #tpu.memory_space<vmem>>, vector<1x16xf32>,
      %get3A_787 = vector.shape_cast %get3A_786 : vector<1x16xf32> to vector<16xf32>
      %mul3A_788 = arith.mulf %get3A_154, %get3A_787 : vector<16xf32>
      %get3A_789 = arith.index_cast %scan3A_148 : i32 to index
      %get3A_790 = arith.constant 624 : index
      %get3A_791 = tpu.vector_load %arg17[%get3A_789, %get3A_790] {strides = array<i32>} : memref<16x768xf32, #tpu.memory_space<vmem>>, vector<1x16xf32>,
      %get3A_792 = vector.shape_cast %get3A_791 : vector<1x16xf32> to vector<16xf32>
      %mul3A_793 = arith.mulf %get3A_160, %get3A_792 : vector<16xf32>
      %add3A_794 = arith.addf %mul3A_788, %mul3A_793 : vector<16xf32>
      %swap3A_795 = arith.index_cast %scan3A_148 : i32 to index
      %swap3A_796 = arith.constant 624 : index
      %swap3A_797 = tpu.vector_load %arg14[%swap3A_795, %swap3A_796] {strides = array<i32>} : memref<16x768xf32, #tpu.memory_space<vmem>>, vector<1x16xf32>,
      %swap3A_798 = vector.shape_cast %swap3A_797 : vector<1x16xf32> to vector<16xf32>
      %swap3A_799 = vector.shape_cast %add3A_794 : vector<16xf32> to vector<1x16xf32>
      tpu.vector_store %arg14[%swap3A_795, %swap3A_796], %swap3A_799 {strides = array<i32>} : memref<16x768xf32, #tpu.memory_space<vmem>>, vector<1x16xf32>,
      %get3A_800 = arith.index_cast %scan3A_148 : i32 to index
      %get3A_801 = arith.constant 640 : index
      %get3A_802 = tpu.vector_load %arg14[%get3A_800, %get3A_801] {strides = array<i32>} : memref<16x768xf32, #tpu.memory_space<vmem>>, vector<1x16xf32>,
      %get3A_803 = vector.shape_cast %get3A_802 : vector<1x16xf32> to vector<16xf32>
      %mul3A_804 = arith.mulf %get3A_154, %get3A_803 : vector<16xf32>
      %get3A_805 = arith.index_cast %scan3A_148 : i32 to index
      %get3A_806 = arith.constant 640 : index
      %get3A_807 = tpu.vector_load %arg17[%get3A_805, %get3A_806] {strides = array<i32>} : memref<16x768xf32, #tpu.memory_space<vmem>>, vector<1x16xf32>,
      %get3A_808 = vector.shape_cast %get3A_807 : vector<1x16xf32> to vector<16xf32>
      %mul3A_809 = arith.mulf %get3A_160, %get3A_808 : vector<16xf32>
      %add3A_810 = arith.addf %mul3A_804, %mul3A_809 : vector<16xf32>
      %swap3A_811 = arith.index_cast %scan3A_148 : i32 to index
      %swap3A_812 = arith.constant 640 : index
      %swap3A_813 = tpu.vector_load %arg14[%swap3A_811, %swap3A_812] {strides = array<i32>} : memref<16x768xf32, #tpu.memory_space<vmem>>, vector<1x16xf32>,
      %swap3A_814 = vector.shape_cast %swap3A_813 : vector<1x16xf32> to vector<16xf32>
      %swap3A_815 = vector.shape_cast %add3A_810 : vector<16xf32> to vector<1x16xf32>
      tpu.vector_store %arg14[%swap3A_811, %swap3A_812], %swap3A_815 {strides = array<i32>} : memref<16x768xf32, #tpu.memory_space<vmem>>, vector<1x16xf32>,
      %get3A_816 = arith.index_cast %scan3A_148 : i32 to index
      %get3A_817 = arith.constant 656 : index
      %get3A_818 = tpu.vector_load %arg14[%get3A_816, %get3A_817] {strides = array<i32>} : memref<16x768xf32, #tpu.memory_space<vmem>>, vector<1x16xf32>,
      %get3A_819 = vector.shape_cast %get3A_818 : vector<1x16xf32> to vector<16xf32>
      %mul3A_820 = arith.mulf %get3A_154, %get3A_819 : vector<16xf32>
      %get3A_821 = arith.index_cast %scan3A_148 : i32 to index
      %get3A_822 = arith.constant 656 : index
      %get3A_823 = tpu.vector_load %arg17[%get3A_821, %get3A_822] {strides = array<i32>} : memref<16x768xf32, #tpu.memory_space<vmem>>, vector<1x16xf32>,
      %get3A_824 = vector.shape_cast %get3A_823 : vector<1x16xf32> to vector<16xf32>
      %mul3A_825 = arith.mulf %get3A_160, %get3A_824 : vector<16xf32>
      %add3A_826 = arith.addf %mul3A_820, %mul3A_825 : vector<16xf32>
      %swap3A_827 = arith.index_cast %scan3A_148 : i32 to index
      %swap3A_828 = arith.constant 656 : index
      %swap3A_829 = tpu.vector_load %arg14[%swap3A_827, %swap3A_828] {strides = array<i32>} : memref<16x768xf32, #tpu.memory_space<vmem>>, vector<1x16xf32>,
      %swap3A_830 = vector.shape_cast %swap3A_829 : vector<1x16xf32> to vector<16xf32>
      %swap3A_831 = vector.shape_cast %add3A_826 : vector<16xf32> to vector<1x16xf32>
      tpu.vector_store %arg14[%swap3A_827, %swap3A_828], %swap3A_831 {strides = array<i32>} : memref<16x768xf32, #tpu.memory_space<vmem>>, vector<1x16xf32>,
      %get3A_832 = arith.index_cast %scan3A_148 : i32 to index
      %get3A_833 = arith.constant 672 : index
      %get3A_834 = tpu.vector_load %arg14[%get3A_832, %get3A_833] {strides = array<i32>} : memref<16x768xf32, #tpu.memory_space<vmem>>, vector<1x16xf32>,
      %get3A_835 = vector.shape_cast %get3A_834 : vector<1x16xf32> to vector<16xf32>
      %mul3A_836 = arith.mulf %get3A_154, %get3A_835 : vector<16xf32>
      %get3A_837 = arith.index_cast %scan3A_148 : i32 to index
      %get3A_838 = arith.constant 672 : index
      %get3A_839 = tpu.vector_load %arg17[%get3A_837, %get3A_838] {strides = array<i32>} : memref<16x768xf32, #tpu.memory_space<vmem>>, vector<1x16xf32>,
      %get3A_840 = vector.shape_cast %get3A_839 : vector<1x16xf32> to vector<16xf32>
      %mul3A_841 = arith.mulf %get3A_160, %get3A_840 : vector<16xf32>
      %add3A_842 = arith.addf %mul3A_836, %mul3A_841 : vector<16xf32>
      %swap3A_843 = arith.index_cast %scan3A_148 : i32 to index
      %swap3A_844 = arith.constant 672 : index
      %swap3A_845 = tpu.vector_load %arg14[%swap3A_843, %swap3A_844] {strides = array<i32>} : memref<16x768xf32, #tpu.memory_space<vmem>>, vector<1x16xf32>,
      %swap3A_846 = vector.shape_cast %swap3A_845 : vector<1x16xf32> to vector<16xf32>
      %swap3A_847 = vector.shape_cast %add3A_842 : vector<16xf32> to vector<1x16xf32>
      tpu.vector_store %arg14[%swap3A_843, %swap3A_844], %swap3A_847 {strides = array<i32>} : memref<16x768xf32, #tpu.memory_space<vmem>>, vector<1x16xf32>,
      %get3A_848 = arith.index_cast %scan3A_148 : i32 to index
      %get3A_849 = arith.constant 688 : index
      %get3A_850 = tpu.vector_load %arg14[%get3A_848, %get3A_849] {strides = array<i32>} : memref<16x768xf32, #tpu.memory_space<vmem>>, vector<1x16xf32>,
      %get3A_851 = vector.shape_cast %get3A_850 : vector<1x16xf32> to vector<16xf32>
      %mul3A_852 = arith.mulf %get3A_154, %get3A_851 : vector<16xf32>
      %get3A_853 = arith.index_cast %scan3A_148 : i32 to index
      %get3A_854 = arith.constant 688 : index
      %get3A_855 = tpu.vector_load %arg17[%get3A_853, %get3A_854] {strides = array<i32>} : memref<16x768xf32, #tpu.memory_space<vmem>>, vector<1x16xf32>,
      %get3A_856 = vector.shape_cast %get3A_855 : vector<1x16xf32> to vector<16xf32>
      %mul3A_857 = arith.mulf %get3A_160, %get3A_856 : vector<16xf32>
      %add3A_858 = arith.addf %mul3A_852, %mul3A_857 : vector<16xf32>
      %swap3A_859 = arith.index_cast %scan3A_148 : i32 to index
      %swap3A_860 = arith.constant 688 : index
      %swap3A_861 = tpu.vector_load %arg14[%swap3A_859, %swap3A_860] {strides = array<i32>} : memref<16x768xf32, #tpu.memory_space<vmem>>, vector<1x16xf32>,
      %swap3A_862 = vector.shape_cast %swap3A_861 : vector<1x16xf32> to vector<16xf32>
      %swap3A_863 = vector.shape_cast %add3A_858 : vector<16xf32> to vector<1x16xf32>
      tpu.vector_store %arg14[%swap3A_859, %swap3A_860], %swap3A_863 {strides = array<i32>} : memref<16x768xf32, #tpu.memory_space<vmem>>, vector<1x16xf32>,
      %get3A_864 = arith.index_cast %scan3A_148 : i32 to index
      %get3A_865 = arith.constant 704 : index
      %get3A_866 = tpu.vector_load %arg14[%get3A_864, %get3A_865] {strides = array<i32>} : memref<16x768xf32, #tpu.memory_space<vmem>>, vector<1x16xf32>,
      %get3A_867 = vector.shape_cast %get3A_866 : vector<1x16xf32> to vector<16xf32>
      %mul3A_868 = arith.mulf %get3A_154, %get3A_867 : vector<16xf32>
      %get3A_869 = arith.index_cast %scan3A_148 : i32 to index
      %get3A_870 = arith.constant 704 : index
      %get3A_871 = tpu.vector_load %arg17[%get3A_869, %get3A_870] {strides = array<i32>} : memref<16x768xf32, #tpu.memory_space<vmem>>, vector<1x16xf32>,
      %get3A_872 = vector.shape_cast %get3A_871 : vector<1x16xf32> to vector<16xf32>
      %mul3A_873 = arith.mulf %get3A_160, %get3A_872 : vector<16xf32>
      %add3A_874 = arith.addf %mul3A_868, %mul3A_873 : vector<16xf32>
      %swap3A_875 = arith.index_cast %scan3A_148 : i32 to index
      %swap3A_876 = arith.constant 704 : index
      %swap3A_877 = tpu.vector_load %arg14[%swap3A_875, %swap3A_876] {strides = array<i32>} : memref<16x768xf32, #tpu.memory_space<vmem>>, vector<1x16xf32>,
      %swap3A_878 = vector.shape_cast %swap3A_877 : vector<1x16xf32> to vector<16xf32>
      %swap3A_879 = vector.shape_cast %add3A_874 : vector<16xf32> to vector<1x16xf32>
      tpu.vector_store %arg14[%swap3A_875, %swap3A_876], %swap3A_879 {strides = array<i32>} : memref<16x768xf32, #tpu.memory_space<vmem>>, vector<1x16xf32>,
      %get3A_880 = arith.index_cast %scan3A_148 : i32 to index
      %get3A_881 = arith.constant 720 : index
      %get3A_882 = tpu.vector_load %arg14[%get3A_880, %get3A_881] {strides = array<i32>} : memref<16x768xf32, #tpu.memory_space<vmem>>, vector<1x16xf32>,
      %get3A_883 = vector.shape_cast %get3A_882 : vector<1x16xf32> to vector<16xf32>
      %mul3A_884 = arith.mulf %get3A_154, %get3A_883 : vector<16xf32>
      %get3A_885 = arith.index_cast %scan3A_148 : i32 to index
      %get3A_886 = arith.constant 720 : index
      %get3A_887 = tpu.vector_load %arg17[%get3A_885, %get3A_886] {strides = array<i32>} : memref<16x768xf32, #tpu.memory_space<vmem>>, vector<1x16xf32>,
      %get3A_888 = vector.shape_cast %get3A_887 : vector<1x16xf32> to vector<16xf32>
      %mul3A_889 = arith.mulf %get3A_160, %get3A_888 : vector<16xf32>
      %add3A_890 = arith.addf %mul3A_884, %mul3A_889 : vector<16xf32>
      %swap3A_891 = arith.index_cast %scan3A_148 : i32 to index
      %swap3A_892 = arith.constant 720 : index
      %swap3A_893 = tpu.vector_load %arg14[%swap3A_891, %swap3A_892] {strides = array<i32>} : memref<16x768xf32, #tpu.memory_space<vmem>>, vector<1x16xf32>,
      %swap3A_894 = vector.shape_cast %swap3A_893 : vector<1x16xf32> to vector<16xf32>
      %swap3A_895 = vector.shape_cast %add3A_890 : vector<16xf32> to vector<1x16xf32>
      tpu.vector_store %arg14[%swap3A_891, %swap3A_892], %swap3A_895 {strides = array<i32>} : memref<16x768xf32, #tpu.memory_space<vmem>>, vector<1x16xf32>,
      %get3A_896 = arith.index_cast %scan3A_148 : i32 to index
      %get3A_897 = arith.constant 736 : index
      %get3A_898 = tpu.vector_load %arg14[%get3A_896, %get3A_897] {strides = array<i32>} : memref<16x768xf32, #tpu.memory_space<vmem>>, vector<1x16xf32>,
      %get3A_899 = vector.shape_cast %get3A_898 : vector<1x16xf32> to vector<16xf32>
      %mul3A_900 = arith.mulf %get3A_154, %get3A_899 : vector<16xf32>
      %get3A_901 = arith.index_cast %scan3A_148 : i32 to index
      %get3A_902 = arith.constant 736 : index
      %get3A_903 = tpu.vector_load %arg17[%get3A_901, %get3A_902] {strides = array<i32>} : memref<16x768xf32, #tpu.memory_space<vmem>>, vector<1x16xf32>,
      %get3A_904 = vector.shape_cast %get3A_903 : vector<1x16xf32> to vector<16xf32>
      %mul3A_905 = arith.mulf %get3A_160, %get3A_904 : vector<16xf32>
      %add3A_906 = arith.addf %mul3A_900, %mul3A_905 : vector<16xf32>
      %swap3A_907 = arith.index_cast %scan3A_148 : i32 to index
      %swap3A_908 = arith.constant 736 : index
      %swap3A_909 = tpu.vector_load %arg14[%swap3A_907, %swap3A_908] {strides = array<i32>} : memref<16x768xf32, #tpu.memory_space<vmem>>, vector<1x16xf32>,
      %swap3A_910 = vector.shape_cast %swap3A_909 : vector<1x16xf32> to vector<16xf32>
      %swap3A_911 = vector.shape_cast %add3A_906 : vector<16xf32> to vector<1x16xf32>
      tpu.vector_store %arg14[%swap3A_907, %swap3A_908], %swap3A_911 {strides = array<i32>} : memref<16x768xf32, #tpu.memory_space<vmem>>, vector<1x16xf32>,
      %get3A_912 = arith.index_cast %scan3A_148 : i32 to index
      %get3A_913 = arith.constant 752 : index
      %get3A_914 = tpu.vector_load %arg14[%get3A_912, %get3A_913] {strides = array<i32>} : memref<16x768xf32, #tpu.memory_space<vmem>>, vector<1x16xf32>,
      %get3A_915 = vector.shape_cast %get3A_914 : vector<1x16xf32> to vector<16xf32>
      %mul3A_916 = arith.mulf %get3A_154, %get3A_915 : vector<16xf32>
      %get3A_917 = arith.index_cast %scan3A_148 : i32 to index
      %get3A_918 = arith.constant 752 : index
      %get3A_919 = tpu.vector_load %arg17[%get3A_917, %get3A_918] {strides = array<i32>} : memref<16x768xf32, #tpu.memory_space<vmem>>, vector<1x16xf32>,
      %get3A_920 = vector.shape_cast %get3A_919 : vector<1x16xf32> to vector<16xf32>
      %mul3A_921 = arith.mulf %get3A_160, %get3A_920 : vector<16xf32>
      %add3A_922 = arith.addf %mul3A_916, %mul3A_921 : vector<16xf32>
      %swap3A_923 = arith.index_cast %scan3A_148 : i32 to index
      %swap3A_924 = arith.constant 752 : index
      %swap3A_925 = tpu.vector_load %arg14[%swap3A_923, %swap3A_924] {strides = array<i32>} : memref<16x768xf32, #tpu.memory_space<vmem>>, vector<1x16xf32>,
      %swap3A_926 = vector.shape_cast %swap3A_925 : vector<1x16xf32> to vector<16xf32>
      %swap3A_927 = vector.shape_cast %add3A_922 : vector<16xf32> to vector<1x16xf32>
      tpu.vector_store %arg14[%swap3A_923, %swap3A_924], %swap3A_927 {strides = array<i32>} : memref<16x768xf32, #tpu.memory_space<vmem>>, vector<1x16xf32>,
      %scan3A_928 = arith.constant 0 : i32
      scf.yield %scan3A_928 : i32
    }
    %scan3A_106 = arith.constant 16 : i32
    %add3A_107 = arith.constant 32 : i32
    %add3A_108 = arith.addi %mul3A_2, %add3A_107 : i32
    %dma_start3A_109 = arith.constant 0 : i32
    %dma_start3A_110 = tpu.memref_slice %arg7[%add3A_108, %dma_start3A_109] : memref<2048x768xf32, #tpu.memory_space<hbm>> -> memref<16x768xf32, #tpu.memory_space<hbm>>
    %dma_start3A_111 = arith.constant 0 : i32
    %dma_start3A_112 = tpu.memref_slice %arg7[%add3A_108, %dma_start3A_111] : memref<2048x768xf32, #tpu.memory_space<hbm>> -> memref<16x768xf32, #tpu.memory_space<hbm>>
    tpu.enqueue_dma source(%arg14 : memref<16x768xf32, #tpu.memory_space<vmem>>) target(%dma_start3A_112 : memref<16x768xf32, #tpu.memory_space<hbm>>) target_semaphore(%arg26 : memref<!tpu.dma_semaphore, #tpu.memory_space<semaphore_mem>>)
    %dma_wait3A_113 = arith.constant 48 : i32
    %dma_wait3A_114 = tpu.memref_slice %arg8[%dma_wait3A_113] : memref<64xi32, #tpu.memory_space<vmem>> -> memref<16xi32, #tpu.memory_space<vmem>>
    %dma_wait3A_115 = arith.constant 0 : i32
    %dma_wait3A_116 = arith.constant 0 : i32
    %dma_wait3A_117 = tpu.memref_slice %arg2[%dma_wait3A_115, %dma_wait3A_116] : memref<4096x768xf32, #tpu.memory_space<hbm>> -> memref<4096x768xf32, #tpu.memory_space<hbm>>
    tpu.wait_indirect_dma semaphore(%arg18 : memref<!tpu.dma_semaphore, #tpu.memory_space<semaphore_mem>>) src(%dma_wait3A_117 : memref<4096x768xf32, #tpu.memory_space<hbm>>) dst(%arg12 : memref<16x768xf32, #tpu.memory_space<vmem>>)
    %dma_wait3A_118 = arith.constant 48 : i32
    %dma_wait3A_119 = tpu.memref_slice %arg9[%dma_wait3A_118] : memref<64xi32, #tpu.memory_space<vmem>> -> memref<16xi32, #tpu.memory_space<vmem>>
    %dma_wait3A_120 = arith.constant 0 : i32
    %dma_wait3A_121 = arith.constant 0 : i32
    %dma_wait3A_122 = tpu.memref_slice %arg2[%dma_wait3A_120, %dma_wait3A_121] : memref<4096x768xf32, #tpu.memory_space<hbm>> -> memref<4096x768xf32, #tpu.memory_space<hbm>>
    tpu.wait_indirect_dma semaphore(%arg21 : memref<!tpu.dma_semaphore, #tpu.memory_space<semaphore_mem>>) src(%dma_wait3A_122 : memref<4096x768xf32, #tpu.memory_space<hbm>>) dst(%arg15 : memref<16x768xf32, #tpu.memory_space<vmem>>)
    %scan3A_123 = arith.constant 0 : i32
    %scan3A_124 = arith.constant 0 : i32
    %scan3A_125 = arith.constant 16 : i32
    %scan3A_126 = arith.addi %scan3A_124, %scan3A_125 : i32
    %scan3A_127 = arith.constant 1 : i32
    %scan3A_128 = scf.for %scan3A_148 = %scan3A_124 to %scan3A_126 step %scan3A_127 iter_args(%scan3A_149 = %scan3A_123) -> (i32)  : i32 {
      %add3A_150 = arith.constant 48 : i32
      %add3A_151 = arith.addi %add3A_150, %scan3A_148 : i32
      %get3A = arith.index_cast %add3A_151 : i32 to index
      %get3A_152 = arith.constant 0 : index
      %get3A_153 = tpu.vector_load %arg10[%get3A, %get3A_152] {strides = array<i32>} : memref<64x16xf32, #tpu.memory_space<vmem>>, vector<1x16xf32>,
      %get3A_154 = vector.shape_cast %get3A_153 : vector<1x16xf32> to vector<16xf32>
      %add3A_155 = arith.constant 48 : i32
      %add3A_156 = arith.addi %add3A_155, %scan3A_148 : i32
      %get3A_157 = arith.index_cast %add3A_156 : i32 to index
      %get3A_158 = arith.constant 0 : index
      %get3A_159 = tpu.vector_load %arg11[%get3A_157, %get3A_158] {strides = array<i32>} : memref<64x16xf32, #tpu.memory_space<vmem>>, vector<1x16xf32>,
      %get3A_160 = vector.shape_cast %get3A_159 : vector<1x16xf32> to vector<16xf32>
      %get3A_161 = arith.index_cast %scan3A_148 : i32 to index
      %get3A_162 = arith.constant 0 : index
      %get3A_163 = tpu.vector_load %arg12[%get3A_161, %get3A_162] {strides = array<i32>} : memref<16x768xf32, #tpu.memory_space<vmem>>, vector<1x16xf32>,
      %get3A_164 = vector.shape_cast %get3A_163 : vector<1x16xf32> to vector<16xf32>
      %mul3A_165 = arith.mulf %get3A_154, %get3A_164 : vector<16xf32>
      %get3A_166 = arith.index_cast %scan3A_148 : i32 to index
      %get3A_167 = arith.constant 0 : index
      %get3A_168 = tpu.vector_load %arg15[%get3A_166, %get3A_167] {strides = array<i32>} : memref<16x768xf32, #tpu.memory_space<vmem>>, vector<1x16xf32>,
      %get3A_169 = vector.shape_cast %get3A_168 : vector<1x16xf32> to vector<16xf32>
      %mul3A_170 = arith.mulf %get3A_160, %get3A_169 : vector<16xf32>
      %add3A_171 = arith.addf %mul3A_165, %mul3A_170 : vector<16xf32>
      %swap3A = arith.index_cast %scan3A_148 : i32 to index
      %swap3A_172 = arith.constant 0 : index
      %swap3A_173 = tpu.vector_load %arg12[%swap3A, %swap3A_172] {strides = array<i32>} : memref<16x768xf32, #tpu.memory_space<vmem>>, vector<1x16xf32>,
      %swap3A_174 = vector.shape_cast %swap3A_173 : vector<1x16xf32> to vector<16xf32>
      %swap3A_175 = vector.shape_cast %add3A_171 : vector<16xf32> to vector<1x16xf32>
      tpu.vector_store %arg12[%swap3A, %swap3A_172], %swap3A_175 {strides = array<i32>} : memref<16x768xf32, #tpu.memory_space<vmem>>, vector<1x16xf32>,
      %get3A_176 = arith.index_cast %scan3A_148 : i32 to index
      %get3A_177 = arith.constant 16 : index
      %get3A_178 = tpu.vector_load %arg12[%get3A_176, %get3A_177] {strides = array<i32>} : memref<16x768xf32, #tpu.memory_space<vmem>>, vector<1x16xf32>,
      %get3A_179 = vector.shape_cast %get3A_178 : vector<1x16xf32> to vector<16xf32>
      %mul3A_180 = arith.mulf %get3A_154, %get3A_179 : vector<16xf32>
      %get3A_181 = arith.index_cast %scan3A_148 : i32 to index
      %get3A_182 = arith.constant 16 : index
      %get3A_183 = tpu.vector_load %arg15[%get3A_181, %get3A_182] {strides = array<i32>} : memref<16x768xf32, #tpu.memory_space<vmem>>, vector<1x16xf32>,
      %get3A_184 = vector.shape_cast %get3A_183 : vector<1x16xf32> to vector<16xf32>
      %mul3A_185 = arith.mulf %get3A_160, %get3A_184 : vector<16xf32>
      %add3A_186 = arith.addf %mul3A_180, %mul3A_185 : vector<16xf32>
      %swap3A_187 = arith.index_cast %scan3A_148 : i32 to index
      %swap3A_188 = arith.constant 16 : index
      %swap3A_189 = tpu.vector_load %arg12[%swap3A_187, %swap3A_188] {strides = array<i32>} : memref<16x768xf32, #tpu.memory_space<vmem>>, vector<1x16xf32>,
      %swap3A_190 = vector.shape_cast %swap3A_189 : vector<1x16xf32> to vector<16xf32>
      %swap3A_191 = vector.shape_cast %add3A_186 : vector<16xf32> to vector<1x16xf32>
      tpu.vector_store %arg12[%swap3A_187, %swap3A_188], %swap3A_191 {strides = array<i32>} : memref<16x768xf32, #tpu.memory_space<vmem>>, vector<1x16xf32>,
      %get3A_192 = arith.index_cast %scan3A_148 : i32 to index
      %get3A_193 = arith.constant 32 : index
      %get3A_194 = tpu.vector_load %arg12[%get3A_192, %get3A_193] {strides = array<i32>} : memref<16x768xf32, #tpu.memory_space<vmem>>, vector<1x16xf32>,
      %get3A_195 = vector.shape_cast %get3A_194 : vector<1x16xf32> to vector<16xf32>
      %mul3A_196 = arith.mulf %get3A_154, %get3A_195 : vector<16xf32>
      %get3A_197 = arith.index_cast %scan3A_148 : i32 to index
      %get3A_198 = arith.constant 32 : index
      %get3A_199 = tpu.vector_load %arg15[%get3A_197, %get3A_198] {strides = array<i32>} : memref<16x768xf32, #tpu.memory_space<vmem>>, vector<1x16xf32>,
      %get3A_200 = vector.shape_cast %get3A_199 : vector<1x16xf32> to vector<16xf32>
      %mul3A_201 = arith.mulf %get3A_160, %get3A_200 : vector<16xf32>
      %add3A_202 = arith.addf %mul3A_196, %mul3A_201 : vector<16xf32>
      %swap3A_203 = arith.index_cast %scan3A_148 : i32 to index
      %swap3A_204 = arith.constant 32 : index
      %swap3A_205 = tpu.vector_load %arg12[%swap3A_203, %swap3A_204] {strides = array<i32>} : memref<16x768xf32, #tpu.memory_space<vmem>>, vector<1x16xf32>,
      %swap3A_206 = vector.shape_cast %swap3A_205 : vector<1x16xf32> to vector<16xf32>
      %swap3A_207 = vector.shape_cast %add3A_202 : vector<16xf32> to vector<1x16xf32>
      tpu.vector_store %arg12[%swap3A_203, %swap3A_204], %swap3A_207 {strides = array<i32>} : memref<16x768xf32, #tpu.memory_space<vmem>>, vector<1x16xf32>,
      %get3A_208 = arith.index_cast %scan3A_148 : i32 to index
      %get3A_209 = arith.constant 48 : index
      %get3A_210 = tpu.vector_load %arg12[%get3A_208, %get3A_209] {strides = array<i32>} : memref<16x768xf32, #tpu.memory_space<vmem>>, vector<1x16xf32>,
      %get3A_211 = vector.shape_cast %get3A_210 : vector<1x16xf32> to vector<16xf32>
      %mul3A_212 = arith.mulf %get3A_154, %get3A_211 : vector<16xf32>
      %get3A_213 = arith.index_cast %scan3A_148 : i32 to index
      %get3A_214 = arith.constant 48 : index
      %get3A_215 = tpu.vector_load %arg15[%get3A_213, %get3A_214] {strides = array<i32>} : memref<16x768xf32, #tpu.memory_space<vmem>>, vector<1x16xf32>,
      %get3A_216 = vector.shape_cast %get3A_215 : vector<1x16xf32> to vector<16xf32>
      %mul3A_217 = arith.mulf %get3A_160, %get3A_216 : vector<16xf32>
      %add3A_218 = arith.addf %mul3A_212, %mul3A_217 : vector<16xf32>
      %swap3A_219 = arith.index_cast %scan3A_148 : i32 to index
      %swap3A_220 = arith.constant 48 : index
      %swap3A_221 = tpu.vector_load %arg12[%swap3A_219, %swap3A_220] {strides = array<i32>} : memref<16x768xf32, #tpu.memory_space<vmem>>, vector<1x16xf32>,
      %swap3A_222 = vector.shape_cast %swap3A_221 : vector<1x16xf32> to vector<16xf32>
      %swap3A_223 = vector.shape_cast %add3A_218 : vector<16xf32> to vector<1x16xf32>
      tpu.vector_store %arg12[%swap3A_219, %swap3A_220], %swap3A_223 {strides = array<i32>} : memref<16x768xf32, #tpu.memory_space<vmem>>, vector<1x16xf32>,
      %get3A_224 = arith.index_cast %scan3A_148 : i32 to index
      %get3A_225 = arith.constant 64 : index
      %get3A_226 = tpu.vector_load %arg12[%get3A_224, %get3A_225] {strides = array<i32>} : memref<16x768xf32, #tpu.memory_space<vmem>>, vector<1x16xf32>,
      %get3A_227 = vector.shape_cast %get3A_226 : vector<1x16xf32> to vector<16xf32>
      %mul3A_228 = arith.mulf %get3A_154, %get3A_227 : vector<16xf32>
      %get3A_229 = arith.index_cast %scan3A_148 : i32 to index
      %get3A_230 = arith.constant 64 : index
      %get3A_231 = tpu.vector_load %arg15[%get3A_229, %get3A_230] {strides = array<i32>} : memref<16x768xf32, #tpu.memory_space<vmem>>, vector<1x16xf32>,
      %get3A_232 = vector.shape_cast %get3A_231 : vector<1x16xf32> to vector<16xf32>
      %mul3A_233 = arith.mulf %get3A_160, %get3A_232 : vector<16xf32>
      %add3A_234 = arith.addf %mul3A_228, %mul3A_233 : vector<16xf32>
      %swap3A_235 = arith.index_cast %scan3A_148 : i32 to index
      %swap3A_236 = arith.constant 64 : index
      %swap3A_237 = tpu.vector_load %arg12[%swap3A_235, %swap3A_236] {strides = array<i32>} : memref<16x768xf32, #tpu.memory_space<vmem>>, vector<1x16xf32>,
      %swap3A_238 = vector.shape_cast %swap3A_237 : vector<1x16xf32> to vector<16xf32>
      %swap3A_239 = vector.shape_cast %add3A_234 : vector<16xf32> to vector<1x16xf32>
      tpu.vector_store %arg12[%swap3A_235, %swap3A_236], %swap3A_239 {strides = array<i32>} : memref<16x768xf32, #tpu.memory_space<vmem>>, vector<1x16xf32>,
      %get3A_240 = arith.index_cast %scan3A_148 : i32 to index
      %get3A_241 = arith.constant 80 : index
      %get3A_242 = tpu.vector_load %arg12[%get3A_240, %get3A_241] {strides = array<i32>} : memref<16x768xf32, #tpu.memory_space<vmem>>, vector<1x16xf32>,
      %get3A_243 = vector.shape_cast %get3A_242 : vector<1x16xf32> to vector<16xf32>
      %mul3A_244 = arith.mulf %get3A_154, %get3A_243 : vector<16xf32>
      %get3A_245 = arith.index_cast %scan3A_148 : i32 to index
      %get3A_246 = arith.constant 80 : index
      %get3A_247 = tpu.vector_load %arg15[%get3A_245, %get3A_246] {strides = array<i32>} : memref<16x768xf32, #tpu.memory_space<vmem>>, vector<1x16xf32>,
      %get3A_248 = vector.shape_cast %get3A_247 : vector<1x16xf32> to vector<16xf32>
      %mul3A_249 = arith.mulf %get3A_160, %get3A_248 : vector<16xf32>
      %add3A_250 = arith.addf %mul3A_244, %mul3A_249 : vector<16xf32>
      %swap3A_251 = arith.index_cast %scan3A_148 : i32 to index
      %swap3A_252 = arith.constant 80 : index
      %swap3A_253 = tpu.vector_load %arg12[%swap3A_251, %swap3A_252] {strides = array<i32>} : memref<16x768xf32, #tpu.memory_space<vmem>>, vector<1x16xf32>,
      %swap3A_254 = vector.shape_cast %swap3A_253 : vector<1x16xf32> to vector<16xf32>
      %swap3A_255 = vector.shape_cast %add3A_250 : vector<16xf32> to vector<1x16xf32>
      tpu.vector_store %arg12[%swap3A_251, %swap3A_252], %swap3A_255 {strides = array<i32>} : memref<16x768xf32, #tpu.memory_space<vmem>>, vector<1x16xf32>,
      %get3A_256 = arith.index_cast %scan3A_148 : i32 to index
      %get3A_257 = arith.constant 96 : index
      %get3A_258 = tpu.vector_load %arg12[%get3A_256, %get3A_257] {strides = array<i32>} : memref<16x768xf32, #tpu.memory_space<vmem>>, vector<1x16xf32>,
      %get3A_259 = vector.shape_cast %get3A_258 : vector<1x16xf32> to vector<16xf32>
      %mul3A_260 = arith.mulf %get3A_154, %get3A_259 : vector<16xf32>
      %get3A_261 = arith.index_cast %scan3A_148 : i32 to index
      %get3A_262 = arith.constant 96 : index
      %get3A_263 = tpu.vector_load %arg15[%get3A_261, %get3A_262] {strides = array<i32>} : memref<16x768xf32, #tpu.memory_space<vmem>>, vector<1x16xf32>,
      %get3A_264 = vector.shape_cast %get3A_263 : vector<1x16xf32> to vector<16xf32>
      %mul3A_265 = arith.mulf %get3A_160, %get3A_264 : vector<16xf32>
      %add3A_266 = arith.addf %mul3A_260, %mul3A_265 : vector<16xf32>
      %swap3A_267 = arith.index_cast %scan3A_148 : i32 to index
      %swap3A_268 = arith.constant 96 : index
      %swap3A_269 = tpu.vector_load %arg12[%swap3A_267, %swap3A_268] {strides = array<i32>} : memref<16x768xf32, #tpu.memory_space<vmem>>, vector<1x16xf32>,
      %swap3A_270 = vector.shape_cast %swap3A_269 : vector<1x16xf32> to vector<16xf32>
      %swap3A_271 = vector.shape_cast %add3A_266 : vector<16xf32> to vector<1x16xf32>
      tpu.vector_store %arg12[%swap3A_267, %swap3A_268], %swap3A_271 {strides = array<i32>} : memref<16x768xf32, #tpu.memory_space<vmem>>, vector<1x16xf32>,
      %get3A_272 = arith.index_cast %scan3A_148 : i32 to index
      %get3A_273 = arith.constant 112 : index
      %get3A_274 = tpu.vector_load %arg12[%get3A_272, %get3A_273] {strides = array<i32>} : memref<16x768xf32, #tpu.memory_space<vmem>>, vector<1x16xf32>,
      %get3A_275 = vector.shape_cast %get3A_274 : vector<1x16xf32> to vector<16xf32>
      %mul3A_276 = arith.mulf %get3A_154, %get3A_275 : vector<16xf32>
      %get3A_277 = arith.index_cast %scan3A_148 : i32 to index
      %get3A_278 = arith.constant 112 : index
      %get3A_279 = tpu.vector_load %arg15[%get3A_277, %get3A_278] {strides = array<i32>} : memref<16x768xf32, #tpu.memory_space<vmem>>, vector<1x16xf32>,
      %get3A_280 = vector.shape_cast %get3A_279 : vector<1x16xf32> to vector<16xf32>
      %mul3A_281 = arith.mulf %get3A_160, %get3A_280 : vector<16xf32>
      %add3A_282 = arith.addf %mul3A_276, %mul3A_281 : vector<16xf32>
      %swap3A_283 = arith.index_cast %scan3A_148 : i32 to index
      %swap3A_284 = arith.constant 112 : index
      %swap3A_285 = tpu.vector_load %arg12[%swap3A_283, %swap3A_284] {strides = array<i32>} : memref<16x768xf32, #tpu.memory_space<vmem>>, vector<1x16xf32>,
      %swap3A_286 = vector.shape_cast %swap3A_285 : vector<1x16xf32> to vector<16xf32>
      %swap3A_287 = vector.shape_cast %add3A_282 : vector<16xf32> to vector<1x16xf32>
      tpu.vector_store %arg12[%swap3A_283, %swap3A_284], %swap3A_287 {strides = array<i32>} : memref<16x768xf32, #tpu.memory_space<vmem>>, vector<1x16xf32>,
      %get3A_288 = arith.index_cast %scan3A_148 : i32 to index
      %get3A_289 = arith.constant 128 : index
      %get3A_290 = tpu.vector_load %arg12[%get3A_288, %get3A_289] {strides = array<i32>} : memref<16x768xf32, #tpu.memory_space<vmem>>, vector<1x16xf32>,
      %get3A_291 = vector.shape_cast %get3A_290 : vector<1x16xf32> to vector<16xf32>
      %mul3A_292 = arith.mulf %get3A_154, %get3A_291 : vector<16xf32>
      %get3A_293 = arith.index_cast %scan3A_148 : i32 to index
      %get3A_294 = arith.constant 128 : index
      %get3A_295 = tpu.vector_load %arg15[%get3A_293, %get3A_294] {strides = array<i32>} : memref<16x768xf32, #tpu.memory_space<vmem>>, vector<1x16xf32>,
      %get3A_296 = vector.shape_cast %get3A_295 : vector<1x16xf32> to vector<16xf32>
      %mul3A_297 = arith.mulf %get3A_160, %get3A_296 : vector<16xf32>
      %add3A_298 = arith.addf %mul3A_292, %mul3A_297 : vector<16xf32>
      %swap3A_299 = arith.index_cast %scan3A_148 : i32 to index
      %swap3A_300 = arith.constant 128 : index
      %swap3A_301 = tpu.vector_load %arg12[%swap3A_299, %swap3A_300] {strides = array<i32>} : memref<16x768xf32, #tpu.memory_space<vmem>>, vector<1x16xf32>,
      %swap3A_302 = vector.shape_cast %swap3A_301 : vector<1x16xf32> to vector<16xf32>
      %swap3A_303 = vector.shape_cast %add3A_298 : vector<16xf32> to vector<1x16xf32>
      tpu.vector_store %arg12[%swap3A_299, %swap3A_300], %swap3A_303 {strides = array<i32>} : memref<16x768xf32, #tpu.memory_space<vmem>>, vector<1x16xf32>,
      %get3A_304 = arith.index_cast %scan3A_148 : i32 to index
      %get3A_305 = arith.constant 144 : index
      %get3A_306 = tpu.vector_load %arg12[%get3A_304, %get3A_305] {strides = array<i32>} : memref<16x768xf32, #tpu.memory_space<vmem>>, vector<1x16xf32>,
      %get3A_307 = vector.shape_cast %get3A_306 : vector<1x16xf32> to vector<16xf32>
      %mul3A_308 = arith.mulf %get3A_154, %get3A_307 : vector<16xf32>
      %get3A_309 = arith.index_cast %scan3A_148 : i32 to index
      %get3A_310 = arith.constant 144 : index
      %get3A_311 = tpu.vector_load %arg15[%get3A_309, %get3A_310] {strides = array<i32>} : memref<16x768xf32, #tpu.memory_space<vmem>>, vector<1x16xf32>,
      %get3A_312 = vector.shape_cast %get3A_311 : vector<1x16xf32> to vector<16xf32>
      %mul3A_313 = arith.mulf %get3A_160, %get3A_312 : vector<16xf32>
      %add3A_314 = arith.addf %mul3A_308, %mul3A_313 : vector<16xf32>
      %swap3A_315 = arith.index_cast %scan3A_148 : i32 to index
      %swap3A_316 = arith.constant 144 : index
      %swap3A_317 = tpu.vector_load %arg12[%swap3A_315, %swap3A_316] {strides = array<i32>} : memref<16x768xf32, #tpu.memory_space<vmem>>, vector<1x16xf32>,
      %swap3A_318 = vector.shape_cast %swap3A_317 : vector<1x16xf32> to vector<16xf32>
      %swap3A_319 = vector.shape_cast %add3A_314 : vector<16xf32> to vector<1x16xf32>
      tpu.vector_store %arg12[%swap3A_315, %swap3A_316], %swap3A_319 {strides = array<i32>} : memref<16x768xf32, #tpu.memory_space<vmem>>, vector<1x16xf32>,
      %get3A_320 = arith.index_cast %scan3A_148 : i32 to index
      %get3A_321 = arith.constant 160 : index
      %get3A_322 = tpu.vector_load %arg12[%get3A_320, %get3A_321] {strides = array<i32>} : memref<16x768xf32, #tpu.memory_space<vmem>>, vector<1x16xf32>,
      %get3A_323 = vector.shape_cast %get3A_322 : vector<1x16xf32> to vector<16xf32>
      %mul3A_324 = arith.mulf %get3A_154, %get3A_323 : vector<16xf32>
      %get3A_325 = arith.index_cast %scan3A_148 : i32 to index
      %get3A_326 = arith.constant 160 : index
      %get3A_327 = tpu.vector_load %arg15[%get3A_325, %get3A_326] {strides = array<i32>} : memref<16x768xf32, #tpu.memory_space<vmem>>, vector<1x16xf32>,
      %get3A_328 = vector.shape_cast %get3A_327 : vector<1x16xf32> to vector<16xf32>
      %mul3A_329 = arith.mulf %get3A_160, %get3A_328 : vector<16xf32>
      %add3A_330 = arith.addf %mul3A_324, %mul3A_329 : vector<16xf32>
      %swap3A_331 = arith.index_cast %scan3A_148 : i32 to index
      %swap3A_332 = arith.constant 160 : index
      %swap3A_333 = tpu.vector_load %arg12[%swap3A_331, %swap3A_332] {strides = array<i32>} : memref<16x768xf32, #tpu.memory_space<vmem>>, vector<1x16xf32>,
      %swap3A_334 = vector.shape_cast %swap3A_333 : vector<1x16xf32> to vector<16xf32>
      %swap3A_335 = vector.shape_cast %add3A_330 : vector<16xf32> to vector<1x16xf32>
      tpu.vector_store %arg12[%swap3A_331, %swap3A_332], %swap3A_335 {strides = array<i32>} : memref<16x768xf32, #tpu.memory_space<vmem>>, vector<1x16xf32>,
      %get3A_336 = arith.index_cast %scan3A_148 : i32 to index
      %get3A_337 = arith.constant 176 : index
      %get3A_338 = tpu.vector_load %arg12[%get3A_336, %get3A_337] {strides = array<i32>} : memref<16x768xf32, #tpu.memory_space<vmem>>, vector<1x16xf32>,
      %get3A_339 = vector.shape_cast %get3A_338 : vector<1x16xf32> to vector<16xf32>
      %mul3A_340 = arith.mulf %get3A_154, %get3A_339 : vector<16xf32>
      %get3A_341 = arith.index_cast %scan3A_148 : i32 to index
      %get3A_342 = arith.constant 176 : index
      %get3A_343 = tpu.vector_load %arg15[%get3A_341, %get3A_342] {strides = array<i32>} : memref<16x768xf32, #tpu.memory_space<vmem>>, vector<1x16xf32>,
      %get3A_344 = vector.shape_cast %get3A_343 : vector<1x16xf32> to vector<16xf32>
      %mul3A_345 = arith.mulf %get3A_160, %get3A_344 : vector<16xf32>
      %add3A_346 = arith.addf %mul3A_340, %mul3A_345 : vector<16xf32>
      %swap3A_347 = arith.index_cast %scan3A_148 : i32 to index
      %swap3A_348 = arith.constant 176 : index
      %swap3A_349 = tpu.vector_load %arg12[%swap3A_347, %swap3A_348] {strides = array<i32>} : memref<16x768xf32, #tpu.memory_space<vmem>>, vector<1x16xf32>,
      %swap3A_350 = vector.shape_cast %swap3A_349 : vector<1x16xf32> to vector<16xf32>
      %swap3A_351 = vector.shape_cast %add3A_346 : vector<16xf32> to vector<1x16xf32>
      tpu.vector_store %arg12[%swap3A_347, %swap3A_348], %swap3A_351 {strides = array<i32>} : memref<16x768xf32, #tpu.memory_space<vmem>>, vector<1x16xf32>,
      %get3A_352 = arith.index_cast %scan3A_148 : i32 to index
      %get3A_353 = arith.constant 192 : index
      %get3A_354 = tpu.vector_load %arg12[%get3A_352, %get3A_353] {strides = array<i32>} : memref<16x768xf32, #tpu.memory_space<vmem>>, vector<1x16xf32>,
      %get3A_355 = vector.shape_cast %get3A_354 : vector<1x16xf32> to vector<16xf32>
      %mul3A_356 = arith.mulf %get3A_154, %get3A_355 : vector<16xf32>
      %get3A_357 = arith.index_cast %scan3A_148 : i32 to index
      %get3A_358 = arith.constant 192 : index
      %get3A_359 = tpu.vector_load %arg15[%get3A_357, %get3A_358] {strides = array<i32>} : memref<16x768xf32, #tpu.memory_space<vmem>>, vector<1x16xf32>,
      %get3A_360 = vector.shape_cast %get3A_359 : vector<1x16xf32> to vector<16xf32>
      %mul3A_361 = arith.mulf %get3A_160, %get3A_360 : vector<16xf32>
      %add3A_362 = arith.addf %mul3A_356, %mul3A_361 : vector<16xf32>
      %swap3A_363 = arith.index_cast %scan3A_148 : i32 to index
      %swap3A_364 = arith.constant 192 : index
      %swap3A_365 = tpu.vector_load %arg12[%swap3A_363, %swap3A_364] {strides = array<i32>} : memref<16x768xf32, #tpu.memory_space<vmem>>, vector<1x16xf32>,
      %swap3A_366 = vector.shape_cast %swap3A_365 : vector<1x16xf32> to vector<16xf32>
      %swap3A_367 = vector.shape_cast %add3A_362 : vector<16xf32> to vector<1x16xf32>
      tpu.vector_store %arg12[%swap3A_363, %swap3A_364], %swap3A_367 {strides = array<i32>} : memref<16x768xf32, #tpu.memory_space<vmem>>, vector<1x16xf32>,
      %get3A_368 = arith.index_cast %scan3A_148 : i32 to index
      %get3A_369 = arith.constant 208 : index
      %get3A_370 = tpu.vector_load %arg12[%get3A_368, %get3A_369] {strides = array<i32>} : memref<16x768xf32, #tpu.memory_space<vmem>>, vector<1x16xf32>,
      %get3A_371 = vector.shape_cast %get3A_370 : vector<1x16xf32> to vector<16xf32>
      %mul3A_372 = arith.mulf %get3A_154, %get3A_371 : vector<16xf32>
      %get3A_373 = arith.index_cast %scan3A_148 : i32 to index
      %get3A_374 = arith.constant 208 : index
      %get3A_375 = tpu.vector_load %arg15[%get3A_373, %get3A_374] {strides = array<i32>} : memref<16x768xf32, #tpu.memory_space<vmem>>, vector<1x16xf32>,
      %get3A_376 = vector.shape_cast %get3A_375 : vector<1x16xf32> to vector<16xf32>
      %mul3A_377 = arith.mulf %get3A_160, %get3A_376 : vector<16xf32>
      %add3A_378 = arith.addf %mul3A_372, %mul3A_377 : vector<16xf32>
      %swap3A_379 = arith.index_cast %scan3A_148 : i32 to index
      %swap3A_380 = arith.constant 208 : index
      %swap3A_381 = tpu.vector_load %arg12[%swap3A_379, %swap3A_380] {strides = array<i32>} : memref<16x768xf32, #tpu.memory_space<vmem>>, vector<1x16xf32>,
      %swap3A_382 = vector.shape_cast %swap3A_381 : vector<1x16xf32> to vector<16xf32>
      %swap3A_383 = vector.shape_cast %add3A_378 : vector<16xf32> to vector<1x16xf32>
      tpu.vector_store %arg12[%swap3A_379, %swap3A_380], %swap3A_383 {strides = array<i32>} : memref<16x768xf32, #tpu.memory_space<vmem>>, vector<1x16xf32>,
      %get3A_384 = arith.index_cast %scan3A_148 : i32 to index
      %get3A_385 = arith.constant 224 : index
      %get3A_386 = tpu.vector_load %arg12[%get3A_384, %get3A_385] {strides = array<i32>} : memref<16x768xf32, #tpu.memory_space<vmem>>, vector<1x16xf32>,
      %get3A_387 = vector.shape_cast %get3A_386 : vector<1x16xf32> to vector<16xf32>
      %mul3A_388 = arith.mulf %get3A_154, %get3A_387 : vector<16xf32>
      %get3A_389 = arith.index_cast %scan3A_148 : i32 to index
      %get3A_390 = arith.constant 224 : index
      %get3A_391 = tpu.vector_load %arg15[%get3A_389, %get3A_390] {strides = array<i32>} : memref<16x768xf32, #tpu.memory_space<vmem>>, vector<1x16xf32>,
      %get3A_392 = vector.shape_cast %get3A_391 : vector<1x16xf32> to vector<16xf32>
      %mul3A_393 = arith.mulf %get3A_160, %get3A_392 : vector<16xf32>
      %add3A_394 = arith.addf %mul3A_388, %mul3A_393 : vector<16xf32>
      %swap3A_395 = arith.index_cast %scan3A_148 : i32 to index
      %swap3A_396 = arith.constant 224 : index
      %swap3A_397 = tpu.vector_load %arg12[%swap3A_395, %swap3A_396] {strides = array<i32>} : memref<16x768xf32, #tpu.memory_space<vmem>>, vector<1x16xf32>,
      %swap3A_398 = vector.shape_cast %swap3A_397 : vector<1x16xf32> to vector<16xf32>
      %swap3A_399 = vector.shape_cast %add3A_394 : vector<16xf32> to vector<1x16xf32>
      tpu.vector_store %arg12[%swap3A_395, %swap3A_396], %swap3A_399 {strides = array<i32>} : memref<16x768xf32, #tpu.memory_space<vmem>>, vector<1x16xf32>,
      %get3A_400 = arith.index_cast %scan3A_148 : i32 to index
      %get3A_401 = arith.constant 240 : index
      %get3A_402 = tpu.vector_load %arg12[%get3A_400, %get3A_401] {strides = array<i32>} : memref<16x768xf32, #tpu.memory_space<vmem>>, vector<1x16xf32>,
      %get3A_403 = vector.shape_cast %get3A_402 : vector<1x16xf32> to vector<16xf32>
      %mul3A_404 = arith.mulf %get3A_154, %get3A_403 : vector<16xf32>
      %get3A_405 = arith.index_cast %scan3A_148 : i32 to index
      %get3A_406 = arith.constant 240 : index
      %get3A_407 = tpu.vector_load %arg15[%get3A_405, %get3A_406] {strides = array<i32>} : memref<16x768xf32, #tpu.memory_space<vmem>>, vector<1x16xf32>,
      %get3A_408 = vector.shape_cast %get3A_407 : vector<1x16xf32> to vector<16xf32>
      %mul3A_409 = arith.mulf %get3A_160, %get3A_408 : vector<16xf32>
      %add3A_410 = arith.addf %mul3A_404, %mul3A_409 : vector<16xf32>
      %swap3A_411 = arith.index_cast %scan3A_148 : i32 to index
      %swap3A_412 = arith.constant 240 : index
      %swap3A_413 = tpu.vector_load %arg12[%swap3A_411, %swap3A_412] {strides = array<i32>} : memref<16x768xf32, #tpu.memory_space<vmem>>, vector<1x16xf32>,
      %swap3A_414 = vector.shape_cast %swap3A_413 : vector<1x16xf32> to vector<16xf32>
      %swap3A_415 = vector.shape_cast %add3A_410 : vector<16xf32> to vector<1x16xf32>
      tpu.vector_store %arg12[%swap3A_411, %swap3A_412], %swap3A_415 {strides = array<i32>} : memref<16x768xf32, #tpu.memory_space<vmem>>, vector<1x16xf32>,
      %get3A_416 = arith.index_cast %scan3A_148 : i32 to index
      %get3A_417 = arith.constant 256 : index
      %get3A_418 = tpu.vector_load %arg12[%get3A_416, %get3A_417] {strides = array<i32>} : memref<16x768xf32, #tpu.memory_space<vmem>>, vector<1x16xf32>,
      %get3A_419 = vector.shape_cast %get3A_418 : vector<1x16xf32> to vector<16xf32>
      %mul3A_420 = arith.mulf %get3A_154, %get3A_419 : vector<16xf32>
      %get3A_421 = arith.index_cast %scan3A_148 : i32 to index
      %get3A_422 = arith.constant 256 : index
      %get3A_423 = tpu.vector_load %arg15[%get3A_421, %get3A_422] {strides = array<i32>} : memref<16x768xf32, #tpu.memory_space<vmem>>, vector<1x16xf32>,
      %get3A_424 = vector.shape_cast %get3A_423 : vector<1x16xf32> to vector<16xf32>
      %mul3A_425 = arith.mulf %get3A_160, %get3A_424 : vector<16xf32>
      %add3A_426 = arith.addf %mul3A_420, %mul3A_425 : vector<16xf32>
      %swap3A_427 = arith.index_cast %scan3A_148 : i32 to index
      %swap3A_428 = arith.constant 256 : index
      %swap3A_429 = tpu.vector_load %arg12[%swap3A_427, %swap3A_428] {strides = array<i32>} : memref<16x768xf32, #tpu.memory_space<vmem>>, vector<1x16xf32>,
      %swap3A_430 = vector.shape_cast %swap3A_429 : vector<1x16xf32> to vector<16xf32>
      %swap3A_431 = vector.shape_cast %add3A_426 : vector<16xf32> to vector<1x16xf32>
      tpu.vector_store %arg12[%swap3A_427, %swap3A_428], %swap3A_431 {strides = array<i32>} : memref<16x768xf32, #tpu.memory_space<vmem>>, vector<1x16xf32>,
      %get3A_432 = arith.index_cast %scan3A_148 : i32 to index
      %get3A_433 = arith.constant 272 : index
      %get3A_434 = tpu.vector_load %arg12[%get3A_432, %get3A_433] {strides = array<i32>} : memref<16x768xf32, #tpu.memory_space<vmem>>, vector<1x16xf32>,
      %get3A_435 = vector.shape_cast %get3A_434 : vector<1x16xf32> to vector<16xf32>
      %mul3A_436 = arith.mulf %get3A_154, %get3A_435 : vector<16xf32>
      %get3A_437 = arith.index_cast %scan3A_148 : i32 to index
      %get3A_438 = arith.constant 272 : index
      %get3A_439 = tpu.vector_load %arg15[%get3A_437, %get3A_438] {strides = array<i32>} : memref<16x768xf32, #tpu.memory_space<vmem>>, vector<1x16xf32>,
      %get3A_440 = vector.shape_cast %get3A_439 : vector<1x16xf32> to vector<16xf32>
      %mul3A_441 = arith.mulf %get3A_160, %get3A_440 : vector<16xf32>
      %add3A_442 = arith.addf %mul3A_436, %mul3A_441 : vector<16xf32>
      %swap3A_443 = arith.index_cast %scan3A_148 : i32 to index
      %swap3A_444 = arith.constant 272 : index
      %swap3A_445 = tpu.vector_load %arg12[%swap3A_443, %swap3A_444] {strides = array<i32>} : memref<16x768xf32, #tpu.memory_space<vmem>>, vector<1x16xf32>,
      %swap3A_446 = vector.shape_cast %swap3A_445 : vector<1x16xf32> to vector<16xf32>
      %swap3A_447 = vector.shape_cast %add3A_442 : vector<16xf32> to vector<1x16xf32>
      tpu.vector_store %arg12[%swap3A_443, %swap3A_444], %swap3A_447 {strides = array<i32>} : memref<16x768xf32, #tpu.memory_space<vmem>>, vector<1x16xf32>,
      %get3A_448 = arith.index_cast %scan3A_148 : i32 to index
      %get3A_449 = arith.constant 288 : index
      %get3A_450 = tpu.vector_load %arg12[%get3A_448, %get3A_449] {strides = array<i32>} : memref<16x768xf32, #tpu.memory_space<vmem>>, vector<1x16xf32>,
      %get3A_451 = vector.shape_cast %get3A_450 : vector<1x16xf32> to vector<16xf32>
      %mul3A_452 = arith.mulf %get3A_154, %get3A_451 : vector<16xf32>
      %get3A_453 = arith.index_cast %scan3A_148 : i32 to index
      %get3A_454 = arith.constant 288 : index
      %get3A_455 = tpu.vector_load %arg15[%get3A_453, %get3A_454] {strides = array<i32>} : memref<16x768xf32, #tpu.memory_space<vmem>>, vector<1x16xf32>,
      %get3A_456 = vector.shape_cast %get3A_455 : vector<1x16xf32> to vector<16xf32>
      %mul3A_457 = arith.mulf %get3A_160, %get3A_456 : vector<16xf32>
      %add3A_458 = arith.addf %mul3A_452, %mul3A_457 : vector<16xf32>
      %swap3A_459 = arith.index_cast %scan3A_148 : i32 to index
      %swap3A_460 = arith.constant 288 : index
      %swap3A_461 = tpu.vector_load %arg12[%swap3A_459, %swap3A_460] {strides = array<i32>} : memref<16x768xf32, #tpu.memory_space<vmem>>, vector<1x16xf32>,
      %swap3A_462 = vector.shape_cast %swap3A_461 : vector<1x16xf32> to vector<16xf32>
      %swap3A_463 = vector.shape_cast %add3A_458 : vector<16xf32> to vector<1x16xf32>
      tpu.vector_store %arg12[%swap3A_459, %swap3A_460], %swap3A_463 {strides = array<i32>} : memref<16x768xf32, #tpu.memory_space<vmem>>, vector<1x16xf32>,
      %get3A_464 = arith.index_cast %scan3A_148 : i32 to index
      %get3A_465 = arith.constant 304 : index
      %get3A_466 = tpu.vector_load %arg12[%get3A_464, %get3A_465] {strides = array<i32>} : memref<16x768xf32, #tpu.memory_space<vmem>>, vector<1x16xf32>,
      %get3A_467 = vector.shape_cast %get3A_466 : vector<1x16xf32> to vector<16xf32>
      %mul3A_468 = arith.mulf %get3A_154, %get3A_467 : vector<16xf32>
      %get3A_469 = arith.index_cast %scan3A_148 : i32 to index
      %get3A_470 = arith.constant 304 : index
      %get3A_471 = tpu.vector_load %arg15[%get3A_469, %get3A_470] {strides = array<i32>} : memref<16x768xf32, #tpu.memory_space<vmem>>, vector<1x16xf32>,
      %get3A_472 = vector.shape_cast %get3A_471 : vector<1x16xf32> to vector<16xf32>
      %mul3A_473 = arith.mulf %get3A_160, %get3A_472 : vector<16xf32>
      %add3A_474 = arith.addf %mul3A_468, %mul3A_473 : vector<16xf32>
      %swap3A_475 = arith.index_cast %scan3A_148 : i32 to index
      %swap3A_476 = arith.constant 304 : index
      %swap3A_477 = tpu.vector_load %arg12[%swap3A_475, %swap3A_476] {strides = array<i32>} : memref<16x768xf32, #tpu.memory_space<vmem>>, vector<1x16xf32>,
      %swap3A_478 = vector.shape_cast %swap3A_477 : vector<1x16xf32> to vector<16xf32>
      %swap3A_479 = vector.shape_cast %add3A_474 : vector<16xf32> to vector<1x16xf32>
      tpu.vector_store %arg12[%swap3A_475, %swap3A_476], %swap3A_479 {strides = array<i32>} : memref<16x768xf32, #tpu.memory_space<vmem>>, vector<1x16xf32>,
      %get3A_480 = arith.index_cast %scan3A_148 : i32 to index
      %get3A_481 = arith.constant 320 : index
      %get3A_482 = tpu.vector_load %arg12[%get3A_480, %get3A_481] {strides = array<i32>} : memref<16x768xf32, #tpu.memory_space<vmem>>, vector<1x16xf32>,
      %get3A_483 = vector.shape_cast %get3A_482 : vector<1x16xf32> to vector<16xf32>
      %mul3A_484 = arith.mulf %get3A_154, %get3A_483 : vector<16xf32>
      %get3A_485 = arith.index_cast %scan3A_148 : i32 to index
      %get3A_486 = arith.constant 320 : index
      %get3A_487 = tpu.vector_load %arg15[%get3A_485, %get3A_486] {strides = array<i32>} : memref<16x768xf32, #tpu.memory_space<vmem>>, vector<1x16xf32>,
      %get3A_488 = vector.shape_cast %get3A_487 : vector<1x16xf32> to vector<16xf32>
      %mul3A_489 = arith.mulf %get3A_160, %get3A_488 : vector<16xf32>
      %add3A_490 = arith.addf %mul3A_484, %mul3A_489 : vector<16xf32>
      %swap3A_491 = arith.index_cast %scan3A_148 : i32 to index
      %swap3A_492 = arith.constant 320 : index
      %swap3A_493 = tpu.vector_load %arg12[%swap3A_491, %swap3A_492] {strides = array<i32>} : memref<16x768xf32, #tpu.memory_space<vmem>>, vector<1x16xf32>,
      %swap3A_494 = vector.shape_cast %swap3A_493 : vector<1x16xf32> to vector<16xf32>
      %swap3A_495 = vector.shape_cast %add3A_490 : vector<16xf32> to vector<1x16xf32>
      tpu.vector_store %arg12[%swap3A_491, %swap3A_492], %swap3A_495 {strides = array<i32>} : memref<16x768xf32, #tpu.memory_space<vmem>>, vector<1x16xf32>,
      %get3A_496 = arith.index_cast %scan3A_148 : i32 to index
      %get3A_497 = arith.constant 336 : index
      %get3A_498 = tpu.vector_load %arg12[%get3A_496, %get3A_497] {strides = array<i32>} : memref<16x768xf32, #tpu.memory_space<vmem>>, vector<1x16xf32>,
      %get3A_499 = vector.shape_cast %get3A_498 : vector<1x16xf32> to vector<16xf32>
      %mul3A_500 = arith.mulf %get3A_154, %get3A_499 : vector<16xf32>
      %get3A_501 = arith.index_cast %scan3A_148 : i32 to index
      %get3A_502 = arith.constant 336 : index
      %get3A_503 = tpu.vector_load %arg15[%get3A_501, %get3A_502] {strides = array<i32>} : memref<16x768xf32, #tpu.memory_space<vmem>>, vector<1x16xf32>,
      %get3A_504 = vector.shape_cast %get3A_503 : vector<1x16xf32> to vector<16xf32>
      %mul3A_505 = arith.mulf %get3A_160, %get3A_504 : vector<16xf32>
      %add3A_506 = arith.addf %mul3A_500, %mul3A_505 : vector<16xf32>
      %swap3A_507 = arith.index_cast %scan3A_148 : i32 to index
      %swap3A_508 = arith.constant 336 : index
      %swap3A_509 = tpu.vector_load %arg12[%swap3A_507, %swap3A_508] {strides = array<i32>} : memref<16x768xf32, #tpu.memory_space<vmem>>, vector<1x16xf32>,
      %swap3A_510 = vector.shape_cast %swap3A_509 : vector<1x16xf32> to vector<16xf32>
      %swap3A_511 = vector.shape_cast %add3A_506 : vector<16xf32> to vector<1x16xf32>
      tpu.vector_store %arg12[%swap3A_507, %swap3A_508], %swap3A_511 {strides = array<i32>} : memref<16x768xf32, #tpu.memory_space<vmem>>, vector<1x16xf32>,
      %get3A_512 = arith.index_cast %scan3A_148 : i32 to index
      %get3A_513 = arith.constant 352 : index
      %get3A_514 = tpu.vector_load %arg12[%get3A_512, %get3A_513] {strides = array<i32>} : memref<16x768xf32, #tpu.memory_space<vmem>>, vector<1x16xf32>,
      %get3A_515 = vector.shape_cast %get3A_514 : vector<1x16xf32> to vector<16xf32>
      %mul3A_516 = arith.mulf %get3A_154, %get3A_515 : vector<16xf32>
      %get3A_517 = arith.index_cast %scan3A_148 : i32 to index
      %get3A_518 = arith.constant 352 : index
      %get3A_519 = tpu.vector_load %arg15[%get3A_517, %get3A_518] {strides = array<i32>} : memref<16x768xf32, #tpu.memory_space<vmem>>, vector<1x16xf32>,
      %get3A_520 = vector.shape_cast %get3A_519 : vector<1x16xf32> to vector<16xf32>
      %mul3A_521 = arith.mulf %get3A_160, %get3A_520 : vector<16xf32>
      %add3A_522 = arith.addf %mul3A_516, %mul3A_521 : vector<16xf32>
      %swap3A_523 = arith.index_cast %scan3A_148 : i32 to index
      %swap3A_524 = arith.constant 352 : index
      %swap3A_525 = tpu.vector_load %arg12[%swap3A_523, %swap3A_524] {strides = array<i32>} : memref<16x768xf32, #tpu.memory_space<vmem>>, vector<1x16xf32>,
      %swap3A_526 = vector.shape_cast %swap3A_525 : vector<1x16xf32> to vector<16xf32>
      %swap3A_527 = vector.shape_cast %add3A_522 : vector<16xf32> to vector<1x16xf32>
      tpu.vector_store %arg12[%swap3A_523, %swap3A_524], %swap3A_527 {strides = array<i32>} : memref<16x768xf32, #tpu.memory_space<vmem>>, vector<1x16xf32>,
      %get3A_528 = arith.index_cast %scan3A_148 : i32 to index
      %get3A_529 = arith.constant 368 : index
      %get3A_530 = tpu.vector_load %arg12[%get3A_528, %get3A_529] {strides = array<i32>} : memref<16x768xf32, #tpu.memory_space<vmem>>, vector<1x16xf32>,
      %get3A_531 = vector.shape_cast %get3A_530 : vector<1x16xf32> to vector<16xf32>
      %mul3A_532 = arith.mulf %get3A_154, %get3A_531 : vector<16xf32>
      %get3A_533 = arith.index_cast %scan3A_148 : i32 to index
      %get3A_534 = arith.constant 368 : index
      %get3A_535 = tpu.vector_load %arg15[%get3A_533, %get3A_534] {strides = array<i32>} : memref<16x768xf32, #tpu.memory_space<vmem>>, vector<1x16xf32>,
      %get3A_536 = vector.shape_cast %get3A_535 : vector<1x16xf32> to vector<16xf32>
      %mul3A_537 = arith.mulf %get3A_160, %get3A_536 : vector<16xf32>
      %add3A_538 = arith.addf %mul3A_532, %mul3A_537 : vector<16xf32>
      %swap3A_539 = arith.index_cast %scan3A_148 : i32 to index
      %swap3A_540 = arith.constant 368 : index
      %swap3A_541 = tpu.vector_load %arg12[%swap3A_539, %swap3A_540] {strides = array<i32>} : memref<16x768xf32, #tpu.memory_space<vmem>>, vector<1x16xf32>,
      %swap3A_542 = vector.shape_cast %swap3A_541 : vector<1x16xf32> to vector<16xf32>
      %swap3A_543 = vector.shape_cast %add3A_538 : vector<16xf32> to vector<1x16xf32>
      tpu.vector_store %arg12[%swap3A_539, %swap3A_540], %swap3A_543 {strides = array<i32>} : memref<16x768xf32, #tpu.memory_space<vmem>>, vector<1x16xf32>,
      %get3A_544 = arith.index_cast %scan3A_148 : i32 to index
      %get3A_545 = arith.constant 384 : index
      %get3A_546 = tpu.vector_load %arg12[%get3A_544, %get3A_545] {strides = array<i32>} : memref<16x768xf32, #tpu.memory_space<vmem>>, vector<1x16xf32>,
      %get3A_547 = vector.shape_cast %get3A_546 : vector<1x16xf32> to vector<16xf32>
      %mul3A_548 = arith.mulf %get3A_154, %get3A_547 : vector<16xf32>
      %get3A_549 = arith.index_cast %scan3A_148 : i32 to index
      %get3A_550 = arith.constant 384 : index
      %get3A_551 = tpu.vector_load %arg15[%get3A_549, %get3A_550] {strides = array<i32>} : memref<16x768xf32, #tpu.memory_space<vmem>>, vector<1x16xf32>,
      %get3A_552 = vector.shape_cast %get3A_551 : vector<1x16xf32> to vector<16xf32>
      %mul3A_553 = arith.mulf %get3A_160, %get3A_552 : vector<16xf32>
      %add3A_554 = arith.addf %mul3A_548, %mul3A_553 : vector<16xf32>
      %swap3A_555 = arith.index_cast %scan3A_148 : i32 to index
      %swap3A_556 = arith.constant 384 : index
      %swap3A_557 = tpu.vector_load %arg12[%swap3A_555, %swap3A_556] {strides = array<i32>} : memref<16x768xf32, #tpu.memory_space<vmem>>, vector<1x16xf32>,
      %swap3A_558 = vector.shape_cast %swap3A_557 : vector<1x16xf32> to vector<16xf32>
      %swap3A_559 = vector.shape_cast %add3A_554 : vector<16xf32> to vector<1x16xf32>
      tpu.vector_store %arg12[%swap3A_555, %swap3A_556], %swap3A_559 {strides = array<i32>} : memref<16x768xf32, #tpu.memory_space<vmem>>, vector<1x16xf32>,
      %get3A_560 = arith.index_cast %scan3A_148 : i32 to index
      %get3A_561 = arith.constant 400 : index
      %get3A_562 = tpu.vector_load %arg12[%get3A_560, %get3A_561] {strides = array<i32>} : memref<16x768xf32, #tpu.memory_space<vmem>>, vector<1x16xf32>,
      %get3A_563 = vector.shape_cast %get3A_562 : vector<1x16xf32> to vector<16xf32>
      %mul3A_564 = arith.mulf %get3A_154, %get3A_563 : vector<16xf32>
      %get3A_565 = arith.index_cast %scan3A_148 : i32 to index
      %get3A_566 = arith.constant 400 : index
      %get3A_567 = tpu.vector_load %arg15[%get3A_565, %get3A_566] {strides = array<i32>} : memref<16x768xf32, #tpu.memory_space<vmem>>, vector<1x16xf32>,
      %get3A_568 = vector.shape_cast %get3A_567 : vector<1x16xf32> to vector<16xf32>
      %mul3A_569 = arith.mulf %get3A_160, %get3A_568 : vector<16xf32>
      %add3A_570 = arith.addf %mul3A_564, %mul3A_569 : vector<16xf32>
      %swap3A_571 = arith.index_cast %scan3A_148 : i32 to index
      %swap3A_572 = arith.constant 400 : index
      %swap3A_573 = tpu.vector_load %arg12[%swap3A_571, %swap3A_572] {strides = array<i32>} : memref<16x768xf32, #tpu.memory_space<vmem>>, vector<1x16xf32>,
      %swap3A_574 = vector.shape_cast %swap3A_573 : vector<1x16xf32> to vector<16xf32>
      %swap3A_575 = vector.shape_cast %add3A_570 : vector<16xf32> to vector<1x16xf32>
      tpu.vector_store %arg12[%swap3A_571, %swap3A_572], %swap3A_575 {strides = array<i32>} : memref<16x768xf32, #tpu.memory_space<vmem>>, vector<1x16xf32>,
      %get3A_576 = arith.index_cast %scan3A_148 : i32 to index
      %get3A_577 = arith.constant 416 : index
      %get3A_578 = tpu.vector_load %arg12[%get3A_576, %get3A_577] {strides = array<i32>} : memref<16x768xf32, #tpu.memory_space<vmem>>, vector<1x16xf32>,
      %get3A_579 = vector.shape_cast %get3A_578 : vector<1x16xf32> to vector<16xf32>
      %mul3A_580 = arith.mulf %get3A_154, %get3A_579 : vector<16xf32>
      %get3A_581 = arith.index_cast %scan3A_148 : i32 to index
      %get3A_582 = arith.constant 416 : index
      %get3A_583 = tpu.vector_load %arg15[%get3A_581, %get3A_582] {strides = array<i32>} : memref<16x768xf32, #tpu.memory_space<vmem>>, vector<1x16xf32>,
      %get3A_584 = vector.shape_cast %get3A_583 : vector<1x16xf32> to vector<16xf32>
      %mul3A_585 = arith.mulf %get3A_160, %get3A_584 : vector<16xf32>
      %add3A_586 = arith.addf %mul3A_580, %mul3A_585 : vector<16xf32>
      %swap3A_587 = arith.index_cast %scan3A_148 : i32 to index
      %swap3A_588 = arith.constant 416 : index
      %swap3A_589 = tpu.vector_load %arg12[%swap3A_587, %swap3A_588] {strides = array<i32>} : memref<16x768xf32, #tpu.memory_space<vmem>>, vector<1x16xf32>,
      %swap3A_590 = vector.shape_cast %swap3A_589 : vector<1x16xf32> to vector<16xf32>
      %swap3A_591 = vector.shape_cast %add3A_586 : vector<16xf32> to vector<1x16xf32>
      tpu.vector_store %arg12[%swap3A_587, %swap3A_588], %swap3A_591 {strides = array<i32>} : memref<16x768xf32, #tpu.memory_space<vmem>>, vector<1x16xf32>,
      %get3A_592 = arith.index_cast %scan3A_148 : i32 to index
      %get3A_593 = arith.constant 432 : index
      %get3A_594 = tpu.vector_load %arg12[%get3A_592, %get3A_593] {strides = array<i32>} : memref<16x768xf32, #tpu.memory_space<vmem>>, vector<1x16xf32>,
      %get3A_595 = vector.shape_cast %get3A_594 : vector<1x16xf32> to vector<16xf32>
      %mul3A_596 = arith.mulf %get3A_154, %get3A_595 : vector<16xf32>
      %get3A_597 = arith.index_cast %scan3A_148 : i32 to index
      %get3A_598 = arith.constant 432 : index
      %get3A_599 = tpu.vector_load %arg15[%get3A_597, %get3A_598] {strides = array<i32>} : memref<16x768xf32, #tpu.memory_space<vmem>>, vector<1x16xf32>,
      %get3A_600 = vector.shape_cast %get3A_599 : vector<1x16xf32> to vector<16xf32>
      %mul3A_601 = arith.mulf %get3A_160, %get3A_600 : vector<16xf32>
      %add3A_602 = arith.addf %mul3A_596, %mul3A_601 : vector<16xf32>
      %swap3A_603 = arith.index_cast %scan3A_148 : i32 to index
      %swap3A_604 = arith.constant 432 : index
      %swap3A_605 = tpu.vector_load %arg12[%swap3A_603, %swap3A_604] {strides = array<i32>} : memref<16x768xf32, #tpu.memory_space<vmem>>, vector<1x16xf32>,
      %swap3A_606 = vector.shape_cast %swap3A_605 : vector<1x16xf32> to vector<16xf32>
      %swap3A_607 = vector.shape_cast %add3A_602 : vector<16xf32> to vector<1x16xf32>
      tpu.vector_store %arg12[%swap3A_603, %swap3A_604], %swap3A_607 {strides = array<i32>} : memref<16x768xf32, #tpu.memory_space<vmem>>, vector<1x16xf32>,
      %get3A_608 = arith.index_cast %scan3A_148 : i32 to index
      %get3A_609 = arith.constant 448 : index
      %get3A_610 = tpu.vector_load %arg12[%get3A_608, %get3A_609] {strides = array<i32>} : memref<16x768xf32, #tpu.memory_space<vmem>>, vector<1x16xf32>,
      %get3A_611 = vector.shape_cast %get3A_610 : vector<1x16xf32> to vector<16xf32>
      %mul3A_612 = arith.mulf %get3A_154, %get3A_611 : vector<16xf32>
      %get3A_613 = arith.index_cast %scan3A_148 : i32 to index
      %get3A_614 = arith.constant 448 : index
      %get3A_615 = tpu.vector_load %arg15[%get3A_613, %get3A_614] {strides = array<i32>} : memref<16x768xf32, #tpu.memory_space<vmem>>, vector<1x16xf32>,
      %get3A_616 = vector.shape_cast %get3A_615 : vector<1x16xf32> to vector<16xf32>
      %mul3A_617 = arith.mulf %get3A_160, %get3A_616 : vector<16xf32>
      %add3A_618 = arith.addf %mul3A_612, %mul3A_617 : vector<16xf32>
      %swap3A_619 = arith.index_cast %scan3A_148 : i32 to index
      %swap3A_620 = arith.constant 448 : index
      %swap3A_621 = tpu.vector_load %arg12[%swap3A_619, %swap3A_620] {strides = array<i32>} : memref<16x768xf32, #tpu.memory_space<vmem>>, vector<1x16xf32>,
      %swap3A_622 = vector.shape_cast %swap3A_621 : vector<1x16xf32> to vector<16xf32>
      %swap3A_623 = vector.shape_cast %add3A_618 : vector<16xf32> to vector<1x16xf32>
      tpu.vector_store %arg12[%swap3A_619, %swap3A_620], %swap3A_623 {strides = array<i32>} : memref<16x768xf32, #tpu.memory_space<vmem>>, vector<1x16xf32>,
      %get3A_624 = arith.index_cast %scan3A_148 : i32 to index
      %get3A_625 = arith.constant 464 : index
      %get3A_626 = tpu.vector_load %arg12[%get3A_624, %get3A_625] {strides = array<i32>} : memref<16x768xf32, #tpu.memory_space<vmem>>, vector<1x16xf32>,
      %get3A_627 = vector.shape_cast %get3A_626 : vector<1x16xf32> to vector<16xf32>
      %mul3A_628 = arith.mulf %get3A_154, %get3A_627 : vector<16xf32>
      %get3A_629 = arith.index_cast %scan3A_148 : i32 to index
      %get3A_630 = arith.constant 464 : index
      %get3A_631 = tpu.vector_load %arg15[%get3A_629, %get3A_630] {strides = array<i32>} : memref<16x768xf32, #tpu.memory_space<vmem>>, vector<1x16xf32>,
      %get3A_632 = vector.shape_cast %get3A_631 : vector<1x16xf32> to vector<16xf32>
      %mul3A_633 = arith.mulf %get3A_160, %get3A_632 : vector<16xf32>
      %add3A_634 = arith.addf %mul3A_628, %mul3A_633 : vector<16xf32>
      %swap3A_635 = arith.index_cast %scan3A_148 : i32 to index
      %swap3A_636 = arith.constant 464 : index
      %swap3A_637 = tpu.vector_load %arg12[%swap3A_635, %swap3A_636] {strides = array<i32>} : memref<16x768xf32, #tpu.memory_space<vmem>>, vector<1x16xf32>,
      %swap3A_638 = vector.shape_cast %swap3A_637 : vector<1x16xf32> to vector<16xf32>
      %swap3A_639 = vector.shape_cast %add3A_634 : vector<16xf32> to vector<1x16xf32>
      tpu.vector_store %arg12[%swap3A_635, %swap3A_636], %swap3A_639 {strides = array<i32>} : memref<16x768xf32, #tpu.memory_space<vmem>>, vector<1x16xf32>,
      %get3A_640 = arith.index_cast %scan3A_148 : i32 to index
      %get3A_641 = arith.constant 480 : index
      %get3A_642 = tpu.vector_load %arg12[%get3A_640, %get3A_641] {strides = array<i32>} : memref<16x768xf32, #tpu.memory_space<vmem>>, vector<1x16xf32>,
      %get3A_643 = vector.shape_cast %get3A_642 : vector<1x16xf32> to vector<16xf32>
      %mul3A_644 = arith.mulf %get3A_154, %get3A_643 : vector<16xf32>
      %get3A_645 = arith.index_cast %scan3A_148 : i32 to index
      %get3A_646 = arith.constant 480 : index
      %get3A_647 = tpu.vector_load %arg15[%get3A_645, %get3A_646] {strides = array<i32>} : memref<16x768xf32, #tpu.memory_space<vmem>>, vector<1x16xf32>,
      %get3A_648 = vector.shape_cast %get3A_647 : vector<1x16xf32> to vector<16xf32>
      %mul3A_649 = arith.mulf %get3A_160, %get3A_648 : vector<16xf32>
      %add3A_650 = arith.addf %mul3A_644, %mul3A_649 : vector<16xf32>
      %swap3A_651 = arith.index_cast %scan3A_148 : i32 to index
      %swap3A_652 = arith.constant 480 : index
      %swap3A_653 = tpu.vector_load %arg12[%swap3A_651, %swap3A_652] {strides = array<i32>} : memref<16x768xf32, #tpu.memory_space<vmem>>, vector<1x16xf32>,
      %swap3A_654 = vector.shape_cast %swap3A_653 : vector<1x16xf32> to vector<16xf32>
      %swap3A_655 = vector.shape_cast %add3A_650 : vector<16xf32> to vector<1x16xf32>
      tpu.vector_store %arg12[%swap3A_651, %swap3A_652], %swap3A_655 {strides = array<i32>} : memref<16x768xf32, #tpu.memory_space<vmem>>, vector<1x16xf32>,
      %get3A_656 = arith.index_cast %scan3A_148 : i32 to index
      %get3A_657 = arith.constant 496 : index
      %get3A_658 = tpu.vector_load %arg12[%get3A_656, %get3A_657] {strides = array<i32>} : memref<16x768xf32, #tpu.memory_space<vmem>>, vector<1x16xf32>,
      %get3A_659 = vector.shape_cast %get3A_658 : vector<1x16xf32> to vector<16xf32>
      %mul3A_660 = arith.mulf %get3A_154, %get3A_659 : vector<16xf32>
      %get3A_661 = arith.index_cast %scan3A_148 : i32 to index
      %get3A_662 = arith.constant 496 : index
      %get3A_663 = tpu.vector_load %arg15[%get3A_661, %get3A_662] {strides = array<i32>} : memref<16x768xf32, #tpu.memory_space<vmem>>, vector<1x16xf32>,
      %get3A_664 = vector.shape_cast %get3A_663 : vector<1x16xf32> to vector<16xf32>
      %mul3A_665 = arith.mulf %get3A_160, %get3A_664 : vector<16xf32>
      %add3A_666 = arith.addf %mul3A_660, %mul3A_665 : vector<16xf32>
      %swap3A_667 = arith.index_cast %scan3A_148 : i32 to index
      %swap3A_668 = arith.constant 496 : index
      %swap3A_669 = tpu.vector_load %arg12[%swap3A_667, %swap3A_668] {strides = array<i32>} : memref<16x768xf32, #tpu.memory_space<vmem>>, vector<1x16xf32>,
      %swap3A_670 = vector.shape_cast %swap3A_669 : vector<1x16xf32> to vector<16xf32>
      %swap3A_671 = vector.shape_cast %add3A_666 : vector<16xf32> to vector<1x16xf32>
      tpu.vector_store %arg12[%swap3A_667, %swap3A_668], %swap3A_671 {strides = array<i32>} : memref<16x768xf32, #tpu.memory_space<vmem>>, vector<1x16xf32>,
      %get3A_672 = arith.index_cast %scan3A_148 : i32 to index
      %get3A_673 = arith.constant 512 : index
      %get3A_674 = tpu.vector_load %arg12[%get3A_672, %get3A_673] {strides = array<i32>} : memref<16x768xf32, #tpu.memory_space<vmem>>, vector<1x16xf32>,
      %get3A_675 = vector.shape_cast %get3A_674 : vector<1x16xf32> to vector<16xf32>
      %mul3A_676 = arith.mulf %get3A_154, %get3A_675 : vector<16xf32>
      %get3A_677 = arith.index_cast %scan3A_148 : i32 to index
      %get3A_678 = arith.constant 512 : index
      %get3A_679 = tpu.vector_load %arg15[%get3A_677, %get3A_678] {strides = array<i32>} : memref<16x768xf32, #tpu.memory_space<vmem>>, vector<1x16xf32>,
      %get3A_680 = vector.shape_cast %get3A_679 : vector<1x16xf32> to vector<16xf32>
      %mul3A_681 = arith.mulf %get3A_160, %get3A_680 : vector<16xf32>
      %add3A_682 = arith.addf %mul3A_676, %mul3A_681 : vector<16xf32>
      %swap3A_683 = arith.index_cast %scan3A_148 : i32 to index
      %swap3A_684 = arith.constant 512 : index
      %swap3A_685 = tpu.vector_load %arg12[%swap3A_683, %swap3A_684] {strides = array<i32>} : memref<16x768xf32, #tpu.memory_space<vmem>>, vector<1x16xf32>,
      %swap3A_686 = vector.shape_cast %swap3A_685 : vector<1x16xf32> to vector<16xf32>
      %swap3A_687 = vector.shape_cast %add3A_682 : vector<16xf32> to vector<1x16xf32>
      tpu.vector_store %arg12[%swap3A_683, %swap3A_684], %swap3A_687 {strides = array<i32>} : memref<16x768xf32, #tpu.memory_space<vmem>>, vector<1x16xf32>,
      %get3A_688 = arith.index_cast %scan3A_148 : i32 to index
      %get3A_689 = arith.constant 528 : index
      %get3A_690 = tpu.vector_load %arg12[%get3A_688, %get3A_689] {strides = array<i32>} : memref<16x768xf32, #tpu.memory_space<vmem>>, vector<1x16xf32>,
      %get3A_691 = vector.shape_cast %get3A_690 : vector<1x16xf32> to vector<16xf32>
      %mul3A_692 = arith.mulf %get3A_154, %get3A_691 : vector<16xf32>
      %get3A_693 = arith.index_cast %scan3A_148 : i32 to index
      %get3A_694 = arith.constant 528 : index
      %get3A_695 = tpu.vector_load %arg15[%get3A_693, %get3A_694] {strides = array<i32>} : memref<16x768xf32, #tpu.memory_space<vmem>>, vector<1x16xf32>,
      %get3A_696 = vector.shape_cast %get3A_695 : vector<1x16xf32> to vector<16xf32>
      %mul3A_697 = arith.mulf %get3A_160, %get3A_696 : vector<16xf32>
      %add3A_698 = arith.addf %mul3A_692, %mul3A_697 : vector<16xf32>
      %swap3A_699 = arith.index_cast %scan3A_148 : i32 to index
      %swap3A_700 = arith.constant 528 : index
      %swap3A_701 = tpu.vector_load %arg12[%swap3A_699, %swap3A_700] {strides = array<i32>} : memref<16x768xf32, #tpu.memory_space<vmem>>, vector<1x16xf32>,
      %swap3A_702 = vector.shape_cast %swap3A_701 : vector<1x16xf32> to vector<16xf32>
      %swap3A_703 = vector.shape_cast %add3A_698 : vector<16xf32> to vector<1x16xf32>
      tpu.vector_store %arg12[%swap3A_699, %swap3A_700], %swap3A_703 {strides = array<i32>} : memref<16x768xf32, #tpu.memory_space<vmem>>, vector<1x16xf32>,
      %get3A_704 = arith.index_cast %scan3A_148 : i32 to index
      %get3A_705 = arith.constant 544 : index
      %get3A_706 = tpu.vector_load %arg12[%get3A_704, %get3A_705] {strides = array<i32>} : memref<16x768xf32, #tpu.memory_space<vmem>>, vector<1x16xf32>,
      %get3A_707 = vector.shape_cast %get3A_706 : vector<1x16xf32> to vector<16xf32>
      %mul3A_708 = arith.mulf %get3A_154, %get3A_707 : vector<16xf32>
      %get3A_709 = arith.index_cast %scan3A_148 : i32 to index
      %get3A_710 = arith.constant 544 : index
      %get3A_711 = tpu.vector_load %arg15[%get3A_709, %get3A_710] {strides = array<i32>} : memref<16x768xf32, #tpu.memory_space<vmem>>, vector<1x16xf32>,
      %get3A_712 = vector.shape_cast %get3A_711 : vector<1x16xf32> to vector<16xf32>
      %mul3A_713 = arith.mulf %get3A_160, %get3A_712 : vector<16xf32>
      %add3A_714 = arith.addf %mul3A_708, %mul3A_713 : vector<16xf32>
      %swap3A_715 = arith.index_cast %scan3A_148 : i32 to index
      %swap3A_716 = arith.constant 544 : index
      %swap3A_717 = tpu.vector_load %arg12[%swap3A_715, %swap3A_716] {strides = array<i32>} : memref<16x768xf32, #tpu.memory_space<vmem>>, vector<1x16xf32>,
      %swap3A_718 = vector.shape_cast %swap3A_717 : vector<1x16xf32> to vector<16xf32>
      %swap3A_719 = vector.shape_cast %add3A_714 : vector<16xf32> to vector<1x16xf32>
      tpu.vector_store %arg12[%swap3A_715, %swap3A_716], %swap3A_719 {strides = array<i32>} : memref<16x768xf32, #tpu.memory_space<vmem>>, vector<1x16xf32>,
      %get3A_720 = arith.index_cast %scan3A_148 : i32 to index
      %get3A_721 = arith.constant 560 : index
      %get3A_722 = tpu.vector_load %arg12[%get3A_720, %get3A_721] {strides = array<i32>} : memref<16x768xf32, #tpu.memory_space<vmem>>, vector<1x16xf32>,
      %get3A_723 = vector.shape_cast %get3A_722 : vector<1x16xf32> to vector<16xf32>
      %mul3A_724 = arith.mulf %get3A_154, %get3A_723 : vector<16xf32>
      %get3A_725 = arith.index_cast %scan3A_148 : i32 to index
      %get3A_726 = arith.constant 560 : index
      %get3A_727 = tpu.vector_load %arg15[%get3A_725, %get3A_726] {strides = array<i32>} : memref<16x768xf32, #tpu.memory_space<vmem>>, vector<1x16xf32>,
      %get3A_728 = vector.shape_cast %get3A_727 : vector<1x16xf32> to vector<16xf32>
      %mul3A_729 = arith.mulf %get3A_160, %get3A_728 : vector<16xf32>
      %add3A_730 = arith.addf %mul3A_724, %mul3A_729 : vector<16xf32>
      %swap3A_731 = arith.index_cast %scan3A_148 : i32 to index
      %swap3A_732 = arith.constant 560 : index
      %swap3A_733 = tpu.vector_load %arg12[%swap3A_731, %swap3A_732] {strides = array<i32>} : memref<16x768xf32, #tpu.memory_space<vmem>>, vector<1x16xf32>,
      %swap3A_734 = vector.shape_cast %swap3A_733 : vector<1x16xf32> to vector<16xf32>
      %swap3A_735 = vector.shape_cast %add3A_730 : vector<16xf32> to vector<1x16xf32>
      tpu.vector_store %arg12[%swap3A_731, %swap3A_732], %swap3A_735 {strides = array<i32>} : memref<16x768xf32, #tpu.memory_space<vmem>>, vector<1x16xf32>,
      %get3A_736 = arith.index_cast %scan3A_148 : i32 to index
      %get3A_737 = arith.constant 576 : index
      %get3A_738 = tpu.vector_load %arg12[%get3A_736, %get3A_737] {strides = array<i32>} : memref<16x768xf32, #tpu.memory_space<vmem>>, vector<1x16xf32>,
      %get3A_739 = vector.shape_cast %get3A_738 : vector<1x16xf32> to vector<16xf32>
      %mul3A_740 = arith.mulf %get3A_154, %get3A_739 : vector<16xf32>
      %get3A_741 = arith.index_cast %scan3A_148 : i32 to index
      %get3A_742 = arith.constant 576 : index
      %get3A_743 = tpu.vector_load %arg15[%get3A_741, %get3A_742] {strides = array<i32>} : memref<16x768xf32, #tpu.memory_space<vmem>>, vector<1x16xf32>,
      %get3A_744 = vector.shape_cast %get3A_743 : vector<1x16xf32> to vector<16xf32>
      %mul3A_745 = arith.mulf %get3A_160, %get3A_744 : vector<16xf32>
      %add3A_746 = arith.addf %mul3A_740, %mul3A_745 : vector<16xf32>
      %swap3A_747 = arith.index_cast %scan3A_148 : i32 to index
      %swap3A_748 = arith.constant 576 : index
      %swap3A_749 = tpu.vector_load %arg12[%swap3A_747, %swap3A_748] {strides = array<i32>} : memref<16x768xf32, #tpu.memory_space<vmem>>, vector<1x16xf32>,
      %swap3A_750 = vector.shape_cast %swap3A_749 : vector<1x16xf32> to vector<16xf32>
      %swap3A_751 = vector.shape_cast %add3A_746 : vector<16xf32> to vector<1x16xf32>
      tpu.vector_store %arg12[%swap3A_747, %swap3A_748], %swap3A_751 {strides = array<i32>} : memref<16x768xf32, #tpu.memory_space<vmem>>, vector<1x16xf32>,
      %get3A_752 = arith.index_cast %scan3A_148 : i32 to index
      %get3A_753 = arith.constant 592 : index
      %get3A_754 = tpu.vector_load %arg12[%get3A_752, %get3A_753] {strides = array<i32>} : memref<16x768xf32, #tpu.memory_space<vmem>>, vector<1x16xf32>,
      %get3A_755 = vector.shape_cast %get3A_754 : vector<1x16xf32> to vector<16xf32>
      %mul3A_756 = arith.mulf %get3A_154, %get3A_755 : vector<16xf32>
      %get3A_757 = arith.index_cast %scan3A_148 : i32 to index
      %get3A_758 = arith.constant 592 : index
      %get3A_759 = tpu.vector_load %arg15[%get3A_757, %get3A_758] {strides = array<i32>} : memref<16x768xf32, #tpu.memory_space<vmem>>, vector<1x16xf32>,
      %get3A_760 = vector.shape_cast %get3A_759 : vector<1x16xf32> to vector<16xf32>
      %mul3A_761 = arith.mulf %get3A_160, %get3A_760 : vector<16xf32>
      %add3A_762 = arith.addf %mul3A_756, %mul3A_761 : vector<16xf32>
      %swap3A_763 = arith.index_cast %scan3A_148 : i32 to index
      %swap3A_764 = arith.constant 592 : index
      %swap3A_765 = tpu.vector_load %arg12[%swap3A_763, %swap3A_764] {strides = array<i32>} : memref<16x768xf32, #tpu.memory_space<vmem>>, vector<1x16xf32>,
      %swap3A_766 = vector.shape_cast %swap3A_765 : vector<1x16xf32> to vector<16xf32>
      %swap3A_767 = vector.shape_cast %add3A_762 : vector<16xf32> to vector<1x16xf32>
      tpu.vector_store %arg12[%swap3A_763, %swap3A_764], %swap3A_767 {strides = array<i32>} : memref<16x768xf32, #tpu.memory_space<vmem>>, vector<1x16xf32>,
      %get3A_768 = arith.index_cast %scan3A_148 : i32 to index
      %get3A_769 = arith.constant 608 : index
      %get3A_770 = tpu.vector_load %arg12[%get3A_768, %get3A_769] {strides = array<i32>} : memref<16x768xf32, #tpu.memory_space<vmem>>, vector<1x16xf32>,
      %get3A_771 = vector.shape_cast %get3A_770 : vector<1x16xf32> to vector<16xf32>
      %mul3A_772 = arith.mulf %get3A_154, %get3A_771 : vector<16xf32>
      %get3A_773 = arith.index_cast %scan3A_148 : i32 to index
      %get3A_774 = arith.constant 608 : index
      %get3A_775 = tpu.vector_load %arg15[%get3A_773, %get3A_774] {strides = array<i32>} : memref<16x768xf32, #tpu.memory_space<vmem>>, vector<1x16xf32>,
      %get3A_776 = vector.shape_cast %get3A_775 : vector<1x16xf32> to vector<16xf32>
      %mul3A_777 = arith.mulf %get3A_160, %get3A_776 : vector<16xf32>
      %add3A_778 = arith.addf %mul3A_772, %mul3A_777 : vector<16xf32>
      %swap3A_779 = arith.index_cast %scan3A_148 : i32 to index
      %swap3A_780 = arith.constant 608 : index
      %swap3A_781 = tpu.vector_load %arg12[%swap3A_779, %swap3A_780] {strides = array<i32>} : memref<16x768xf32, #tpu.memory_space<vmem>>, vector<1x16xf32>,
      %swap3A_782 = vector.shape_cast %swap3A_781 : vector<1x16xf32> to vector<16xf32>
      %swap3A_783 = vector.shape_cast %add3A_778 : vector<16xf32> to vector<1x16xf32>
      tpu.vector_store %arg12[%swap3A_779, %swap3A_780], %swap3A_783 {strides = array<i32>} : memref<16x768xf32, #tpu.memory_space<vmem>>, vector<1x16xf32>,
      %get3A_784 = arith.index_cast %scan3A_148 : i32 to index
      %get3A_785 = arith.constant 624 : index
      %get3A_786 = tpu.vector_load %arg12[%get3A_784, %get3A_785] {strides = array<i32>} : memref<16x768xf32, #tpu.memory_space<vmem>>, vector<1x16xf32>,
      %get3A_787 = vector.shape_cast %get3A_786 : vector<1x16xf32> to vector<16xf32>
      %mul3A_788 = arith.mulf %get3A_154, %get3A_787 : vector<16xf32>
      %get3A_789 = arith.index_cast %scan3A_148 : i32 to index
      %get3A_790 = arith.constant 624 : index
      %get3A_791 = tpu.vector_load %arg15[%get3A_789, %get3A_790] {strides = array<i32>} : memref<16x768xf32, #tpu.memory_space<vmem>>, vector<1x16xf32>,
      %get3A_792 = vector.shape_cast %get3A_791 : vector<1x16xf32> to vector<16xf32>
      %mul3A_793 = arith.mulf %get3A_160, %get3A_792 : vector<16xf32>
      %add3A_794 = arith.addf %mul3A_788, %mul3A_793 : vector<16xf32>
      %swap3A_795 = arith.index_cast %scan3A_148 : i32 to index
      %swap3A_796 = arith.constant 624 : index
      %swap3A_797 = tpu.vector_load %arg12[%swap3A_795, %swap3A_796] {strides = array<i32>} : memref<16x768xf32, #tpu.memory_space<vmem>>, vector<1x16xf32>,
      %swap3A_798 = vector.shape_cast %swap3A_797 : vector<1x16xf32> to vector<16xf32>
      %swap3A_799 = vector.shape_cast %add3A_794 : vector<16xf32> to vector<1x16xf32>
      tpu.vector_store %arg12[%swap3A_795, %swap3A_796], %swap3A_799 {strides = array<i32>} : memref<16x768xf32, #tpu.memory_space<vmem>>, vector<1x16xf32>,
      %get3A_800 = arith.index_cast %scan3A_148 : i32 to index
      %get3A_801 = arith.constant 640 : index
      %get3A_802 = tpu.vector_load %arg12[%get3A_800, %get3A_801] {strides = array<i32>} : memref<16x768xf32, #tpu.memory_space<vmem>>, vector<1x16xf32>,
      %get3A_803 = vector.shape_cast %get3A_802 : vector<1x16xf32> to vector<16xf32>
      %mul3A_804 = arith.mulf %get3A_154, %get3A_803 : vector<16xf32>
      %get3A_805 = arith.index_cast %scan3A_148 : i32 to index
      %get3A_806 = arith.constant 640 : index
      %get3A_807 = tpu.vector_load %arg15[%get3A_805, %get3A_806] {strides = array<i32>} : memref<16x768xf32, #tpu.memory_space<vmem>>, vector<1x16xf32>,
      %get3A_808 = vector.shape_cast %get3A_807 : vector<1x16xf32> to vector<16xf32>
      %mul3A_809 = arith.mulf %get3A_160, %get3A_808 : vector<16xf32>
      %add3A_810 = arith.addf %mul3A_804, %mul3A_809 : vector<16xf32>
      %swap3A_811 = arith.index_cast %scan3A_148 : i32 to index
      %swap3A_812 = arith.constant 640 : index
      %swap3A_813 = tpu.vector_load %arg12[%swap3A_811, %swap3A_812] {strides = array<i32>} : memref<16x768xf32, #tpu.memory_space<vmem>>, vector<1x16xf32>,
      %swap3A_814 = vector.shape_cast %swap3A_813 : vector<1x16xf32> to vector<16xf32>
      %swap3A_815 = vector.shape_cast %add3A_810 : vector<16xf32> to vector<1x16xf32>
      tpu.vector_store %arg12[%swap3A_811, %swap3A_812], %swap3A_815 {strides = array<i32>} : memref<16x768xf32, #tpu.memory_space<vmem>>, vector<1x16xf32>,
      %get3A_816 = arith.index_cast %scan3A_148 : i32 to index
      %get3A_817 = arith.constant 656 : index
      %get3A_818 = tpu.vector_load %arg12[%get3A_816, %get3A_817] {strides = array<i32>} : memref<16x768xf32, #tpu.memory_space<vmem>>, vector<1x16xf32>,
      %get3A_819 = vector.shape_cast %get3A_818 : vector<1x16xf32> to vector<16xf32>
      %mul3A_820 = arith.mulf %get3A_154, %get3A_819 : vector<16xf32>
      %get3A_821 = arith.index_cast %scan3A_148 : i32 to index
      %get3A_822 = arith.constant 656 : index
      %get3A_823 = tpu.vector_load %arg15[%get3A_821, %get3A_822] {strides = array<i32>} : memref<16x768xf32, #tpu.memory_space<vmem>>, vector<1x16xf32>,
      %get3A_824 = vector.shape_cast %get3A_823 : vector<1x16xf32> to vector<16xf32>
      %mul3A_825 = arith.mulf %get3A_160, %get3A_824 : vector<16xf32>
      %add3A_826 = arith.addf %mul3A_820, %mul3A_825 : vector<16xf32>
      %swap3A_827 = arith.index_cast %scan3A_148 : i32 to index
      %swap3A_828 = arith.constant 656 : index
      %swap3A_829 = tpu.vector_load %arg12[%swap3A_827, %swap3A_828] {strides = array<i32>} : memref<16x768xf32, #tpu.memory_space<vmem>>, vector<1x16xf32>,
      %swap3A_830 = vector.shape_cast %swap3A_829 : vector<1x16xf32> to vector<16xf32>
      %swap3A_831 = vector.shape_cast %add3A_826 : vector<16xf32> to vector<1x16xf32>
      tpu.vector_store %arg12[%swap3A_827, %swap3A_828], %swap3A_831 {strides = array<i32>} : memref<16x768xf32, #tpu.memory_space<vmem>>, vector<1x16xf32>,
      %get3A_832 = arith.index_cast %scan3A_148 : i32 to index
      %get3A_833 = arith.constant 672 : index
      %get3A_834 = tpu.vector_load %arg12[%get3A_832, %get3A_833] {strides = array<i32>} : memref<16x768xf32, #tpu.memory_space<vmem>>, vector<1x16xf32>,
      %get3A_835 = vector.shape_cast %get3A_834 : vector<1x16xf32> to vector<16xf32>
      %mul3A_836 = arith.mulf %get3A_154, %get3A_835 : vector<16xf32>
      %get3A_837 = arith.index_cast %scan3A_148 : i32 to index
      %get3A_838 = arith.constant 672 : index
      %get3A_839 = tpu.vector_load %arg15[%get3A_837, %get3A_838] {strides = array<i32>} : memref<16x768xf32, #tpu.memory_space<vmem>>, vector<1x16xf32>,
      %get3A_840 = vector.shape_cast %get3A_839 : vector<1x16xf32> to vector<16xf32>
      %mul3A_841 = arith.mulf %get3A_160, %get3A_840 : vector<16xf32>
      %add3A_842 = arith.addf %mul3A_836, %mul3A_841 : vector<16xf32>
      %swap3A_843 = arith.index_cast %scan3A_148 : i32 to index
      %swap3A_844 = arith.constant 672 : index
      %swap3A_845 = tpu.vector_load %arg12[%swap3A_843, %swap3A_844] {strides = array<i32>} : memref<16x768xf32, #tpu.memory_space<vmem>>, vector<1x16xf32>,
      %swap3A_846 = vector.shape_cast %swap3A_845 : vector<1x16xf32> to vector<16xf32>
      %swap3A_847 = vector.shape_cast %add3A_842 : vector<16xf32> to vector<1x16xf32>
      tpu.vector_store %arg12[%swap3A_843, %swap3A_844], %swap3A_847 {strides = array<i32>} : memref<16x768xf32, #tpu.memory_space<vmem>>, vector<1x16xf32>,
      %get3A_848 = arith.index_cast %scan3A_148 : i32 to index
      %get3A_849 = arith.constant 688 : index
      %get3A_850 = tpu.vector_load %arg12[%get3A_848, %get3A_849] {strides = array<i32>} : memref<16x768xf32, #tpu.memory_space<vmem>>, vector<1x16xf32>,
      %get3A_851 = vector.shape_cast %get3A_850 : vector<1x16xf32> to vector<16xf32>
      %mul3A_852 = arith.mulf %get3A_154, %get3A_851 : vector<16xf32>
      %get3A_853 = arith.index_cast %scan3A_148 : i32 to index
      %get3A_854 = arith.constant 688 : index
      %get3A_855 = tpu.vector_load %arg15[%get3A_853, %get3A_854] {strides = array<i32>} : memref<16x768xf32, #tpu.memory_space<vmem>>, vector<1x16xf32>,
      %get3A_856 = vector.shape_cast %get3A_855 : vector<1x16xf32> to vector<16xf32>
      %mul3A_857 = arith.mulf %get3A_160, %get3A_856 : vector<16xf32>
      %add3A_858 = arith.addf %mul3A_852, %mul3A_857 : vector<16xf32>
      %swap3A_859 = arith.index_cast %scan3A_148 : i32 to index
      %swap3A_860 = arith.constant 688 : index
      %swap3A_861 = tpu.vector_load %arg12[%swap3A_859, %swap3A_860] {strides = array<i32>} : memref<16x768xf32, #tpu.memory_space<vmem>>, vector<1x16xf32>,
      %swap3A_862 = vector.shape_cast %swap3A_861 : vector<1x16xf32> to vector<16xf32>
      %swap3A_863 = vector.shape_cast %add3A_858 : vector<16xf32> to vector<1x16xf32>
      tpu.vector_store %arg12[%swap3A_859, %swap3A_860], %swap3A_863 {strides = array<i32>} : memref<16x768xf32, #tpu.memory_space<vmem>>, vector<1x16xf32>,
      %get3A_864 = arith.index_cast %scan3A_148 : i32 to index
      %get3A_865 = arith.constant 704 : index
      %get3A_866 = tpu.vector_load %arg12[%get3A_864, %get3A_865] {strides = array<i32>} : memref<16x768xf32, #tpu.memory_space<vmem>>, vector<1x16xf32>,
      %get3A_867 = vector.shape_cast %get3A_866 : vector<1x16xf32> to vector<16xf32>
      %mul3A_868 = arith.mulf %get3A_154, %get3A_867 : vector<16xf32>
      %get3A_869 = arith.index_cast %scan3A_148 : i32 to index
      %get3A_870 = arith.constant 704 : index
      %get3A_871 = tpu.vector_load %arg15[%get3A_869, %get3A_870] {strides = array<i32>} : memref<16x768xf32, #tpu.memory_space<vmem>>, vector<1x16xf32>,
      %get3A_872 = vector.shape_cast %get3A_871 : vector<1x16xf32> to vector<16xf32>
      %mul3A_873 = arith.mulf %get3A_160, %get3A_872 : vector<16xf32>
      %add3A_874 = arith.addf %mul3A_868, %mul3A_873 : vector<16xf32>
      %swap3A_875 = arith.index_cast %scan3A_148 : i32 to index
      %swap3A_876 = arith.constant 704 : index
      %swap3A_877 = tpu.vector_load %arg12[%swap3A_875, %swap3A_876] {strides = array<i32>} : memref<16x768xf32, #tpu.memory_space<vmem>>, vector<1x16xf32>,
      %swap3A_878 = vector.shape_cast %swap3A_877 : vector<1x16xf32> to vector<16xf32>
      %swap3A_879 = vector.shape_cast %add3A_874 : vector<16xf32> to vector<1x16xf32>
      tpu.vector_store %arg12[%swap3A_875, %swap3A_876], %swap3A_879 {strides = array<i32>} : memref<16x768xf32, #tpu.memory_space<vmem>>, vector<1x16xf32>,
      %get3A_880 = arith.index_cast %scan3A_148 : i32 to index
      %get3A_881 = arith.constant 720 : index
      %get3A_882 = tpu.vector_load %arg12[%get3A_880, %get3A_881] {strides = array<i32>} : memref<16x768xf32, #tpu.memory_space<vmem>>, vector<1x16xf32>,
      %get3A_883 = vector.shape_cast %get3A_882 : vector<1x16xf32> to vector<16xf32>
      %mul3A_884 = arith.mulf %get3A_154, %get3A_883 : vector<16xf32>
      %get3A_885 = arith.index_cast %scan3A_148 : i32 to index
      %get3A_886 = arith.constant 720 : index
      %get3A_887 = tpu.vector_load %arg15[%get3A_885, %get3A_886] {strides = array<i32>} : memref<16x768xf32, #tpu.memory_space<vmem>>, vector<1x16xf32>,
      %get3A_888 = vector.shape_cast %get3A_887 : vector<1x16xf32> to vector<16xf32>
      %mul3A_889 = arith.mulf %get3A_160, %get3A_888 : vector<16xf32>
      %add3A_890 = arith.addf %mul3A_884, %mul3A_889 : vector<16xf32>
      %swap3A_891 = arith.index_cast %scan3A_148 : i32 to index
      %swap3A_892 = arith.constant 720 : index
      %swap3A_893 = tpu.vector_load %arg12[%swap3A_891, %swap3A_892] {strides = array<i32>} : memref<16x768xf32, #tpu.memory_space<vmem>>, vector<1x16xf32>,
      %swap3A_894 = vector.shape_cast %swap3A_893 : vector<1x16xf32> to vector<16xf32>
      %swap3A_895 = vector.shape_cast %add3A_890 : vector<16xf32> to vector<1x16xf32>
      tpu.vector_store %arg12[%swap3A_891, %swap3A_892], %swap3A_895 {strides = array<i32>} : memref<16x768xf32, #tpu.memory_space<vmem>>, vector<1x16xf32>,
      %get3A_896 = arith.index_cast %scan3A_148 : i32 to index
      %get3A_897 = arith.constant 736 : index
      %get3A_898 = tpu.vector_load %arg12[%get3A_896, %get3A_897] {strides = array<i32>} : memref<16x768xf32, #tpu.memory_space<vmem>>, vector<1x16xf32>,
      %get3A_899 = vector.shape_cast %get3A_898 : vector<1x16xf32> to vector<16xf32>
      %mul3A_900 = arith.mulf %get3A_154, %get3A_899 : vector<16xf32>
      %get3A_901 = arith.index_cast %scan3A_148 : i32 to index
      %get3A_902 = arith.constant 736 : index
      %get3A_903 = tpu.vector_load %arg15[%get3A_901, %get3A_902] {strides = array<i32>} : memref<16x768xf32, #tpu.memory_space<vmem>>, vector<1x16xf32>,
      %get3A_904 = vector.shape_cast %get3A_903 : vector<1x16xf32> to vector<16xf32>
      %mul3A_905 = arith.mulf %get3A_160, %get3A_904 : vector<16xf32>
      %add3A_906 = arith.addf %mul3A_900, %mul3A_905 : vector<16xf32>
      %swap3A_907 = arith.index_cast %scan3A_148 : i32 to index
      %swap3A_908 = arith.constant 736 : index
      %swap3A_909 = tpu.vector_load %arg12[%swap3A_907, %swap3A_908] {strides = array<i32>} : memref<16x768xf32, #tpu.memory_space<vmem>>, vector<1x16xf32>,
      %swap3A_910 = vector.shape_cast %swap3A_909 : vector<1x16xf32> to vector<16xf32>
      %swap3A_911 = vector.shape_cast %add3A_906 : vector<16xf32> to vector<1x16xf32>
      tpu.vector_store %arg12[%swap3A_907, %swap3A_908], %swap3A_911 {strides = array<i32>} : memref<16x768xf32, #tpu.memory_space<vmem>>, vector<1x16xf32>,
      %get3A_912 = arith.index_cast %scan3A_148 : i32 to index
      %get3A_913 = arith.constant 752 : index
      %get3A_914 = tpu.vector_load %arg12[%get3A_912, %get3A_913] {strides = array<i32>} : memref<16x768xf32, #tpu.memory_space<vmem>>, vector<1x16xf32>,
      %get3A_915 = vector.shape_cast %get3A_914 : vector<1x16xf32> to vector<16xf32>
      %mul3A_916 = arith.mulf %get3A_154, %get3A_915 : vector<16xf32>
      %get3A_917 = arith.index_cast %scan3A_148 : i32 to index
      %get3A_918 = arith.constant 752 : index
      %get3A_919 = tpu.vector_load %arg15[%get3A_917, %get3A_918] {strides = array<i32>} : memref<16x768xf32, #tpu.memory_space<vmem>>, vector<1x16xf32>,
      %get3A_920 = vector.shape_cast %get3A_919 : vector<1x16xf32> to vector<16xf32>
      %mul3A_921 = arith.mulf %get3A_160, %get3A_920 : vector<16xf32>
      %add3A_922 = arith.addf %mul3A_916, %mul3A_921 : vector<16xf32>
      %swap3A_923 = arith.index_cast %scan3A_148 : i32 to index
      %swap3A_924 = arith.constant 752 : index
      %swap3A_925 = tpu.vector_load %arg12[%swap3A_923, %swap3A_924] {strides = array<i32>} : memref<16x768xf32, #tpu.memory_space<vmem>>, vector<1x16xf32>,
      %swap3A_926 = vector.shape_cast %swap3A_925 : vector<1x16xf32> to vector<16xf32>
      %swap3A_927 = vector.shape_cast %add3A_922 : vector<16xf32> to vector<1x16xf32>
      tpu.vector_store %arg12[%swap3A_923, %swap3A_924], %swap3A_927 {strides = array<i32>} : memref<16x768xf32, #tpu.memory_space<vmem>>, vector<1x16xf32>,
      %scan3A_928 = arith.constant 0 : i32
      scf.yield %scan3A_928 : i32
    }
    %scan3A_129 = arith.constant 16 : i32
    %add3A_130 = arith.constant 48 : i32
    %add3A_131 = arith.addi %mul3A_2, %add3A_130 : i32
    %dma_start3A_132 = arith.constant 0 : i32
    %dma_start3A_133 = tpu.memref_slice %arg7[%add3A_131, %dma_start3A_132] : memref<2048x768xf32, #tpu.memory_space<hbm>> -> memref<16x768xf32, #tpu.memory_space<hbm>>
    %dma_start3A_134 = arith.constant 0 : i32
    %dma_start3A_135 = tpu.memref_slice %arg7[%add3A_131, %dma_start3A_134] : memref<2048x768xf32, #tpu.memory_space<hbm>> -> memref<16x768xf32, #tpu.memory_space<hbm>>
    tpu.enqueue_dma source(%arg12 : memref<16x768xf32, #tpu.memory_space<vmem>>) target(%dma_start3A_135 : memref<16x768xf32, #tpu.memory_space<hbm>>) target_semaphore(%arg24 : memref<!tpu.dma_semaphore, #tpu.memory_space<semaphore_mem>>)
    %dma_wait3A_136 = arith.constant 0 : i32
    %dma_wait3A_137 = tpu.memref_slice %arg7[%add3A_85, %dma_wait3A_136] : memref<2048x768xf32, #tpu.memory_space<hbm>> -> memref<16x768xf32, #tpu.memory_space<hbm>>
    %dma_wait3A_138 = arith.constant 0 : i32
    %dma_wait3A_139 = tpu.memref_slice %arg7[%add3A_85, %dma_wait3A_138] : memref<2048x768xf32, #tpu.memory_space<hbm>> -> memref<16x768xf32, #tpu.memory_space<hbm>>
    tpu.wait_dma2 semaphore(%arg25 : memref<!tpu.dma_semaphore, #tpu.memory_space<semaphore_mem>>) src(%arg13 : memref<16x768xf32, #tpu.memory_space<vmem>>) dst(%dma_wait3A_139 : memref<16x768xf32, #tpu.memory_space<hbm>>)
    %dma_wait3A_140 = arith.constant 0 : i32
    %dma_wait3A_141 = tpu.memref_slice %arg7[%add3A_108, %dma_wait3A_140] : memref<2048x768xf32, #tpu.memory_space<hbm>> -> memref<16x768xf32, #tpu.memory_space<hbm>>
    %dma_wait3A_142 = arith.constant 0 : i32
    %dma_wait3A_143 = tpu.memref_slice %arg7[%add3A_108, %dma_wait3A_142] : memref<2048x768xf32, #tpu.memory_space<hbm>> -> memref<16x768xf32, #tpu.memory_space<hbm>>
    tpu.wait_dma2 semaphore(%arg26 : memref<!tpu.dma_semaphore, #tpu.memory_space<semaphore_mem>>) src(%arg14 : memref<16x768xf32, #tpu.memory_space<vmem>>) dst(%dma_wait3A_143 : memref<16x768xf32, #tpu.memory_space<hbm>>)
    %dma_wait3A_144 = arith.constant 0 : i32
    %dma_wait3A_145 = tpu.memref_slice %arg7[%add3A_131, %dma_wait3A_144] : memref<2048x768xf32, #tpu.memory_space<hbm>> -> memref<16x768xf32, #tpu.memory_space<hbm>>
    %dma_wait3A_146 = arith.constant 0 : i32
    %dma_wait3A_147 = tpu.memref_slice %arg7[%add3A_131, %dma_wait3A_146] : memref<2048x768xf32, #tpu.memory_space<hbm>> -> memref<16x768xf32, #tpu.memory_space<hbm>>
    tpu.wait_dma2 semaphore(%arg24 : memref<!tpu.dma_semaphore, #tpu.memory_space<semaphore_mem>>) src(%arg12 : memref<16x768xf32, #tpu.memory_space<vmem>>) dst(%dma_wait3A_147 : memref<16x768xf32, #tpu.memory_space<hbm>>)
    return
  }
}

#map = affine_map<(d0, d1) -> (0, 0)>
#map1 = affine_map<(d0, d1) -> (0)>
module attributes {stable_mosaic.version = 14 : i64} {
  func.func @k(%arg0: i32, %arg1: i32, %arg2: memref<2048x768xf32, #tpu.memory_space<hbm>>, %arg3: memref<2048xi32, #tpu.memory_space<hbm>>, %arg4: memref<2048xi32, #tpu.memory_space<hbm>>, %arg5: memref<4608x768xf32, #tpu.memory_space<hbm>>, %arg6: memref<32xi32, #tpu.memory_space<vmem>>, %arg7: memref<32xi32, #tpu.memory_space<vmem>>, %arg8: memref<32xi32, #tpu.memory_space<vmem>>, %arg9: memref<32xi32, #tpu.memory_space<vmem>>, %arg10: memref<32x768xf32, #tpu.memory_space<vmem>>, %arg11: memref<32x768xf32, #tpu.memory_space<vmem>>, %arg12: memref<!tpu.dma_semaphore, #tpu.memory_space<semaphore_mem>>, %arg13: memref<!tpu.dma_semaphore, #tpu.memory_space<semaphore_mem>>, %arg14: memref<!tpu.dma_semaphore, #tpu.memory_space<semaphore_mem>>, %arg15: memref<!tpu.dma_semaphore, #tpu.memory_space<semaphore_mem>>, %arg16: memref<!tpu.dma_semaphore, #tpu.memory_space<semaphore_mem>>, %arg17: memref<!tpu.dma_semaphore, #tpu.memory_space<semaphore_mem>>) attributes {dimension_semantics = [#tpu.dimension_semantics<core_parallel>, #tpu.dimension_semantics<subcore_parallel>], iteration_bounds = array<i64: 2, 16>, scalar_prefetch = 0 : i64, scratch_operands = 12 : i64, tpu.core_type = #tpu.core_type<sc_vector_subcore>, window_params = [{transform_indices = #map}, {transform_indices = #map1}, {transform_indices = #map1}, {transform_indices = #map}]} {
    %mul3A = arith.constant 2 : i32
    %mul3A_0 = arith.muli %arg1, %mul3A : i32
    %add3A = arith.addi %mul3A_0, %arg0 : i32
    %mul3A_1 = arith.constant 64 : i32
    %mul3A_2 = arith.muli %add3A, %mul3A_1 : i32
    %add3A_3 = arith.constant 0 : i32
    %add3A_4 = arith.addi %mul3A_2, %add3A_3 : i32
    %dma_start3A = arith.constant 0 : i32
    %dma_start3A_5 = tpu.memref_slice %arg2[%add3A_4, %dma_start3A] : memref<2048x768xf32, #tpu.memory_space<hbm>> -> memref<32x768xf32, #tpu.memory_space<hbm>>
    %dma_start3A_6 = arith.constant 0 : i32
    %dma_start3A_7 = tpu.memref_slice %arg2[%add3A_4, %dma_start3A_6] : memref<2048x768xf32, #tpu.memory_space<hbm>> -> memref<32x768xf32, #tpu.memory_space<hbm>>
    tpu.enqueue_dma source(%dma_start3A_7 : memref<32x768xf32, #tpu.memory_space<hbm>>) target(%arg10 : memref<32x768xf32, #tpu.memory_space<vmem>>) target_semaphore(%arg12 : memref<!tpu.dma_semaphore, #tpu.memory_space<semaphore_mem>>)
    "tpu.region"() ({
      %run_scoped3A = tpu.sem_alloc : memref<!tpu.dma_semaphore, #tpu.memory_space<semaphore_mem>>
      %dma_start3A_47 = tpu.memref_slice %arg3[%add3A_4] : memref<2048xi32, #tpu.memory_space<hbm>> -> memref<32xi32, #tpu.memory_space<hbm>>
      %dma_start3A_48 = tpu.memref_slice %arg3[%add3A_4] : memref<2048xi32, #tpu.memory_space<hbm>> -> memref<32xi32, #tpu.memory_space<hbm>>
      tpu.enqueue_dma source(%dma_start3A_48 : memref<32xi32, #tpu.memory_space<hbm>>) target(%arg6 : memref<32xi32, #tpu.memory_space<vmem>>) target_semaphore(%run_scoped3A : memref<!tpu.dma_semaphore, #tpu.memory_space<semaphore_mem>>)
      %dma_wait3A_49 = tpu.memref_slice %arg3[%add3A_4] : memref<2048xi32, #tpu.memory_space<hbm>> -> memref<32xi32, #tpu.memory_space<hbm>>
      %dma_wait3A_50 = tpu.memref_slice %arg3[%add3A_4] : memref<2048xi32, #tpu.memory_space<hbm>> -> memref<32xi32, #tpu.memory_space<hbm>>
      tpu.wait_dma2 semaphore(%run_scoped3A : memref<!tpu.dma_semaphore, #tpu.memory_space<semaphore_mem>>) src(%dma_wait3A_50 : memref<32xi32, #tpu.memory_space<hbm>>) dst(%arg6 : memref<32xi32, #tpu.memory_space<vmem>>)
      tpu.yield
    }) : () -> ()
    "tpu.region"() ({
      %run_scoped3A = tpu.sem_alloc : memref<!tpu.dma_semaphore, #tpu.memory_space<semaphore_mem>>
      %dma_start3A_47 = tpu.memref_slice %arg4[%add3A_4] : memref<2048xi32, #tpu.memory_space<hbm>> -> memref<32xi32, #tpu.memory_space<hbm>>
      %dma_start3A_48 = tpu.memref_slice %arg4[%add3A_4] : memref<2048xi32, #tpu.memory_space<hbm>> -> memref<32xi32, #tpu.memory_space<hbm>>
      tpu.enqueue_dma source(%dma_start3A_48 : memref<32xi32, #tpu.memory_space<hbm>>) target(%arg8 : memref<32xi32, #tpu.memory_space<vmem>>) target_semaphore(%run_scoped3A : memref<!tpu.dma_semaphore, #tpu.memory_space<semaphore_mem>>)
      %dma_wait3A_49 = tpu.memref_slice %arg4[%add3A_4] : memref<2048xi32, #tpu.memory_space<hbm>> -> memref<32xi32, #tpu.memory_space<hbm>>
      %dma_wait3A_50 = tpu.memref_slice %arg4[%add3A_4] : memref<2048xi32, #tpu.memory_space<hbm>> -> memref<32xi32, #tpu.memory_space<hbm>>
      tpu.wait_dma2 semaphore(%run_scoped3A : memref<!tpu.dma_semaphore, #tpu.memory_space<semaphore_mem>>) src(%dma_wait3A_50 : memref<32xi32, #tpu.memory_space<hbm>>) dst(%arg8 : memref<32xi32, #tpu.memory_space<vmem>>)
      tpu.yield
    }) : () -> ()
    %dma_wait3A = arith.constant 0 : i32
    %dma_wait3A_8 = tpu.memref_slice %arg2[%add3A_4, %dma_wait3A] : memref<2048x768xf32, #tpu.memory_space<hbm>> -> memref<32x768xf32, #tpu.memory_space<hbm>>
    %dma_wait3A_9 = arith.constant 0 : i32
    %dma_wait3A_10 = tpu.memref_slice %arg2[%add3A_4, %dma_wait3A_9] : memref<2048x768xf32, #tpu.memory_space<hbm>> -> memref<32x768xf32, #tpu.memory_space<hbm>>
    tpu.wait_dma2 semaphore(%arg12 : memref<!tpu.dma_semaphore, #tpu.memory_space<semaphore_mem>>) src(%dma_wait3A_10 : memref<32x768xf32, #tpu.memory_space<hbm>>) dst(%arg10 : memref<32x768xf32, #tpu.memory_space<vmem>>)
    %dma_start3A_11 = arith.constant 0 : i32
    %dma_start3A_12 = arith.constant 0 : i32
    %dma_start3A_13 = tpu.memref_slice %arg5[%dma_start3A_11, %dma_start3A_12] : memref<4608x768xf32, #tpu.memory_space<hbm>> -> memref<4608x768xf32, #tpu.memory_space<hbm>>
    tpu.enqueue_indirect_dma source(%arg10 : memref<32x768xf32, #tpu.memory_space<vmem>>) target(%dma_start3A_13 : memref<4608x768xf32, #tpu.memory_space<hbm>>) offsets(%arg6 : memref<32xi32, #tpu.memory_space<vmem>>) semaphore(%arg14 : memref<!tpu.dma_semaphore, #tpu.memory_space<semaphore_mem>>)
    %dma_start3A_14 = arith.constant 0 : i32
    %dma_start3A_15 = arith.constant 0 : i32
    %dma_start3A_16 = tpu.memref_slice %arg5[%dma_start3A_14, %dma_start3A_15] : memref<4608x768xf32, #tpu.memory_space<hbm>> -> memref<4608x768xf32, #tpu.memory_space<hbm>>
    tpu.enqueue_indirect_dma source(%arg10 : memref<32x768xf32, #tpu.memory_space<vmem>>) target(%dma_start3A_16 : memref<4608x768xf32, #tpu.memory_space<hbm>>) offsets(%arg8 : memref<32xi32, #tpu.memory_space<vmem>>) semaphore(%arg16 : memref<!tpu.dma_semaphore, #tpu.memory_space<semaphore_mem>>)
    %mul3A_17 = arith.constant 64 : i32
    %mul3A_18 = arith.muli %add3A, %mul3A_17 : i32
    %add3A_19 = arith.constant 32 : i32
    %add3A_20 = arith.addi %mul3A_18, %add3A_19 : i32
    %dma_start3A_21 = arith.constant 0 : i32
    %dma_start3A_22 = tpu.memref_slice %arg2[%add3A_20, %dma_start3A_21] : memref<2048x768xf32, #tpu.memory_space<hbm>> -> memref<32x768xf32, #tpu.memory_space<hbm>>
    %dma_start3A_23 = arith.constant 0 : i32
    %dma_start3A_24 = tpu.memref_slice %arg2[%add3A_20, %dma_start3A_23] : memref<2048x768xf32, #tpu.memory_space<hbm>> -> memref<32x768xf32, #tpu.memory_space<hbm>>
    tpu.enqueue_dma source(%dma_start3A_24 : memref<32x768xf32, #tpu.memory_space<hbm>>) target(%arg11 : memref<32x768xf32, #tpu.memory_space<vmem>>) target_semaphore(%arg13 : memref<!tpu.dma_semaphore, #tpu.memory_space<semaphore_mem>>)
    "tpu.region"() ({
      %run_scoped3A = tpu.sem_alloc : memref<!tpu.dma_semaphore, #tpu.memory_space<semaphore_mem>>
      %dma_start3A_47 = tpu.memref_slice %arg3[%add3A_20] : memref<2048xi32, #tpu.memory_space<hbm>> -> memref<32xi32, #tpu.memory_space<hbm>>
      %dma_start3A_48 = tpu.memref_slice %arg3[%add3A_20] : memref<2048xi32, #tpu.memory_space<hbm>> -> memref<32xi32, #tpu.memory_space<hbm>>
      tpu.enqueue_dma source(%dma_start3A_48 : memref<32xi32, #tpu.memory_space<hbm>>) target(%arg7 : memref<32xi32, #tpu.memory_space<vmem>>) target_semaphore(%run_scoped3A : memref<!tpu.dma_semaphore, #tpu.memory_space<semaphore_mem>>)
      %dma_wait3A_49 = tpu.memref_slice %arg3[%add3A_20] : memref<2048xi32, #tpu.memory_space<hbm>> -> memref<32xi32, #tpu.memory_space<hbm>>
      %dma_wait3A_50 = tpu.memref_slice %arg3[%add3A_20] : memref<2048xi32, #tpu.memory_space<hbm>> -> memref<32xi32, #tpu.memory_space<hbm>>
      tpu.wait_dma2 semaphore(%run_scoped3A : memref<!tpu.dma_semaphore, #tpu.memory_space<semaphore_mem>>) src(%dma_wait3A_50 : memref<32xi32, #tpu.memory_space<hbm>>) dst(%arg7 : memref<32xi32, #tpu.memory_space<vmem>>)
      tpu.yield
    }) : () -> ()
    "tpu.region"() ({
      %run_scoped3A = tpu.sem_alloc : memref<!tpu.dma_semaphore, #tpu.memory_space<semaphore_mem>>
      %dma_start3A_47 = tpu.memref_slice %arg4[%add3A_20] : memref<2048xi32, #tpu.memory_space<hbm>> -> memref<32xi32, #tpu.memory_space<hbm>>
      %dma_start3A_48 = tpu.memref_slice %arg4[%add3A_20] : memref<2048xi32, #tpu.memory_space<hbm>> -> memref<32xi32, #tpu.memory_space<hbm>>
      tpu.enqueue_dma source(%dma_start3A_48 : memref<32xi32, #tpu.memory_space<hbm>>) target(%arg9 : memref<32xi32, #tpu.memory_space<vmem>>) target_semaphore(%run_scoped3A : memref<!tpu.dma_semaphore, #tpu.memory_space<semaphore_mem>>)
      %dma_wait3A_49 = tpu.memref_slice %arg4[%add3A_20] : memref<2048xi32, #tpu.memory_space<hbm>> -> memref<32xi32, #tpu.memory_space<hbm>>
      %dma_wait3A_50 = tpu.memref_slice %arg4[%add3A_20] : memref<2048xi32, #tpu.memory_space<hbm>> -> memref<32xi32, #tpu.memory_space<hbm>>
      tpu.wait_dma2 semaphore(%run_scoped3A : memref<!tpu.dma_semaphore, #tpu.memory_space<semaphore_mem>>) src(%dma_wait3A_50 : memref<32xi32, #tpu.memory_space<hbm>>) dst(%arg9 : memref<32xi32, #tpu.memory_space<vmem>>)
      tpu.yield
    }) : () -> ()
    %dma_wait3A_25 = arith.constant 0 : i32
    %dma_wait3A_26 = tpu.memref_slice %arg2[%add3A_20, %dma_wait3A_25] : memref<2048x768xf32, #tpu.memory_space<hbm>> -> memref<32x768xf32, #tpu.memory_space<hbm>>
    %dma_wait3A_27 = arith.constant 0 : i32
    %dma_wait3A_28 = tpu.memref_slice %arg2[%add3A_20, %dma_wait3A_27] : memref<2048x768xf32, #tpu.memory_space<hbm>> -> memref<32x768xf32, #tpu.memory_space<hbm>>
    tpu.wait_dma2 semaphore(%arg13 : memref<!tpu.dma_semaphore, #tpu.memory_space<semaphore_mem>>) src(%dma_wait3A_28 : memref<32x768xf32, #tpu.memory_space<hbm>>) dst(%arg11 : memref<32x768xf32, #tpu.memory_space<vmem>>)
    %dma_start3A_29 = arith.constant 0 : i32
    %dma_start3A_30 = arith.constant 0 : i32
    %dma_start3A_31 = tpu.memref_slice %arg5[%dma_start3A_29, %dma_start3A_30] : memref<4608x768xf32, #tpu.memory_space<hbm>> -> memref<4608x768xf32, #tpu.memory_space<hbm>>
    tpu.enqueue_indirect_dma source(%arg11 : memref<32x768xf32, #tpu.memory_space<vmem>>) target(%dma_start3A_31 : memref<4608x768xf32, #tpu.memory_space<hbm>>) offsets(%arg7 : memref<32xi32, #tpu.memory_space<vmem>>) semaphore(%arg15 : memref<!tpu.dma_semaphore, #tpu.memory_space<semaphore_mem>>)
    %dma_start3A_32 = arith.constant 0 : i32
    %dma_start3A_33 = arith.constant 0 : i32
    %dma_start3A_34 = tpu.memref_slice %arg5[%dma_start3A_32, %dma_start3A_33] : memref<4608x768xf32, #tpu.memory_space<hbm>> -> memref<4608x768xf32, #tpu.memory_space<hbm>>
    tpu.enqueue_indirect_dma source(%arg11 : memref<32x768xf32, #tpu.memory_space<vmem>>) target(%dma_start3A_34 : memref<4608x768xf32, #tpu.memory_space<hbm>>) offsets(%arg9 : memref<32xi32, #tpu.memory_space<vmem>>) semaphore(%arg17 : memref<!tpu.dma_semaphore, #tpu.memory_space<semaphore_mem>>)
    %dma_wait3A_35 = arith.constant 0 : i32
    %dma_wait3A_36 = arith.constant 0 : i32
    %dma_wait3A_37 = tpu.memref_slice %arg5[%dma_wait3A_35, %dma_wait3A_36] : memref<4608x768xf32, #tpu.memory_space<hbm>> -> memref<4608x768xf32, #tpu.memory_space<hbm>>
    tpu.wait_indirect_dma semaphore(%arg14 : memref<!tpu.dma_semaphore, #tpu.memory_space<semaphore_mem>>) src(%arg10 : memref<32x768xf32, #tpu.memory_space<vmem>>) dst(%dma_wait3A_37 : memref<4608x768xf32, #tpu.memory_space<hbm>>)
    %dma_wait3A_38 = arith.constant 0 : i32
    %dma_wait3A_39 = arith.constant 0 : i32
    %dma_wait3A_40 = tpu.memref_slice %arg5[%dma_wait3A_38, %dma_wait3A_39] : memref<4608x768xf32, #tpu.memory_space<hbm>> -> memref<4608x768xf32, #tpu.memory_space<hbm>>
    tpu.wait_indirect_dma semaphore(%arg16 : memref<!tpu.dma_semaphore, #tpu.memory_space<semaphore_mem>>) src(%arg10 : memref<32x768xf32, #tpu.memory_space<vmem>>) dst(%dma_wait3A_40 : memref<4608x768xf32, #tpu.memory_space<hbm>>)
    %dma_wait3A_41 = arith.constant 0 : i32
    %dma_wait3A_42 = arith.constant 0 : i32
    %dma_wait3A_43 = tpu.memref_slice %arg5[%dma_wait3A_41, %dma_wait3A_42] : memref<4608x768xf32, #tpu.memory_space<hbm>> -> memref<4608x768xf32, #tpu.memory_space<hbm>>
    tpu.wait_indirect_dma semaphore(%arg15 : memref<!tpu.dma_semaphore, #tpu.memory_space<semaphore_mem>>) src(%arg11 : memref<32x768xf32, #tpu.memory_space<vmem>>) dst(%dma_wait3A_43 : memref<4608x768xf32, #tpu.memory_space<hbm>>)
    %dma_wait3A_44 = arith.constant 0 : i32
    %dma_wait3A_45 = arith.constant 0 : i32
    %dma_wait3A_46 = tpu.memref_slice %arg5[%dma_wait3A_44, %dma_wait3A_45] : memref<4608x768xf32, #tpu.memory_space<hbm>> -> memref<4608x768xf32, #tpu.memory_space<hbm>>
    tpu.wait_indirect_dma semaphore(%arg17 : memref<!tpu.dma_semaphore, #tpu.memory_space<semaphore_mem>>) src(%arg11 : memref<32x768xf32, #tpu.memory_space<vmem>>) dst(%dma_wait3A_46 : memref<4608x768xf32, #tpu.memory_space<hbm>>)
    return
  }
}

module attributes {stable_mosaic.version = 14 : i64} {
  func.func @_route_body(%arg0: i32, %arg1: memref<512x768xf32, #tpu.memory_space<vmem>>, %arg2: memref<1x768xf32, #tpu.memory_space<vmem>>, %arg3: memref<1x768xf32, #tpu.memory_space<vmem>>, %arg4: memref<768x128xf32, #tpu.memory_space<vmem>>, %arg5: memref<1x128xf32, #tpu.memory_space<vmem>>, %arg6: memref<3072x128xf32, #tpu.memory_space<vmem>>, %arg7: memref<512x1xi32, #tpu.memory_space<vmem>>, %arg8: memref<512x1xi32, #tpu.memory_space<vmem>>, %arg9: memref<512x1xi32, #tpu.memory_space<vmem>>, %arg10: memref<512x1xi32, #tpu.memory_space<vmem>>, %arg11: memref<512x16xf32, #tpu.memory_space<vmem>>, %arg12: memref<512x16xf32, #tpu.memory_space<vmem>>, %arg13: memref<1x128xf32, #tpu.memory_space<vmem>>) attributes {dimension_semantics = [#tpu.dimension_semantics<arbitrary>], iteration_bounds = array<i64: 4>, scalar_prefetch = 0 : i64, scratch_operands = 1 : i64, tpu.core_type = #tpu.core_type<tc>, window_params = [{transform_indices = @transform_0, window_bounds = array<i64: 512, 768>}, {pipeline_mode = #tpu.pipeline_mode<synchronous>, transform_indices = @transform_1, window_bounds = array<i64: 1, 768>}, {pipeline_mode = #tpu.pipeline_mode<synchronous>, transform_indices = @transform_2, window_bounds = array<i64: 1, 768>}, {pipeline_mode = #tpu.pipeline_mode<synchronous>, transform_indices = @transform_3, window_bounds = array<i64: 768, 128>}, {pipeline_mode = #tpu.pipeline_mode<synchronous>, transform_indices = @transform_4, window_bounds = array<i64: 1, 128>}, {transform_indices = @transform_5, window_bounds = array<i64: 3072, 128>}, {transform_indices = @transform_6, window_bounds = array<i64: 512, 1>}, {transform_indices = @transform_7, window_bounds = array<i64: 512, 1>}, {transform_indices = @transform_8, window_bounds = array<i64: 512, 1>}, {transform_indices = @transform_9, window_bounds = array<i64: 512, 1>}, {transform_indices = @transform_10, window_bounds = array<i64: 512, 16>}, {transform_indices = @transform_11, window_bounds = array<i64: 512, 16>}]} {
    %eq3A = arith.constant 0 : i32
    %eq3A_0 = arith.cmpi eq, %arg0, %eq3A : i32
    %convert_element_type3A = arith.extui %eq3A_0 : i1 to i32
    %cond3A = arith.constant 0 : i32
    %cond3A_1 = arith.cmpi ne, %convert_element_type3A, %cond3A : i32
    scf.if %cond3A_1 {
      %broadcast_in_dim3A_189 = arith.constant 0.000000e+00 : f32
      %broadcast_in_dim3A_190 = vector.broadcast %broadcast_in_dim3A_189 : f32 to vector<1x128xf32>
      %swap3A_191 = arith.constant 0 : index
      %swap3A_192 = arith.constant 0 : index
      %swap3A_193 = vector.load %arg13[%swap3A_191, %swap3A_192] : memref<1x128xf32, #tpu.memory_space<vmem>>, vector<1x128xf32>
      tpu.vector_store %arg13[%swap3A_191, %swap3A_192], %broadcast_in_dim3A_190 {strides = array<i32>} : memref<1x128xf32, #tpu.memory_space<vmem>>, vector<1x128xf32>,
    } else {
    }
    %get3A = arith.constant 0 : index
    %get3A_2 = arith.constant 0 : index
    %get3A_3 = vector.load %arg1[%get3A, %get3A_2] : memref<512x768xf32, #tpu.memory_space<vmem>>, vector<512x768xf32>
    %reduce_sum3A = arith.constant dense<0.000000e+00> : vector<512xf32>
    %reduce_sum3A_4 = vector.multi_reduction <add>, %get3A_3, %reduce_sum3A [1] : vector<512x768xf32> to vector<512xf32>
    %broadcast_in_dim3A = vector.shape_cast %reduce_sum3A_4 : vector<512xf32> to vector<512x1xf32>
    %div3A = arith.constant 7.680000e+02 : f32
    %div3A_5 = vector.broadcast %div3A : f32 to vector<512x1xf32>
    %div3A_6 = arith.divf %broadcast_in_dim3A, %div3A_5 : vector<512x1xf32>
    %sub3A = vector.broadcast %div3A_6 : vector<512x1xf32> to vector<512x768xf32>
    %sub3A_7 = arith.subf %get3A_3, %sub3A : vector<512x768xf32>
    %integer_pow3A = arith.mulf %sub3A_7, %sub3A_7 : vector<512x768xf32>
    %reduce_sum3A_8 = arith.constant dense<0.000000e+00> : vector<512xf32>
    %reduce_sum3A_9 = vector.multi_reduction <add>, %integer_pow3A, %reduce_sum3A_8 [1] : vector<512x768xf32> to vector<512xf32>
    %broadcast_in_dim3A_10 = vector.shape_cast %reduce_sum3A_9 : vector<512xf32> to vector<512x1xf32>
    %div3A_11 = arith.constant 7.680000e+02 : f32
    %div3A_12 = vector.broadcast %div3A_11 : f32 to vector<512x1xf32>
    %div3A_13 = arith.divf %broadcast_in_dim3A_10, %div3A_12 : vector<512x1xf32>
    %sub3A_14 = vector.broadcast %div3A_6 : vector<512x1xf32> to vector<512x768xf32>
    %sub3A_15 = arith.subf %get3A_3, %sub3A_14 : vector<512x768xf32>
    %add3A = arith.constant 9.99999997E-7 : f32
    %add3A_16 = vector.broadcast %add3A : f32 to vector<512x1xf32>
    %add3A_17 = arith.addf %div3A_13, %add3A_16 : vector<512x1xf32>
    %rsqrt3A = math.rsqrt %add3A_17 : vector<512x1xf32>
    %mul3A = vector.broadcast %rsqrt3A : vector<512x1xf32> to vector<512x768xf32>
    %mul3A_18 = arith.mulf %sub3A_15, %mul3A : vector<512x768xf32>
    %get3A_19 = arith.constant 0 : index
    %get3A_20 = arith.constant 0 : index
    %get3A_21 = vector.load %arg2[%get3A_19, %get3A_20] : memref<1x768xf32, #tpu.memory_space<vmem>>, vector<1x768xf32>
    %mul3A_22 = vector.broadcast %get3A_21 : vector<1x768xf32> to vector<512x768xf32>
    %mul3A_23 = arith.mulf %mul3A_18, %mul3A_22 : vector<512x768xf32>
    %get3A_24 = arith.constant 0 : index
    %get3A_25 = arith.constant 0 : index
    %get3A_26 = vector.load %arg3[%get3A_24, %get3A_25] : memref<1x768xf32, #tpu.memory_space<vmem>>, vector<1x768xf32>
    %add3A_27 = vector.broadcast %get3A_26 : vector<1x768xf32> to vector<512x768xf32>
    %add3A_28 = arith.addf %mul3A_23, %add3A_27 : vector<512x768xf32>
    %max3A = arith.constant 0.000000e+00 : f32
    %max3A_29 = vector.broadcast %max3A : f32 to vector<512x768xf32>
    %max3A_30 = arith.maximumf %add3A_28, %max3A_29 : vector<512x768xf32>
    %reshape3A = vector.shape_cast %max3A_30 : vector<512x768xf32> to vector<3072x128xf32>
    %swap3A = arith.constant 0 : index
    %swap3A_31 = arith.constant 0 : index
    %swap3A_32 = vector.load %arg6[%swap3A, %swap3A_31] : memref<3072x128xf32, #tpu.memory_space<vmem>>, vector<3072x128xf32>
    tpu.vector_store %arg6[%swap3A, %swap3A_31], %reshape3A {strides = array<i32>} : memref<3072x128xf32, #tpu.memory_space<vmem>>, vector<3072x128xf32>,
    %get3A_33 = arith.constant 0 : index
    %get3A_34 = arith.constant 0 : index
    %get3A_35 = vector.load %arg4[%get3A_33, %get3A_34] : memref<768x128xf32, #tpu.memory_space<vmem>>, vector<768x128xf32>
    %dot_general3A = arith.constant dense<0.000000e+00> : vector<512x128xf32>
    %dot_general3A_36 = tpu.matmul %max3A_30, %get3A_35, %dot_general3A {dimension_numbers = #tpu.dot_dimension_numbers<[1], [0], [0], [1], [0, 0, 1, 1], [], []>, transpose_lhs_hint = false} : vector<512x768xf32>, vector<768x128xf32>, vector<512x128xf32> -> vector<512x128xf32>
    %get3A_37 = arith.constant 0 : index
    %get3A_38 = arith.constant 0 : index
    %get3A_39 = vector.load %arg5[%get3A_37, %get3A_38] : memref<1x128xf32, #tpu.memory_space<vmem>>, vector<1x128xf32>
    %add3A_40 = vector.broadcast %get3A_39 : vector<1x128xf32> to vector<512x128xf32>
    %add3A_41 = arith.addf %dot_general3A_36, %add3A_40 : vector<512x128xf32>
    %iota3A = tpu.iota {dimensions = array<i32: 1>} : vector<512x128xi32>
    %lt3A = arith.constant 8 : i32
    %lt3A_42 = vector.broadcast %lt3A : i32 to vector<512x128xi32>
    %lt3A_43 = arith.cmpi slt, %iota3A, %lt3A_42 : vector<512x128xi32>
    %jit3A = arith.constant -1.000000e+30 : f32
    %broadcast_in_dim3A_44 = vector.broadcast %jit3A : f32 to vector<512x128xf32>
    %select_n3A = arith.select %lt3A_43, %add3A_41, %broadcast_in_dim3A_44 : vector<512x128xi1>, vector<512x128xf32>
    %reduce_max3A = arith.constant dense<0xFF800000> : vector<512xf32>
    %reduce_max3A_45 = vector.multi_reduction <maximumf>, %select_n3A, %reduce_max3A [1] : vector<512x128xf32> to vector<512xf32>
    %broadcast_in_dim3A_46 = vector.shape_cast %reduce_max3A_45 : vector<512xf32> to vector<512x1xf32>
    %eq3A_47 = vector.broadcast %broadcast_in_dim3A_46 : vector<512x1xf32> to vector<512x128xf32>
    %eq3A_48 = arith.cmpf oeq, %select_n3A, %eq3A_47 : vector<512x128xf32>
    %jit3A_49 = arith.constant 128 : i32
    %broadcast_in_dim3A_50 = vector.broadcast %jit3A_49 : i32 to vector<512x128xi32>
    %select_n3A_51 = arith.select %eq3A_48, %iota3A, %broadcast_in_dim3A_50 : vector<512x128xi1>, vector<512x128xi32>
    %reduce_min3A = arith.constant dense<2147483647> : vector<512xi32>
    %reduce_min3A_52 = vector.multi_reduction <minsi>, %select_n3A_51, %reduce_min3A [1] : vector<512x128xi32> to vector<512xi32>
    %broadcast_in_dim3A_53 = vector.shape_cast %reduce_min3A_52 : vector<512xi32> to vector<512x1xi32>
    %eq3A_54 = vector.broadcast %broadcast_in_dim3A_53 : vector<512x1xi32> to vector<512x128xi32>
    %eq3A_55 = arith.cmpi eq, %iota3A, %eq3A_54 : vector<512x128xi32>
    %jit3A_56 = arith.constant -1.000000e+30 : f32
    %broadcast_in_dim3A_57 = vector.broadcast %jit3A_56 : f32 to vector<512x128xf32>
    %select_n3A_58 = arith.select %eq3A_55, %broadcast_in_dim3A_57, %select_n3A : vector<512x128xi1>, vector<512x128xf32>
    %reduce_max3A_59 = arith.constant dense<0xFF800000> : vector<512xf32>
    %reduce_max3A_60 = vector.multi_reduction <maximumf>, %select_n3A_58, %reduce_max3A_59 [1] : vector<512x128xf32> to vector<512xf32>
    %broadcast_in_dim3A_61 = vector.shape_cast %reduce_max3A_60 : vector<512xf32> to vector<512x1xf32>
    %eq3A_62 = vector.broadcast %broadcast_in_dim3A_61 : vector<512x1xf32> to vector<512x128xf32>
    %eq3A_63 = arith.cmpf oeq, %select_n3A_58, %eq3A_62 : vector<512x128xf32>
    %jit3A_64 = arith.constant 128 : i32
    %broadcast_in_dim3A_65 = vector.broadcast %jit3A_64 : i32 to vector<512x128xi32>
    %select_n3A_66 = arith.select %eq3A_63, %iota3A, %broadcast_in_dim3A_65 : vector<512x128xi1>, vector<512x128xi32>
    %reduce_min3A_67 = arith.constant dense<2147483647> : vector<512xi32>
    %reduce_min3A_68 = vector.multi_reduction <minsi>, %select_n3A_66, %reduce_min3A_67 [1] : vector<512x128xi32> to vector<512xi32>
    %broadcast_in_dim3A_69 = vector.shape_cast %reduce_min3A_68 : vector<512xi32> to vector<512x1xi32>
    %sub3A_70 = arith.subf %broadcast_in_dim3A_61, %broadcast_in_dim3A_46 : vector<512x1xf32>
    %exp3A = math.exp %sub3A_70 : vector<512x1xf32>
    %add3A_71 = arith.constant 1.000000e+00 : f32
    %add3A_72 = vector.broadcast %add3A_71 : f32 to vector<512x1xf32>
    %add3A_73 = arith.addf %add3A_72, %exp3A : vector<512x1xf32>
    %div3A_74 = arith.constant 1.000000e+00 : f32
    %div3A_75 = vector.broadcast %div3A_74 : f32 to vector<512x1xf32>
    %div3A_76 = arith.divf %div3A_75, %add3A_73 : vector<512x1xf32>
    %sub3A_77 = arith.constant 1.000000e+00 : f32
    %sub3A_78 = vector.broadcast %sub3A_77 : f32 to vector<512x1xf32>
    %sub3A_79 = arith.subf %sub3A_78, %div3A_76 : vector<512x1xf32>
    %eq3A_80 = vector.broadcast %broadcast_in_dim3A_53 : vector<512x1xi32> to vector<512x128xi32>
    %eq3A_81 = arith.cmpi eq, %iota3A, %eq3A_80 : vector<512x128xi32>
    %convert_element_type3A_82 = arith.extui %eq3A_81 : vector<512x128xi1> to vector<512x128xi32>
    %convert_element_type3A_83 = arith.sitofp %convert_element_type3A_82 : vector<512x128xi32> to vector<512x128xf32>
    %eq3A_84 = vector.broadcast %broadcast_in_dim3A_69 : vector<512x1xi32> to vector<512x128xi32>
    %eq3A_85 = arith.cmpi eq, %iota3A, %eq3A_84 : vector<512x128xi32>
    %convert_element_type3A_86 = arith.extui %eq3A_85 : vector<512x128xi1> to vector<512x128xi32>
    %convert_element_type3A_87 = arith.sitofp %convert_element_type3A_86 : vector<512x128xi32> to vector<512x128xf32>
    %add3A_88 = arith.addf %convert_element_type3A_83, %convert_element_type3A_87 : vector<512x128xf32>
    %iota3A_89 = tpu.iota {dimensions = array<i32: 0>} : vector<512x512xi32>
    %iota3A_90 = tpu.iota {dimensions = array<i32: 1>} : vector<512x512xi32>
    %lt3A_91 = arith.cmpi slt, %iota3A_90, %iota3A_89 : vector<512x512xi32>
    %convert_element_type3A_92 = arith.extui %lt3A_91 : vector<512x512xi1> to vector<512x512xi32>
    %convert_element_type3A_93 = arith.sitofp %convert_element_type3A_92 : vector<512x512xi32> to vector<512x512xf32>
    %dot_general3A_94 = arith.constant dense<0.000000e+00> : vector<512x128xf32>
    %dot_general3A_95 = tpu.matmul %convert_element_type3A_93, %add3A_88, %dot_general3A_94 {dimension_numbers = #tpu.dot_dimension_numbers<[1], [0], [0], [1], [0, 0, 1, 1], [], []>, transpose_lhs_hint = false} : vector<512x512xf32>, vector<512x128xf32>, vector<512x128xf32> -> vector<512x128xf32>
    %get3A_96 = arith.constant 0 : index
    %get3A_97 = arith.constant 0 : index
    %get3A_98 = vector.load %arg13[%get3A_96, %get3A_97] : memref<1x128xf32, #tpu.memory_space<vmem>>, vector<1x128xf32>
    %add3A_99 = vector.broadcast %get3A_98 : vector<1x128xf32> to vector<512x128xf32>
    %add3A_100 = arith.addf %dot_general3A_95, %add3A_99 : vector<512x128xf32>
    %get3A_101 = arith.constant 0 : index
    %get3A_102 = arith.constant 0 : index
    %get3A_103 = vector.load %arg13[%get3A_101, %get3A_102] : memref<1x128xf32, #tpu.memory_space<vmem>>, vector<1x128xf32>
    %reduce_sum3A_104 = arith.constant dense<0.000000e+00> : vector<128xf32>
    %reduce_sum3A_105 = vector.multi_reduction <add>, %add3A_88, %reduce_sum3A_104 [0] : vector<512x128xf32> to vector<128xf32>
    %broadcast_in_dim3A_106 = vector.shape_cast %reduce_sum3A_105 : vector<128xf32> to vector<1x128xf32>
    %add3A_107 = arith.addf %get3A_103, %broadcast_in_dim3A_106 : vector<1x128xf32>
    %swap3A_108 = arith.constant 0 : index
    %swap3A_109 = arith.constant 0 : index
    %swap3A_110 = vector.load %arg13[%swap3A_108, %swap3A_109] : memref<1x128xf32, #tpu.memory_space<vmem>>, vector<1x128xf32>
    tpu.vector_store %arg13[%swap3A_108, %swap3A_109], %add3A_107 {strides = array<i32>} : memref<1x128xf32, #tpu.memory_space<vmem>>, vector<1x128xf32>,
    %mul3A_111 = arith.mulf %add3A_100, %convert_element_type3A_83 : vector<512x128xf32>
    %reduce_sum3A_112 = arith.constant dense<0.000000e+00> : vector<512xf32>
    %reduce_sum3A_113 = vector.multi_reduction <add>, %mul3A_111, %reduce_sum3A_112 [1] : vector<512x128xf32> to vector<512xf32>
    %broadcast_in_dim3A_114 = vector.shape_cast %reduce_sum3A_113 : vector<512xf32> to vector<512x1xf32>
    %convert_element_type3A_115 = arith.fptosi %broadcast_in_dim3A_114 : vector<512x1xf32> to vector<512x1xi32>
    %add3A_116 = arith.addf %add3A_100, %convert_element_type3A_83 : vector<512x128xf32>
    %mul3A_117 = arith.mulf %add3A_116, %convert_element_type3A_87 : vector<512x128xf32>
    %reduce_sum3A_118 = arith.constant dense<0.000000e+00> : vector<512xf32>
    %reduce_sum3A_119 = vector.multi_reduction <add>, %mul3A_117, %reduce_sum3A_118 [1] : vector<512x128xf32> to vector<512xf32>
    %broadcast_in_dim3A_120 = vector.shape_cast %reduce_sum3A_119 : vector<512xf32> to vector<512x1xf32>
    %convert_element_type3A_121 = arith.fptosi %broadcast_in_dim3A_120 : vector<512x1xf32> to vector<512x1xi32>
    %mul3A_122 = arith.constant 512 : i32
    %mul3A_123 = arith.muli %arg0, %mul3A_122 : i32
    %iota3A_124 = tpu.iota {dimensions = array<i32: 0>} : vector<512x1xi32>
    %add3A_125 = vector.broadcast %mul3A_123 : i32 to vector<512x1xi32>
    %add3A_126 = arith.addi %add3A_125, %iota3A_124 : vector<512x1xi32>
    %lt3A_127 = arith.constant 512 : i32
    %lt3A_128 = vector.broadcast %lt3A_127 : i32 to vector<512x1xi32>
    %lt3A_129 = arith.cmpi slt, %convert_element_type3A_115, %lt3A_128 : vector<512x1xi32>
    %lt3A_130 = arith.constant 512 : i32
    %lt3A_131 = vector.broadcast %lt3A_130 : i32 to vector<512x1xi32>
    %lt3A_132 = arith.cmpi slt, %convert_element_type3A_121, %lt3A_131 : vector<512x1xi32>
    %and3A = arith.constant 511 : i32
    %and3A_133 = vector.broadcast %and3A : i32 to vector<512x1xi32>
    %and3A_134 = arith.andi %add3A_126, %and3A_133 : vector<512x1xi32>
    %add3A_135 = arith.constant 4096 : i32
    %add3A_136 = vector.broadcast %add3A_135 : i32 to vector<512x1xi32>
    %add3A_137 = arith.addi %add3A_136, %and3A_134 : vector<512x1xi32>
    %mul3A_138 = arith.constant 512 : i32
    %mul3A_139 = vector.broadcast %mul3A_138 : i32 to vector<512x1xi32>
    %mul3A_140 = arith.muli %broadcast_in_dim3A_53, %mul3A_139 : vector<512x1xi32>
    %add3A_141 = arith.addi %mul3A_140, %convert_element_type3A_115 : vector<512x1xi32>
    %select_n3A_142 = arith.select %lt3A_129, %add3A_141, %add3A_137 : vector<512x1xi1>, vector<512x1xi32>
    %swap3A_143 = arith.constant 0 : index
    %swap3A_144 = arith.constant 0 : index
    %swap3A_145 = vector.load %arg7[%swap3A_143, %swap3A_144] : memref<512x1xi32, #tpu.memory_space<vmem>>, vector<512x1xi32>
    tpu.vector_store %arg7[%swap3A_143, %swap3A_144], %select_n3A_142 {strides = array<i32>} : memref<512x1xi32, #tpu.memory_space<vmem>>, vector<512x1xi32>,
    %mul3A_146 = arith.constant 512 : i32
    %mul3A_147 = vector.broadcast %mul3A_146 : i32 to vector<512x1xi32>
    %mul3A_148 = arith.muli %broadcast_in_dim3A_69, %mul3A_147 : vector<512x1xi32>
    %add3A_149 = arith.addi %mul3A_148, %convert_element_type3A_121 : vector<512x1xi32>
    %select_n3A_150 = arith.select %lt3A_132, %add3A_149, %add3A_137 : vector<512x1xi1>, vector<512x1xi32>
    %swap3A_151 = arith.constant 0 : index
    %swap3A_152 = arith.constant 0 : index
    %swap3A_153 = vector.load %arg8[%swap3A_151, %swap3A_152] : memref<512x1xi32, #tpu.memory_space<vmem>>, vector<512x1xi32>
    tpu.vector_store %arg8[%swap3A_151, %swap3A_152], %select_n3A_150 {strides = array<i32>} : memref<512x1xi32, #tpu.memory_space<vmem>>, vector<512x1xi32>,
    %mul3A_154 = arith.constant 512 : i32
    %mul3A_155 = vector.broadcast %mul3A_154 : i32 to vector<512x1xi32>
    %mul3A_156 = arith.muli %broadcast_in_dim3A_53, %mul3A_155 : vector<512x1xi32>
    %min3A = arith.constant 511 : i32
    %min3A_157 = vector.broadcast %min3A : i32 to vector<512x1xi32>
    %min3A_158 = arith.minsi %convert_element_type3A_115, %min3A_157 : vector<512x1xi32>
    %add3A_159 = arith.addi %mul3A_156, %min3A_158 : vector<512x1xi32>
    %swap3A_160 = arith.constant 0 : index
    %swap3A_161 = arith.constant 0 : index
    %swap3A_162 = vector.load %arg9[%swap3A_160, %swap3A_161] : memref<512x1xi32, #tpu.memory_space<vmem>>, vector<512x1xi32>
    tpu.vector_store %arg9[%swap3A_160, %swap3A_161], %add3A_159 {strides = array<i32>} : memref<512x1xi32, #tpu.memory_space<vmem>>, vector<512x1xi32>,
    %mul3A_163 = arith.constant 512 : i32
    %mul3A_164 = vector.broadcast %mul3A_163 : i32 to vector<512x1xi32>
    %mul3A_165 = arith.muli %broadcast_in_dim3A_69, %mul3A_164 : vector<512x1xi32>
    %min3A_166 = arith.constant 511 : i32
    %min3A_167 = vector.broadcast %min3A_166 : i32 to vector<512x1xi32>
    %min3A_168 = arith.minsi %convert_element_type3A_121, %min3A_167 : vector<512x1xi32>
    %add3A_169 = arith.addi %mul3A_165, %min3A_168 : vector<512x1xi32>
    %swap3A_170 = arith.constant 0 : index
    %swap3A_171 = arith.constant 0 : index
    %swap3A_172 = vector.load %arg10[%swap3A_170, %swap3A_171] : memref<512x1xi32, #tpu.memory_space<vmem>>, vector<512x1xi32>
    tpu.vector_store %arg10[%swap3A_170, %swap3A_171], %add3A_169 {strides = array<i32>} : memref<512x1xi32, #tpu.memory_space<vmem>>, vector<512x1xi32>,
    %jit3A_173 = arith.constant 0.000000e+00 : f32
    %broadcast_in_dim3A_174 = vector.broadcast %jit3A_173 : f32 to vector<512x1xf32>
    %select_n3A_175 = arith.select %lt3A_129, %div3A_76, %broadcast_in_dim3A_174 : vector<512x1xi1>, vector<512x1xf32>
    %broadcast_in_dim3A_176 = vector.shape_cast %select_n3A_175 : vector<512x1xf32> to vector<512x1xf32>
    %broadcast_in_dim3A_177 = vector.broadcast %broadcast_in_dim3A_176 : vector<512x1xf32> to vector<512x16xf32>
    %swap3A_178 = arith.constant 0 : index
    %swap3A_179 = arith.constant 0 : index
    %swap3A_180 = vector.load %arg11[%swap3A_178, %swap3A_179] : memref<512x16xf32, #tpu.memory_space<vmem>>, vector<512x16xf32>
    tpu.vector_store %arg11[%swap3A_178, %swap3A_179], %broadcast_in_dim3A_177 {strides = array<i32>} : memref<512x16xf32, #tpu.memory_space<vmem>>, vector<512x16xf32>,
    %jit3A_181 = arith.constant 0.000000e+00 : f32
    %broadcast_in_dim3A_182 = vector.broadcast %jit3A_181 : f32 to vector<512x1xf32>
    %select_n3A_183 = arith.select %lt3A_132, %sub3A_79, %broadcast_in_dim3A_182 : vector<512x1xi1>, vector<512x1xf32>
    %broadcast_in_dim3A_184 = vector.shape_cast %select_n3A_183 : vector<512x1xf32> to vector<512x1xf32>
    %broadcast_in_dim3A_185 = vector.broadcast %broadcast_in_dim3A_184 : vector<512x1xf32> to vector<512x16xf32>
    %swap3A_186 = arith.constant 0 : index
    %swap3A_187 = arith.constant 0 : index
    %swap3A_188 = vector.load %arg12[%swap3A_186, %swap3A_187] : memref<512x16xf32, #tpu.memory_space<vmem>>, vector<512x16xf32>
    tpu.vector_store %arg12[%swap3A_186, %swap3A_187], %broadcast_in_dim3A_185 {strides = array<i32>} : memref<512x16xf32, #tpu.memory_space<vmem>>, vector<512x16xf32>,
    return
  }
  func.func @transform_0(%arg0: i32) -> (i32, i32) {
    %c0_i32 = arith.constant 0 : i32
    %c0_i32_0 = arith.constant 0 : i32
    return %arg0, %c0_i32 : i32, i32
  }
  func.func @transform_1(%arg0: i32) -> (i32, i32) {
    %c0_i32 = arith.constant 0 : i32
    %c0_i32_0 = arith.constant 0 : i32
    %c0_i32_1 = arith.constant 0 : i32
    return %c0_i32, %c0_i32_0 : i32, i32
  }
  func.func @transform_2(%arg0: i32) -> (i32, i32) {
    %c0_i32 = arith.constant 0 : i32
    %c0_i32_0 = arith.constant 0 : i32
    %c0_i32_1 = arith.constant 0 : i32
    return %c0_i32, %c0_i32_0 : i32, i32
  }
  func.func @transform_3(%arg0: i32) -> (i32, i32) {
    %c0_i32 = arith.constant 0 : i32
    %c0_i32_0 = arith.constant 0 : i32
    %c0_i32_1 = arith.constant 0 : i32
    return %c0_i32, %c0_i32_0 : i32, i32
  }
  func.func @transform_4(%arg0: i32) -> (i32, i32) {
    %c0_i32 = arith.constant 0 : i32
    %c0_i32_0 = arith.constant 0 : i32
    %c0_i32_1 = arith.constant 0 : i32
    return %c0_i32, %c0_i32_0 : i32, i32
  }
  func.func @transform_5(%arg0: i32) -> (i32, i32) {
    %c0_i32 = arith.constant 0 : i32
    %c0_i32_0 = arith.constant 0 : i32
    return %arg0, %c0_i32 : i32, i32
  }
  func.func @transform_6(%arg0: i32) -> (i32, i32) {
    %c0_i32 = arith.constant 0 : i32
    %c0_i32_0 = arith.constant 0 : i32
    return %arg0, %c0_i32 : i32, i32
  }
  func.func @transform_7(%arg0: i32) -> (i32, i32) {
    %c0_i32 = arith.constant 0 : i32
    %c0_i32_0 = arith.constant 0 : i32
    return %arg0, %c0_i32 : i32, i32
  }
  func.func @transform_8(%arg0: i32) -> (i32, i32) {
    %c0_i32 = arith.constant 0 : i32
    %c0_i32_0 = arith.constant 0 : i32
    return %arg0, %c0_i32 : i32, i32
  }
  func.func @transform_9(%arg0: i32) -> (i32, i32) {
    %c0_i32 = arith.constant 0 : i32
    %c0_i32_0 = arith.constant 0 : i32
    return %arg0, %c0_i32 : i32, i32
  }
  func.func @transform_10(%arg0: i32) -> (i32, i32) {
    %c0_i32 = arith.constant 0 : i32
    %c0_i32_0 = arith.constant 0 : i32
    return %arg0, %c0_i32 : i32, i32
  }
  func.func @transform_11(%arg0: i32) -> (i32, i32) {
    %c0_i32 = arith.constant 0 : i32
    %c0_i32_0 = arith.constant 0 : i32
    return %arg0, %c0_i32 : i32, i32
  }
}

module attributes {stable_mosaic.version = 14 : i64} {
  func.func @_mlp_body(%arg0: i32, %arg1: memref<3072x128xf32, #tpu.memory_space<vmem>>, %arg2: memref<1x768x768xf32, #tpu.memory_space<vmem>>, %arg3: memref<1x1x768xf32, #tpu.memory_space<vmem>>, %arg4: memref<1x1x768xf32, #tpu.memory_space<vmem>>, %arg5: memref<1x1x768xf32, #tpu.memory_space<vmem>>, %arg6: memref<1x768x768xf32, #tpu.memory_space<vmem>>, %arg7: memref<1x1x768xf32, #tpu.memory_space<vmem>>, %arg8: memref<3072x128xf32, #tpu.memory_space<vmem>>) attributes {dimension_semantics = [#tpu.dimension_semantics<arbitrary>], iteration_bounds = array<i64: 8>, scalar_prefetch = 0 : i64, scratch_operands = 0 : i64, tpu.core_type = #tpu.core_type<tc>, window_params = [{transform_indices = @transform_0, window_bounds = array<i64: 3072, 128>}, {transform_indices = @transform_1, window_bounds = array<i64: 1, 768, 768>}, {transform_indices = @transform_2, window_bounds = array<i64: 1, 1, 768>}, {transform_indices = @transform_3, window_bounds = array<i64: 1, 1, 768>}, {transform_indices = @transform_4, window_bounds = array<i64: 1, 1, 768>}, {transform_indices = @transform_5, window_bounds = array<i64: 1, 768, 768>}, {transform_indices = @transform_6, window_bounds = array<i64: 1, 1, 768>}, {transform_indices = @transform_7, window_bounds = array<i64: 3072, 128>}]} {
    %get3A = arith.constant 0 : index
    %get3A_0 = arith.constant 0 : index
    %get3A_1 = vector.load %arg1[%get3A, %get3A_0] : memref<3072x128xf32, #tpu.memory_space<vmem>>, vector<3072x128xf32>
    %reshape3A = vector.shape_cast %get3A_1 : vector<3072x128xf32> to vector<512x768xf32>
    %get3A_2 = arith.constant 0 : index
    %get3A_3 = arith.constant 0 : index
    %get3A_4 = arith.constant 0 : index
    %get3A_5 = vector.load %arg2[%get3A_2, %get3A_3, %get3A_4] : memref<1x768x768xf32, #tpu.memory_space<vmem>>, vector<1x768x768xf32>
    %get3A_6 = vector.shape_cast %get3A_5 : vector<1x768x768xf32> to vector<768x768xf32>
    %dot_general3A = arith.constant dense<0.000000e+00> : vector<512x768xf32>
    %dot_general3A_7 = tpu.matmul %reshape3A, %get3A_6, %dot_general3A {dimension_numbers = #tpu.dot_dimension_numbers<[1], [0], [0], [1], [0, 0, 1, 1], [], []>, transpose_lhs_hint = false} : vector<512x768xf32>, vector<768x768xf32>, vector<512x768xf32> -> vector<512x768xf32>
    %get3A_8 = arith.constant 0 : index
    %get3A_9 = arith.constant 0 : index
    %get3A_10 = arith.constant 0 : index
    %get3A_11 = vector.load %arg3[%get3A_8, %get3A_9, %get3A_10] : memref<1x1x768xf32, #tpu.memory_space<vmem>>, vector<1x1x768xf32>
    %get3A_12 = vector.shape_cast %get3A_11 : vector<1x1x768xf32> to vector<1x768xf32>
    %add3A = vector.broadcast %get3A_12 : vector<1x768xf32> to vector<512x768xf32>
    %add3A_13 = arith.addf %dot_general3A_7, %add3A : vector<512x768xf32>
    %reduce_sum3A = arith.constant dense<0.000000e+00> : vector<512xf32>
    %reduce_sum3A_14 = vector.multi_reduction <add>, %add3A_13, %reduce_sum3A [1] : vector<512x768xf32> to vector<512xf32>
    %broadcast_in_dim3A = vector.shape_cast %reduce_sum3A_14 : vector<512xf32> to vector<512x1xf32>
    %div3A = arith.constant 7.680000e+02 : f32
    %div3A_15 = vector.broadcast %div3A : f32 to vector<512x1xf32>
    %div3A_16 = arith.divf %broadcast_in_dim3A, %div3A_15 : vector<512x1xf32>
    %sub3A = vector.broadcast %div3A_16 : vector<512x1xf32> to vector<512x768xf32>
    %sub3A_17 = arith.subf %add3A_13, %sub3A : vector<512x768xf32>
    %integer_pow3A = arith.mulf %sub3A_17, %sub3A_17 : vector<512x768xf32>
    %reduce_sum3A_18 = arith.constant dense<0.000000e+00> : vector<512xf32>
    %reduce_sum3A_19 = vector.multi_reduction <add>, %integer_pow3A, %reduce_sum3A_18 [1] : vector<512x768xf32> to vector<512xf32>
    %broadcast_in_dim3A_20 = vector.shape_cast %reduce_sum3A_19 : vector<512xf32> to vector<512x1xf32>
    %div3A_21 = arith.constant 7.680000e+02 : f32
    %div3A_22 = vector.broadcast %div3A_21 : f32 to vector<512x1xf32>
    %div3A_23 = arith.divf %broadcast_in_dim3A_20, %div3A_22 : vector<512x1xf32>
    %sub3A_24 = vector.broadcast %div3A_16 : vector<512x1xf32> to vector<512x768xf32>
    %sub3A_25 = arith.subf %add3A_13, %sub3A_24 : vector<512x768xf32>
    %add3A_26 = arith.constant 9.99999997E-7 : f32
    %add3A_27 = vector.broadcast %add3A_26 : f32 to vector<512x1xf32>
    %add3A_28 = arith.addf %div3A_23, %add3A_27 : vector<512x1xf32>
    %rsqrt3A = math.rsqrt %add3A_28 : vector<512x1xf32>
    %mul3A = vector.broadcast %rsqrt3A : vector<512x1xf32> to vector<512x768xf32>
    %mul3A_29 = arith.mulf %sub3A_25, %mul3A : vector<512x768xf32>
    %get3A_30 = arith.constant 0 : index
    %get3A_31 = arith.constant 0 : index
    %get3A_32 = arith.constant 0 : index
    %get3A_33 = vector.load %arg4[%get3A_30, %get3A_31, %get3A_32] : memref<1x1x768xf32, #tpu.memory_space<vmem>>, vector<1x1x768xf32>
    %get3A_34 = vector.shape_cast %get3A_33 : vector<1x1x768xf32> to vector<1x768xf32>
    %mul3A_35 = vector.broadcast %get3A_34 : vector<1x768xf32> to vector<512x768xf32>
    %mul3A_36 = arith.mulf %mul3A_29, %mul3A_35 : vector<512x768xf32>
    %get3A_37 = arith.constant 0 : index
    %get3A_38 = arith.constant 0 : index
    %get3A_39 = arith.constant 0 : index
    %get3A_40 = vector.load %arg5[%get3A_37, %get3A_38, %get3A_39] : memref<1x1x768xf32, #tpu.memory_space<vmem>>, vector<1x1x768xf32>
    %get3A_41 = vector.shape_cast %get3A_40 : vector<1x1x768xf32> to vector<1x768xf32>
    %add3A_42 = vector.broadcast %get3A_41 : vector<1x768xf32> to vector<512x768xf32>
    %add3A_43 = arith.addf %mul3A_36, %add3A_42 : vector<512x768xf32>
    %max3A = arith.constant 0.000000e+00 : f32
    %max3A_44 = vector.broadcast %max3A : f32 to vector<512x768xf32>
    %max3A_45 = arith.maximumf %add3A_43, %max3A_44 : vector<512x768xf32>
    %get3A_46 = arith.constant 0 : index
    %get3A_47 = arith.constant 0 : index
    %get3A_48 = arith.constant 0 : index
    %get3A_49 = vector.load %arg6[%get3A_46, %get3A_47, %get3A_48] : memref<1x768x768xf32, #tpu.memory_space<vmem>>, vector<1x768x768xf32>
    %get3A_50 = vector.shape_cast %get3A_49 : vector<1x768x768xf32> to vector<768x768xf32>
    %dot_general3A_51 = arith.constant dense<0.000000e+00> : vector<512x768xf32>
    %dot_general3A_52 = tpu.matmul %max3A_45, %get3A_50, %dot_general3A_51 {dimension_numbers = #tpu.dot_dimension_numbers<[1], [0], [0], [1], [0, 0, 1, 1], [], []>, transpose_lhs_hint = false} : vector<512x768xf32>, vector<768x768xf32>, vector<512x768xf32> -> vector<512x768xf32>
    %get3A_53 = arith.constant 0 : index
    %get3A_54 = arith.constant 0 : index
    %get3A_55 = arith.constant 0 : index
    %get3A_56 = vector.load %arg7[%get3A_53, %get3A_54, %get3A_55] : memref<1x1x768xf32, #tpu.memory_space<vmem>>, vector<1x1x768xf32>
    %get3A_57 = vector.shape_cast %get3A_56 : vector<1x1x768xf32> to vector<1x768xf32>
    %add3A_58 = vector.broadcast %get3A_57 : vector<1x768xf32> to vector<512x768xf32>
    %add3A_59 = arith.addf %dot_general3A_52, %add3A_58 : vector<512x768xf32>
    %reshape3A_60 = vector.shape_cast %add3A_59 : vector<512x768xf32> to vector<3072x128xf32>
    %swap3A = arith.constant 0 : index
    %swap3A_61 = arith.constant 0 : index
    %swap3A_62 = vector.load %arg8[%swap3A, %swap3A_61] : memref<3072x128xf32, #tpu.memory_space<vmem>>, vector<3072x128xf32>
    tpu.vector_store %arg8[%swap3A, %swap3A_61], %reshape3A_60 {strides = array<i32>} : memref<3072x128xf32, #tpu.memory_space<vmem>>, vector<3072x128xf32>,
    return
  }
  func.func @transform_0(%arg0: i32) -> (i32, i32) {
    %c0_i32 = arith.constant 0 : i32
    %c0_i32_0 = arith.constant 0 : i32
    return %arg0, %c0_i32 : i32, i32
  }
  func.func @transform_1(%arg0: i32) -> (i32, i32, i32) {
    %c0_i32 = arith.constant 0 : i32
    %c0_i32_0 = arith.constant 0 : i32
    %c0_i32_1 = arith.constant 0 : i32
    return %arg0, %c0_i32, %c0_i32_0 : i32, i32, i32
  }
  func.func @transform_2(%arg0: i32) -> (i32, i32, i32) {
    %c0_i32 = arith.constant 0 : i32
    %c0_i32_0 = arith.constant 0 : i32
    %c0_i32_1 = arith.constant 0 : i32
    return %arg0, %c0_i32, %c0_i32_0 : i32, i32, i32
  }
  func.func @transform_3(%arg0: i32) -> (i32, i32, i32) {
    %c0_i32 = arith.constant 0 : i32
    %c0_i32_0 = arith.constant 0 : i32
    %c0_i32_1 = arith.constant 0 : i32
    return %arg0, %c0_i32, %c0_i32_0 : i32, i32, i32
  }
  func.func @transform_4(%arg0: i32) -> (i32, i32, i32) {
    %c0_i32 = arith.constant 0 : i32
    %c0_i32_0 = arith.constant 0 : i32
    %c0_i32_1 = arith.constant 0 : i32
    return %arg0, %c0_i32, %c0_i32_0 : i32, i32, i32
  }
  func.func @transform_5(%arg0: i32) -> (i32, i32, i32) {
    %c0_i32 = arith.constant 0 : i32
    %c0_i32_0 = arith.constant 0 : i32
    %c0_i32_1 = arith.constant 0 : i32
    return %arg0, %c0_i32, %c0_i32_0 : i32, i32, i32
  }
  func.func @transform_6(%arg0: i32) -> (i32, i32, i32) {
    %c0_i32 = arith.constant 0 : i32
    %c0_i32_0 = arith.constant 0 : i32
    %c0_i32_1 = arith.constant 0 : i32
    return %arg0, %c0_i32, %c0_i32_0 : i32, i32, i32
  }
  func.func @transform_7(%arg0: i32) -> (i32, i32) {
    %c0_i32 = arith.constant 0 : i32
    %c0_i32_0 = arith.constant 0 : i32
    return %arg0, %c0_i32 : i32, i32
  }
}

module attributes {stable_mosaic.version = 14 : i64} {
  func.func @_residual_body(%arg0: i32, %arg1: memref<256x768xf32, #tpu.memory_space<vmem>>, %arg2: memref<1536x128xf32, #tpu.memory_space<vmem>>, %arg3: memref<256x768xf32, #tpu.memory_space<vmem>>) attributes {dimension_semantics = [#tpu.dimension_semantics<arbitrary>], iteration_bounds = array<i64: 8>, scalar_prefetch = 0 : i64, scratch_operands = 0 : i64, tpu.core_type = #tpu.core_type<tc>, window_params = [{transform_indices = @transform_0, window_bounds = array<i64: 256, 768>}, {transform_indices = @transform_1, window_bounds = array<i64: 1536, 128>}, {transform_indices = @transform_2, window_bounds = array<i64: 256, 768>}]} {
    %get3A = arith.constant 0 : index
    %get3A_0 = arith.constant 0 : index
    %get3A_1 = vector.load %arg1[%get3A, %get3A_0] : memref<256x768xf32, #tpu.memory_space<vmem>>, vector<256x768xf32>
    %get3A_2 = arith.constant 0 : index
    %get3A_3 = arith.constant 0 : index
    %get3A_4 = vector.load %arg2[%get3A_2, %get3A_3] : memref<1536x128xf32, #tpu.memory_space<vmem>>, vector<1536x128xf32>
    %reshape3A = vector.shape_cast %get3A_4 : vector<1536x128xf32> to vector<256x768xf32>
    %add3A = arith.addf %get3A_1, %reshape3A : vector<256x768xf32>
    %swap3A = arith.constant 0 : index
    %swap3A_5 = arith.constant 0 : index
    %swap3A_6 = vector.load %arg3[%swap3A, %swap3A_5] : memref<256x768xf32, #tpu.memory_space<vmem>>, vector<256x768xf32>
    tpu.vector_store %arg3[%swap3A, %swap3A_5], %add3A {strides = array<i32>} : memref<256x768xf32, #tpu.memory_space<vmem>>, vector<256x768xf32>,
    return
  }
  func.func @transform_0(%arg0: i32) -> (i32, i32) {
    %c0_i32 = arith.constant 0 : i32
    %c0_i32_0 = arith.constant 0 : i32
    return %arg0, %c0_i32 : i32, i32
  }
  func.func @transform_1(%arg0: i32) -> (i32, i32) {
    %c0_i32 = arith.constant 0 : i32
    %c0_i32_0 = arith.constant 0 : i32
    return %arg0, %c0_i32 : i32, i32
  }
  func.func @transform_2(%arg0: i32) -> (i32, i32) {
    %c0_i32 = arith.constant 0 : i32
    %c0_i32_0 = arith.constant 0 : i32
    return %arg0, %c0_i32 : i32, i32
  }
}

</mosaic_0001>

<sc_bundles>
// kernel: kernel.10.cloned.1.call-start
scs
__scs_entry_jumppad:
0x0: {  	(pc) =	sbr.rel $0x88, $3  }
0x1: {  	(tag) =	ssettag $0x0;
	lr =	simm.s32 $0x1  }
0x2: {  	[smem:$0x3F96] =	sst lr;
	_ =	strace $0xD0000000  }
0x3: {  	_ = 	snop  }
0x4: {  	_ = 	snop  }
0x5: {  	_ = 	snop  }
0x6: {  	_ = 	snop  }
0x7: {  	_ = 	snop  }
__scs_overlays_trampoline_lowered:
0x8: {  	[smem:$0x3FA5] =	sst s0  }
0x9: {  	[smem:$0x3FA6] =	sst s1  }
0xa: {  	[smem:$0x3FA7] =	sst s2  }
0xb: {  	[smem:$0x3FA8] =	sst s3  }
0xc: {  	[smem:$0x3FA9] =	sst s4  }
0xd: {  	[smem:$0x3FAA] =	sst s5  }
0xe: {  	[smem:$0x3FAB] =	sst s6  }
0xf: {  	[smem:$0x3FAC] =	sst s7  }
0x10: {  	[smem:$0x3FAD] =	sst s8  }
0x11: {  	[smem:$0x3FAE] =	sst s9;
	s0 =	simm.s32 @!p0 $0x0  }
0x12: {  	s1 =	sld [smem:$0x3F94];
	s0 =	simm.s32 @p0 $0x1  }
0x13: {  	[smem:$0x3FAF] =	sst s0;
	s0 =	simm.s32 @!p1 $0x0  }
0x14: {  	s2 =	sld [smem:$0x3F93];
	s0 =	simm.s32 @p1 $0x1  }
0x15: {  	[smem:$0x3FB0] =	sst s0;
	s0 =	simm.s32 @!p2 $0x0  }
0x16: {  	s3 =	sld [smem:$0x3FDB];
	s0 =	simm.s32 @p2 $0x1  }
0x17: {  	s4 =	simm.s32 $0x1BF5;
	[smem:$0x3FB2] =	sst s0  }
0x18: {  	s0 =	sld [smem:$0x3F95];
	_ =	swait.ge [sflag:s4], $0x0  }
0x19: {  	s7 =	sld [smem:$0x3F96]  }
0x1a: {  	s8 =	sadd.s32 $0xFFFFE003, lr  }
0x1b: {  	s9 =	sadd.s32 $0xFFFFFEF7, lr;
	s5 =	simm.s32 $0xFFFFFFFF;
	p2 =	slt.u32 s8, $0xFFFFF086  }
0x1c: {  	p1 =	slt.u32 s9, $0xF7A;
	s5 =	simm.s32 @!p2 $0x0  }
0x1d: {  	s5 =	simm.s32 @p1 $0x1;
	p0 =	seq.s32 s7, s2  }
0x1e: {  	s7 =	smul.u32 @!p0 $0xF7A, s2;
	p2 =	seq.s32 @!p0 s5, $0x0  }
0x1f: {  	s9 =	smul.u32 $0xF7A, s1;
	s8 =	simm.s32 @!p0 $0x1BF5;
	p2 =	por !p2, p0  }
0x20: {  	[sflag:s8] =	ssyncset.s32 @!p0 $0xFFFFF086;
	s6 =	sadd.s32 @!p0 s3, s7;
	s7 =	simm.s32 @!p0 $0x108  }
0x21: {  	s3 =	sadd.s32 s3, s9;
	s6 =	sadd.s32 @!p0 $0x88, s6;
	s7 =	simm.s32 @p2 $0x1082  }
0x22: {  	[simem:s7], [sflag:s8] =	dma.local @!p0 [hbm:s6], $0xF7A  }
0x23: {  	s9 =	sor.u32 $0xD0000000, s2;
	s6 =	simm.s32 $0x108;
	_ =	swait.ge @!p0 [sflag:s8], $0x0  }
0x24: {  	s3 =	sadd.s32 $0x88, s3;
	s6 =	simm.s32 @!p1 $0x1082;
	[sflag:s4] =	ssyncset.s32 $0xFFFFF086  }
0x25: {  	[simem:s6], [sflag:s4] =	dma.local [hbm:s3], $0xF7A  }
0x26: {  	[smem:$0x3F96] =	sst s1;
	(tag) =	ssettag s2;
	_ =	strace s9  }
0x27: {  	s1 =	sld [smem:$0x3FA6]  }
0x28: {  	s2 =	sld [smem:$0x3FA7]  }
0x29: {  	s4 =	sld [smem:$0x3FA9]  }
0x2a: {  	p0 =	seq.s32 s5, $0x0;
	s5 =	sld [smem:$0x3FAA]  }
0x2b: {  	s6 =	sld [smem:$0x3FAB]  }
0x2c: {  	s7 =	sld [smem:$0x3FAC]  }
0x2d: {  	s3 =	simm.s32 $0x108;
	s8 =	sld [smem:$0x3FAD]  }
0x2e: {  	s3 =	simm.s32 @!p0 $0x1082;
	s9 =	sld [smem:$0x3FAE]  }
0x2f: {  	lr =	sadd.s32 s0, s3;
	s0 =	sld [smem:$0x3FA5]  }
0x30: {  	s3 =	sld [smem:$0x3FA8]  }
0x31: {  	[smem:$0x3FB1] =	sst s10  }
0x32: {  	s10 =	sld [smem:$0x3FAF];
	_ =	sdelay $0x3  }
0x33: {  	p0 =	seq.s32 s10, $0x1;
	s10 =	sld [smem:$0x3FB1];
	_ =	sdelay $0x3  }
0x34: {  	[smem:$0x3FB1] =	sst s10  }
0x35: {  	s10 =	sld [smem:$0x3FB0];
	_ =	sdelay $0x3  }
0x36: {  	p1 =	seq.s32 s10, $0x1;
	s10 =	sld [smem:$0x3FB1];
	_ =	sdelay $0x3  }
0x37: {  	[smem:$0x3FB1] =	sst s10  }
0x38: {  	s10 =	sld [smem:$0x3FB2]  }
0x39: {  	_ = 	snop;
	(pc) =	sbr.ind lr, $3  }
0x3a: {  	_ = 	snop  }
0x3b: {  	_ = 	snop  }
0x3c: {  	p2 =	seq.s32 s10, $0x1;
	s10 =	sld [smem:$0x3FB1]  }
0x3d: {  	_ =	shalt  }
0x3e: {  	_ =	shalt  }
0x3f: {  	_ =	shalt  }
0x40: {  	_ =	shalt  }
0x41: {  	_ =	shalt  }
0x42: {  	_ =	shalt  }
0x43: {  	_ =	shalt  }
0x44: {  	_ =	shalt  }
0x45: {  	_ =	shalt  }
0x46: {  	_ =	shalt  }
0x47: {  	_ =	shalt  }
0x48: {  	_ =	shalt  }
0x49: {  	_ =	shalt  }
0x4a: {  	_ =	shalt  }
0x4b: {  	_ =	shalt  }
0x4c: {  	_ =	shalt  }
0x4d: {  	_ =	shalt  }
0x4e: {  	_ =	shalt  }
0x4f: {  	_ =	shalt  }
0x50: {  	_ =	shalt  }
0x51: {  	_ =	shalt  }
0x52: {  	_ =	shalt  }
0x53: {  	_ =	shalt  }
0x54: {  	_ =	shalt  }
0x55: {  	_ =	shalt  }
0x56: {  	_ =	shalt  }
0x57: {  	_ =	shalt  }
0x58: {  	_ =	shalt  }
0x59: {  	_ =	shalt  }
0x5a: {  	_ =	shalt  }
0x5b: {  	_ =	shalt  }
0x5c: {  	_ =	shalt  }
0x5d: {  	_ =	shalt  }
0x5e: {  	_ =	shalt  }
0x5f: {  	_ =	shalt  }
0x60: {  	_ =	shalt  }
0x61: {  	_ =	shalt  }
0x62: {  	_ =	shalt  }
0x63: {  	_ =	shalt  }
0x64: {  	_ =	shalt  }
0x65: {  	_ =	shalt  }
0x66: {  	_ =	shalt  }
0x67: {  	_ =	shalt  }
0x68: {  	_ =	shalt  }
0x69: {  	_ =	shalt  }
0x6a: {  	_ =	shalt  }
0x6b: {  	_ =	shalt  }
0x6c: {  	_ =	shalt  }
0x6d: {  	_ =	shalt  }
0x6e: {  	_ =	shalt  }
0x6f: {  	_ =	shalt  }
0x70: {  	_ =	shalt  }
0x71: {  	_ =	shalt  }
0x72: {  	_ =	shalt  }
0x73: {  	_ =	shalt  }
0x74: {  	_ =	shalt  }
0x75: {  	_ =	shalt  }
0x76: {  	_ =	shalt  }
0x77: {  	_ =	shalt  }
0x78: {  	_ =	shalt  }
0x79: {  	_ =	shalt  }
0x7a: {  	_ =	shalt  }
0x7b: {  	_ =	shalt  }
0x7c: {  	_ =	shalt  }
0x7d: {  	_ =	shalt  }
0x7e: {  	_ =	shalt  }
0x7f: {  	_ =	shalt  }
0x80: {  	_ =	shalt  }
0x81: {  	_ =	shalt  }
0x82: {  	_ =	shalt  }
0x83: {  	_ =	shalt  }
0x84: {  	_ =	shalt  }
0x85: {  	_ =	shalt  }
0x86: {  	_ =	shalt  }
0x87: {  	_ =	shalt  }
.Lfunc_end0:
.L_simem_size_0:
called_computation.1_lowered:
.L_overlay_start_0:
0x88: {  	s2 =	sld [smem:$0x3FD9]  }
0x89: {  	s3 =	sld [smem:$0x3FFE];
	_ =	sdelay $0x1  }
0x8a: {  	s1 =	srdreg.scid  }
0x8b: {  	s0 =	sand.u32 $0x1, s1  }
0x8c: {  	s17 =	sshll.u32 s0, $0xA;
	s2 =	sadd.s32 s3, s2  }
0x8d: {  	s2 =	sadd.s32 s2, s17  }
0x8e: {  	[smem:$0x3FBD] =	sst s2  }
0x8f: {  	_ = 	snop  }
0x90: {  	s2 =	sld [smem:$0x3FD0];
	(tm) =	ssettm $0x1  }
0x91: {  	s18 =	sld [smem:$0x3FFB];
	_ =	sdelay $0x3  }
0x92: {  	_ =	strace s18  }
0x93: {  	s3 =	sld [smem:$0x3FFC];
	_ =	sdelay $0x3  }
0x94: {  	_ =	strace s3  }
0x95: {  	s3 =	sld [smem:$0x3FFD];
	_ =	sdelay $0x3  }
0x96: {  	_ =	strace s3  }
0x97: {  	_ =	strace $0x8FFFFFFF  }
0x98: {  	s19 =	sld [smem:$0x3FDB];
	_ =	sdelay $0x1  }
0x99: {  	s4 =	simm.s32 $_scs_section_size  }
0x9a: {  	s5 =	simm.s32 $_size__tile_overlayer_lowered;
	s6 =	simm.s32 $_tile_overlayer_lowered  }
0x9b: {  	s22 =	simm.s32 $0x1BFF;
	s21 =	sshll.u32 s6, $0x1;
	s3 =	sadd.s32 s4, s19  }
0x9c: {  	s7 =	simm.s32 $0x0;
	s20 =	sshll.u32 s5, $0x1;
	s5 =	sadd.s32 s21, s3  }
0x9d: {  	[timem:s7], [sflag:s22] =	dma.local [hbm:s5], s20  }
0x9e: {  	_ =	swait.ge [sflag:s22], s20  }
0x9f: {  	s4 =	ssub.s32 $0x0, s20;
	[sflag:s22] =	ssyncset.done $0x0  }
0xa0: {  	[sflag:s22] =	ssyncadd.s32 s4;
	_ =	sdelay $0x1  }
0xa1: {  	s23 =	simm.s32 $0x1B8B  }
0xa2: {  	_ =	swait.ge [sflag:s23], $0x1  }
0xa3: {  	[sflag:s23] =	ssyncset.done $0x0  }
0xa4: {  	s25 =	simm.s32 $0x1B8E;
	s24 =	sld [smem:$0x3FFE];
	[sflag:s23] =	ssyncadd.s32 $0xFFFFFFFF  }
0xa5: {  	s26 =	simm.s32 $execute0_lowered;
	[smem:$0x3FD2] =	sst s25  }
0xa6: {  	s5 =	sshll.u32 s26, $0x1;
	_ =	strace $0x80000049;
	[dreg:$0x1] =	wrdreg $0xFFFFFFFF  }
0xa7: {  	s28 =	simm.s32 $_size_execute0_lowered;
	s3 =	sadd.s32 s3, s5;
	[dreg:$0x0] =	wrdreg $0x0  }
0xa8: {  	s5 =	sshll.u32 s28, $0x1;
	[dreg:$0x2] =	wrdreg s3  }
0xa9: {  	[dreg:$0x3] =	wrdreg s5  }
0xaa: {  	[dreg:$0x4] =	wrdreg $0xC0  }
0xab: {  	_ =	task [dreg:s7], $0x5FFFF  }
0xac: {  	[dreg:$0x1] =	wrdreg $0xFFFFFFFF  }
0xad: {  	[dreg:$0x0] =	wrdreg $0x60  }
0xae: {  	[dreg:$0x2] =	wrdreg s24  }
0xaf: {  	[dreg:$0x3] =	wrdreg s2  }
0xb0: {  	[dreg:$0x4] =	wrdreg $0x9  }
0xb1: {  	_ =	task.clear_ibuf [dreg:s7], $0x5FFFF;
	_ =	strace $0x90000049  }
0xb2: {  	s29 =	simm.s32 $0x9;
	_ =	strace $0x8000004B  }
0xb3: {  	_ =	swait.ge [sflag:s29], $0x1  }
0xb4: {  	[sflag:s29] =	ssyncadd.s32 $0xFFFFFFFF  }
0xb5: {  	_ =	strace $0x9000004B  }
0xb6: {  	_ =	sfence  }
0xb7: {  	s30 =	sld [smem:$0x0];
	_ =	sdelay $0x2  }
0xb8: {  	s31 =	sshll.u32 s1, $0xD;
	s1 =	sshrl.u32 s1, $0x2  }
0xb9: {  	s3 =	sand.u32 $0x4000, s31;
	s1 =	sadd.s32 s1, s30  }
0xba: {  	s0 =	sor.u32 s3, s0;
	s1 =	sshll.u32 s1, $0x11  }
0xbb: {  	s0 =	sor.u32 s1, s0  }
0xbc: {  	s0 =	sadd.s32 $0x8F2B, s0  }
0xbd: {  	[sflag:s0] =	ssyncadd.remote.s32 $0x1  }
0xbe: {  	_ =	sfence.sel $0xFFFF  }
0xbf: {  	[dreg:$0x0] =	wrdreg $0xFFFFFFFF;
	(pc) =	sbr.abs _section_cstart, $3  }
0xc0: {  	[dreg:$0x1] =	wrdreg $0xFFFFFFFF  }
0xc1: {  	_ =	task.clear_ibuf [dreg:s7], $0x2FFFF;
	_ =	strace $0x9FFFFFFF  }
0xc2: {  	(tm) =	ssettm $0x7FFFFFFF  }
0xc3: {  	_ =	shalt  }
tec
execute0_lowered:
.L_overlay_start_1:
0x0: {  	(tag) =	ssettag $0x1  }
0x1: {  	s0 =	rddreg [dreg:$0x0]  }
0x2: {  	s1 =	rddreg [dreg:$0x1];
	s2 =	srdreg.scid  }
0x3: {  	s3 =	stileid.u32;
	s13 =	simm.s32 $0xA;
	s17 =	simm.s32 $0x10  }
0x4: {  	s18 =	simm.s32 $0x880;
	s19 =	simm.s32 $0x9880;
	s20 =	simm.s32 $0x3880  }
0x5: {  	s24 =	simm.s32 $0x6880;
	s28 =	simm.s32 $0x1;
	s29 =	simm.s32 $0x4  }
0x6: {  	s30 =	simm.s32 $0x7;
	s15 =	simm.s32 $0x5;
	s16 =	simm.s32 $0x3  }
0x7: {  	s21 =	simm.s32 $0x6;
	s22 =	simm.s32 $0x8;
	s23 =	simm.s32 $0x9  }
0x8: {  	s25 =	simm.s32 $0x0;
	s4 =	sand.u32 $0x1, s2;
	s2 =	simm.s32 $0x0  }
0x9: {  	s3 =	sshll.u32 s3, $0x7;
	s5 =	sshll.u32 s4, $0x6;
	[smem:$0x7FF] =	sst s2  }
0xa: {  	s4 =	ssub.s32 $0x2, s4;
	s5 =	sor.u32 s5, s3;
	_ =	strace $0x8000004A  }
0xb: {  	s3 =	sadd.s32 $0x600, s0;
	s26 =	sshrl.u32 s4, $0x1;
	s6 =	sshrl.u32 s5, $0x3  }
0xc: {  	s7 =	sshll.u32 s5, $0x1;
	s8 =	smul.u32 $0x300, s5;
	s12 =	ssub.s32 s4, s26  }
0xd: {  	s9 =	smul.u32 $0x60, s5;
	s6 =	sadd.s32 s6, s0;
	s0 =	sadd.s32 s7, s0  }
0xe: {  	s12 =	smax.u32 s12, $0x1;
	s4 =	sadd.s32 $0x6CA00, s6;
	s5 =	sadd.s32 $0x6CC00, s6  }
0xf: {  	s6 =	sadd.s32 $0x6CE00, s0;
	s10 =	sshrl.u32 s8, $0x3;
	s8 =	sadd.s32 s1, s9  }
0x10: {  	s7 =	sadd.s32 $0x6DE00, s0;
	s31 =	sadd.s32 s1, s10;
	s9 =	sadd.s32 $0x600, s8  }
0x11: {  	s1 =	simm.s32 $0x2;
	s10 =	sadd.s32 $0xC00, s31;
	s11 =	sadd.s32 $0x1200, s31  }
.LBB2_1:
0x12: {  	[tilespmem:s2], [sflag:$0xA] =	stream.linear.gather [hbm4b:s4+s2], $0x40, $0x38;
	[tilespmem:$0x12880] =	vst v63  }
0x13: {  	_ =	swait.ge [sflag:s13], $0x40  }
0x14: {  	[sflag:s13] =	ssyncset.done $0x0  }
0x15: {  	s0 =	simm.s32 $0x40;
	[sflag:s13] =	ssyncadd.s32 $0xFFFFFFC0  }
0x16: {  	[tilespmem:s0], [sflag:$0xA] =	stream.linear.gather [hbm4b:s5+s2], $0x40, $0x38;
	[tilespmem:$0x12880] =	vst v63  }
0x17: {  	_ =	swait.ge [sflag:s13], $0x40  }
0x18: {  	[sflag:s13] =	ssyncset.done $0x0  }
0x19: {  	s14 =	simm.s32 $0x80;
	[sflag:s13] =	ssyncadd.s32 $0xFFFFFFC0  }
0x1a: {  	[tilespmem:s14], [sflag:$0xA] =	stream.linear.gather [hbm4b:s6+s2], $0x400, $0x38;
	[tilespmem:$0x12880] =	vst v63  }
0x1b: {  	_ =	swait.ge [sflag:s13], $0x400  }
0x1c: {  	[sflag:s13] =	ssyncset.done $0x0  }
0x1d: {  	s26 =	simm.s32 $0x480;
	[sflag:s13] =	ssyncadd.s32 $0xFFFFFC00  }
0x1e: {  	[tilespmem:s26], [sflag:$0xA] =	stream.linear.gather [hbm4b:s7+s2], $0x400, $0x38;
	[tilespmem:$0x12880] =	vst v63  }
0x1f: {  	_ =	swait.ge [sflag:s13], $0x400  }
0x20: {  	[sflag:s13] =	ssyncset.done $0x0  }
0x21: {  	[sflag:s13] =	ssyncadd.s32 $0xFFFFFC00  }
0x22: {  	[tilespmem:s18], [sflag:$0x1] =	stream.indirect.gather [hbm4b:s3+s17], $0x300, s2, s17, $0xb8;
	[tilespmem:$0x12880] =	vst v63  }
0x23: {  	_ = 	snop  }
0x24: {  	[tilespmem:s19], [sflag:$0x4] =	stream.indirect.gather [hbm4b:s3+s17], $0x300, s0, s17, $0xb8;
	[tilespmem:$0x12880] =	vst v63  }
0x25: {  	_ = 	snop  }
0x26: {  	[tilespmem:s20], [sflag:$0x2] =	stream.indirect.gather [hbm4b:s3+s17], $0x300, s17, s17, $0xb8;
	[tilespmem:$0x12880] =	vst v63  }
0x27: {  	s14 =	simm.s32 $0x50;
	s26 =	simm.s32 $0xC880  }
0x28: {  	[tilespmem:s26], [sflag:$0x5] =	stream.indirect.gather [hbm4b:s3+s17], $0x300, s14, s17, $0xb8;
	[tilespmem:$0x12880] =	vst v63  }
0x29: {  	s26 =	simm.s32 $0x20  }
0x2a: {  	[tilespmem:s24], [sflag:$0x3] =	stream.indirect.gather [hbm4b:s3+s17], $0x300, s26, s17, $0xb8;
	[tilespmem:$0x12880] =	vst v63  }
0x2b: {  	s14 =	simm.s32 $0x60;
	s26 =	simm.s32 $0xF880  }
0x2c: {  	[tilespmem:s26], [sflag:$0x6] =	stream.indirect.gather [hbm4b:s3+s17], $0x300, s14, s17, $0xb8;
	[tilespmem:$0x12880] =	vst v63  }
0x2d: {  	_ =	swait.ge [sflag:s28], $0x3000  }
0x2e: {  	[sflag:s28] =	ssyncset.done $0x0  }
0x2f: {  	[sflag:s28] =	ssyncadd.s32 $0xFFFFD000  }
0x30: {  	_ =	swait.ge [sflag:s29], $0x3000  }
0x31: {  	s31 =	simm.s32 $0x9A00;
	[sflag:s29] =	ssyncset.done $0x0  }
0x32: {  	s0 =	simm.s32 $0x0;
	s26 =	simm.s32 $0xA00;
	[sflag:s29] =	ssyncadd.s32 $0xFFFFD000  }
.LBB2_2:
0x33: {  	v2 =	vld [tilespmem:s26+$0xFFFFFE80]  }
0x34: {  	s14 =	sshra.s32 s0, $0x2;
	v3 =	vld [tilespmem:s31+$0xFFFFFE80]  }
0x35: {  	v0 =	vld [tilespmem:s14+$0x80]  }
0x36: {  	v1 =	vld [tilespmem:s14+$0x480];
	_ =	sdelay $0x4  }
0x37: {  	v2 =	vmul.f32 v2, v0;
	v3 =	vmul.f32 v3, v1;
	_ =	sdelay $0x1  }
0x38: {  	v2 =	vadd.f32 v3, v2;
	_ =	sdelay $0x1  }
0x39: {  	v28 =	vld [tilespmem:s26+$0xFFFFFE90];
	[tilespmem:s26+$0xFFFFFE80] =	vst v2  }
0x3a: {  	v29 =	vld [tilespmem:s31+$0xFFFFFE90];
	_ =	sdelay $0x4  }
0x3b: {  	v2 =	vmul.f32 v28, v0;
	v3 =	vmul.f32 v29, v1;
	_ =	sdelay $0x1  }
0x3c: {  	v2 =	vadd.f32 v3, v2;
	_ =	sdelay $0x1  }
0x3d: {  	v30 =	vld [tilespmem:s26+$0xFFFFFEA0];
	[tilespmem:s26+$0xFFFFFE90] =	vst v2  }
0x3e: {  	v31 =	vld [tilespmem:s31+$0xFFFFFEA0];
	_ =	sdelay $0x4  }
0x3f: {  	v2 =	vmul.f32 v30, v0;
	v3 =	vmul.f32 v31, v1;
	_ =	sdelay $0x1  }
0x40: {  	v2 =	vadd.f32 v3, v2;
	_ =	sdelay $0x1  }
0x41: {  	v32 =	vld [tilespmem:s26+$0xFFFFFEB0];
	[tilespmem:s26+$0xFFFFFEA0] =	vst v2  }
0x42: {  	v33 =	vld [tilespmem:s31+$0xFFFFFEB0];
	_ =	sdelay $0x4  }
0x43: {  	v2 =	vmul.f32 v32, v0;
	v3 =	vmul.f32 v33, v1;
	_ =	sdelay $0x1  }
0x44: {  	v2 =	vadd.f32 v3, v2;
	_ =	sdelay $0x1  }
0x45: {  	v34 =	vld [tilespmem:s26+$0xFFFFFEC0];
	[tilespmem:s26+$0xFFFFFEB0] =	vst v2  }
0x46: {  	v35 =	vld [tilespmem:s31+$0xFFFFFEC0];
	_ =	sdelay $0x4  }
0x47: {  	v2 =	vmul.f32 v34, v0;
	v3 =	vmul.f32 v35, v1;
	_ =	sdelay $0x1  }
0x48: {  	v2 =	vadd.f32 v3, v2;
	_ =	sdelay $0x1  }
0x49: {  	v36 =	vld [tilespmem:s26+$0xFFFFFED0];
	[tilespmem:s26+$0xFFFFFEC0] =	vst v2  }
0x4a: {  	v37 =	vld [tilespmem:s31+$0xFFFFFED0];
	_ =	sdelay $0x4  }
0x4b: {  	v2 =	vmul.f32 v36, v0;
	v3 =	vmul.f32 v37, v1;
	_ =	sdelay $0x1  }
0x4c: {  	v2 =	vadd.f32 v3, v2;
	_ =	sdelay $0x1  }
0x4d: {  	v38 =	vld [tilespmem:s26+$0xFFFFFEE0];
	[tilespmem:s26+$0xFFFFFED0] =	vst v2  }
0x4e: {  	v39 =	vld [tilespmem:s31+$0xFFFFFEE0];
	_ =	sdelay $0x4  }
0x4f: {  	v2 =	vmul.f32 v38, v0;
	v3 =	vmul.f32 v39, v1;
	_ =	sdelay $0x1  }
0x50: {  	v2 =	vadd.f32 v3, v2;
	_ =	sdelay $0x1  }
0x51: {  	v40 =	vld [tilespmem:s26+$0xFFFFFEF0];
	[tilespmem:s26+$0xFFFFFEE0] =	vst v2  }
0x52: {  	v41 =	vld [tilespmem:s31+$0xFFFFFEF0];
	_ =	sdelay $0x4  }
0x53: {  	v2 =	vmul.f32 v40, v0;
	v3 =	vmul.f32 v41, v1;
	_ =	sdelay $0x1  }
0x54: {  	v2 =	vadd.f32 v3, v2;
	_ =	sdelay $0x1  }
0x55: {  	v42 =	vld [tilespmem:s26+$0xFFFFFF00];
	[tilespmem:s26+$0xFFFFFEF0] =	vst v2  }
0x56: {  	v43 =	vld [tilespmem:s31+$0xFFFFFF00];
	_ =	sdelay $0x4  }
0x57: {  	v2 =	vmul.f32 v42, v0;
	v3 =	vmul.f32 v43, v1;
	_ =	sdelay $0x1  }
0x58: {  	v2 =	vadd.f32 v3, v2;
	_ =	sdelay $0x1  }
0x59: {  	v44 =	vld [tilespmem:s26+$0xFFFFFF10];
	[tilespmem:s26+$0xFFFFFF00] =	vst v2  }
0x5a: {  	v45 =	vld [tilespmem:s31+$0xFFFFFF10];
	_ =	sdelay $0x4  }
0x5b: {  	v2 =	vmul.f32 v44, v0;
	v3 =	vmul.f32 v45, v1;
	_ =	sdelay $0x1  }
0x5c: {  	v2 =	vadd.f32 v3, v2;
	_ =	sdelay $0x1  }
0x5d: {  	v46 =	vld [tilespmem:s26+$0xFFFFFF20];
	[tilespmem:s26+$0xFFFFFF10] =	vst v2  }
0x5e: {  	v47 =	vld [tilespmem:s31+$0xFFFFFF20];
	_ =	sdelay $0x4  }
0x5f: {  	v2 =	vmul.f32 v46, v0;
	v3 =	vmul.f32 v47, v1;
	_ =	sdelay $0x1  }
0x60: {  	v2 =	vadd.f32 v3, v2;
	_ =	sdelay $0x1  }
0x61: {  	v48 =	vld [tilespmem:s26+$0xFFFFFF30];
	[tilespmem:s26+$0xFFFFFF20] =	vst v2  }
0x62: {  	v49 =	vld [tilespmem:s31+$0xFFFFFF30];
	_ =	sdelay $0x4  }
0x63: {  	v2 =	vmul.f32 v48, v0;
	v3 =	vmul.f32 v49, v1;
	_ =	sdelay $0x1  }
0x64: {  	v2 =	vadd.f32 v3, v2;
	_ =	sdelay $0x1  }
0x65: {  	v50 =	vld [tilespmem:s26+$0xFFFFFF40];
	[tilespmem:s26+$0xFFFFFF30] =	vst v2  }
0x66: {  	v51 =	vld [tilespmem:s31+$0xFFFFFF40];
	_ =	sdelay $0x4  }
0x67: {  	v2 =	vmul.f32 v50, v0;
	v3 =	vmul.f32 v51, v1;
	_ =	sdelay $0x1  }
0x68: {  	v2 =	vadd.f32 v3, v2;
	_ =	sdelay $0x1  }
0x69: {  	v52 =	vld [tilespmem:s26+$0xFFFFFF50];
	[tilespmem:s26+$0xFFFFFF40] =	vst v2  }
0x6a: {  	v53 =	vld [tilespmem:s31+$0xFFFFFF50];
	_ =	sdelay $0x4  }
0x6b: {  	v2 =	vmul.f32 v52, v0;
	v3 =	vmul.f32 v53, v1;
	_ =	sdelay $0x1  }
0x6c: {  	v2 =	vadd.f32 v3, v2;
	_ =	sdelay $0x1  }
0x6d: {  	v54 =	vld [tilespmem:s26+$0xFFFFFF60];
	[tilespmem:s26+$0xFFFFFF50] =	vst v2  }
0x6e: {  	v55 =	vld [tilespmem:s31+$0xFFFFFF60];
	_ =	sdelay $0x4  }
0x6f: {  	v2 =	vmul.f32 v54, v0;
	v3 =	vmul.f32 v55, v1;
	_ =	sdelay $0x1  }
0x70: {  	v2 =	vadd.f32 v3, v2;
	_ =	sdelay $0x1  }
0x71: {  	v56 =	vld [tilespmem:s26+$0xFFFFFF70];
	[tilespmem:s26+$0xFFFFFF60] =	vst v2  }
0x72: {  	v57 =	vld [tilespmem:s31+$0xFFFFFF70];
	_ =	sdelay $0x4  }
0x73: {  	v2 =	vmul.f32 v56, v0;
	v3 =	vmul.f32 v57, v1;
	_ =	sdelay $0x1  }
0x74: {  	v2 =	vadd.f32 v3, v2;
	_ =	sdelay $0x1  }
0x75: {  	v58 =	vld [tilespmem:s26+$0xFFFFFF80];
	[tilespmem:s26+$0xFFFFFF70] =	vst v2  }
0x76: {  	v59 =	vld [tilespmem:s31+$0xFFFFFF80];
	_ =	sdelay $0x4  }
0x77: {  	v2 =	vmul.f32 v58, v0;
	v3 =	vmul.f32 v59, v1;
	_ =	sdelay $0x1  }
0x78: {  	v2 =	vadd.f32 v3, v2;
	_ =	sdelay $0x1  }
0x79: {  	v60 =	vld [tilespmem:s26+$0xFFFFFF90];
	[tilespmem:s26+$0xFFFFFF80] =	vst v2  }
0x7a: {  	v61 =	vld [tilespmem:s31+$0xFFFFFF90];
	_ =	sdelay $0x4  }
0x7b: {  	v2 =	vmul.f32 v60, v0;
	v3 =	vmul.f32 v61, v1;
	_ =	sdelay $0x1  }
0x7c: {  	v2 =	vadd.f32 v3, v2;
	_ =	sdelay $0x1  }
0x7d: {  	v62 =	vld [tilespmem:s26+$0xFFFFFFA0];
	[tilespmem:s26+$0xFFFFFF90] =	vst v2  }
0x7e: {  	v63 =	vld [tilespmem:s31+$0xFFFFFFA0];
	_ =	sdelay $0x4  }
0x7f: {  	v2 =	vmul.f32 v62, v0;
	v3 =	vmul.f32 v63, v1;
	_ =	sdelay $0x1  }
0x80: {  	v2 =	vadd.f32 v3, v2;
	_ =	sdelay $0x1  }
0x81: {  	v6 =	vld [tilespmem:s26+$0xFFFFFFB0];
	[tilespmem:s26+$0xFFFFFFA0] =	vst v2  }
0x82: {  	v7 =	vld [tilespmem:s31+$0xFFFFFFB0];
	_ =	sdelay $0x4  }
0x83: {  	v2 =	vmul.f32 v6, v0;
	v3 =	vmul.f32 v7, v1;
	_ =	sdelay $0x1  }
0x84: {  	v2 =	vadd.f32 v3, v2;
	_ =	sdelay $0x1  }
0x85: {  	v8 =	vld [tilespmem:s26+$0xFFFFFFC0];
	[tilespmem:s26+$0xFFFFFFB0] =	vst v2  }
0x86: {  	v9 =	vld [tilespmem:s31+$0xFFFFFFC0];
	_ =	sdelay $0x4  }
0x87: {  	v2 =	vmul.f32 v8, v0;
	v3 =	vmul.f32 v9, v1;
	_ =	sdelay $0x1  }
0x88: {  	v2 =	vadd.f32 v3, v2;
	_ =	sdelay $0x1  }
0x89: {  	v10 =	vld [tilespmem:s26+$0xFFFFFFD0];
	[tilespmem:s26+$0xFFFFFFC0] =	vst v2  }
0x8a: {  	v11 =	vld [tilespmem:s31+$0xFFFFFFD0];
	_ =	sdelay $0x4  }
0x8b: {  	v2 =	vmul.f32 v10, v0;
	v3 =	vmul.f32 v11, v1;
	_ =	sdelay $0x1  }
0x8c: {  	v2 =	vadd.f32 v3, v2;
	_ =	sdelay $0x1  }
0x8d: {  	v12 =	vld [tilespmem:s26+$0xFFFFFFE0];
	[tilespmem:s26+$0xFFFFFFD0] =	vst v2  }
0x8e: {  	v13 =	vld [tilespmem:s31+$0xFFFFFFE0];
	_ =	sdelay $0x4  }
0x8f: {  	v2 =	vmul.f32 v12, v0;
	v3 =	vmul.f32 v13, v1;
	_ =	sdelay $0x1  }
0x90: {  	v2 =	vadd.f32 v3, v2;
	_ =	sdelay $0x1  }
0x91: {  	v14 =	vld [tilespmem:s26+$0xFFFFFFF0];
	[tilespmem:s26+$0xFFFFFFE0] =	vst v2  }
0x92: {  	v15 =	vld [tilespmem:s31+$0xFFFFFFF0];
	_ =	sdelay $0x4  }
0x93: {  	v2 =	vmul.f32 v14, v0;
	v3 =	vmul.f32 v15, v1;
	_ =	sdelay $0x1  }
0x94: {  	v2 =	vadd.f32 v3, v2;
	_ =	sdelay $0x1  }
0x95: {  	v16 =	vld [tilespmem:s26+$0x0];
	[tilespmem:s26+$0xFFFFFFF0] =	vst v2  }
0x96: {  	v17 =	vld [tilespmem:s31+$0x0];
	_ =	sdelay $0x4  }
0x97: {  	v2 =	vmul.f32 v16, v0;
	v3 =	vmul.f32 v17, v1;
	_ =	sdelay $0x1  }
0x98: {  	v2 =	vadd.f32 v3, v2;
	_ =	sdelay $0x1  }
0x99: {  	v18 =	vld [tilespmem:s26+$0x10];
	[tilespmem:s26+$0x0] =	vst v2  }
0x9a: {  	v19 =	vld [tilespmem:s31+$0x10];
	_ =	sdelay $0x4  }
0x9b: {  	v2 =	vmul.f32 v18, v0;
	v3 =	vmul.f32 v19, v1;
	_ =	sdelay $0x1  }
0x9c: {  	v2 =	vadd.f32 v3, v2;
	_ =	sdelay $0x1  }
0x9d: {  	v20 =	vld [tilespmem:s26+$0x20];
	[tilespmem:s26+$0x10] =	vst v2  }
0x9e: {  	v21 =	vld [tilespmem:s31+$0x20];
	_ =	sdelay $0x4  }
0x9f: {  	v2 =	vmul.f32 v20, v0;
	v3 =	vmul.f32 v21, v1;
	_ =	sdelay $0x1  }
0xa0: {  	v2 =	vadd.f32 v3, v2;
	_ =	sdelay $0x1  }
0xa1: {  	v22 =	vld [tilespmem:s26+$0x30];
	[tilespmem:s26+$0x20] =	vst v2  }
0xa2: {  	v23 =	vld [tilespmem:s31+$0x30];
	_ =	sdelay $0x4  }
0xa3: {  	v2 =	vmul.f32 v22, v0;
	v3 =	vmul.f32 v23, v1;
	_ =	sdelay $0x1  }
0xa4: {  	v2 =	vadd.f32 v3, v2;
	_ =	sdelay $0x1  }
0xa5: {  	v24 =	vld [tilespmem:s26+$0x40];
	[tilespmem:s26+$0x30] =	vst v2  }
0xa6: {  	v25 =	vld [tilespmem:s31+$0x40];
	_ =	sdelay $0x4  }
0xa7: {  	v2 =	vmul.f32 v24, v0;
	v3 =	vmul.f32 v25, v1;
	_ =	sdelay $0x1  }
0xa8: {  	v2 =	vadd.f32 v3, v2;
	_ =	sdelay $0x1  }
0xa9: {  	v26 =	vld [tilespmem:s26+$0x50];
	[tilespmem:s26+$0x40] =	vst v2  }
0xaa: {  	v27 =	vld [tilespmem:s31+$0x50];
	_ =	sdelay $0x4  }
0xab: {  	v2 =	vmul.f32 v26, v0;
	v3 =	vmul.f32 v27, v1;
	_ =	sdelay $0x1  }
0xac: {  	v2 =	vadd.f32 v3, v2;
	_ =	sdelay $0x1  }
0xad: {  	v28 =	vld [tilespmem:s26+$0x60];
	[tilespmem:s26+$0x50] =	vst v2  }
0xae: {  	v29 =	vld [tilespmem:s31+$0x60];
	_ =	sdelay $0x4  }
0xaf: {  	v2 =	vmul.f32 v28, v0;
	v3 =	vmul.f32 v29, v1;
	_ =	sdelay $0x1  }
0xb0: {  	v2 =	vadd.f32 v3, v2;
	_ =	sdelay $0x1  }
0xb1: {  	v30 =	vld [tilespmem:s26+$0x70];
	[tilespmem:s26+$0x60] =	vst v2  }
0xb2: {  	v31 =	vld [tilespmem:s31+$0x70];
	_ =	sdelay $0x4  }
0xb3: {  	v2 =	vmul.f32 v30, v0;
	v3 =	vmul.f32 v31, v1;
	_ =	sdelay $0x1  }
0xb4: {  	v2 =	vadd.f32 v3, v2;
	_ =	sdelay $0x1  }
0xb5: {  	v32 =	vld [tilespmem:s26+$0x80];
	[tilespmem:s26+$0x70] =	vst v2  }
0xb6: {  	v33 =	vld [tilespmem:s31+$0x80];
	_ =	sdelay $0x4  }
0xb7: {  	v2 =	vmul.f32 v32, v0;
	v3 =	vmul.f32 v33, v1;
	_ =	sdelay $0x1  }
0xb8: {  	v2 =	vadd.f32 v3, v2;
	_ =	sdelay $0x1  }
0xb9: {  	v34 =	vld [tilespmem:s26+$0x90];
	[tilespmem:s26+$0x80] =	vst v2  }
0xba: {  	v35 =	vld [tilespmem:s31+$0x90];
	_ =	sdelay $0x4  }
0xbb: {  	v2 =	vmul.f32 v34, v0;
	v3 =	vmul.f32 v35, v1;
	_ =	sdelay $0x1  }
0xbc: {  	v2 =	vadd.f32 v3, v2;
	_ =	sdelay $0x1  }
0xbd: {  	v36 =	vld [tilespmem:s26+$0xA0];
	[tilespmem:s26+$0x90] =	vst v2  }
0xbe: {  	v37 =	vld [tilespmem:s31+$0xA0];
	_ =	sdelay $0x4  }
0xbf: {  	v2 =	vmul.f32 v36, v0;
	v3 =	vmul.f32 v37, v1;
	_ =	sdelay $0x1  }
0xc0: {  	v2 =	vadd.f32 v3, v2;
	_ =	sdelay $0x1  }
0xc1: {  	v38 =	vld [tilespmem:s26+$0xB0];
	[tilespmem:s26+$0xA0] =	vst v2  }
0xc2: {  	v39 =	vld [tilespmem:s31+$0xB0];
	_ =	sdelay $0x4  }
0xc3: {  	v2 =	vmul.f32 v38, v0;
	v3 =	vmul.f32 v39, v1;
	_ =	sdelay $0x1  }
0xc4: {  	v2 =	vadd.f32 v3, v2;
	_ =	sdelay $0x1  }
0xc5: {  	v40 =	vld [tilespmem:s26+$0xC0];
	[tilespmem:s26+$0xB0] =	vst v2  }
0xc6: {  	v41 =	vld [tilespmem:s31+$0xC0];
	_ =	sdelay $0x4  }
0xc7: {  	v2 =	vmul.f32 v40, v0;
	v3 =	vmul.f32 v41, v1;
	_ =	sdelay $0x1  }
0xc8: {  	v2 =	vadd.f32 v3, v2;
	_ =	sdelay $0x1  }
0xc9: {  	v42 =	vld [tilespmem:s26+$0xD0];
	[tilespmem:s26+$0xC0] =	vst v2  }
0xca: {  	v43 =	vld [tilespmem:s31+$0xD0];
	_ =	sdelay $0x4  }
0xcb: {  	v2 =	vmul.f32 v42, v0;
	v3 =	vmul.f32 v43, v1;
	_ =	sdelay $0x1  }
0xcc: {  	v2 =	vadd.f32 v3, v2;
	_ =	sdelay $0x1  }
0xcd: {  	v44 =	vld [tilespmem:s26+$0xE0];
	[tilespmem:s26+$0xD0] =	vst v2  }
0xce: {  	v45 =	vld [tilespmem:s31+$0xE0];
	_ =	sdelay $0x4  }
0xcf: {  	v2 =	vmul.f32 v44, v0;
	v3 =	vmul.f32 v45, v1;
	_ =	sdelay $0x1  }
0xd0: {  	v2 =	vadd.f32 v3, v2;
	_ =	sdelay $0x1  }
0xd1: {  	v46 =	vld [tilespmem:s26+$0xF0];
	[tilespmem:s26+$0xE0] =	vst v2  }
0xd2: {  	v47 =	vld [tilespmem:s31+$0xF0];
	_ =	sdelay $0x4  }
0xd3: {  	v2 =	vmul.f32 v46, v0;
	v3 =	vmul.f32 v47, v1;
	_ =	sdelay $0x1  }
0xd4: {  	v2 =	vadd.f32 v3, v2;
	_ =	sdelay $0x1  }
0xd5: {  	v48 =	vld [tilespmem:s26+$0x100];
	[tilespmem:s26+$0xF0] =	vst v2  }
0xd6: {  	v49 =	vld [tilespmem:s31+$0x100];
	_ =	sdelay $0x4  }
0xd7: {  	v2 =	vmul.f32 v48, v0;
	v3 =	vmul.f32 v49, v1;
	_ =	sdelay $0x1  }
0xd8: {  	v2 =	vadd.f32 v3, v2;
	_ =	sdelay $0x1  }
0xd9: {  	v50 =	vld [tilespmem:s26+$0x110];
	[tilespmem:s26+$0x100] =	vst v2  }
0xda: {  	v51 =	vld [tilespmem:s31+$0x110];
	_ =	sdelay $0x4  }
0xdb: {  	v2 =	vmul.f32 v50, v0;
	v3 =	vmul.f32 v51, v1;
	_ =	sdelay $0x1  }
0xdc: {  	v2 =	vadd.f32 v3, v2;
	_ =	sdelay $0x1  }
0xdd: {  	v52 =	vld [tilespmem:s26+$0x120];
	[tilespmem:s26+$0x110] =	vst v2  }
0xde: {  	v53 =	vld [tilespmem:s31+$0x120];
	_ =	sdelay $0x4  }
0xdf: {  	v2 =	vmul.f32 v52, v0;
	v3 =	vmul.f32 v53, v1;
	_ =	sdelay $0x1  }
0xe0: {  	v2 =	vadd.f32 v3, v2;
	_ =	sdelay $0x1  }
0xe1: {  	v54 =	vld [tilespmem:s26+$0x130];
	[tilespmem:s26+$0x120] =	vst v2  }
0xe2: {  	v55 =	vld [tilespmem:s31+$0x130];
	_ =	sdelay $0x4  }
0xe3: {  	v2 =	vmul.f32 v54, v0;
	v3 =	vmul.f32 v55, v1;
	_ =	sdelay $0x1  }
0xe4: {  	v2 =	vadd.f32 v3, v2;
	_ =	sdelay $0x1  }
0xe5: {  	v56 =	vld [tilespmem:s26+$0x140];
	[tilespmem:s26+$0x130] =	vst v2  }
0xe6: {  	v57 =	vld [tilespmem:s31+$0x140];
	_ =	sdelay $0x4  }
0xe7: {  	v2 =	vmul.f32 v56, v0;
	v3 =	vmul.f32 v57, v1;
	_ =	sdelay $0x1  }
0xe8: {  	v2 =	vadd.f32 v3, v2;
	_ =	sdelay $0x1  }
0xe9: {  	v58 =	vld [tilespmem:s26+$0x150];
	[tilespmem:s26+$0x140] =	vst v2  }
0xea: {  	v59 =	vld [tilespmem:s31+$0x150];
	_ =	sdelay $0x4  }
0xeb: {  	v2 =	vmul.f32 v58, v0;
	v3 =	vmul.f32 v59, v1;
	_ =	sdelay $0x1  }
0xec: {  	v2 =	vadd.f32 v3, v2;
	_ =	sdelay $0x1  }
0xed: {  	v60 =	vld [tilespmem:s26+$0x160];
	[tilespmem:s26+$0x150] =	vst v2  }
0xee: {  	v61 =	vld [tilespmem:s31+$0x160];
	_ =	sdelay $0x4  }
0xef: {  	v2 =	vmul.f32 v60, v0;
	v3 =	vmul.f32 v61, v1;
	_ =	sdelay $0x1  }
0xf0: {  	v2 =	vadd.f32 v3, v2;
	_ =	sdelay $0x1  }
0xf1: {  	v62 =	vld [tilespmem:s26+$0x170];
	[tilespmem:s26+$0x160] =	vst v2  }
0xf2: {  	v63 =	vld [tilespmem:s31+$0x170];
	_ =	sdelay $0x3  }
0xf3: {  	p0 =	sne.s32 s0, $0x3C0  }
.Ltmp0:
0xf4: {  	v0 =	vmul.f32 v62, v0;
	v1 =	vmul.f32 v63, v1;
	(pc) =	sbr.rel @p0 .LBB2_2-.Ltmp0, $3  }
0xf5: {  	_ = 	snop  }
0xf6: {  	v0 =	vadd.f32 v1, v0;
	_ =	sdelay $0x1  }
0xf7: {  	s0 =	sadd.s32 $0x40, s0;
	s31 =	sadd.s32 $0x300, s31;
	[tilespmem:s26+$0x170] =	vst v0;
	s26 =	sadd.s32 $0x300, s26  }
0xf8: {  	s26 =	simm.s32 $0x0  }
0xf9: {  	[hbm4b:s8+s26] =	stream.linear.scatter [tilespmem:s18], [sflag:$0x7], $0x3000, $0x38;
	[tilespmem:$0x12880] =	vst v63  }
0xfa: {  	_ =	swait.ge [sflag:s30], $0x3000  }
0xfb: {  	[sflag:s30] =	ssyncset.done $0x0  }
0xfc: {  	s0 =	simm.s32 $0x30;
	[sflag:s30] =	ssyncadd.s32 $0xFFFFD000  }
0xfd: {  	[tilespmem:s18], [sflag:$0x1] =	stream.indirect.gather [hbm4b:s3+s17], $0x300, s0, s17, $0xb8;
	[tilespmem:$0x12880] =	vst v63  }
0xfe: {  	s14 =	simm.s32 $0x70  }
0xff: {  	[tilespmem:s19], [sflag:$0x4] =	stream.indirect.gather [hbm4b:s3+s17], $0x300, s14, s17, $0xb8;
	[tilespmem:$0x12880] =	vst v63  }
0x100: {  	_ =	swait.ge [sflag:s1], $0x3000  }
0x101: {  	[sflag:s1] =	ssyncset.done $0x0  }
0x102: {  	[sflag:s1] =	ssyncadd.s32 $0xFFFFD000  }
0x103: {  	_ =	swait.ge [sflag:s15], $0x3000  }
0x104: {  	[sflag:s15] =	ssyncset.done $0x0  }
0x105: {  	s31 =	simm.s32 $0x3A00;
	s0 =	simm.s32 $0xCA00;
	[sflag:s15] =	ssyncadd.s32 $0xFFFFD000  }
.LBB2_4:
0x106: {  	v2 =	vld [tilespmem:s31+$0xFFFFFE80]  }
0x107: {  	s14 =	sshra.s32 s26, $0x2;
	v3 =	vld [tilespmem:s0+$0xFFFFFE80]  }
0x108: {  	v0 =	vld [tilespmem:s14+$0x180]  }
0x109: {  	v1 =	vld [tilespmem:s14+$0x580];
	_ =	sdelay $0x4  }
0x10a: {  	v2 =	vmul.f32 v2, v0;
	v3 =	vmul.f32 v3, v1;
	_ =	sdelay $0x1  }
0x10b: {  	v2 =	vadd.f32 v3, v2;
	_ =	sdelay $0x1  }
0x10c: {  	v28 =	vld [tilespmem:s31+$0xFFFFFE90];
	[tilespmem:s31+$0xFFFFFE80] =	vst v2  }
0x10d: {  	v29 =	vld [tilespmem:s0+$0xFFFFFE90];
	_ =	sdelay $0x4  }
0x10e: {  	v2 =	vmul.f32 v28, v0;
	v3 =	vmul.f32 v29, v1;
	_ =	sdelay $0x1  }
0x10f: {  	v2 =	vadd.f32 v3, v2;
	_ =	sdelay $0x1  }
0x110: {  	v30 =	vld [tilespmem:s31+$0xFFFFFEA0];
	[tilespmem:s31+$0xFFFFFE90] =	vst v2  }
0x111: {  	v31 =	vld [tilespmem:s0+$0xFFFFFEA0];
	_ =	sdelay $0x4  }
0x112: {  	v2 =	vmul.f32 v30, v0;
	v3 =	vmul.f32 v31, v1;
	_ =	sdelay $0x1  }
0x113: {  	v2 =	vadd.f32 v3, v2;
	_ =	sdelay $0x1  }
0x114: {  	v32 =	vld [tilespmem:s31+$0xFFFFFEB0];
	[tilespmem:s31+$0xFFFFFEA0] =	vst v2  }
0x115: {  	v33 =	vld [tilespmem:s0+$0xFFFFFEB0];
	_ =	sdelay $0x4  }
0x116: {  	v2 =	vmul.f32 v32, v0;
	v3 =	vmul.f32 v33, v1;
	_ =	sdelay $0x1  }
0x117: {  	v2 =	vadd.f32 v3, v2;
	_ =	sdelay $0x1  }
0x118: {  	v34 =	vld [tilespmem:s31+$0xFFFFFEC0];
	[tilespmem:s31+$0xFFFFFEB0] =	vst v2  }
0x119: {  	v35 =	vld [tilespmem:s0+$0xFFFFFEC0];
	_ =	sdelay $0x4  }
0x11a: {  	v2 =	vmul.f32 v34, v0;
	v3 =	vmul.f32 v35, v1;
	_ =	sdelay $0x1  }
0x11b: {  	v2 =	vadd.f32 v3, v2;
	_ =	sdelay $0x1  }
0x11c: {  	v36 =	vld [tilespmem:s31+$0xFFFFFED0];
	[tilespmem:s31+$0xFFFFFEC0] =	vst v2  }
0x11d: {  	v37 =	vld [tilespmem:s0+$0xFFFFFED0];
	_ =	sdelay $0x4  }
0x11e: {  	v2 =	vmul.f32 v36, v0;
	v3 =	vmul.f32 v37, v1;
	_ =	sdelay $0x1  }
0x11f: {  	v2 =	vadd.f32 v3, v2;
	_ =	sdelay $0x1  }
0x120: {  	v38 =	vld [tilespmem:s31+$0xFFFFFEE0];
	[tilespmem:s31+$0xFFFFFED0] =	vst v2  }
0x121: {  	v39 =	vld [tilespmem:s0+$0xFFFFFEE0];
	_ =	sdelay $0x4  }
0x122: {  	v2 =	vmul.f32 v38, v0;
	v3 =	vmul.f32 v39, v1;
	_ =	sdelay $0x1  }
0x123: {  	v2 =	vadd.f32 v3, v2;
	_ =	sdelay $0x1  }
0x124: {  	v40 =	vld [tilespmem:s31+$0xFFFFFEF0];
	[tilespmem:s31+$0xFFFFFEE0] =	vst v2  }
0x125: {  	v41 =	vld [tilespmem:s0+$0xFFFFFEF0];
	_ =	sdelay $0x4  }
0x126: {  	v2 =	vmul.f32 v40, v0;
	v3 =	vmul.f32 v41, v1;
	_ =	sdelay $0x1  }
0x127: {  	v2 =	vadd.f32 v3, v2;
	_ =	sdelay $0x1  }
0x128: {  	v42 =	vld [tilespmem:s31+$0xFFFFFF00];
	[tilespmem:s31+$0xFFFFFEF0] =	vst v2  }
0x129: {  	v43 =	vld [tilespmem:s0+$0xFFFFFF00];
	_ =	sdelay $0x4  }
0x12a: {  	v2 =	vmul.f32 v42, v0;
	v3 =	vmul.f32 v43, v1;
	_ =	sdelay $0x1  }
0x12b: {  	v2 =	vadd.f32 v3, v2;
	_ =	sdelay $0x1  }
0x12c: {  	v44 =	vld [tilespmem:s31+$0xFFFFFF10];
	[tilespmem:s31+$0xFFFFFF00] =	vst v2  }
0x12d: {  	v45 =	vld [tilespmem:s0+$0xFFFFFF10];
	_ =	sdelay $0x4  }
0x12e: {  	v2 =	vmul.f32 v44, v0;
	v3 =	vmul.f32 v45, v1;
	_ =	sdelay $0x1  }
0x12f: {  	v2 =	vadd.f32 v3, v2;
	_ =	sdelay $0x1  }
0x130: {  	v46 =	vld [tilespmem:s31+$0xFFFFFF20];
	[tilespmem:s31+$0xFFFFFF10] =	vst v2  }
0x131: {  	v47 =	vld [tilespmem:s0+$0xFFFFFF20];
	_ =	sdelay $0x4  }
0x132: {  	v2 =	vmul.f32 v46, v0;
	v3 =	vmul.f32 v47, v1;
	_ =	sdelay $0x1  }
0x133: {  	v2 =	vadd.f32 v3, v2;
	_ =	sdelay $0x1  }
0x134: {  	v48 =	vld [tilespmem:s31+$0xFFFFFF30];
	[tilespmem:s31+$0xFFFFFF20] =	vst v2  }
0x135: {  	v49 =	vld [tilespmem:s0+$0xFFFFFF30];
	_ =	sdelay $0x4  }
0x136: {  	v2 =	vmul.f32 v48, v0;
	v3 =	vmul.f32 v49, v1;
	_ =	sdelay $0x1  }
0x137: {  	v2 =	vadd.f32 v3, v2;
	_ =	sdelay $0x1  }
0x138: {  	v50 =	vld [tilespmem:s31+$0xFFFFFF40];
	[tilespmem:s31+$0xFFFFFF30] =	vst v2  }
0x139: {  	v51 =	vld [tilespmem:s0+$0xFFFFFF40];
	_ =	sdelay $0x4  }
0x13a: {  	v2 =	vmul.f32 v50, v0;
	v3 =	vmul.f32 v51, v1;
	_ =	sdelay $0x1  }
0x13b: {  	v2 =	vadd.f32 v3, v2;
	_ =	sdelay $0x1  }
0x13c: {  	v52 =	vld [tilespmem:s31+$0xFFFFFF50];
	[tilespmem:s31+$0xFFFFFF40] =	vst v2  }
0x13d: {  	v53 =	vld [tilespmem:s0+$0xFFFFFF50];
	_ =	sdelay $0x4  }
0x13e: {  	v2 =	vmul.f32 v52, v0;
	v3 =	vmul.f32 v53, v1;
	_ =	sdelay $0x1  }
0x13f: {  	v2 =	vadd.f32 v3, v2;
	_ =	sdelay $0x1  }
0x140: {  	v54 =	vld [tilespmem:s31+$0xFFFFFF60];
	[tilespmem:s31+$0xFFFFFF50] =	vst v2  }
0x141: {  	v55 =	vld [tilespmem:s0+$0xFFFFFF60];
	_ =	sdelay $0x4  }
0x142: {  	v2 =	vmul.f32 v54, v0;
	v3 =	vmul.f32 v55, v1;
	_ =	sdelay $0x1  }
0x143: {  	v2 =	vadd.f32 v3, v2;
	_ =	sdelay $0x1  }
0x144: {  	v56 =	vld [tilespmem:s31+$0xFFFFFF70];
	[tilespmem:s31+$0xFFFFFF60] =	vst v2  }
0x145: {  	v57 =	vld [tilespmem:s0+$0xFFFFFF70];
	_ =	sdelay $0x4  }
0x146: {  	v2 =	vmul.f32 v56, v0;
	v3 =	vmul.f32 v57, v1;
	_ =	sdelay $0x1  }
0x147: {  	v2 =	vadd.f32 v3, v2;
	_ =	sdelay $0x1  }
0x148: {  	v58 =	vld [tilespmem:s31+$0xFFFFFF80];
	[tilespmem:s31+$0xFFFFFF70] =	vst v2  }
0x149: {  	v59 =	vld [tilespmem:s0+$0xFFFFFF80];
	_ =	sdelay $0x4  }
0x14a: {  	v2 =	vmul.f32 v58, v0;
	v3 =	vmul.f32 v59, v1;
	_ =	sdelay $0x1  }
0x14b: {  	v2 =	vadd.f32 v3, v2;
	_ =	sdelay $0x1  }
0x14c: {  	v60 =	vld [tilespmem:s31+$0xFFFFFF90];
	[tilespmem:s31+$0xFFFFFF80] =	vst v2  }
0x14d: {  	v61 =	vld [tilespmem:s0+$0xFFFFFF90];
	_ =	sdelay $0x4  }
0x14e: {  	v2 =	vmul.f32 v60, v0;
	v3 =	vmul.f32 v61, v1;
	_ =	sdelay $0x1  }
0x14f: {  	v2 =	vadd.f32 v3, v2;
	_ =	sdelay $0x1  }
0x150: {  	v62 =	vld [tilespmem:s31+$0xFFFFFFA0];
	[tilespmem:s31+$0xFFFFFF90] =	vst v2  }
0x151: {  	v63 =	vld [tilespmem:s0+$0xFFFFFFA0];
	_ =	sdelay $0x4  }
0x152: {  	v2 =	vmul.f32 v62, v0;
	v3 =	vmul.f32 v63, v1;
	_ =	sdelay $0x1  }
0x153: {  	v2 =	vadd.f32 v3, v2;
	_ =	sdelay $0x1  }
0x154: {  	v6 =	vld [tilespmem:s31+$0xFFFFFFB0];
	[tilespmem:s31+$0xFFFFFFA0] =	vst v2  }
0x155: {  	v7 =	vld [tilespmem:s0+$0xFFFFFFB0];
	_ =	sdelay $0x4  }
0x156: {  	v2 =	vmul.f32 v6, v0;
	v3 =	vmul.f32 v7, v1;
	_ =	sdelay $0x1  }
0x157: {  	v2 =	vadd.f32 v3, v2;
	_ =	sdelay $0x1  }
0x158: {  	v8 =	vld [tilespmem:s31+$0xFFFFFFC0];
	[tilespmem:s31+$0xFFFFFFB0] =	vst v2  }
0x159: {  	v9 =	vld [tilespmem:s0+$0xFFFFFFC0];
	_ =	sdelay $0x4  }
0x15a: {  	v2 =	vmul.f32 v8, v0;
	v3 =	vmul.f32 v9, v1;
	_ =	sdelay $0x1  }
0x15b: {  	v2 =	vadd.f32 v3, v2;
	_ =	sdelay $0x1  }
0x15c: {  	v10 =	vld [tilespmem:s31+$0xFFFFFFD0];
	[tilespmem:s31+$0xFFFFFFC0] =	vst v2  }
0x15d: {  	v11 =	vld [tilespmem:s0+$0xFFFFFFD0];
	_ =	sdelay $0x4  }
0x15e: {  	v2 =	vmul.f32 v10, v0;
	v3 =	vmul.f32 v11, v1;
	_ =	sdelay $0x1  }
0x15f: {  	v2 =	vadd.f32 v3, v2;
	_ =	sdelay $0x1  }
0x160: {  	v12 =	vld [tilespmem:s31+$0xFFFFFFE0];
	[tilespmem:s31+$0xFFFFFFD0] =	vst v2  }
0x161: {  	v13 =	vld [tilespmem:s0+$0xFFFFFFE0];
	_ =	sdelay $0x4  }
0x162: {  	v2 =	vmul.f32 v12, v0;
	v3 =	vmul.f32 v13, v1;
	_ =	sdelay $0x1  }
0x163: {  	v2 =	vadd.f32 v3, v2;
	_ =	sdelay $0x1  }
0x164: {  	v14 =	vld [tilespmem:s31+$0xFFFFFFF0];
	[tilespmem:s31+$0xFFFFFFE0] =	vst v2  }
0x165: {  	v15 =	vld [tilespmem:s0+$0xFFFFFFF0];
	_ =	sdelay $0x4  }
0x166: {  	v2 =	vmul.f32 v14, v0;
	v3 =	vmul.f32 v15, v1;
	_ =	sdelay $0x1  }
0x167: {  	v2 =	vadd.f32 v3, v2;
	_ =	sdelay $0x1  }
0x168: {  	v16 =	vld [tilespmem:s31+$0x0];
	[tilespmem:s31+$0xFFFFFFF0] =	vst v2  }
0x169: {  	v17 =	vld [tilespmem:s0+$0x0];
	_ =	sdelay $0x4  }
0x16a: {  	v2 =	vmul.f32 v16, v0;
	v3 =	vmul.f32 v17, v1;
	_ =	sdelay $0x1  }
0x16b: {  	v2 =	vadd.f32 v3, v2;
	_ =	sdelay $0x1  }
0x16c: {  	v18 =	vld [tilespmem:s31+$0x10];
	[tilespmem:s31+$0x0] =	vst v2  }
0x16d: {  	v19 =	vld [tilespmem:s0+$0x10];
	_ =	sdelay $0x4  }
0x16e: {  	v2 =	vmul.f32 v18, v0;
	v3 =	vmul.f32 v19, v1;
	_ =	sdelay $0x1  }
0x16f: {  	v2 =	vadd.f32 v3, v2;
	_ =	sdelay $0x1  }
0x170: {  	v20 =	vld [tilespmem:s31+$0x20];
	[tilespmem:s31+$0x10] =	vst v2  }
0x171: {  	v21 =	vld [tilespmem:s0+$0x20];
	_ =	sdelay $0x4  }
0x172: {  	v2 =	vmul.f32 v20, v0;
	v3 =	vmul.f32 v21, v1;
	_ =	sdelay $0x1  }
0x173: {  	v2 =	vadd.f32 v3, v2;
	_ =	sdelay $0x1  }
0x174: {  	v22 =	vld [tilespmem:s31+$0x30];
	[tilespmem:s31+$0x20] =	vst v2  }
0x175: {  	v23 =	vld [tilespmem:s0+$0x30];
	_ =	sdelay $0x4  }
0x176: {  	v2 =	vmul.f32 v22, v0;
	v3 =	vmul.f32 v23, v1;
	_ =	sdelay $0x1  }
0x177: {  	v2 =	vadd.f32 v3, v2;
	_ =	sdelay $0x1  }
0x178: {  	v24 =	vld [tilespmem:s31+$0x40];
	[tilespmem:s31+$0x30] =	vst v2  }
0x179: {  	v25 =	vld [tilespmem:s0+$0x40];
	_ =	sdelay $0x4  }
0x17a: {  	v2 =	vmul.f32 v24, v0;
	v3 =	vmul.f32 v25, v1;
	_ =	sdelay $0x1  }
0x17b: {  	v2 =	vadd.f32 v3, v2;
	_ =	sdelay $0x1  }
0x17c: {  	v26 =	vld [tilespmem:s31+$0x50];
	[tilespmem:s31+$0x40] =	vst v2  }
0x17d: {  	v27 =	vld [tilespmem:s0+$0x50];
	_ =	sdelay $0x4  }
0x17e: {  	v2 =	vmul.f32 v26, v0;
	v3 =	vmul.f32 v27, v1;
	_ =	sdelay $0x1  }
0x17f: {  	v2 =	vadd.f32 v3, v2;
	_ =	sdelay $0x1  }
0x180: {  	v28 =	vld [tilespmem:s31+$0x60];
	[tilespmem:s31+$0x50] =	vst v2  }
0x181: {  	v29 =	vld [tilespmem:s0+$0x60];
	_ =	sdelay $0x4  }
0x182: {  	v2 =	vmul.f32 v28, v0;
	v3 =	vmul.f32 v29, v1;
	_ =	sdelay $0x1  }
0x183: {  	v2 =	vadd.f32 v3, v2;
	_ =	sdelay $0x1  }
0x184: {  	v30 =	vld [tilespmem:s31+$0x70];
	[tilespmem:s31+$0x60] =	vst v2  }
0x185: {  	v31 =	vld [tilespmem:s0+$0x70];
	_ =	sdelay $0x4  }
0x186: {  	v2 =	vmul.f32 v30, v0;
	v3 =	vmul.f32 v31, v1;
	_ =	sdelay $0x1  }
0x187: {  	v2 =	vadd.f32 v3, v2;
	_ =	sdelay $0x1  }
0x188: {  	v32 =	vld [tilespmem:s31+$0x80];
	[tilespmem:s31+$0x70] =	vst v2  }
0x189: {  	v33 =	vld [tilespmem:s0+$0x80];
	_ =	sdelay $0x4  }
0x18a: {  	v2 =	vmul.f32 v32, v0;
	v3 =	vmul.f32 v33, v1;
	_ =	sdelay $0x1  }
0x18b: {  	v2 =	vadd.f32 v3, v2;
	_ =	sdelay $0x1  }
0x18c: {  	v34 =	vld [tilespmem:s31+$0x90];
	[tilespmem:s31+$0x80] =	vst v2  }
0x18d: {  	v35 =	vld [tilespmem:s0+$0x90];
	_ =	sdelay $0x4  }
0x18e: {  	v2 =	vmul.f32 v34, v0;
	v3 =	vmul.f32 v35, v1;
	_ =	sdelay $0x1  }
0x18f: {  	v2 =	vadd.f32 v3, v2;
	_ =	sdelay $0x1  }
0x190: {  	v36 =	vld [tilespmem:s31+$0xA0];
	[tilespmem:s31+$0x90] =	vst v2  }
0x191: {  	v37 =	vld [tilespmem:s0+$0xA0];
	_ =	sdelay $0x4  }
0x192: {  	v2 =	vmul.f32 v36, v0;
	v3 =	vmul.f32 v37, v1;
	_ =	sdelay $0x1  }
0x193: {  	v2 =	vadd.f32 v3, v2;
	_ =	sdelay $0x1  }
0x194: {  	v38 =	vld [tilespmem:s31+$0xB0];
	[tilespmem:s31+$0xA0] =	vst v2  }
0x195: {  	v39 =	vld [tilespmem:s0+$0xB0];
	_ =	sdelay $0x4  }
0x196: {  	v2 =	vmul.f32 v38, v0;
	v3 =	vmul.f32 v39, v1;
	_ =	sdelay $0x1  }
0x197: {  	v2 =	vadd.f32 v3, v2;
	_ =	sdelay $0x1  }
0x198: {  	v40 =	vld [tilespmem:s31+$0xC0];
	[tilespmem:s31+$0xB0] =	vst v2  }
0x199: {  	v41 =	vld [tilespmem:s0+$0xC0];
	_ =	sdelay $0x4  }
0x19a: {  	v2 =	vmul.f32 v40, v0;
	v3 =	vmul.f32 v41, v1;
	_ =	sdelay $0x1  }
0x19b: {  	v2 =	vadd.f32 v3, v2;
	_ =	sdelay $0x1  }
0x19c: {  	v42 =	vld [tilespmem:s31+$0xD0];
	[tilespmem:s31+$0xC0] =	vst v2  }
0x19d: {  	v43 =	vld [tilespmem:s0+$0xD0];
	_ =	sdelay $0x4  }
0x19e: {  	v2 =	vmul.f32 v42, v0;
	v3 =	vmul.f32 v43, v1;
	_ =	sdelay $0x1  }
0x19f: {  	v2 =	vadd.f32 v3, v2;
	_ =	sdelay $0x1  }
0x1a0: {  	v44 =	vld [tilespmem:s31+$0xE0];
	[tilespmem:s31+$0xD0] =	vst v2  }
0x1a1: {  	v45 =	vld [tilespmem:s0+$0xE0];
	_ =	sdelay $0x4  }
0x1a2: {  	v2 =	vmul.f32 v44, v0;
	v3 =	vmul.f32 v45, v1;
	_ =	sdelay $0x1  }
0x1a3: {  	v2 =	vadd.f32 v3, v2;
	_ =	sdelay $0x1  }
0x1a4: {  	v46 =	vld [tilespmem:s31+$0xF0];
	[tilespmem:s31+$0xE0] =	vst v2  }
0x1a5: {  	v47 =	vld [tilespmem:s0+$0xF0];
	_ =	sdelay $0x4  }
0x1a6: {  	v2 =	vmul.f32 v46, v0;
	v3 =	vmul.f32 v47, v1;
	_ =	sdelay $0x1  }
0x1a7: {  	v2 =	vadd.f32 v3, v2;
	_ =	sdelay $0x1  }
0x1a8: {  	v48 =	vld [tilespmem:s31+$0x100];
	[tilespmem:s31+$0xF0] =	vst v2  }
0x1a9: {  	v49 =	vld [tilespmem:s0+$0x100];
	_ =	sdelay $0x4  }
0x1aa: {  	v2 =	vmul.f32 v48, v0;
	v3 =	vmul.f32 v49, v1;
	_ =	sdelay $0x1  }
0x1ab: {  	v2 =	vadd.f32 v3, v2;
	_ =	sdelay $0x1  }
0x1ac: {  	v50 =	vld [tilespmem:s31+$0x110];
	[tilespmem:s31+$0x100] =	vst v2  }
0x1ad: {  	v51 =	vld [tilespmem:s0+$0x110];
	_ =	sdelay $0x4  }
0x1ae: {  	v2 =	vmul.f32 v50, v0;
	v3 =	vmul.f32 v51, v1;
	_ =	sdelay $0x1  }
0x1af: {  	v2 =	vadd.f32 v3, v2;
	_ =	sdelay $0x1  }
0x1b0: {  	v52 =	vld [tilespmem:s31+$0x120];
	[tilespmem:s31+$0x110] =	vst v2  }
0x1b1: {  	v53 =	vld [tilespmem:s0+$0x120];
	_ =	sdelay $0x4  }
0x1b2: {  	v2 =	vmul.f32 v52, v0;
	v3 =	vmul.f32 v53, v1;
	_ =	sdelay $0x1  }
0x1b3: {  	v2 =	vadd.f32 v3, v2;
	_ =	sdelay $0x1  }
0x1b4: {  	v54 =	vld [tilespmem:s31+$0x130];
	[tilespmem:s31+$0x120] =	vst v2  }
0x1b5: {  	v55 =	vld [tilespmem:s0+$0x130];
	_ =	sdelay $0x4  }
0x1b6: {  	v2 =	vmul.f32 v54, v0;
	v3 =	vmul.f32 v55, v1;
	_ =	sdelay $0x1  }
0x1b7: {  	v2 =	vadd.f32 v3, v2;
	_ =	sdelay $0x1  }
0x1b8: {  	v56 =	vld [tilespmem:s31+$0x140];
	[tilespmem:s31+$0x130] =	vst v2  }
0x1b9: {  	v57 =	vld [tilespmem:s0+$0x140];
	_ =	sdelay $0x4  }
0x1ba: {  	v2 =	vmul.f32 v56, v0;
	v3 =	vmul.f32 v57, v1;
	_ =	sdelay $0x1  }
0x1bb: {  	v2 =	vadd.f32 v3, v2;
	_ =	sdelay $0x1  }
0x1bc: {  	v58 =	vld [tilespmem:s31+$0x150];
	[tilespmem:s31+$0x140] =	vst v2  }
0x1bd: {  	v59 =	vld [tilespmem:s0+$0x150];
	_ =	sdelay $0x4  }
0x1be: {  	v2 =	vmul.f32 v58, v0;
	v3 =	vmul.f32 v59, v1;
	_ =	sdelay $0x1  }
0x1bf: {  	v2 =	vadd.f32 v3, v2;
	_ =	sdelay $0x1  }
0x1c0: {  	v60 =	vld [tilespmem:s31+$0x160];
	[tilespmem:s31+$0x150] =	vst v2  }
0x1c1: {  	v61 =	vld [tilespmem:s0+$0x160];
	_ =	sdelay $0x4  }
0x1c2: {  	v2 =	vmul.f32 v60, v0;
	v3 =	vmul.f32 v61, v1;
	_ =	sdelay $0x1  }
0x1c3: {  	v2 =	vadd.f32 v3, v2;
	_ =	sdelay $0x1  }
0x1c4: {  	v62 =	vld [tilespmem:s31+$0x170];
	[tilespmem:s31+$0x160] =	vst v2  }
0x1c5: {  	v63 =	vld [tilespmem:s0+$0x170];
	_ =	sdelay $0x3  }
0x1c6: {  	p0 =	sne.s32 s26, $0x3C0  }
.Ltmp1:
0x1c7: {  	v0 =	vmul.f32 v62, v0;
	v1 =	vmul.f32 v63, v1;
	(pc) =	sbr.rel @p0 .LBB2_4-.Ltmp1, $3  }
0x1c8: {  	_ = 	snop  }
0x1c9: {  	v0 =	vadd.f32 v1, v0;
	_ =	sdelay $0x1  }
0x1ca: {  	s26 =	sadd.s32 $0x40, s26;
	s0 =	sadd.s32 $0x300, s0;
	[tilespmem:s31+$0x170] =	vst v0;
	s31 =	sadd.s32 $0x300, s31  }
0x1cb: {  	s26 =	simm.s32 $0x0  }
0x1cc: {  	[hbm4b:s9+s26] =	stream.linear.scatter [tilespmem:s20], [sflag:$0x8], $0x3000, $0x38;
	[tilespmem:$0x12880] =	vst v63  }
0x1cd: {  	_ =	swait.ge [sflag:s16], $0x3000  }
0x1ce: {  	[sflag:s16] =	ssyncset.done $0x0  }
0x1cf: {  	[sflag:s16] =	ssyncadd.s32 $0xFFFFD000  }
0x1d0: {  	_ =	swait.ge [sflag:s21], $0x3000  }
0x1d1: {  	[sflag:s21] =	ssyncset.done $0x0  }
0x1d2: {  	s31 =	simm.s32 $0x6A00;
	s0 =	simm.s32 $0xFA00;
	[sflag:s21] =	ssyncadd.s32 $0xFFFFD000  }
.LBB2_6:
0x1d3: {  	v2 =	vld [tilespmem:s31+$0xFFFFFE80]  }
0x1d4: {  	s14 =	sshra.s32 s26, $0x2;
	v3 =	vld [tilespmem:s0+$0xFFFFFE80]  }
0x1d5: {  	v0 =	vld [tilespmem:s14+$0x280]  }
0x1d6: {  	v1 =	vld [tilespmem:s14+$0x680];
	_ =	sdelay $0x4  }
0x1d7: {  	v2 =	vmul.f32 v2, v0;
	v3 =	vmul.f32 v3, v1;
	_ =	sdelay $0x1  }
0x1d8: {  	v2 =	vadd.f32 v3, v2;
	_ =	sdelay $0x1  }
0x1d9: {  	v28 =	vld [tilespmem:s31+$0xFFFFFE90];
	[tilespmem:s31+$0xFFFFFE80] =	vst v2  }
0x1da: {  	v29 =	vld [tilespmem:s0+$0xFFFFFE90];
	_ =	sdelay $0x4  }
0x1db: {  	v2 =	vmul.f32 v28, v0;
	v3 =	vmul.f32 v29, v1;
	_ =	sdelay $0x1  }
0x1dc: {  	v2 =	vadd.f32 v3, v2;
	_ =	sdelay $0x1  }
0x1dd: {  	v30 =	vld [tilespmem:s31+$0xFFFFFEA0];
	[tilespmem:s31+$0xFFFFFE90] =	vst v2  }
0x1de: {  	v31 =	vld [tilespmem:s0+$0xFFFFFEA0];
	_ =	sdelay $0x4  }
0x1df: {  	v2 =	vmul.f32 v30, v0;
	v3 =	vmul.f32 v31, v1;
	_ =	sdelay $0x1  }
0x1e0: {  	v2 =	vadd.f32 v3, v2;
	_ =	sdelay $0x1  }
0x1e1: {  	v32 =	vld [tilespmem:s31+$0xFFFFFEB0];
	[tilespmem:s31+$0xFFFFFEA0] =	vst v2  }
0x1e2: {  	v33 =	vld [tilespmem:s0+$0xFFFFFEB0];
	_ =	sdelay $0x4  }
0x1e3: {  	v2 =	vmul.f32 v32, v0;
	v3 =	vmul.f32 v33, v1;
	_ =	sdelay $0x1  }
0x1e4: {  	v2 =	vadd.f32 v3, v2;
	_ =	sdelay $0x1  }
0x1e5: {  	v34 =	vld [tilespmem:s31+$0xFFFFFEC0];
	[tilespmem:s31+$0xFFFFFEB0] =	vst v2  }
0x1e6: {  	v35 =	vld [tilespmem:s0+$0xFFFFFEC0];
	_ =	sdelay $0x4  }
0x1e7: {  	v2 =	vmul.f32 v34, v0;
	v3 =	vmul.f32 v35, v1;
	_ =	sdelay $0x1  }
0x1e8: {  	v2 =	vadd.f32 v3, v2;
	_ =	sdelay $0x1  }
0x1e9: {  	v36 =	vld [tilespmem:s31+$0xFFFFFED0];
	[tilespmem:s31+$0xFFFFFEC0] =	vst v2  }
0x1ea: {  	v37 =	vld [tilespmem:s0+$0xFFFFFED0];
	_ =	sdelay $0x4  }
0x1eb: {  	v2 =	vmul.f32 v36, v0;
	v3 =	vmul.f32 v37, v1;
	_ =	sdelay $0x1  }
0x1ec: {  	v2 =	vadd.f32 v3, v2;
	_ =	sdelay $0x1  }
0x1ed: {  	v38 =	vld [tilespmem:s31+$0xFFFFFEE0];
	[tilespmem:s31+$0xFFFFFED0] =	vst v2  }
0x1ee: {  	v39 =	vld [tilespmem:s0+$0xFFFFFEE0];
	_ =	sdelay $0x4  }
0x1ef: {  	v2 =	vmul.f32 v38, v0;
	v3 =	vmul.f32 v39, v1;
	_ =	sdelay $0x1  }
0x1f0: {  	v2 =	vadd.f32 v3, v2;
	_ =	sdelay $0x1  }
0x1f1: {  	v40 =	vld [tilespmem:s31+$0xFFFFFEF0];
	[tilespmem:s31+$0xFFFFFEE0] =	vst v2  }
0x1f2: {  	v41 =	vld [tilespmem:s0+$0xFFFFFEF0];
	_ =	sdelay $0x4  }
0x1f3: {  	v2 =	vmul.f32 v40, v0;
	v3 =	vmul.f32 v41, v1;
	_ =	sdelay $0x1  }
0x1f4: {  	v2 =	vadd.f32 v3, v2;
	_ =	sdelay $0x1  }
0x1f5: {  	v42 =	vld [tilespmem:s31+$0xFFFFFF00];
	[tilespmem:s31+$0xFFFFFEF0] =	vst v2  }
0x1f6: {  	v43 =	vld [tilespmem:s0+$0xFFFFFF00];
	_ =	sdelay $0x4  }
0x1f7: {  	v2 =	vmul.f32 v42, v0;
	v3 =	vmul.f32 v43, v1;
	_ =	sdelay $0x1  }
0x1f8: {  	v2 =	vadd.f32 v3, v2;
	_ =	sdelay $0x1  }
0x1f9: {  	v44 =	vld [tilespmem:s31+$0xFFFFFF10];
	[tilespmem:s31+$0xFFFFFF00] =	vst v2  }
0x1fa: {  	v45 =	vld [tilespmem:s0+$0xFFFFFF10];
	_ =	sdelay $0x4  }
0x1fb: {  	v2 =	vmul.f32 v44, v0;
	v3 =	vmul.f32 v45, v1;
	_ =	sdelay $0x1  }
0x1fc: {  	v2 =	vadd.f32 v3, v2;
	_ =	sdelay $0x1  }
0x1fd: {  	v46 =	vld [tilespmem:s31+$0xFFFFFF20];
	[tilespmem:s31+$0xFFFFFF10] =	vst v2  }
0x1fe: {  	v47 =	vld [tilespmem:s0+$0xFFFFFF20];
	_ =	sdelay $0x4  }
0x1ff: {  	v2 =	vmul.f32 v46, v0;
	v3 =	vmul.f32 v47, v1;
	_ =	sdelay $0x1  }
0x200: {  	v2 =	vadd.f32 v3, v2;
	_ =	sdelay $0x1  }
0x201: {  	v48 =	vld [tilespmem:s31+$0xFFFFFF30];
	[tilespmem:s31+$0xFFFFFF20] =	vst v2  }
0x202: {  	v49 =	vld [tilespmem:s0+$0xFFFFFF30];
	_ =	sdelay $0x4  }
0x203: {  	v2 =	vmul.f32 v48, v0;
	v3 =	vmul.f32 v49, v1;
	_ =	sdelay $0x1  }
0x204: {  	v2 =	vadd.f32 v3, v2;
	_ =	sdelay $0x1  }
0x205: {  	v50 =	vld [tilespmem:s31+$0xFFFFFF40];
	[tilespmem:s31+$0xFFFFFF30] =	vst v2  }
0x206: {  	v51 =	vld [tilespmem:s0+$0xFFFFFF40];
	_ =	sdelay $0x4  }
0x207: {  	v2 =	vmul.f32 v50, v0;
	v3 =	vmul.f32 v51, v1;
	_ =	sdelay $0x1  }
0x208: {  	v2 =	vadd.f32 v3, v2;
	_ =	sdelay $0x1  }
0x209: {  	v52 =	vld [tilespmem:s31+$0xFFFFFF50];
	[tilespmem:s31+$0xFFFFFF40] =	vst v2  }
0x20a: {  	v53 =	vld [tilespmem:s0+$0xFFFFFF50];
	_ =	sdelay $0x4  }
0x20b: {  	v2 =	vmul.f32 v52, v0;
	v3 =	vmul.f32 v53, v1;
	_ =	sdelay $0x1  }
0x20c: {  	v2 =	vadd.f32 v3, v2;
	_ =	sdelay $0x1  }
0x20d: {  	v54 =	vld [tilespmem:s31+$0xFFFFFF60];
	[tilespmem:s31+$0xFFFFFF50] =	vst v2  }
0x20e: {  	v55 =	vld [tilespmem:s0+$0xFFFFFF60];
	_ =	sdelay $0x4  }
0x20f: {  	v2 =	vmul.f32 v54, v0;
	v3 =	vmul.f32 v55, v1;
	_ =	sdelay $0x1  }
0x210: {  	v2 =	vadd.f32 v3, v2;
	_ =	sdelay $0x1  }
0x211: {  	v56 =	vld [tilespmem:s31+$0xFFFFFF70];
	[tilespmem:s31+$0xFFFFFF60] =	vst v2  }
0x212: {  	v57 =	vld [tilespmem:s0+$0xFFFFFF70];
	_ =	sdelay $0x4  }
0x213: {  	v2 =	vmul.f32 v56, v0;
	v3 =	vmul.f32 v57, v1;
	_ =	sdelay $0x1  }
0x214: {  	v2 =	vadd.f32 v3, v2;
	_ =	sdelay $0x1  }
0x215: {  	v58 =	vld [tilespmem:s31+$0xFFFFFF80];
	[tilespmem:s31+$0xFFFFFF70] =	vst v2  }
0x216: {  	v59 =	vld [tilespmem:s0+$0xFFFFFF80];
	_ =	sdelay $0x4  }
0x217: {  	v2 =	vmul.f32 v58, v0;
	v3 =	vmul.f32 v59, v1;
	_ =	sdelay $0x1  }
0x218: {  	v2 =	vadd.f32 v3, v2;
	_ =	sdelay $0x1  }
0x219: {  	v60 =	vld [tilespmem:s31+$0xFFFFFF90];
	[tilespmem:s31+$0xFFFFFF80] =	vst v2  }
0x21a: {  	v61 =	vld [tilespmem:s0+$0xFFFFFF90];
	_ =	sdelay $0x4  }
0x21b: {  	v2 =	vmul.f32 v60, v0;
	v3 =	vmul.f32 v61, v1;
	_ =	sdelay $0x1  }
0x21c: {  	v2 =	vadd.f32 v3, v2;
	_ =	sdelay $0x1  }
0x21d: {  	v62 =	vld [tilespmem:s31+$0xFFFFFFA0];
	[tilespmem:s31+$0xFFFFFF90] =	vst v2  }
0x21e: {  	v63 =	vld [tilespmem:s0+$0xFFFFFFA0];
	_ =	sdelay $0x4  }
0x21f: {  	v2 =	vmul.f32 v62, v0;
	v3 =	vmul.f32 v63, v1;
	_ =	sdelay $0x1  }
0x220: {  	v2 =	vadd.f32 v3, v2;
	_ =	sdelay $0x1  }
0x221: {  	v6 =	vld [tilespmem:s31+$0xFFFFFFB0];
	[tilespmem:s31+$0xFFFFFFA0] =	vst v2  }
0x222: {  	v7 =	vld [tilespmem:s0+$0xFFFFFFB0];
	_ =	sdelay $0x4  }
0x223: {  	v2 =	vmul.f32 v6, v0;
	v3 =	vmul.f32 v7, v1;
	_ =	sdelay $0x1  }
0x224: {  	v2 =	vadd.f32 v3, v2;
	_ =	sdelay $0x1  }
0x225: {  	v8 =	vld [tilespmem:s31+$0xFFFFFFC0];
	[tilespmem:s31+$0xFFFFFFB0] =	vst v2  }
0x226: {  	v9 =	vld [tilespmem:s0+$0xFFFFFFC0];
	_ =	sdelay $0x4  }
0x227: {  	v2 =	vmul.f32 v8, v0;
	v3 =	vmul.f32 v9, v1;
	_ =	sdelay $0x1  }
0x228: {  	v2 =	vadd.f32 v3, v2;
	_ =	sdelay $0x1  }
0x229: {  	v10 =	vld [tilespmem:s31+$0xFFFFFFD0];
	[tilespmem:s31+$0xFFFFFFC0] =	vst v2  }
0x22a: {  	v11 =	vld [tilespmem:s0+$0xFFFFFFD0];
	_ =	sdelay $0x4  }
0x22b: {  	v2 =	vmul.f32 v10, v0;
	v3 =	vmul.f32 v11, v1;
	_ =	sdelay $0x1  }
0x22c: {  	v2 =	vadd.f32 v3, v2;
	_ =	sdelay $0x1  }
0x22d: {  	v12 =	vld [tilespmem:s31+$0xFFFFFFE0];
	[tilespmem:s31+$0xFFFFFFD0] =	vst v2  }
0x22e: {  	v13 =	vld [tilespmem:s0+$0xFFFFFFE0];
	_ =	sdelay $0x4  }
0x22f: {  	v2 =	vmul.f32 v12, v0;
	v3 =	vmul.f32 v13, v1;
	_ =	sdelay $0x1  }
0x230: {  	v2 =	vadd.f32 v3, v2;
	_ =	sdelay $0x1  }
0x231: {  	v14 =	vld [tilespmem:s31+$0xFFFFFFF0];
	[tilespmem:s31+$0xFFFFFFE0] =	vst v2  }
0x232: {  	v15 =	vld [tilespmem:s0+$0xFFFFFFF0];
	_ =	sdelay $0x4  }
0x233: {  	v2 =	vmul.f32 v14, v0;
	v3 =	vmul.f32 v15, v1;
	_ =	sdelay $0x1  }
0x234: {  	v2 =	vadd.f32 v3, v2;
	_ =	sdelay $0x1  }
0x235: {  	v16 =	vld [tilespmem:s31+$0x0];
	[tilespmem:s31+$0xFFFFFFF0] =	vst v2  }
0x236: {  	v17 =	vld [tilespmem:s0+$0x0];
	_ =	sdelay $0x4  }
0x237: {  	v2 =	vmul.f32 v16, v0;
	v3 =	vmul.f32 v17, v1;
	_ =	sdelay $0x1  }
0x238: {  	v2 =	vadd.f32 v3, v2;
	_ =	sdelay $0x1  }
0x239: {  	v18 =	vld [tilespmem:s31+$0x10];
	[tilespmem:s31+$0x0] =	vst v2  }
0x23a: {  	v19 =	vld [tilespmem:s0+$0x10];
	_ =	sdelay $0x4  }
0x23b: {  	v2 =	vmul.f32 v18, v0;
	v3 =	vmul.f32 v19, v1;
	_ =	sdelay $0x1  }
0x23c: {  	v2 =	vadd.f32 v3, v2;
	_ =	sdelay $0x1  }
0x23d: {  	v20 =	vld [tilespmem:s31+$0x20];
	[tilespmem:s31+$0x10] =	vst v2  }
0x23e: {  	v21 =	vld [tilespmem:s0+$0x20];
	_ =	sdelay $0x4  }
0x23f: {  	v2 =	vmul.f32 v20, v0;
	v3 =	vmul.f32 v21, v1;
	_ =	sdelay $0x1  }
0x240: {  	v2 =	vadd.f32 v3, v2;
	_ =	sdelay $0x1  }
0x241: {  	v22 =	vld [tilespmem:s31+$0x30];
	[tilespmem:s31+$0x20] =	vst v2  }
0x242: {  	v23 =	vld [tilespmem:s0+$0x30];
	_ =	sdelay $0x4  }
0x243: {  	v2 =	vmul.f32 v22, v0;
	v3 =	vmul.f32 v23, v1;
	_ =	sdelay $0x1  }
0x244: {  	v2 =	vadd.f32 v3, v2;
	_ =	sdelay $0x1  }
0x245: {  	v24 =	vld [tilespmem:s31+$0x40];
	[tilespmem:s31+$0x30] =	vst v2  }
0x246: {  	v25 =	vld [tilespmem:s0+$0x40];
	_ =	sdelay $0x4  }
0x247: {  	v2 =	vmul.f32 v24, v0;
	v3 =	vmul.f32 v25, v1;
	_ =	sdelay $0x1  }
0x248: {  	v2 =	vadd.f32 v3, v2;
	_ =	sdelay $0x1  }
0x249: {  	v26 =	vld [tilespmem:s31+$0x50];
	[tilespmem:s31+$0x40] =	vst v2  }
0x24a: {  	v27 =	vld [tilespmem:s0+$0x50];
	_ =	sdelay $0x4  }
0x24b: {  	v2 =	vmul.f32 v26, v0;
	v3 =	vmul.f32 v27, v1;
	_ =	sdelay $0x1  }
0x24c: {  	v2 =	vadd.f32 v3, v2;
	_ =	sdelay $0x1  }
0x24d: {  	v28 =	vld [tilespmem:s31+$0x60];
	[tilespmem:s31+$0x50] =	vst v2  }
0x24e: {  	v29 =	vld [tilespmem:s0+$0x60];
	_ =	sdelay $0x4  }
0x24f: {  	v2 =	vmul.f32 v28, v0;
	v3 =	vmul.f32 v29, v1;
	_ =	sdelay $0x1  }
0x250: {  	v2 =	vadd.f32 v3, v2;
	_ =	sdelay $0x1  }
0x251: {  	v30 =	vld [tilespmem:s31+$0x70];
	[tilespmem:s31+$0x60] =	vst v2  }
0x252: {  	v31 =	vld [tilespmem:s0+$0x70];
	_ =	sdelay $0x4  }
0x253: {  	v2 =	vmul.f32 v30, v0;
	v3 =	vmul.f32 v31, v1;
	_ =	sdelay $0x1  }
0x254: {  	v2 =	vadd.f32 v3, v2;
	_ =	sdelay $0x1  }
0x255: {  	v32 =	vld [tilespmem:s31+$0x80];
	[tilespmem:s31+$0x70] =	vst v2  }
0x256: {  	v33 =	vld [tilespmem:s0+$0x80];
	_ =	sdelay $0x4  }
0x257: {  	v2 =	vmul.f32 v32, v0;
	v3 =	vmul.f32 v33, v1;
	_ =	sdelay $0x1  }
0x258: {  	v2 =	vadd.f32 v3, v2;
	_ =	sdelay $0x1  }
0x259: {  	v34 =	vld [tilespmem:s31+$0x90];
	[tilespmem:s31+$0x80] =	vst v2  }
0x25a: {  	v35 =	vld [tilespmem:s0+$0x90];
	_ =	sdelay $0x4  }
0x25b: {  	v2 =	vmul.f32 v34, v0;
	v3 =	vmul.f32 v35, v1;
	_ =	sdelay $0x1  }
0x25c: {  	v2 =	vadd.f32 v3, v2;
	_ =	sdelay $0x1  }
0x25d: {  	v36 =	vld [tilespmem:s31+$0xA0];
	[tilespmem:s31+$0x90] =	vst v2  }
0x25e: {  	v37 =	vld [tilespmem:s0+$0xA0];
	_ =	sdelay $0x4  }
0x25f: {  	v2 =	vmul.f32 v36, v0;
	v3 =	vmul.f32 v37, v1;
	_ =	sdelay $0x1  }
0x260: {  	v2 =	vadd.f32 v3, v2;
	_ =	sdelay $0x1  }
0x261: {  	v38 =	vld [tilespmem:s31+$0xB0];
	[tilespmem:s31+$0xA0] =	vst v2  }
0x262: {  	v39 =	vld [tilespmem:s0+$0xB0];
	_ =	sdelay $0x4  }
0x263: {  	v2 =	vmul.f32 v38, v0;
	v3 =	vmul.f32 v39, v1;
	_ =	sdelay $0x1  }
0x264: {  	v2 =	vadd.f32 v3, v2;
	_ =	sdelay $0x1  }
0x265: {  	v40 =	vld [tilespmem:s31+$0xC0];
	[tilespmem:s31+$0xB0] =	vst v2  }
0x266: {  	v41 =	vld [tilespmem:s0+$0xC0];
	_ =	sdelay $0x4  }
0x267: {  	v2 =	vmul.f32 v40, v0;
	v3 =	vmul.f32 v41, v1;
	_ =	sdelay $0x1  }
0x268: {  	v2 =	vadd.f32 v3, v2;
	_ =	sdelay $0x1  }
0x269: {  	v42 =	vld [tilespmem:s31+$0xD0];
	[tilespmem:s31+$0xC0] =	vst v2  }
0x26a: {  	v43 =	vld [tilespmem:s0+$0xD0];
	_ =	sdelay $0x4  }
0x26b: {  	v2 =	vmul.f32 v42, v0;
	v3 =	vmul.f32 v43, v1;
	_ =	sdelay $0x1  }
0x26c: {  	v2 =	vadd.f32 v3, v2;
	_ =	sdelay $0x1  }
0x26d: {  	v44 =	vld [tilespmem:s31+$0xE0];
	[tilespmem:s31+$0xD0] =	vst v2  }
0x26e: {  	v45 =	vld [tilespmem:s0+$0xE0];
	_ =	sdelay $0x4  }
0x26f: {  	v2 =	vmul.f32 v44, v0;
	v3 =	vmul.f32 v45, v1;
	_ =	sdelay $0x1  }
0x270: {  	v2 =	vadd.f32 v3, v2;
	_ =	sdelay $0x1  }
0x271: {  	v46 =	vld [tilespmem:s31+$0xF0];
	[tilespmem:s31+$0xE0] =	vst v2  }
0x272: {  	v47 =	vld [tilespmem:s0+$0xF0];
	_ =	sdelay $0x4  }
0x273: {  	v2 =	vmul.f32 v46, v0;
	v3 =	vmul.f32 v47, v1;
	_ =	sdelay $0x1  }
0x274: {  	v2 =	vadd.f32 v3, v2;
	_ =	sdelay $0x1  }
0x275: {  	v48 =	vld [tilespmem:s31+$0x100];
	[tilespmem:s31+$0xF0] =	vst v2  }
0x276: {  	v49 =	vld [tilespmem:s0+$0x100];
	_ =	sdelay $0x4  }
0x277: {  	v2 =	vmul.f32 v48, v0;
	v3 =	vmul.f32 v49, v1;
	_ =	sdelay $0x1  }
0x278: {  	v2 =	vadd.f32 v3, v2;
	_ =	sdelay $0x1  }
0x279: {  	v50 =	vld [tilespmem:s31+$0x110];
	[tilespmem:s31+$0x100] =	vst v2  }
0x27a: {  	v51 =	vld [tilespmem:s0+$0x110];
	_ =	sdelay $0x4  }
0x27b: {  	v2 =	vmul.f32 v50, v0;
	v3 =	vmul.f32 v51, v1;
	_ =	sdelay $0x1  }
0x27c: {  	v2 =	vadd.f32 v3, v2;
	_ =	sdelay $0x1  }
0x27d: {  	v52 =	vld [tilespmem:s31+$0x120];
	[tilespmem:s31+$0x110] =	vst v2  }
0x27e: {  	v53 =	vld [tilespmem:s0+$0x120];
	_ =	sdelay $0x4  }
0x27f: {  	v2 =	vmul.f32 v52, v0;
	v3 =	vmul.f32 v53, v1;
	_ =	sdelay $0x1  }
0x280: {  	v2 =	vadd.f32 v3, v2;
	_ =	sdelay $0x1  }
0x281: {  	v54 =	vld [tilespmem:s31+$0x130];
	[tilespmem:s31+$0x120] =	vst v2  }
0x282: {  	v55 =	vld [tilespmem:s0+$0x130];
	_ =	sdelay $0x4  }
0x283: {  	v2 =	vmul.f32 v54, v0;
	v3 =	vmul.f32 v55, v1;
	_ =	sdelay $0x1  }
0x284: {  	v2 =	vadd.f32 v3, v2;
	_ =	sdelay $0x1  }
0x285: {  	v56 =	vld [tilespmem:s31+$0x140];
	[tilespmem:s31+$0x130] =	vst v2  }
0x286: {  	v57 =	vld [tilespmem:s0+$0x140];
	_ =	sdelay $0x4  }
0x287: {  	v2 =	vmul.f32 v56, v0;
	v3 =	vmul.f32 v57, v1;
	_ =	sdelay $0x1  }
0x288: {  	v2 =	vadd.f32 v3, v2;
	_ =	sdelay $0x1  }
0x289: {  	v58 =	vld [tilespmem:s31+$0x150];
	[tilespmem:s31+$0x140] =	vst v2  }
0x28a: {  	v59 =	vld [tilespmem:s0+$0x150];
	_ =	sdelay $0x4  }
0x28b: {  	v2 =	vmul.f32 v58, v0;
	v3 =	vmul.f32 v59, v1;
	_ =	sdelay $0x1  }
0x28c: {  	v2 =	vadd.f32 v3, v2;
	_ =	sdelay $0x1  }
0x28d: {  	v60 =	vld [tilespmem:s31+$0x160];
	[tilespmem:s31+$0x150] =	vst v2  }
0x28e: {  	v61 =	vld [tilespmem:s0+$0x160];
	_ =	sdelay $0x4  }
0x28f: {  	v2 =	vmul.f32 v60, v0;
	v3 =	vmul.f32 v61, v1;
	_ =	sdelay $0x1  }
0x290: {  	v2 =	vadd.f32 v3, v2;
	_ =	sdelay $0x1  }
0x291: {  	v62 =	vld [tilespmem:s31+$0x170];
	[tilespmem:s31+$0x160] =	vst v2  }
0x292: {  	v63 =	vld [tilespmem:s0+$0x170];
	_ =	sdelay $0x3  }
0x293: {  	p0 =	sne.s32 s26, $0x3C0  }
.Ltmp2:
0x294: {  	v0 =	vmul.f32 v62, v0;
	v1 =	vmul.f32 v63, v1;
	(pc) =	sbr.rel @p0 .LBB2_6-.Ltmp2, $3  }
0x295: {  	_ = 	snop  }
0x296: {  	v0 =	vadd.f32 v1, v0;
	_ =	sdelay $0x1  }
0x297: {  	s26 =	sadd.s32 $0x40, s26;
	s0 =	sadd.s32 $0x300, s0;
	[tilespmem:s31+$0x170] =	vst v0;
	s31 =	sadd.s32 $0x300, s31  }
0x298: {  	s26 =	simm.s32 $0x0  }
0x299: {  	[hbm4b:s10+s26] =	stream.linear.scatter [tilespmem:s24], [sflag:$0x9], $0x3000, $0x38;
	[tilespmem:$0x12880] =	vst v63  }
0x29a: {  	_ =	swait.ge [sflag:s28], $0x3000  }
0x29b: {  	[sflag:s28] =	ssyncset.done $0x0  }
0x29c: {  	[sflag:s28] =	ssyncadd.s32 $0xFFFFD000  }
0x29d: {  	_ =	swait.ge [sflag:s29], $0x3000  }
0x29e: {  	[sflag:s29] =	ssyncset.done $0x0  }
0x29f: {  	s31 =	simm.s32 $0xA00;
	s0 =	simm.s32 $0x9A00;
	[sflag:s29] =	ssyncadd.s32 $0xFFFFD000  }
.LBB2_8:
0x2a0: {  	v2 =	vld [tilespmem:s31+$0xFFFFFE80]  }
0x2a1: {  	s14 =	sshra.s32 s26, $0x2;
	v3 =	vld [tilespmem:s0+$0xFFFFFE80]  }
0x2a2: {  	v0 =	vld [tilespmem:s14+$0x380]  }
0x2a3: {  	v1 =	vld [tilespmem:s14+$0x780];
	_ =	sdelay $0x4  }
0x2a4: {  	v2 =	vmul.f32 v2, v0;
	v3 =	vmul.f32 v3, v1;
	_ =	sdelay $0x1  }
0x2a5: {  	v2 =	vadd.f32 v3, v2;
	_ =	sdelay $0x1  }
0x2a6: {  	v28 =	vld [tilespmem:s31+$0xFFFFFE90];
	[tilespmem:s31+$0xFFFFFE80] =	vst v2  }
0x2a7: {  	v29 =	vld [tilespmem:s0+$0xFFFFFE90];
	_ =	sdelay $0x4  }
0x2a8: {  	v2 =	vmul.f32 v28, v0;
	v3 =	vmul.f32 v29, v1;
	_ =	sdelay $0x1  }
0x2a9: {  	v2 =	vadd.f32 v3, v2;
	_ =	sdelay $0x1  }
0x2aa: {  	v30 =	vld [tilespmem:s31+$0xFFFFFEA0];
	[tilespmem:s31+$0xFFFFFE90] =	vst v2  }
0x2ab: {  	v31 =	vld [tilespmem:s0+$0xFFFFFEA0];
	_ =	sdelay $0x4  }
0x2ac: {  	v2 =	vmul.f32 v30, v0;
	v3 =	vmul.f32 v31, v1;
	_ =	sdelay $0x1  }
0x2ad: {  	v2 =	vadd.f32 v3, v2;
	_ =	sdelay $0x1  }
0x2ae: {  	v32 =	vld [tilespmem:s31+$0xFFFFFEB0];
	[tilespmem:s31+$0xFFFFFEA0] =	vst v2  }
0x2af: {  	v33 =	vld [tilespmem:s0+$0xFFFFFEB0];
	_ =	sdelay $0x4  }
0x2b0: {  	v2 =	vmul.f32 v32, v0;
	v3 =	vmul.f32 v33, v1;
	_ =	sdelay $0x1  }
0x2b1: {  	v2 =	vadd.f32 v3, v2;
	_ =	sdelay $0x1  }
0x2b2: {  	v34 =	vld [tilespmem:s31+$0xFFFFFEC0];
	[tilespmem:s31+$0xFFFFFEB0] =	vst v2  }
0x2b3: {  	v35 =	vld [tilespmem:s0+$0xFFFFFEC0];
	_ =	sdelay $0x4  }
0x2b4: {  	v2 =	vmul.f32 v34, v0;
	v3 =	vmul.f32 v35, v1;
	_ =	sdelay $0x1  }
0x2b5: {  	v2 =	vadd.f32 v3, v2;
	_ =	sdelay $0x1  }
0x2b6: {  	v36 =	vld [tilespmem:s31+$0xFFFFFED0];
	[tilespmem:s31+$0xFFFFFEC0] =	vst v2  }
0x2b7: {  	v37 =	vld [tilespmem:s0+$0xFFFFFED0];
	_ =	sdelay $0x4  }
0x2b8: {  	v2 =	vmul.f32 v36, v0;
	v3 =	vmul.f32 v37, v1;
	_ =	sdelay $0x1  }
0x2b9: {  	v2 =	vadd.f32 v3, v2;
	_ =	sdelay $0x1  }
0x2ba: {  	v38 =	vld [tilespmem:s31+$0xFFFFFEE0];
	[tilespmem:s31+$0xFFFFFED0] =	vst v2  }
0x2bb: {  	v39 =	vld [tilespmem:s0+$0xFFFFFEE0];
	_ =	sdelay $0x4  }
0x2bc: {  	v2 =	vmul.f32 v38, v0;
	v3 =	vmul.f32 v39, v1;
	_ =	sdelay $0x1  }
0x2bd: {  	v2 =	vadd.f32 v3, v2;
	_ =	sdelay $0x1  }
0x2be: {  	v40 =	vld [tilespmem:s31+$0xFFFFFEF0];
	[tilespmem:s31+$0xFFFFFEE0] =	vst v2  }
0x2bf: {  	v41 =	vld [tilespmem:s0+$0xFFFFFEF0];
	_ =	sdelay $0x4  }
0x2c0: {  	v2 =	vmul.f32 v40, v0;
	v3 =	vmul.f32 v41, v1;
	_ =	sdelay $0x1  }
0x2c1: {  	v2 =	vadd.f32 v3, v2;
	_ =	sdelay $0x1  }
0x2c2: {  	v42 =	vld [tilespmem:s31+$0xFFFFFF00];
	[tilespmem:s31+$0xFFFFFEF0] =	vst v2  }
0x2c3: {  	v43 =	vld [tilespmem:s0+$0xFFFFFF00];
	_ =	sdelay $0x4  }
0x2c4: {  	v2 =	vmul.f32 v42, v0;
	v3 =	vmul.f32 v43, v1;
	_ =	sdelay $0x1  }
0x2c5: {  	v2 =	vadd.f32 v3, v2;
	_ =	sdelay $0x1  }
0x2c6: {  	v44 =	vld [tilespmem:s31+$0xFFFFFF10];
	[tilespmem:s31+$0xFFFFFF00] =	vst v2  }
0x2c7: {  	v45 =	vld [tilespmem:s0+$0xFFFFFF10];
	_ =	sdelay $0x4  }
0x2c8: {  	v2 =	vmul.f32 v44, v0;
	v3 =	vmul.f32 v45, v1;
	_ =	sdelay $0x1  }
0x2c9: {  	v2 =	vadd.f32 v3, v2;
	_ =	sdelay $0x1  }
0x2ca: {  	v46 =	vld [tilespmem:s31+$0xFFFFFF20];
	[tilespmem:s31+$0xFFFFFF10] =	vst v2  }
0x2cb: {  	v47 =	vld [tilespmem:s0+$0xFFFFFF20];
	_ =	sdelay $0x4  }
0x2cc: {  	v2 =	vmul.f32 v46, v0;
	v3 =	vmul.f32 v47, v1;
	_ =	sdelay $0x1  }
0x2cd: {  	v2 =	vadd.f32 v3, v2;
	_ =	sdelay $0x1  }
0x2ce: {  	v48 =	vld [tilespmem:s31+$0xFFFFFF30];
	[tilespmem:s31+$0xFFFFFF20] =	vst v2  }
0x2cf: {  	v49 =	vld [tilespmem:s0+$0xFFFFFF30];
	_ =	sdelay $0x4  }
0x2d0: {  	v2 =	vmul.f32 v48, v0;
	v3 =	vmul.f32 v49, v1;
	_ =	sdelay $0x1  }
0x2d1: {  	v2 =	vadd.f32 v3, v2;
	_ =	sdelay $0x1  }
0x2d2: {  	v50 =	vld [tilespmem:s31+$0xFFFFFF40];
	[tilespmem:s31+$0xFFFFFF30] =	vst v2  }
0x2d3: {  	v51 =	vld [tilespmem:s0+$0xFFFFFF40];
	_ =	sdelay $0x4  }
0x2d4: {  	v2 =	vmul.f32 v50, v0;
	v3 =	vmul.f32 v51, v1;
	_ =	sdelay $0x1  }
0x2d5: {  	v2 =	vadd.f32 v3, v2;
	_ =	sdelay $0x1  }
0x2d6: {  	v52 =	vld [tilespmem:s31+$0xFFFFFF50];
	[tilespmem:s31+$0xFFFFFF40] =	vst v2  }
0x2d7: {  	v53 =	vld [tilespmem:s0+$0xFFFFFF50];
	_ =	sdelay $0x4  }
0x2d8: {  	v2 =	vmul.f32 v52, v0;
	v3 =	vmul.f32 v53, v1;
	_ =	sdelay $0x1  }
0x2d9: {  	v2 =	vadd.f32 v3, v2;
	_ =	sdelay $0x1  }
0x2da: {  	v54 =	vld [tilespmem:s31+$0xFFFFFF60];
	[tilespmem:s31+$0xFFFFFF50] =	vst v2  }
0x2db: {  	v55 =	vld [tilespmem:s0+$0xFFFFFF60];
	_ =	sdelay $0x4  }
0x2dc: {  	v2 =	vmul.f32 v54, v0;
	v3 =	vmul.f32 v55, v1;
	_ =	sdelay $0x1  }
0x2dd: {  	v2 =	vadd.f32 v3, v2;
	_ =	sdelay $0x1  }
0x2de: {  	v56 =	vld [tilespmem:s31+$0xFFFFFF70];
	[tilespmem:s31+$0xFFFFFF60] =	vst v2  }
0x2df: {  	v57 =	vld [tilespmem:s0+$0xFFFFFF70];
	_ =	sdelay $0x4  }
0x2e0: {  	v2 =	vmul.f32 v56, v0;
	v3 =	vmul.f32 v57, v1;
	_ =	sdelay $0x1  }
0x2e1: {  	v2 =	vadd.f32 v3, v2;
	_ =	sdelay $0x1  }
0x2e2: {  	v58 =	vld [tilespmem:s31+$0xFFFFFF80];
	[tilespmem:s31+$0xFFFFFF70] =	vst v2  }
0x2e3: {  	v59 =	vld [tilespmem:s0+$0xFFFFFF80];
	_ =	sdelay $0x4  }
0x2e4: {  	v2 =	vmul.f32 v58, v0;
	v3 =	vmul.f32 v59, v1;
	_ =	sdelay $0x1  }
0x2e5: {  	v2 =	vadd.f32 v3, v2;
	_ =	sdelay $0x1  }
0x2e6: {  	v60 =	vld [tilespmem:s31+$0xFFFFFF90];
	[tilespmem:s31+$0xFFFFFF80] =	vst v2  }
0x2e7: {  	v61 =	vld [tilespmem:s0+$0xFFFFFF90];
	_ =	sdelay $0x4  }
0x2e8: {  	v2 =	vmul.f32 v60, v0;
	v3 =	vmul.f32 v61, v1;
	_ =	sdelay $0x1  }
0x2e9: {  	v2 =	vadd.f32 v3, v2;
	_ =	sdelay $0x1  }
0x2ea: {  	v62 =	vld [tilespmem:s31+$0xFFFFFFA0];
	[tilespmem:s31+$0xFFFFFF90] =	vst v2  }
0x2eb: {  	v63 =	vld [tilespmem:s0+$0xFFFFFFA0];
	_ =	sdelay $0x4  }
0x2ec: {  	v2 =	vmul.f32 v62, v0;
	v3 =	vmul.f32 v63, v1;
	_ =	sdelay $0x1  }
0x2ed: {  	v2 =	vadd.f32 v3, v2;
	_ =	sdelay $0x1  }
0x2ee: {  	v6 =	vld [tilespmem:s31+$0xFFFFFFB0];
	[tilespmem:s31+$0xFFFFFFA0] =	vst v2  }
0x2ef: {  	v7 =	vld [tilespmem:s0+$0xFFFFFFB0];
	_ =	sdelay $0x4  }
0x2f0: {  	v2 =	vmul.f32 v6, v0;
	v3 =	vmul.f32 v7, v1;
	_ =	sdelay $0x1  }
0x2f1: {  	v2 =	vadd.f32 v3, v2;
	_ =	sdelay $0x1  }
0x2f2: {  	v8 =	vld [tilespmem:s31+$0xFFFFFFC0];
	[tilespmem:s31+$0xFFFFFFB0] =	vst v2  }
0x2f3: {  	v9 =	vld [tilespmem:s0+$0xFFFFFFC0];
	_ =	sdelay $0x4  }
0x2f4: {  	v2 =	vmul.f32 v8, v0;
	v3 =	vmul.f32 v9, v1;
	_ =	sdelay $0x1  }
0x2f5: {  	v2 =	vadd.f32 v3, v2;
	_ =	sdelay $0x1  }
0x2f6: {  	v10 =	vld [tilespmem:s31+$0xFFFFFFD0];
	[tilespmem:s31+$0xFFFFFFC0] =	vst v2  }
0x2f7: {  	v11 =	vld [tilespmem:s0+$0xFFFFFFD0];
	_ =	sdelay $0x4  }
0x2f8: {  	v2 =	vmul.f32 v10, v0;
	v3 =	vmul.f32 v11, v1;
	_ =	sdelay $0x1  }
0x2f9: {  	v2 =	vadd.f32 v3, v2;
	_ =	sdelay $0x1  }
0x2fa: {  	v12 =	vld [tilespmem:s31+$0xFFFFFFE0];
	[tilespmem:s31+$0xFFFFFFD0] =	vst v2  }
0x2fb: {  	v13 =	vld [tilespmem:s0+$0xFFFFFFE0];
	_ =	sdelay $0x4  }
0x2fc: {  	v2 =	vmul.f32 v12, v0;
	v3 =	vmul.f32 v13, v1;
	_ =	sdelay $0x1  }
0x2fd: {  	v2 =	vadd.f32 v3, v2;
	_ =	sdelay $0x1  }
0x2fe: {  	v14 =	vld [tilespmem:s31+$0xFFFFFFF0];
	[tilespmem:s31+$0xFFFFFFE0] =	vst v2  }
0x2ff: {  	v15 =	vld [tilespmem:s0+$0xFFFFFFF0];
	_ =	sdelay $0x4  }
0x300: {  	v2 =	vmul.f32 v14, v0;
	v3 =	vmul.f32 v15, v1;
	_ =	sdelay $0x1  }
0x301: {  	v2 =	vadd.f32 v3, v2;
	_ =	sdelay $0x1  }
0x302: {  	v16 =	vld [tilespmem:s31+$0x0];
	[tilespmem:s31+$0xFFFFFFF0] =	vst v2  }
0x303: {  	v17 =	vld [tilespmem:s0+$0x0];
	_ =	sdelay $0x4  }
0x304: {  	v2 =	vmul.f32 v16, v0;
	v3 =	vmul.f32 v17, v1;
	_ =	sdelay $0x1  }
0x305: {  	v2 =	vadd.f32 v3, v2;
	_ =	sdelay $0x1  }
0x306: {  	v18 =	vld [tilespmem:s31+$0x10];
	[tilespmem:s31+$0x0] =	vst v2  }
0x307: {  	v19 =	vld [tilespmem:s0+$0x10];
	_ =	sdelay $0x4  }
0x308: {  	v2 =	vmul.f32 v18, v0;
	v3 =	vmul.f32 v19, v1;
	_ =	sdelay $0x1  }
0x309: {  	v2 =	vadd.f32 v3, v2;
	_ =	sdelay $0x1  }
0x30a: {  	v20 =	vld [tilespmem:s31+$0x20];
	[tilespmem:s31+$0x10] =	vst v2  }
0x30b: {  	v21 =	vld [tilespmem:s0+$0x20];
	_ =	sdelay $0x4  }
0x30c: {  	v2 =	vmul.f32 v20, v0;
	v3 =	vmul.f32 v21, v1;
	_ =	sdelay $0x1  }
0x30d: {  	v2 =	vadd.f32 v3, v2;
	_ =	sdelay $0x1  }
0x30e: {  	v22 =	vld [tilespmem:s31+$0x30];
	[tilespmem:s31+$0x20] =	vst v2  }
0x30f: {  	v23 =	vld [tilespmem:s0+$0x30];
	_ =	sdelay $0x4  }
0x310: {  	v2 =	vmul.f32 v22, v0;
	v3 =	vmul.f32 v23, v1;
	_ =	sdelay $0x1  }
0x311: {  	v2 =	vadd.f32 v3, v2;
	_ =	sdelay $0x1  }
0x312: {  	v24 =	vld [tilespmem:s31+$0x40];
	[tilespmem:s31+$0x30] =	vst v2  }
0x313: {  	v25 =	vld [tilespmem:s0+$0x40];
	_ =	sdelay $0x4  }
0x314: {  	v2 =	vmul.f32 v24, v0;
	v3 =	vmul.f32 v25, v1;
	_ =	sdelay $0x1  }
0x315: {  	v2 =	vadd.f32 v3, v2;
	_ =	sdelay $0x1  }
0x316: {  	v26 =	vld [tilespmem:s31+$0x50];
	[tilespmem:s31+$0x40] =	vst v2  }
0x317: {  	v27 =	vld [tilespmem:s0+$0x50];
	_ =	sdelay $0x4  }
0x318: {  	v2 =	vmul.f32 v26, v0;
	v3 =	vmul.f32 v27, v1;
	_ =	sdelay $0x1  }
0x319: {  	v2 =	vadd.f32 v3, v2;
	_ =	sdelay $0x1  }
0x31a: {  	v28 =	vld [tilespmem:s31+$0x60];
	[tilespmem:s31+$0x50] =	vst v2  }
0x31b: {  	v29 =	vld [tilespmem:s0+$0x60];
	_ =	sdelay $0x4  }
0x31c: {  	v2 =	vmul.f32 v28, v0;
	v3 =	vmul.f32 v29, v1;
	_ =	sdelay $0x1  }
0x31d: {  	v2 =	vadd.f32 v3, v2;
	_ =	sdelay $0x1  }
0x31e: {  	v30 =	vld [tilespmem:s31+$0x70];
	[tilespmem:s31+$0x60] =	vst v2  }
0x31f: {  	v31 =	vld [tilespmem:s0+$0x70];
	_ =	sdelay $0x4  }
0x320: {  	v2 =	vmul.f32 v30, v0;
	v3 =	vmul.f32 v31, v1;
	_ =	sdelay $0x1  }
0x321: {  	v2 =	vadd.f32 v3, v2;
	_ =	sdelay $0x1  }
0x322: {  	v32 =	vld [tilespmem:s31+$0x80];
	[tilespmem:s31+$0x70] =	vst v2  }
0x323: {  	v33 =	vld [tilespmem:s0+$0x80];
	_ =	sdelay $0x4  }
0x324: {  	v2 =	vmul.f32 v32, v0;
	v3 =	vmul.f32 v33, v1;
	_ =	sdelay $0x1  }
0x325: {  	v2 =	vadd.f32 v3, v2;
	_ =	sdelay $0x1  }
0x326: {  	v34 =	vld [tilespmem:s31+$0x90];
	[tilespmem:s31+$0x80] =	vst v2  }
0x327: {  	v35 =	vld [tilespmem:s0+$0x90];
	_ =	sdelay $0x4  }
0x328: {  	v2 =	vmul.f32 v34, v0;
	v3 =	vmul.f32 v35, v1;
	_ =	sdelay $0x1  }
0x329: {  	v2 =	vadd.f32 v3, v2;
	_ =	sdelay $0x1  }
0x32a: {  	v36 =	vld [tilespmem:s31+$0xA0];
	[tilespmem:s31+$0x90] =	vst v2  }
0x32b: {  	v37 =	vld [tilespmem:s0+$0xA0];
	_ =	sdelay $0x4  }
0x32c: {  	v2 =	vmul.f32 v36, v0;
	v3 =	vmul.f32 v37, v1;
	_ =	sdelay $0x1  }
0x32d: {  	v2 =	vadd.f32 v3, v2;
	_ =	sdelay $0x1  }
0x32e: {  	v38 =	vld [tilespmem:s31+$0xB0];
	[tilespmem:s31+$0xA0] =	vst v2  }
0x32f: {  	v39 =	vld [tilespmem:s0+$0xB0];
	_ =	sdelay $0x4  }
0x330: {  	v2 =	vmul.f32 v38, v0;
	v3 =	vmul.f32 v39, v1;
	_ =	sdelay $0x1  }
0x331: {  	v2 =	vadd.f32 v3, v2;
	_ =	sdelay $0x1  }
0x332: {  	v40 =	vld [tilespmem:s31+$0xC0];
	[tilespmem:s31+$0xB0] =	vst v2  }
0x333: {  	v41 =	vld [tilespmem:s0+$0xC0];
	_ =	sdelay $0x4  }
0x334: {  	v2 =	vmul.f32 v40, v0;
	v3 =	vmul.f32 v41, v1;
	_ =	sdelay $0x1  }
0x335: {  	v2 =	vadd.f32 v3, v2;
	_ =	sdelay $0x1  }
0x336: {  	v42 =	vld [tilespmem:s31+$0xD0];
	[tilespmem:s31+$0xC0] =	vst v2  }
0x337: {  	v43 =	vld [tilespmem:s0+$0xD0];
	_ =	sdelay $0x4  }
0x338: {  	v2 =	vmul.f32 v42, v0;
	v3 =	vmul.f32 v43, v1;
	_ =	sdelay $0x1  }
0x339: {  	v2 =	vadd.f32 v3, v2;
	_ =	sdelay $0x1  }
0x33a: {  	v44 =	vld [tilespmem:s31+$0xE0];
	[tilespmem:s31+$0xD0] =	vst v2  }
0x33b: {  	v45 =	vld [tilespmem:s0+$0xE0];
	_ =	sdelay $0x4  }
0x33c: {  	v2 =	vmul.f32 v44, v0;
	v3 =	vmul.f32 v45, v1;
	_ =	sdelay $0x1  }
0x33d: {  	v2 =	vadd.f32 v3, v2;
	_ =	sdelay $0x1  }
0x33e: {  	v46 =	vld [tilespmem:s31+$0xF0];
	[tilespmem:s31+$0xE0] =	vst v2  }
0x33f: {  	v47 =	vld [tilespmem:s0+$0xF0];
	_ =	sdelay $0x4  }
0x340: {  	v2 =	vmul.f32 v46, v0;
	v3 =	vmul.f32 v47, v1;
	_ =	sdelay $0x1  }
0x341: {  	v2 =	vadd.f32 v3, v2;
	_ =	sdelay $0x1  }
0x342: {  	v48 =	vld [tilespmem:s31+$0x100];
	[tilespmem:s31+$0xF0] =	vst v2  }
0x343: {  	v49 =	vld [tilespmem:s0+$0x100];
	_ =	sdelay $0x4  }
0x344: {  	v2 =	vmul.f32 v48, v0;
	v3 =	vmul.f32 v49, v1;
	_ =	sdelay $0x1  }
0x345: {  	v2 =	vadd.f32 v3, v2;
	_ =	sdelay $0x1  }
0x346: {  	v50 =	vld [tilespmem:s31+$0x110];
	[tilespmem:s31+$0x100] =	vst v2  }
0x347: {  	v51 =	vld [tilespmem:s0+$0x110];
	_ =	sdelay $0x4  }
0x348: {  	v2 =	vmul.f32 v50, v0;
	v3 =	vmul.f32 v51, v1;
	_ =	sdelay $0x1  }
0x349: {  	v2 =	vadd.f32 v3, v2;
	_ =	sdelay $0x1  }
0x34a: {  	v52 =	vld [tilespmem:s31+$0x120];
	[tilespmem:s31+$0x110] =	vst v2  }
0x34b: {  	v53 =	vld [tilespmem:s0+$0x120];
	_ =	sdelay $0x4  }
0x34c: {  	v2 =	vmul.f32 v52, v0;
	v3 =	vmul.f32 v53, v1;
	_ =	sdelay $0x1  }
0x34d: {  	v2 =	vadd.f32 v3, v2;
	_ =	sdelay $0x1  }
0x34e: {  	v54 =	vld [tilespmem:s31+$0x130];
	[tilespmem:s31+$0x120] =	vst v2  }
0x34f: {  	v55 =	vld [tilespmem:s0+$0x130];
	_ =	sdelay $0x4  }
0x350: {  	v2 =	vmul.f32 v54, v0;
	v3 =	vmul.f32 v55, v1;
	_ =	sdelay $0x1  }
0x351: {  	v2 =	vadd.f32 v3, v2;
	_ =	sdelay $0x1  }
0x352: {  	v56 =	vld [tilespmem:s31+$0x140];
	[tilespmem:s31+$0x130] =	vst v2  }
0x353: {  	v57 =	vld [tilespmem:s0+$0x140];
	_ =	sdelay $0x4  }
0x354: {  	v2 =	vmul.f32 v56, v0;
	v3 =	vmul.f32 v57, v1;
	_ =	sdelay $0x1  }
0x355: {  	v2 =	vadd.f32 v3, v2;
	_ =	sdelay $0x1  }
0x356: {  	v58 =	vld [tilespmem:s31+$0x150];
	[tilespmem:s31+$0x140] =	vst v2  }
0x357: {  	v59 =	vld [tilespmem:s0+$0x150];
	_ =	sdelay $0x4  }
0x358: {  	v2 =	vmul.f32 v58, v0;
	v3 =	vmul.f32 v59, v1;
	_ =	sdelay $0x1  }
0x359: {  	v2 =	vadd.f32 v3, v2;
	_ =	sdelay $0x1  }
0x35a: {  	v60 =	vld [tilespmem:s31+$0x160];
	[tilespmem:s31+$0x150] =	vst v2  }
0x35b: {  	v61 =	vld [tilespmem:s0+$0x160];
	_ =	sdelay $0x4  }
0x35c: {  	v2 =	vmul.f32 v60, v0;
	v3 =	vmul.f32 v61, v1;
	_ =	sdelay $0x1  }
0x35d: {  	v2 =	vadd.f32 v3, v2;
	_ =	sdelay $0x1  }
0x35e: {  	v62 =	vld [tilespmem:s31+$0x170];
	[tilespmem:s31+$0x160] =	vst v2  }
0x35f: {  	v63 =	vld [tilespmem:s0+$0x170];
	_ =	sdelay $0x3  }
0x360: {  	p0 =	sne.s32 s26, $0x3C0  }
.Ltmp3:
0x361: {  	v0 =	vmul.f32 v62, v0;
	v1 =	vmul.f32 v63, v1;
	(pc) =	sbr.rel @p0 .LBB2_8-.Ltmp3, $3  }
0x362: {  	_ = 	snop  }
0x363: {  	v0 =	vadd.f32 v1, v0;
	_ =	sdelay $0x1  }
0x364: {  	s26 =	sadd.s32 $0x40, s26;
	s0 =	sadd.s32 $0x300, s0;
	[tilespmem:s31+$0x170] =	vst v0;
	s31 =	sadd.s32 $0x300, s31  }
0x365: {  	[hbm4b:s11+s2] =	stream.linear.scatter [tilespmem:s18], [sflag:$0x7], $0x3000, $0x38;
	[tilespmem:$0x12880] =	vst v63  }
0x366: {  	_ =	swait.ge [sflag:s22], $0x3000  }
0x367: {  	[sflag:s22] =	ssyncset.done $0x0  }
0x368: {  	s25 =	sadd.s32 $0x1, s25;
	[sflag:s22] =	ssyncadd.s32 $0xFFFFD000  }
0x369: {  	p0 =	sne.s32 s25, s12;
	_ =	swait.ge [sflag:s23], $0x3000  }
.Ltmp4:
0x36a: {  	[sflag:s23] =	ssyncset.done $0x0;
	(pc) =	sbr.rel @p0 .LBB2_1-.Ltmp4, $4  }
0x36b: {  	[sflag:s23] =	ssyncadd.s32 $0xFFFFD000  }
0x36c: {  	_ =	swait.ge [sflag:s30], $0x3000  }
0x36d: {  	[sflag:s30] =	ssyncset.done $0x0  }
0x36e: {  	[sflag:s30] =	ssyncadd.s32 $0xFFFFD000  }
0x36f: {  	_ =	sfence.sel $0x180000  }
0x370: {  	[bflag:$0x0] =	sbarrier.arrive $0xFFFF  }
0x371: {  	_ =	strace $0x9000004A  }
0x372: {  	s0 =	stileid.u32;
	[bflag:$0x2] =	sbarrier.arrive $0xFFFF  }
0x373: {  	p0 =	sne.s32 s0, $0x0;
	s0 =	rddreg [dreg:$0x2]  }
0x374: {  	s0 =	sadd.s32 @!p0 $0x100000, s0  }
0x375: {  	[sflag:s0] =	ssyncadd.tile.s32 @!p0 $0x1;
	_ =	shalt  }
.Lfunc_end2:
_tile_overlayer_lowered:
.L_overlay_start_2:
0x376: {  	(tag) =	ssettag $0x2  }
0x377: {  	s0 =	rddreg [dreg:$0x0];
	s2 =	stileid.u32  }
0x378: {  	s1 =	rddreg [dreg:$0x1];
	p0 =	sne.s32 s2, $0x0  }
0x379: {  	s3 =	rddreg [dreg:$0x2];
	[bflag:$0x3] =	sbarrier.arrive $0xFFFF;
	s2 =	simm.s32 @!p0 $0x1C0A  }
0x37a: {  	[timem:s3], [sflag:s2] =	dma.local @!p0 [hbm:s0], s1  }
0x37b: {  	s0 =	simm.s32 @!p0 $0xA  }
0x37c: {  	_ =	swait.ge @!p0 [sflag:s0], s1  }
0x37d: {  	s1 =	ssub.s32 @!p0 $0x0, s1;
	[sflag:s0] =	ssyncset.done @!p0 $0x0  }
0x37e: {  	[sflag:s0] =	ssyncadd.s32 @!p0 s1  }
0x37f: {  	[bflag:$0x3] =	sbarrier.arrive $0xFFFF  }
0x380: {  	_ =	shalt  }

// kernel: kernel.7.cloned.1.call-start
scs
__scs_entry_jumppad:
0x0: {  	(pc) =	sbr.rel $0x88, $3  }
0x1: {  	(tag) =	ssettag $0x0;
	lr =	simm.s32 $0x1  }
0x2: {  	[smem:$0x3F96] =	sst lr;
	_ =	strace $0xD0000000  }
0x3: {  	_ = 	snop  }
0x4: {  	_ = 	snop  }
0x5: {  	_ = 	snop  }
0x6: {  	_ = 	snop  }
0x7: {  	_ = 	snop  }
__scs_overlays_trampoline_lowered:
0x8: {  	[smem:$0x3FA5] =	sst s0  }
0x9: {  	[smem:$0x3FA6] =	sst s1  }
0xa: {  	[smem:$0x3FA7] =	sst s2  }
0xb: {  	[smem:$0x3FA8] =	sst s3  }
0xc: {  	[smem:$0x3FA9] =	sst s4  }
0xd: {  	[smem:$0x3FAA] =	sst s5  }
0xe: {  	[smem:$0x3FAB] =	sst s6  }
0xf: {  	[smem:$0x3FAC] =	sst s7  }
0x10: {  	[smem:$0x3FAD] =	sst s8  }
0x11: {  	[smem:$0x3FAE] =	sst s9;
	s0 =	simm.s32 @!p0 $0x0  }
0x12: {  	s1 =	sld [smem:$0x3F94];
	s0 =	simm.s32 @p0 $0x1  }
0x13: {  	[smem:$0x3FAF] =	sst s0;
	s0 =	simm.s32 @!p1 $0x0  }
0x14: {  	s2 =	sld [smem:$0x3F93];
	s0 =	simm.s32 @p1 $0x1  }
0x15: {  	[smem:$0x3FB0] =	sst s0;
	s0 =	simm.s32 @!p2 $0x0  }
0x16: {  	s3 =	sld [smem:$0x3FDB];
	s0 =	simm.s32 @p2 $0x1  }
0x17: {  	s4 =	simm.s32 $0x1BF5;
	[smem:$0x3FB2] =	sst s0  }
0x18: {  	s0 =	sld [smem:$0x3F95];
	_ =	swait.ge [sflag:s4], $0x0  }
0x19: {  	s7 =	sld [smem:$0x3F96]  }
0x1a: {  	s8 =	sadd.s32 $0xFFFFE003, lr  }
0x1b: {  	s9 =	sadd.s32 $0xFFFFFEF7, lr;
	s5 =	simm.s32 $0xFFFFFFFF;
	p2 =	slt.u32 s8, $0xFFFFF086  }
0x1c: {  	p1 =	slt.u32 s9, $0xF7A;
	s5 =	simm.s32 @!p2 $0x0  }
0x1d: {  	s5 =	simm.s32 @p1 $0x1;
	p0 =	seq.s32 s7, s2  }
0x1e: {  	s7 =	smul.u32 @!p0 $0xF7A, s2;
	p2 =	seq.s32 @!p0 s5, $0x0  }
0x1f: {  	s9 =	smul.u32 $0xF7A, s1;
	s8 =	simm.s32 @!p0 $0x1BF5;
	p2 =	por !p2, p0  }
0x20: {  	[sflag:s8] =	ssyncset.s32 @!p0 $0xFFFFF086;
	s6 =	sadd.s32 @!p0 s3, s7;
	s7 =	simm.s32 @!p0 $0x108  }
0x21: {  	s3 =	sadd.s32 s3, s9;
	s6 =	sadd.s32 @!p0 $0x88, s6;
	s7 =	simm.s32 @p2 $0x1082  }
0x22: {  	[simem:s7], [sflag:s8] =	dma.local @!p0 [hbm:s6], $0xF7A  }
0x23: {  	s9 =	sor.u32 $0xD0000000, s2;
	s6 =	simm.s32 $0x108;
	_ =	swait.ge @!p0 [sflag:s8], $0x0  }
0x24: {  	s3 =	sadd.s32 $0x88, s3;
	s6 =	simm.s32 @!p1 $0x1082;
	[sflag:s4] =	ssyncset.s32 $0xFFFFF086  }
0x25: {  	[simem:s6], [sflag:s4] =	dma.local [hbm:s3], $0xF7A  }
0x26: {  	[smem:$0x3F96] =	sst s1;
	(tag) =	ssettag s2;
	_ =	strace s9  }
0x27: {  	s1 =	sld [smem:$0x3FA6]  }
0x28: {  	s2 =	sld [smem:$0x3FA7]  }
0x29: {  	s4 =	sld [smem:$0x3FA9]  }
0x2a: {  	p0 =	seq.s32 s5, $0x0;
	s5 =	sld [smem:$0x3FAA]  }
0x2b: {  	s6 =	sld [smem:$0x3FAB]  }
0x2c: {  	s7 =	sld [smem:$0x3FAC]  }
0x2d: {  	s3 =	simm.s32 $0x108;
	s8 =	sld [smem:$0x3FAD]  }
0x2e: {  	s3 =	simm.s32 @!p0 $0x1082;
	s9 =	sld [smem:$0x3FAE]  }
0x2f: {  	lr =	sadd.s32 s0, s3;
	s0 =	sld [smem:$0x3FA5]  }
0x30: {  	s3 =	sld [smem:$0x3FA8]  }
0x31: {  	[smem:$0x3FB1] =	sst s10  }
0x32: {  	s10 =	sld [smem:$0x3FAF];
	_ =	sdelay $0x3  }
0x33: {  	p0 =	seq.s32 s10, $0x1;
	s10 =	sld [smem:$0x3FB1];
	_ =	sdelay $0x3  }
0x34: {  	[smem:$0x3FB1] =	sst s10  }
0x35: {  	s10 =	sld [smem:$0x3FB0];
	_ =	sdelay $0x3  }
0x36: {  	p1 =	seq.s32 s10, $0x1;
	s10 =	sld [smem:$0x3FB1];
	_ =	sdelay $0x3  }
0x37: {  	[smem:$0x3FB1] =	sst s10  }
0x38: {  	s10 =	sld [smem:$0x3FB2]  }
0x39: {  	_ = 	snop;
	(pc) =	sbr.ind lr, $3  }
0x3a: {  	_ = 	snop  }
0x3b: {  	_ = 	snop  }
0x3c: {  	p2 =	seq.s32 s10, $0x1;
	s10 =	sld [smem:$0x3FB1]  }
0x3d: {  	_ =	shalt  }
0x3e: {  	_ =	shalt  }
0x3f: {  	_ =	shalt  }
0x40: {  	_ =	shalt  }
0x41: {  	_ =	shalt  }
0x42: {  	_ =	shalt  }
0x43: {  	_ =	shalt  }
0x44: {  	_ =	shalt  }
0x45: {  	_ =	shalt  }
0x46: {  	_ =	shalt  }
0x47: {  	_ =	shalt  }
0x48: {  	_ =	shalt  }
0x49: {  	_ =	shalt  }
0x4a: {  	_ =	shalt  }
0x4b: {  	_ =	shalt  }
0x4c: {  	_ =	shalt  }
0x4d: {  	_ =	shalt  }
0x4e: {  	_ =	shalt  }
0x4f: {  	_ =	shalt  }
0x50: {  	_ =	shalt  }
0x51: {  	_ =	shalt  }
0x52: {  	_ =	shalt  }
0x53: {  	_ =	shalt  }
0x54: {  	_ =	shalt  }
0x55: {  	_ =	shalt  }
0x56: {  	_ =	shalt  }
0x57: {  	_ =	shalt  }
0x58: {  	_ =	shalt  }
0x59: {  	_ =	shalt  }
0x5a: {  	_ =	shalt  }
0x5b: {  	_ =	shalt  }
0x5c: {  	_ =	shalt  }
0x5d: {  	_ =	shalt  }
0x5e: {  	_ =	shalt  }
0x5f: {  	_ =	shalt  }
0x60: {  	_ =	shalt  }
0x61: {  	_ =	shalt  }
0x62: {  	_ =	shalt  }
0x63: {  	_ =	shalt  }
0x64: {  	_ =	shalt  }
0x65: {  	_ =	shalt  }
0x66: {  	_ =	shalt  }
0x67: {  	_ =	shalt  }
0x68: {  	_ =	shalt  }
0x69: {  	_ =	shalt  }
0x6a: {  	_ =	shalt  }
0x6b: {  	_ =	shalt  }
0x6c: {  	_ =	shalt  }
0x6d: {  	_ =	shalt  }
0x6e: {  	_ =	shalt  }
0x6f: {  	_ =	shalt  }
0x70: {  	_ =	shalt  }
0x71: {  	_ =	shalt  }
0x72: {  	_ =	shalt  }
0x73: {  	_ =	shalt  }
0x74: {  	_ =	shalt  }
0x75: {  	_ =	shalt  }
0x76: {  	_ =	shalt  }
0x77: {  	_ =	shalt  }
0x78: {  	_ =	shalt  }
0x79: {  	_ =	shalt  }
0x7a: {  	_ =	shalt  }
0x7b: {  	_ =	shalt  }
0x7c: {  	_ =	shalt  }
0x7d: {  	_ =	shalt  }
0x7e: {  	_ =	shalt  }
0x7f: {  	_ =	shalt  }
0x80: {  	_ =	shalt  }
0x81: {  	_ =	shalt  }
0x82: {  	_ =	shalt  }
0x83: {  	_ =	shalt  }
0x84: {  	_ =	shalt  }
0x85: {  	_ =	shalt  }
0x86: {  	_ =	shalt  }
0x87: {  	_ =	shalt  }
.Lfunc_end0:
.L_simem_size_0:
called_computation_lowered:
.L_overlay_start_0:
0x88: {  	s2 =	sld [smem:$0x3FD9]  }
0x89: {  	s3 =	sld [smem:$0x3FFE];
	_ =	sdelay $0x1  }
0x8a: {  	s1 =	srdreg.scid  }
0x8b: {  	s0 =	sand.u32 $0x1, s1  }
0x8c: {  	s17 =	sshll.u32 s0, $0xA;
	s2 =	sadd.s32 s3, s2  }
0x8d: {  	s2 =	sadd.s32 s2, s17  }
0x8e: {  	[smem:$0x3FBD] =	sst s2  }
0x8f: {  	_ = 	snop  }
0x90: {  	s2 =	sld [smem:$0x3FD0];
	(tm) =	ssettm $0x1  }
0x91: {  	s18 =	sld [smem:$0x3FFB];
	_ =	sdelay $0x3  }
0x92: {  	_ =	strace s18  }
0x93: {  	s3 =	sld [smem:$0x3FFC];
	_ =	sdelay $0x3  }
0x94: {  	_ =	strace s3  }
0x95: {  	s3 =	sld [smem:$0x3FFD];
	_ =	sdelay $0x3  }
0x96: {  	_ =	strace s3  }
0x97: {  	_ =	strace $0x8FFFFFFF  }
0x98: {  	s19 =	sld [smem:$0x3FDB];
	_ =	sdelay $0x1  }
0x99: {  	s4 =	simm.s32 $_scs_section_size  }
0x9a: {  	s5 =	simm.s32 $_size__tile_overlayer_lowered;
	s6 =	simm.s32 $_tile_overlayer_lowered  }
0x9b: {  	s22 =	simm.s32 $0x1BFF;
	s21 =	sshll.u32 s6, $0x1;
	s3 =	sadd.s32 s4, s19  }
0x9c: {  	s7 =	simm.s32 $0x0;
	s20 =	sshll.u32 s5, $0x1;
	s5 =	sadd.s32 s21, s3  }
0x9d: {  	[timem:s7], [sflag:s22] =	dma.local [hbm:s5], s20  }
0x9e: {  	_ =	swait.ge [sflag:s22], s20  }
0x9f: {  	s4 =	ssub.s32 $0x0, s20;
	[sflag:s22] =	ssyncset.done $0x0  }
0xa0: {  	[sflag:s22] =	ssyncadd.s32 s4;
	_ =	sdelay $0x1  }
0xa1: {  	s23 =	simm.s32 $0x1B8B  }
0xa2: {  	_ =	swait.ge [sflag:s23], $0x1  }
0xa3: {  	[sflag:s23] =	ssyncset.done $0x0  }
0xa4: {  	s25 =	simm.s32 $0x1B8E;
	s24 =	sld [smem:$0x3FFE];
	[sflag:s23] =	ssyncadd.s32 $0xFFFFFFFF  }
0xa5: {  	s26 =	simm.s32 $execute0_lowered;
	[smem:$0x3FD2] =	sst s25  }
0xa6: {  	s5 =	sshll.u32 s26, $0x1;
	_ =	strace $0x80000046;
	[dreg:$0x1] =	wrdreg $0xFFFFFFFF  }
0xa7: {  	s28 =	simm.s32 $_size_execute0_lowered;
	s3 =	sadd.s32 s3, s5;
	[dreg:$0x0] =	wrdreg $0x0  }
0xa8: {  	s5 =	sshll.u32 s28, $0x1;
	[dreg:$0x2] =	wrdreg s3  }
0xa9: {  	[dreg:$0x3] =	wrdreg s5  }
0xaa: {  	[dreg:$0x4] =	wrdreg $0xC0  }
0xab: {  	_ =	task [dreg:s7], $0x5FFFF  }
0xac: {  	[dreg:$0x1] =	wrdreg $0xFFFFFFFF  }
0xad: {  	[dreg:$0x0] =	wrdreg $0x60  }
0xae: {  	[dreg:$0x2] =	wrdreg s2  }
0xaf: {  	[dreg:$0x3] =	wrdreg s24  }
0xb0: {  	[dreg:$0x4] =	wrdreg $0x9  }
0xb1: {  	_ =	task.clear_ibuf [dreg:s7], $0x5FFFF;
	_ =	strace $0x90000046  }
0xb2: {  	s29 =	simm.s32 $0x9;
	_ =	strace $0x80000048  }
0xb3: {  	_ =	swait.ge [sflag:s29], $0x1  }
0xb4: {  	[sflag:s29] =	ssyncadd.s32 $0xFFFFFFFF  }
0xb5: {  	_ =	strace $0x90000048  }
0xb6: {  	_ =	sfence  }
0xb7: {  	s30 =	sld [smem:$0x0];
	_ =	sdelay $0x2  }
0xb8: {  	s31 =	sshll.u32 s1, $0xD;
	s1 =	sshrl.u32 s1, $0x2  }
0xb9: {  	s3 =	sand.u32 $0x4000, s31;
	s1 =	sadd.s32 s1, s30  }
0xba: {  	s0 =	sor.u32 s3, s0;
	s1 =	sshll.u32 s1, $0x11  }
0xbb: {  	s0 =	sor.u32 s1, s0  }
0xbc: {  	s0 =	sadd.s32 $0x8F2B, s0  }
0xbd: {  	[sflag:s0] =	ssyncadd.remote.s32 $0x1  }
0xbe: {  	_ =	sfence.sel $0xFFFF  }
0xbf: {  	[dreg:$0x0] =	wrdreg $0xFFFFFFFF;
	(pc) =	sbr.abs _section_cstart, $3  }
0xc0: {  	[dreg:$0x1] =	wrdreg $0xFFFFFFFF  }
0xc1: {  	_ =	task.clear_ibuf [dreg:s7], $0x2FFFF;
	_ =	strace $0x9FFFFFFF  }
0xc2: {  	(tm) =	ssettm $0x7FFFFFFF  }
0xc3: {  	_ =	shalt  }
tec
execute0_lowered:
.L_overlay_start_1:
0x0: {  	(tag) =	ssettag $0x1  }
0x1: {  	s1 =	srdreg.scid  }
0x2: {  	s0 =	stileid.u32;
	s20 =	sand.u32 $0x1, s1  }
0x3: {  	s12 =	rddreg [dreg:$0x0];
	s3 =	sshll.u32 s0, $0x7;
	s4 =	sshll.u32 s20, $0x6  }
0x4: {  	s10 =	rddreg [dreg:$0x1];
	s2 =	simm.s32 $0x0;
	s11 =	sor.u32 s4, s3  }
0x5: {  	[smem:$0x7FF] =	sst s2;
	s3 =	smul.u32 $0x60, s11  }
0x6: {  	s1 =	rddreg [dreg:$0x2];
	s14 =	sadd.s32 $0x600, s10;
	_ =	strace $0x80000047  }
0x7: {  	s4 =	simm.s32 $0x80;
	s7 =	sshrl.u32 s11, $0x3;
	s3 =	sadd.s32 s12, s3  }
0x8: {  	[tilespmem:s4], [sflag:$0x1] =	stream.linear.gather [hbm4b:s3+s2], $0x6000, $0x38;
	[tilespmem:$0xC080] =	vst v63  }
0x9: {  	s6 =	simm.s32 $0x7;
	s5 =	sadd.s32 s14, s7  }
0xa: {  	[tilespmem:s2], [sflag:$0x7] =	stream.linear.gather [hbm4b:s5+s2], $0x20, $0x38;
	[tilespmem:$0xC080] =	vst v63  }
0xb: {  	_ =	swait.ge [sflag:s6], $0x20  }
0xc: {  	s15 =	sadd.s32 $0x800, s10;
	[sflag:s6] =	ssyncset.done $0x0  }
0xd: {  	s8 =	simm.s32 $0x40;
	s7 =	sadd.s32 s15, s7;
	[sflag:s6] =	ssyncadd.s32 $0xFFFFFFE0  }
0xe: {  	[tilespmem:s8], [sflag:$0x7] =	stream.linear.gather [hbm4b:s7+s2], $0x20, $0x38;
	[tilespmem:$0xC080] =	vst v63  }
0xf: {  	_ =	swait.ge [sflag:s6], $0x20  }
0x10: {  	[sflag:s6] =	ssyncset.done $0x0  }
0x11: {  	s9 =	simm.s32 $0x1;
	[sflag:s6] =	ssyncadd.s32 $0xFFFFFFE0  }
0x12: {  	_ =	swait.ge [sflag:s9], $0x6000  }
0x13: {  	s10 =	sadd.s32 $0xA00, s10;
	[sflag:s9] =	ssyncset.done $0x0  }
0x14: {  	s13 =	sor.u32 $0x20, s11;
	s11 =	simm.s32 $0x20;
	[sflag:s9] =	ssyncadd.s32 $0xFFFFA000  }
0x15: {  	[hbm4b:s10+s11] =	stream.indirect.scatter [tilespmem:s4], [sflag:$0x3], $0x300, s2, s11, $0xb8;
	[tilespmem:$0xC080] =	vst v63  }
0x16: {  	s16 =	smul.u32 $0x60, s13  }
0x17: {  	[hbm4b:s10+s11] =	stream.indirect.scatter [tilespmem:s4], [sflag:$0x5], $0x300, s8, s11, $0xb8;
	[tilespmem:$0xC080] =	vst v63  }
0x18: {  	s31 =	sshrl.u32 s13, $0x3;
	s13 =	simm.s32 $0x6080;
	s12 =	sadd.s32 s12, s16  }
0x19: {  	[tilespmem:s13], [sflag:$0x2] =	stream.linear.gather [hbm4b:s12+s2], $0x6000, $0x38;
	[tilespmem:$0xC080] =	vst v63  }
0x1a: {  	s14 =	sadd.s32 s14, s31  }
0x1b: {  	[tilespmem:s11], [sflag:$0x7] =	stream.linear.gather [hbm4b:s14+s2], $0x20, $0x38;
	[tilespmem:$0xC080] =	vst v63  }
0x1c: {  	_ =	swait.ge [sflag:s6], $0x20  }
0x1d: {  	[sflag:s6] =	ssyncset.done $0x0  }
0x1e: {  	s15 =	sadd.s32 s15, s31;
	s16 =	simm.s32 $0x60;
	[sflag:s6] =	ssyncadd.s32 $0xFFFFFFE0  }
0x1f: {  	[tilespmem:s16], [sflag:$0x7] =	stream.linear.gather [hbm4b:s15+s2], $0x20, $0x38;
	[tilespmem:$0xC080] =	vst v63  }
0x20: {  	_ =	swait.ge [sflag:s6], $0x20  }
0x21: {  	[sflag:s6] =	ssyncset.done $0x0  }
0x22: {  	s17 =	simm.s32 $0x2;
	[sflag:s6] =	ssyncadd.s32 $0xFFFFFFE0  }
0x23: {  	_ =	swait.ge [sflag:s17], $0x6000  }
0x24: {  	[sflag:s17] =	ssyncset.done $0x0  }
0x25: {  	[sflag:s17] =	ssyncadd.s32 $0xFFFFA000  }
0x26: {  	[hbm4b:s10+s11] =	stream.indirect.scatter [tilespmem:s13], [sflag:$0x4], $0x300, s11, s11, $0xb8;
	[tilespmem:$0xC080] =	vst v63  }
0x27: {  	s18 =	simm.s32 $0x3  }
0x28: {  	[hbm4b:s10+s11] =	stream.indirect.scatter [tilespmem:s13], [sflag:$0x6], $0x300, s16, s11, $0xb8;
	[tilespmem:$0xC080] =	vst v63  }
0x29: {  	_ =	swait.ge [sflag:s18], $0x6000  }
0x2a: {  	s21 =	ssub.s32 $0x2, s20;
	[sflag:s18] =	ssyncset.done $0x0  }
0x2b: {  	s19 =	simm.s32 $0x5;
	s22 =	sshrl.u32 s21, $0x1;
	[sflag:s18] =	ssyncadd.s32 $0xFFFFA000  }
0x2c: {  	s21 =	ssub.s32 s21, s22;
	_ =	swait.ge [sflag:s19], $0x6000  }
0x2d: {  	s22 =	smax.u32 s21, $0x1;
	[sflag:s19] =	ssyncset.done $0x0  }
0x2e: {  	s20 =	simm.s32 $0x4;
	p0 =	sne.s32 s22, $0x1;
	[sflag:s19] =	ssyncadd.s32 $0xFFFFA000  }
.Ltmp0:
0x2f: {  	_ =	swait.ge [sflag:s20], $0x6000;
	(pc) =	sbr.rel @!p0 .LBB2_2-.Ltmp0, $4  }
0x30: {  	[sflag:s20] =	ssyncset.done $0x0  }
0x31: {  	s21 =	simm.s32 $0x6;
	[sflag:s20] =	ssyncadd.s32 $0xFFFFA000  }
0x32: {  	_ =	swait.ge [sflag:s21], $0x6000  }
0x33: {  	s22 =	sadd.s32 $0xFFFFFFFF, s22;
	[sflag:s21] =	ssyncset.done $0x0  }
.LBB2_1:
0x34: {  	p0 =	sne.s32 s22, $0x1;
	s22 =	sadd.s32 $0xFFFFFFFF, s22;
	[sflag:s21] =	ssyncadd.s32 $0xFFFFA000  }
0x35: {  	[tilespmem:s4], [sflag:$0x1] =	stream.linear.gather [hbm4b:s3+s2], $0x6000, $0x38;
	[tilespmem:$0xC080] =	vst v63  }
0x36: {  	_ = 	snop  }
0x37: {  	[tilespmem:s2], [sflag:$0x7] =	stream.linear.gather [hbm4b:s5+s2], $0x20, $0x38;
	[tilespmem:$0xC080] =	vst v63  }
0x38: {  	_ =	swait.ge [sflag:s6], $0x20  }
0x39: {  	[sflag:s6] =	ssyncset.done $0x0  }
0x3a: {  	[sflag:s6] =	ssyncadd.s32 $0xFFFFFFE0  }
0x3b: {  	[tilespmem:s8], [sflag:$0x7] =	stream.linear.gather [hbm4b:s7+s2], $0x20, $0x38;
	[tilespmem:$0xC080] =	vst v63  }
0x3c: {  	_ =	swait.ge [sflag:s6], $0x20  }
0x3d: {  	[sflag:s6] =	ssyncset.done $0x0  }
0x3e: {  	[sflag:s6] =	ssyncadd.s32 $0xFFFFFFE0  }
0x3f: {  	_ =	swait.ge [sflag:s9], $0x6000  }
0x40: {  	[sflag:s9] =	ssyncset.done $0x0  }
0x41: {  	[sflag:s9] =	ssyncadd.s32 $0xFFFFA000  }
0x42: {  	[hbm4b:s10+s11] =	stream.indirect.scatter [tilespmem:s4], [sflag:$0x3], $0x300, s2, s11, $0xb8;
	[tilespmem:$0xC080] =	vst v63  }
0x43: {  	_ = 	snop  }
0x44: {  	[hbm4b:s10+s11] =	stream.indirect.scatter [tilespmem:s4], [sflag:$0x5], $0x300, s8, s11, $0xb8;
	[tilespmem:$0xC080] =	vst v63  }
0x45: {  	_ = 	snop  }
0x46: {  	[tilespmem:s13], [sflag:$0x2] =	stream.linear.gather [hbm4b:s12+s2], $0x6000, $0x38;
	[tilespmem:$0xC080] =	vst v63  }
0x47: {  	_ = 	snop  }
0x48: {  	[tilespmem:s11], [sflag:$0x7] =	stream.linear.gather [hbm4b:s14+s2], $0x20, $0x38;
	[tilespmem:$0xC080] =	vst v63  }
0x49: {  	_ =	swait.ge [sflag:s6], $0x20  }
0x4a: {  	[sflag:s6] =	ssyncset.done $0x0  }
0x4b: {  	[sflag:s6] =	ssyncadd.s32 $0xFFFFFFE0  }
0x4c: {  	[tilespmem:s16], [sflag:$0x7] =	stream.linear.gather [hbm4b:s15+s2], $0x20, $0x38;
	[tilespmem:$0xC080] =	vst v63  }
0x4d: {  	_ =	swait.ge [sflag:s6], $0x20  }
0x4e: {  	[sflag:s6] =	ssyncset.done $0x0  }
0x4f: {  	[sflag:s6] =	ssyncadd.s32 $0xFFFFFFE0  }
0x50: {  	_ =	swait.ge [sflag:s17], $0x6000  }
0x51: {  	[sflag:s17] =	ssyncset.done $0x0  }
0x52: {  	[sflag:s17] =	ssyncadd.s32 $0xFFFFA000  }
0x53: {  	[hbm4b:s10+s11] =	stream.indirect.scatter [tilespmem:s13], [sflag:$0x4], $0x300, s11, s11, $0xb8;
	[tilespmem:$0xC080] =	vst v63  }
0x54: {  	_ = 	snop  }
0x55: {  	[hbm4b:s10+s11] =	stream.indirect.scatter [tilespmem:s13], [sflag:$0x6], $0x300, s16, s11, $0xb8;
	[tilespmem:$0xC080] =	vst v63  }
0x56: {  	_ =	swait.ge [sflag:s18], $0x6000  }
0x57: {  	[sflag:s18] =	ssyncset.done $0x0  }
0x58: {  	[sflag:s18] =	ssyncadd.s32 $0xFFFFA000  }
0x59: {  	_ =	swait.ge [sflag:s19], $0x6000  }
0x5a: {  	[sflag:s19] =	ssyncset.done $0x0  }
0x5b: {  	[sflag:s19] =	ssyncadd.s32 $0xFFFFA000  }
.Ltmp1:
0x5c: {  	_ =	swait.ge [sflag:s20], $0x6000;
	(pc) =	sbr.rel @p0 .LBB2_1-.Ltmp1, $4  }
0x5d: {  	[sflag:s20] =	ssyncset.done $0x0  }
0x5e: {  	[sflag:s20] =	ssyncadd.s32 $0xFFFFA000  }
0x5f: {  	_ =	swait.ge [sflag:s21], $0x6000  }
0x60: {  	[sflag:s21] =	ssyncset.done $0x0  }
.LBB2_2:
0x61: {  	[sflag:s21] =	ssyncadd.s32 $0xFFFFA000  }
0x62: {  	_ =	sfence.sel $0x180000  }
0x63: {  	[bflag:$0x0] =	sbarrier.arrive $0xFFFF  }
0x64: {  	p0 =	sne.s32 s0, $0x0;
	_ =	strace $0x90000047  }
0x65: {  	s0 =	sadd.s32 @!p0 $0x100000, s1;
	[bflag:$0x2] =	sbarrier.arrive $0xFFFF  }
0x66: {  	[sflag:s0] =	ssyncadd.tile.s32 @!p0 $0x1;
	_ =	shalt  }
.Lfunc_end2:
_tile_overlayer_lowered:
.L_overlay_start_2:
0x67: {  	(tag) =	ssettag $0x2  }
0x68: {  	s0 =	rddreg [dreg:$0x0];
	s2 =	stileid.u32  }
0x69: {  	s1 =	rddreg [dreg:$0x1];
	p0 =	sne.s32 s2, $0x0  }
0x6a: {  	s3 =	rddreg [dreg:$0x2];
	[bflag:$0x3] =	sbarrier.arrive $0xFFFF;
	s2 =	simm.s32 @!p0 $0x1C07  }
0x6b: {  	[timem:s3], [sflag:s2] =	dma.local @!p0 [hbm:s0], s1  }
0x6c: {  	s0 =	simm.s32 @!p0 $0x7  }
0x6d: {  	_ =	swait.ge @!p0 [sflag:s0], s1  }
0x6e: {  	s1 =	ssub.s32 @!p0 $0x0, s1;
	[sflag:s0] =	ssyncset.done @!p0 $0x0  }
0x6f: {  	[sflag:s0] =	ssyncadd.s32 @!p0 s1  }
0x70: {  	[bflag:$0x3] =	sbarrier.arrive $0xFFFF  }
0x71: {  	_ =	shalt  }

</sc_bundles>
